<compile_context>
chip_gen: v7x
topology: tpu7x:2x2x1
jax: 0.10.2.dev20260603
libtpu: 0.0.44.dev20260713+nightly
codegen_flags: <defaults>
</compile_context>

<pallas_src>
import functools

import jax
import jax.numpy as jnp
import numpy as np
from jax.experimental import pallas as pl
from jax.experimental.pallas import tpu as pltpu
from jax.experimental.pallas import tpu_sc as plsc

B, D, H, O, E, K = 2048, 1024, 2048, 1024, 8, 2
EPS = float(np.finfo(np.float64).eps)

TM = 256
TMS = 256
A = B * K
NB = A // TMS + E
NBP = 32
P = NB * TMS

NC, NS = 2, 16
NW = NC * NS
TPW = B // NW


def _router_body(x_ref, wg_ref, idx_ref, gate_ref):
    x = x_ref[...]
    wg = wg_ref[...]
    logits = jnp.dot(x, wg, preferred_element_type=jnp.float32)
    eidx = jax.lax.broadcasted_iota(jnp.int32, logits.shape, 1)
    v1 = jnp.max(logits, axis=1, keepdims=True)
    i1 = jnp.min(jnp.where(logits == v1, eidx, E), axis=1, keepdims=True)
    masked = jnp.where(eidx == i1, -jnp.inf, logits)
    v2 = jnp.max(masked, axis=1, keepdims=True)
    i2 = jnp.min(jnp.where(masked == v2, eidx, E), axis=1, keepdims=True)
    g1 = 1.0 / (1.0 + jnp.exp(v2 - v1))
    g2 = 1.0 / (1.0 + jnp.exp(v1 - v2))
    idx_ref[...] = jnp.concatenate([i1, i2], axis=1)
    gate_ref[...] = jnp.concatenate([g1, g2], axis=1)


_DNUMS = jax.lax.GatherDimensionNumbers(
    offset_dims=(), collapsed_slice_dims=(0,), start_index_map=(0,))


def _g16(v, idx):
    return jax.lax.gather(v, idx.reshape(16, 1), _DNUMS, slice_sizes=(1,),
                          mode=jax.lax.GatherScatterMode.PROMISE_IN_BOUNDS)


def _cumsum16(v, lanes):
    for k in (1, 2, 4, 8):
        shifted = _g16(v, jnp.maximum(lanes - k, 0))
        v = v + jnp.where(lanes >= k, shifted, 0)
    return v


def _lane_bcast(v, lanes, lane):
    return _g16(v, jnp.full((16,), lane, jnp.int32))


def _disp_scat_body(x_hbm, idx0_hbm, idx1_hbm, pos_hbm, be_hbm, nr_hbm,
                    xg_hbm, idx0_v, idx1_v, pos_v, be_v, cnt_v, cur_v, nr_v,
                    pshared, pidx_v, rows_v, sem):
    s = jax.lax.axis_index("s")
    cc = jax.lax.axis_index("c")
    wid = s * NC + cc
    base = wid * TPW
    pltpu.sync_copy(x_hbm.at[pl.ds(base, TPW)], rows_v)

    @pl.when(s == 0)
    def _():
        pltpu.sync_copy(idx0_hbm, idx0_v)
        pltpu.sync_copy(idx1_hbm, idx1_v)
        lanes = jax.lax.iota(jnp.int32, 16)
        zero16 = jnp.zeros((16,), jnp.int32)

        cnt_v[...] = zero16

        def count_body(v, c):
            iv0 = idx0_v[pl.ds(v * 16, 16)]
            iv1 = idx1_v[pl.ds(v * 16, 16)]
            acc = cnt_v[...]
            for e in range(E):
                mi = jnp.where(iv0 == e, 1, 0) + jnp.where(iv1 == e, 1, 0)
                tot = _lane_bcast(_cumsum16(mi, lanes), lanes, 15)
                acc = acc + jnp.where(lanes == e, tot, 0)
            cnt_v[...] = acc
            return c
        jax.lax.fori_loop(0, B // 16, count_body, 0)

        cnt = cnt_v[...]
        nblk = jnp.right_shift(cnt + (TMS - 1), 8)
        ends = _cumsum16(nblk, lanes)
        off = (ends - nblk) * TMS
        nr_v[...] = _lane_bcast(ends, lanes, 15)
        for c in range(NBP // 16):
            bid = lanes + c * 16
            bev = zero16
            for e in range(E):
                bev = bev + jnp.where(bid >= _lane_bcast(ends, lanes, e), 1, 0)
            be_v[pl.ds(c * 16, 16)] = jnp.minimum(bev, E - 1)

        cur_v[...] = off

        def pos_body(v, c):
            cur = cur_v[...]
            for k, ref in ((0, idx0_v), (1, idx1_v)):
                iv = ref[pl.ds(v * 16, 16)]
                posv = zero16
                for e in range(E):
                    m = iv == e
                    mi = jnp.where(m, 1, 0)
                    cs = _cumsum16(mi, lanes)
                    posv = jnp.where(m, _lane_bcast(cur, lanes, e) + cs - mi,
                                     posv)
                    cur = cur + jnp.where(lanes == e,
                                          _lane_bcast(cs, lanes, 15), 0)
                pos_v[pl.ds(k * B + v * 16, 16)] = posv
            cur_v[...] = cur
            return c
        jax.lax.fori_loop(0, B // 16, pos_body, 0)

        pltpu.sync_copy(pos_v, pshared)

        @pl.when(cc == 0)
        def _():
            pltpu.sync_copy(pos_v, pos_hbm)
            pltpu.sync_copy(be_v, be_hbm)
            pltpu.sync_copy(nr_v, nr_hbm)

    plsc.subcore_barrier()

    pltpu.sync_copy(pshared.at[pl.ds(base, TPW)], pidx_v.at[0])
    pltpu.sync_copy(pshared.at[pl.ds(B + base, TPW)], pidx_v.at[1])
    h0 = pltpu.async_copy(rows_v, xg_hbm.at[pidx_v.at[0]], sem)
    h1 = pltpu.async_copy(rows_v, xg_hbm.at[pidx_v.at[1]], sem)
    h0.wait()
    h1.wait()


def _gather_z_body(z_hbm, pos_hbm, zc_hbm, pidx_v, rows_v, sem):
    wid = jax.lax.axis_index("s") * NC + jax.lax.axis_index("c")
    base = wid * TPW
    pltpu.sync_copy(pos_hbm.at[pl.ds(base, TPW)], pidx_v.at[0])
    pltpu.sync_copy(pos_hbm.at[pl.ds(B + base, TPW)], pidx_v.at[1])
    for k in range(K):
        pltpu.async_copy(z_hbm.at[pidx_v.at[k]], rows_v, sem).wait()
        pltpu.sync_copy(rows_v, zc_hbm.at[pl.ds(k * B + base, TPW)])


def _group_body(be_ref, nr_ref, xg_ref, w1_ref, b1_ref, w2_ref, b2_ref,
                z_ref):
    @pl.when(pl.program_id(0) < nr_ref[0])
    def _():
        xb = xg_ref[...].astype(jnp.bfloat16)
        h = jnp.dot(xb, w1_ref[0], preferred_element_type=jnp.float32)
        h = h + b1_ref[0]
        h = 0.5 * h * (1.0 + jax.lax.erf(h * np.float32(1.0 / np.sqrt(2.0))))
        out = jnp.dot(h.astype(jnp.bfloat16), w2_ref[0],
                      preferred_element_type=jnp.float32)
        out = out + b2_ref[0]
        p = jnp.exp(out)
        z_ref[...] = p / jnp.sum(p, axis=1, keepdims=True)


def _comb_body(zc_ref, g_ref, o_ref):
    c = zc_ref[0] * g_ref[:, 0:1] + zc_ref[1] * g_ref[:, 1:2]
    c = jnp.where(c == 0.0, np.float32(EPS), c)
    o_ref[...] = jnp.log(c)


_sc_mesh = plsc.VectorSubcoreMesh(core_axis_name="c", subcore_axis_name="s")

_disp_scat_sc = functools.partial(
    pl.kernel, _disp_scat_body, mesh=_sc_mesh,
    out_type=[
        jax.ShapeDtypeStruct((K * B,), jnp.int32),
        jax.ShapeDtypeStruct((NBP,), jnp.int32),
        jax.ShapeDtypeStruct((16,), jnp.int32),
        jax.ShapeDtypeStruct((P, D), jnp.float32),
    ],
    scratch_types=[
        pltpu.VMEM((B,), jnp.int32),
        pltpu.VMEM((B,), jnp.int32),
        pltpu.VMEM((K * B,), jnp.int32),
        pltpu.VMEM((NBP,), jnp.int32),
        pltpu.VMEM((16,), jnp.int32),
        pltpu.VMEM((16,), jnp.int32),
        pltpu.VMEM((16,), jnp.int32),
        pltpu.VMEM_SHARED((K * B,), jnp.int32),
        pltpu.VMEM((K, TPW), jnp.int32),
        pltpu.VMEM((TPW, D), jnp.float32),
        pltpu.SemaphoreType.DMA,
    ],
)()

_gather_z_sc = functools.partial(
    pl.kernel, _gather_z_body, mesh=_sc_mesh,
    out_type=jax.ShapeDtypeStruct((K * B, O), jnp.float32),
    scratch_types=[
        pltpu.VMEM((K, TPW), jnp.int32),
        pltpu.VMEM((TPW, O), jnp.float32),
        pltpu.SemaphoreType.DMA,
    ],
)()


@jax.jit
def kernel(x, w_gate, fc1_w, fc1_b, fc2_w, fc2_b):
    nt = B // TM
    top_idx, top_gate = pl.pallas_call(
        _router_body,
        grid=(nt,),
        in_specs=[
            pl.BlockSpec((TM, D), lambda i: (i, 0)),
            pl.BlockSpec((D, E), lambda i: (0, 0)),
        ],
        out_specs=[
            pl.BlockSpec((TM, K), lambda i: (i, 0)),
            pl.BlockSpec((TM, K), lambda i: (i, 0)),
        ],
        out_shape=[
            jax.ShapeDtypeStruct((B, K), jnp.int32),
            jax.ShapeDtypeStruct((B, K), jnp.float32),
        ],
    )(x, w_gate)


    pos, be, nreal, xg = _disp_scat_sc(x, top_idx[:, 0], top_idx[:, 1])

    w1 = fc1_w.astype(jnp.bfloat16)
    w2 = fc2_w.astype(jnp.bfloat16)
    z = pl.pallas_call(
        _group_body,
        grid_spec=pltpu.PrefetchScalarGridSpec(
            num_scalar_prefetch=2,
            grid=(NB,),
            in_specs=[
                pl.BlockSpec((TMS, D), lambda b, be_r, nr: (b, 0)),
                pl.BlockSpec((1, D, H), lambda b, be_r, nr: (be_r[b], 0, 0)),
                pl.BlockSpec((1, 1, H), lambda b, be_r, nr: (be_r[b], 0, 0)),
                pl.BlockSpec((1, H, O), lambda b, be_r, nr: (be_r[b], 0, 0)),
                pl.BlockSpec((1, 1, O), lambda b, be_r, nr: (be_r[b], 0, 0)),
            ],
            out_specs=pl.BlockSpec((TMS, O), lambda b, be_r, nr: (b, 0)),
        ),
        out_shape=jax.ShapeDtypeStruct((P, O), jnp.float32),
        compiler_params=pltpu.CompilerParams(
            dimension_semantics=("arbitrary",)
        ),
    )(be[:NB], nreal, xg, w1, fc1_b.reshape(E, 1, H), w2,
      fc2_b.reshape(E, 1, O))

    zc = _gather_z_sc(z, pos)

    out = pl.pallas_call(
        _comb_body,
        grid=(nt,),
        in_specs=[
            pl.BlockSpec((K, TM, O), lambda i: (0, i, 0)),
            pl.BlockSpec((TM, K), lambda i: (i, 0)),
        ],
        out_specs=pl.BlockSpec((TM, O), lambda i: (i, 0)),
        out_shape=jax.ShapeDtypeStruct((B, O), jnp.float32),
    )(zc.reshape(K, B, O), top_gate)
    return out

# --- scband reference (transcript-rebuilt; emitter-appended) ---
"""Pipeline reference for scband-mo-e-91096256348853 (READ-ONLY COPY).

The authoritative reference and input builder live on the scoring server;
editing this copy changes nothing except your own understanding.
"""

import jax, jax.numpy as jnp
import numpy as np

B, D, H, O, E, K = 2048, 1024, 2048, 1024, 8, 2

def setup_inputs(seed: int = 0) -> dict:
    key = jax.random.key(seed)
    ks = jax.random.split(key, 6)
    x = jax.random.normal(ks[0], (B, D), dtype=jnp.float32)
    # router weight (torch reference initializes w_gate near zero; use small random for non-degenerate routing)
    w_gate = jax.random.normal(ks[1], (D, E), dtype=jnp.float32) * 0.02
    # per-expert MLP params: fc1 (D->H), fc2 (H->O)
    fc1_w = jax.random.normal(ks[2], (E, D, H), dtype=jnp.float32) * (1.0 / np.sqrt(D))
    fc1_b = jnp.zeros((E, H), dtype=jnp.float32)
    fc2_w = jax.random.normal(ks[3], (E, H, O), dtype=jnp.float32) * (1.0 / np.sqrt(H))
    fc2_b = jnp.zeros((E, O), dtype=jnp.float32)
    return {"x": x, "w_gate": w_gate, "fc1_w": fc1_w, "fc1_b": fc1_b, "fc2_w": fc2_w, "fc2_b": fc2_b}

def reference(x, w_gate, fc1_w, fc1_b, fc2_w, fc2_b):
    # --- top-k gating (noisy_gating=False, gating='softmax') ---
    logits = x @ w_gate                                  # [B, E]
    top_vals, top_idx = jax.lax.top_k(logits, K)         # [B, K]
    top_gates = jax.nn.softmax(top_vals, axis=1)         # softmax over selected k logits
    gates = jnp.zeros_like(logits).at[jnp.arange(x.shape[0])[:, None], top_idx].set(top_gates)  # [B, E]
    # --- experts: MLP = log_softmax(fc2(gelu(fc1(x)))) , dropout inactive (eval) ---
    h = jnp.einsum('bd,edh->ebh', x, fc1_w) + fc1_b[:, None, :]
    h = jax.nn.gelu(h, approximate=False)
    out = jnp.einsum('ebh,eho->ebo', h, fc2_w) + fc2_b[:, None, :]
    logp = jax.nn.log_softmax(out, axis=-1)              # [E, B, O]
    # --- SparseDispatcher.combine: exp(expert_out) weighted by gates, index_add, eps-floor, log ---
    # dense equivalent: gates are exactly zero for unselected experts, so the weighted sum
    # over all experts equals the sparse index_add combine.
    stitched = jnp.exp(logp) * gates.T[:, :, None]       # [E, B, O]
    combined = stitched.sum(axis=0)                      # [B, O]
    eps = np.finfo(float).eps
    combined = jnp.where(combined == 0, eps, combined)
    return jnp.log(combined)

if __name__ == "__main__":
    import jax
    _d = setup_inputs()
    print(jax.jit(kernel)(*tuple(_d.values())))

</pallas_src>

<mosaic_0001>
#map = affine_map<(d0, d1) -> (0, 0)>
#map1 = affine_map<(d0, d1) -> (0)>
module attributes {stable_mosaic.version = 14 : i64} {
  func.func @_gather_z_body(%arg0: i32, %arg1: i32, %arg2: memref<6144x1024xf32, #tpu.memory_space<hbm>>, %arg3: memref<4096xi32, #tpu.memory_space<hbm>>, %arg4: memref<4096x1024xf32, #tpu.memory_space<hbm>>, %arg5: memref<2x64xi32, #tpu.memory_space<vmem>>, %arg6: memref<64x1024xf32, #tpu.memory_space<vmem>>, %arg7: memref<!tpu.dma_semaphore, #tpu.memory_space<semaphore_mem>>) attributes {dimension_semantics = [#tpu.dimension_semantics<core_parallel>, #tpu.dimension_semantics<subcore_parallel>], iteration_bounds = array<i64: 2, 16>, scalar_prefetch = 0 : i64, scratch_operands = 3 : i64, tpu.core_type = #tpu.core_type<sc_vector_subcore>, window_params = [{transform_indices = #map}, {transform_indices = #map1}, {transform_indices = #map}]} {
    %mul3A = arith.constant 2 : i32
    %mul3A_0 = arith.muli %arg1, %mul3A : i32
    %add3A = arith.addi %mul3A_0, %arg0 : i32
    %mul3A_1 = arith.constant 64 : i32
    %mul3A_2 = arith.muli %add3A, %mul3A_1 : i32
    %run_scoped3A = arith.constant 0 : i32
    "tpu.region"() ({
      %run_scoped3A_36 = tpu.sem_alloc : memref<!tpu.dma_semaphore, #tpu.memory_space<semaphore_mem>>
      %dma_start3A_37 = arith.constant 0 : i32
      %dma_start3A_38 = tpu.memref_slice %arg5[%run_scoped3A, %dma_start3A_37] : memref<2x64xi32, #tpu.memory_space<vmem>> -> memref<1x64xi32, #tpu.memory_space<vmem>>
      %dma_start3A_39 = tpu.memref_squeeze %dma_start3A_38 : memref<1x64xi32, #tpu.memory_space<vmem>> -> memref<64xi32, #tpu.memory_space<vmem>>
      %dma_start3A_40 = tpu.memref_slice %arg3[%mul3A_2] : memref<4096xi32, #tpu.memory_space<hbm>> -> memref<64xi32, #tpu.memory_space<hbm>>
      %dma_start3A_41 = arith.constant 0 : i32
      %dma_start3A_42 = tpu.memref_slice %arg5[%run_scoped3A, %dma_start3A_41] : memref<2x64xi32, #tpu.memory_space<vmem>> -> memref<1x64xi32, #tpu.memory_space<vmem>>
      %dma_start3A_43 = tpu.memref_squeeze %dma_start3A_42 : memref<1x64xi32, #tpu.memory_space<vmem>> -> memref<64xi32, #tpu.memory_space<vmem>>
      %dma_start3A_44 = tpu.memref_slice %arg3[%mul3A_2] : memref<4096xi32, #tpu.memory_space<hbm>> -> memref<64xi32, #tpu.memory_space<hbm>>
      tpu.enqueue_dma source(%dma_start3A_44 : memref<64xi32, #tpu.memory_space<hbm>>) target(%dma_start3A_43 : memref<64xi32, #tpu.memory_space<vmem>>) target_semaphore(%run_scoped3A_36 : memref<!tpu.dma_semaphore, #tpu.memory_space<semaphore_mem>>)
      %dma_wait3A_45 = arith.constant 0 : i32
      %dma_wait3A_46 = tpu.memref_slice %arg5[%run_scoped3A, %dma_wait3A_45] : memref<2x64xi32, #tpu.memory_space<vmem>> -> memref<1x64xi32, #tpu.memory_space<vmem>>
      %dma_wait3A_47 = tpu.memref_squeeze %dma_wait3A_46 : memref<1x64xi32, #tpu.memory_space<vmem>> -> memref<64xi32, #tpu.memory_space<vmem>>
      %dma_wait3A_48 = tpu.memref_slice %arg3[%mul3A_2] : memref<4096xi32, #tpu.memory_space<hbm>> -> memref<64xi32, #tpu.memory_space<hbm>>
      %dma_wait3A_49 = arith.constant 0 : i32
      %dma_wait3A_50 = tpu.memref_slice %arg5[%run_scoped3A, %dma_wait3A_49] : memref<2x64xi32, #tpu.memory_space<vmem>> -> memref<1x64xi32, #tpu.memory_space<vmem>>
      %dma_wait3A_51 = tpu.memref_squeeze %dma_wait3A_50 : memref<1x64xi32, #tpu.memory_space<vmem>> -> memref<64xi32, #tpu.memory_space<vmem>>
      %dma_wait3A_52 = tpu.memref_slice %arg3[%mul3A_2] : memref<4096xi32, #tpu.memory_space<hbm>> -> memref<64xi32, #tpu.memory_space<hbm>>
      tpu.wait_dma2 semaphore(%run_scoped3A_36 : memref<!tpu.dma_semaphore, #tpu.memory_space<semaphore_mem>>) src(%dma_wait3A_52 : memref<64xi32, #tpu.memory_space<hbm>>) dst(%dma_wait3A_51 : memref<64xi32, #tpu.memory_space<vmem>>)
      tpu.yield
    }) : () -> ()
    %add3A_3 = arith.constant 2048 : i32
    %add3A_4 = arith.addi %add3A_3, %mul3A_2 : i32
    %run_scoped3A_5 = arith.constant 1 : i32
    "tpu.region"() ({
      %run_scoped3A_36 = tpu.sem_alloc : memref<!tpu.dma_semaphore, #tpu.memory_space<semaphore_mem>>
      %dma_start3A_37 = arith.constant 0 : i32
      %dma_start3A_38 = tpu.memref_slice %arg5[%run_scoped3A_5, %dma_start3A_37] : memref<2x64xi32, #tpu.memory_space<vmem>> -> memref<1x64xi32, #tpu.memory_space<vmem>>
      %dma_start3A_39 = tpu.memref_squeeze %dma_start3A_38 : memref<1x64xi32, #tpu.memory_space<vmem>> -> memref<64xi32, #tpu.memory_space<vmem>>
      %dma_start3A_40 = tpu.memref_slice %arg3[%add3A_4] : memref<4096xi32, #tpu.memory_space<hbm>> -> memref<64xi32, #tpu.memory_space<hbm>>
      %dma_start3A_41 = arith.constant 0 : i32
      %dma_start3A_42 = tpu.memref_slice %arg5[%run_scoped3A_5, %dma_start3A_41] : memref<2x64xi32, #tpu.memory_space<vmem>> -> memref<1x64xi32, #tpu.memory_space<vmem>>
      %dma_start3A_43 = tpu.memref_squeeze %dma_start3A_42 : memref<1x64xi32, #tpu.memory_space<vmem>> -> memref<64xi32, #tpu.memory_space<vmem>>
      %dma_start3A_44 = tpu.memref_slice %arg3[%add3A_4] : memref<4096xi32, #tpu.memory_space<hbm>> -> memref<64xi32, #tpu.memory_space<hbm>>
      tpu.enqueue_dma source(%dma_start3A_44 : memref<64xi32, #tpu.memory_space<hbm>>) target(%dma_start3A_43 : memref<64xi32, #tpu.memory_space<vmem>>) target_semaphore(%run_scoped3A_36 : memref<!tpu.dma_semaphore, #tpu.memory_space<semaphore_mem>>)
      %dma_wait3A_45 = arith.constant 0 : i32
      %dma_wait3A_46 = tpu.memref_slice %arg5[%run_scoped3A_5, %dma_wait3A_45] : memref<2x64xi32, #tpu.memory_space<vmem>> -> memref<1x64xi32, #tpu.memory_space<vmem>>
      %dma_wait3A_47 = tpu.memref_squeeze %dma_wait3A_46 : memref<1x64xi32, #tpu.memory_space<vmem>> -> memref<64xi32, #tpu.memory_space<vmem>>
      %dma_wait3A_48 = tpu.memref_slice %arg3[%add3A_4] : memref<4096xi32, #tpu.memory_space<hbm>> -> memref<64xi32, #tpu.memory_space<hbm>>
      %dma_wait3A_49 = arith.constant 0 : i32
      %dma_wait3A_50 = tpu.memref_slice %arg5[%run_scoped3A_5, %dma_wait3A_49] : memref<2x64xi32, #tpu.memory_space<vmem>> -> memref<1x64xi32, #tpu.memory_space<vmem>>
      %dma_wait3A_51 = tpu.memref_squeeze %dma_wait3A_50 : memref<1x64xi32, #tpu.memory_space<vmem>> -> memref<64xi32, #tpu.memory_space<vmem>>
      %dma_wait3A_52 = tpu.memref_slice %arg3[%add3A_4] : memref<4096xi32, #tpu.memory_space<hbm>> -> memref<64xi32, #tpu.memory_space<hbm>>
      tpu.wait_dma2 semaphore(%run_scoped3A_36 : memref<!tpu.dma_semaphore, #tpu.memory_space<semaphore_mem>>) src(%dma_wait3A_52 : memref<64xi32, #tpu.memory_space<hbm>>) dst(%dma_wait3A_51 : memref<64xi32, #tpu.memory_space<vmem>>)
      tpu.yield
    }) : () -> ()
    %dma_start3A = arith.constant 0 : i32
    %dma_start3A_6 = arith.constant 0 : i32
    %dma_start3A_7 = tpu.memref_slice %arg5[%dma_start3A, %dma_start3A_6] : memref<2x64xi32, #tpu.memory_space<vmem>> -> memref<1x64xi32, #tpu.memory_space<vmem>>
    %dma_start3A_8 = tpu.memref_squeeze %dma_start3A_7 : memref<1x64xi32, #tpu.memory_space<vmem>> -> memref<64xi32, #tpu.memory_space<vmem>>
    %dma_start3A_9 = arith.constant 0 : i32
    %dma_start3A_10 = arith.constant 0 : i32
    %dma_start3A_11 = tpu.memref_slice %arg2[%dma_start3A_9, %dma_start3A_10] : memref<6144x1024xf32, #tpu.memory_space<hbm>> -> memref<6144x1024xf32, #tpu.memory_space<hbm>>
    tpu.enqueue_indirect_dma source(%dma_start3A_11 : memref<6144x1024xf32, #tpu.memory_space<hbm>>) target(%arg6 : memref<64x1024xf32, #tpu.memory_space<vmem>>) offsets(%dma_start3A_8 : memref<64xi32, #tpu.memory_space<vmem>>) semaphore(%arg7 : memref<!tpu.dma_semaphore, #tpu.memory_space<semaphore_mem>>)
    %dma_wait3A = arith.constant 0 : i32
    %dma_wait3A_12 = arith.constant 0 : i32
    %dma_wait3A_13 = tpu.memref_slice %arg5[%dma_wait3A, %dma_wait3A_12] : memref<2x64xi32, #tpu.memory_space<vmem>> -> memref<1x64xi32, #tpu.memory_space<vmem>>
    %dma_wait3A_14 = tpu.memref_squeeze %dma_wait3A_13 : memref<1x64xi32, #tpu.memory_space<vmem>> -> memref<64xi32, #tpu.memory_space<vmem>>
    %dma_wait3A_15 = arith.constant 0 : i32
    %dma_wait3A_16 = arith.constant 0 : i32
    %dma_wait3A_17 = tpu.memref_slice %arg2[%dma_wait3A_15, %dma_wait3A_16] : memref<6144x1024xf32, #tpu.memory_space<hbm>> -> memref<6144x1024xf32, #tpu.memory_space<hbm>>
    tpu.wait_indirect_dma semaphore(%arg7 : memref<!tpu.dma_semaphore, #tpu.memory_space<semaphore_mem>>) src(%dma_wait3A_17 : memref<6144x1024xf32, #tpu.memory_space<hbm>>) dst(%arg6 : memref<64x1024xf32, #tpu.memory_space<vmem>>)
    %add3A_18 = arith.constant 0 : i32
    %add3A_19 = arith.addi %add3A_18, %mul3A_2 : i32
    "tpu.region"() ({
      %run_scoped3A_36 = tpu.sem_alloc : memref<!tpu.dma_semaphore, #tpu.memory_space<semaphore_mem>>
      %dma_start3A_37 = arith.constant 0 : i32
      %dma_start3A_38 = tpu.memref_slice %arg4[%add3A_19, %dma_start3A_37] : memref<4096x1024xf32, #tpu.memory_space<hbm>> -> memref<64x1024xf32, #tpu.memory_space<hbm>>
      %dma_start3A_39 = arith.constant 0 : i32
      %dma_start3A_40 = tpu.memref_slice %arg4[%add3A_19, %dma_start3A_39] : memref<4096x1024xf32, #tpu.memory_space<hbm>> -> memref<64x1024xf32, #tpu.memory_space<hbm>>
      tpu.enqueue_dma source(%arg6 : memref<64x1024xf32, #tpu.memory_space<vmem>>) target(%dma_start3A_40 : memref<64x1024xf32, #tpu.memory_space<hbm>>) target_semaphore(%run_scoped3A_36 : memref<!tpu.dma_semaphore, #tpu.memory_space<semaphore_mem>>)
      %dma_wait3A_41 = arith.constant 0 : i32
      %dma_wait3A_42 = tpu.memref_slice %arg4[%add3A_19, %dma_wait3A_41] : memref<4096x1024xf32, #tpu.memory_space<hbm>> -> memref<64x1024xf32, #tpu.memory_space<hbm>>
      %dma_wait3A_43 = arith.constant 0 : i32
      %dma_wait3A_44 = tpu.memref_slice %arg4[%add3A_19, %dma_wait3A_43] : memref<4096x1024xf32, #tpu.memory_space<hbm>> -> memref<64x1024xf32, #tpu.memory_space<hbm>>
      tpu.wait_dma2 semaphore(%run_scoped3A_36 : memref<!tpu.dma_semaphore, #tpu.memory_space<semaphore_mem>>) src(%arg6 : memref<64x1024xf32, #tpu.memory_space<vmem>>) dst(%dma_wait3A_44 : memref<64x1024xf32, #tpu.memory_space<hbm>>)
      tpu.yield
    }) : () -> ()
    %dma_start3A_20 = arith.constant 1 : i32
    %dma_start3A_21 = arith.constant 0 : i32
    %dma_start3A_22 = tpu.memref_slice %arg5[%dma_start3A_20, %dma_start3A_21] : memref<2x64xi32, #tpu.memory_space<vmem>> -> memref<1x64xi32, #tpu.memory_space<vmem>>
    %dma_start3A_23 = tpu.memref_squeeze %dma_start3A_22 : memref<1x64xi32, #tpu.memory_space<vmem>> -> memref<64xi32, #tpu.memory_space<vmem>>
    %dma_start3A_24 = arith.constant 0 : i32
    %dma_start3A_25 = arith.constant 0 : i32
    %dma_start3A_26 = tpu.memref_slice %arg2[%dma_start3A_24, %dma_start3A_25] : memref<6144x1024xf32, #tpu.memory_space<hbm>> -> memref<6144x1024xf32, #tpu.memory_space<hbm>>
    tpu.enqueue_indirect_dma source(%dma_start3A_26 : memref<6144x1024xf32, #tpu.memory_space<hbm>>) target(%arg6 : memref<64x1024xf32, #tpu.memory_space<vmem>>) offsets(%dma_start3A_23 : memref<64xi32, #tpu.memory_space<vmem>>) semaphore(%arg7 : memref<!tpu.dma_semaphore, #tpu.memory_space<semaphore_mem>>)
    %dma_wait3A_27 = arith.constant 1 : i32
    %dma_wait3A_28 = arith.constant 0 : i32
    %dma_wait3A_29 = tpu.memref_slice %arg5[%dma_wait3A_27, %dma_wait3A_28] : memref<2x64xi32, #tpu.memory_space<vmem>> -> memref<1x64xi32, #tpu.memory_space<vmem>>
    %dma_wait3A_30 = tpu.memref_squeeze %dma_wait3A_29 : memref<1x64xi32, #tpu.memory_space<vmem>> -> memref<64xi32, #tpu.memory_space<vmem>>
    %dma_wait3A_31 = arith.constant 0 : i32
    %dma_wait3A_32 = arith.constant 0 : i32
    %dma_wait3A_33 = tpu.memref_slice %arg2[%dma_wait3A_31, %dma_wait3A_32] : memref<6144x1024xf32, #tpu.memory_space<hbm>> -> memref<6144x1024xf32, #tpu.memory_space<hbm>>
    tpu.wait_indirect_dma semaphore(%arg7 : memref<!tpu.dma_semaphore, #tpu.memory_space<semaphore_mem>>) src(%dma_wait3A_33 : memref<6144x1024xf32, #tpu.memory_space<hbm>>) dst(%arg6 : memref<64x1024xf32, #tpu.memory_space<vmem>>)
    %add3A_34 = arith.constant 2048 : i32
    %add3A_35 = arith.addi %add3A_34, %mul3A_2 : i32
    "tpu.region"() ({
      %run_scoped3A_36 = tpu.sem_alloc : memref<!tpu.dma_semaphore, #tpu.memory_space<semaphore_mem>>
      %dma_start3A_37 = arith.constant 0 : i32
      %dma_start3A_38 = tpu.memref_slice %arg4[%add3A_35, %dma_start3A_37] : memref<4096x1024xf32, #tpu.memory_space<hbm>> -> memref<64x1024xf32, #tpu.memory_space<hbm>>
      %dma_start3A_39 = arith.constant 0 : i32
      %dma_start3A_40 = tpu.memref_slice %arg4[%add3A_35, %dma_start3A_39] : memref<4096x1024xf32, #tpu.memory_space<hbm>> -> memref<64x1024xf32, #tpu.memory_space<hbm>>
      tpu.enqueue_dma source(%arg6 : memref<64x1024xf32, #tpu.memory_space<vmem>>) target(%dma_start3A_40 : memref<64x1024xf32, #tpu.memory_space<hbm>>) target_semaphore(%run_scoped3A_36 : memref<!tpu.dma_semaphore, #tpu.memory_space<semaphore_mem>>)
      %dma_wait3A_41 = arith.constant 0 : i32
      %dma_wait3A_42 = tpu.memref_slice %arg4[%add3A_35, %dma_wait3A_41] : memref<4096x1024xf32, #tpu.memory_space<hbm>> -> memref<64x1024xf32, #tpu.memory_space<hbm>>
      %dma_wait3A_43 = arith.constant 0 : i32
      %dma_wait3A_44 = tpu.memref_slice %arg4[%add3A_35, %dma_wait3A_43] : memref<4096x1024xf32, #tpu.memory_space<hbm>> -> memref<64x1024xf32, #tpu.memory_space<hbm>>
      tpu.wait_dma2 semaphore(%run_scoped3A_36 : memref<!tpu.dma_semaphore, #tpu.memory_space<semaphore_mem>>) src(%arg6 : memref<64x1024xf32, #tpu.memory_space<vmem>>) dst(%dma_wait3A_44 : memref<64x1024xf32, #tpu.memory_space<hbm>>)
      tpu.yield
    }) : () -> ()
    return
  }
}

#map = affine_map<(d0, d1) -> (0, 0)>
#map1 = affine_map<(d0, d1) -> (0)>
module attributes {stable_mosaic.version = 14 : i64} {
  func.func @_disp_scat_body(%arg0: i32, %arg1: i32, %arg2: memref<2048x1024xf32, #tpu.memory_space<hbm>>, %arg3: memref<2048xi32, #tpu.memory_space<hbm>>, %arg4: memref<2048xi32, #tpu.memory_space<hbm>>, %arg5: memref<4096xi32, #tpu.memory_space<hbm>>, %arg6: memref<32xi32, #tpu.memory_space<hbm>>, %arg7: memref<16xi32, #tpu.memory_space<hbm>>, %arg8: memref<6144x1024xf32, #tpu.memory_space<hbm>>, %arg9: memref<2048xi32, #tpu.memory_space<vmem>>, %arg10: memref<2048xi32, #tpu.memory_space<vmem>>, %arg11: memref<4096xi32, #tpu.memory_space<vmem>>, %arg12: memref<32xi32, #tpu.memory_space<vmem>>, %arg13: memref<16xi32, #tpu.memory_space<vmem>>, %arg14: memref<16xi32, #tpu.memory_space<vmem>>, %arg15: memref<16xi32, #tpu.memory_space<vmem>>, %arg16: memref<4096xi32, #tpu.memory_space<vmem_shared>>, %arg17: memref<2x64xi32, #tpu.memory_space<vmem>>, %arg18: memref<64x1024xf32, #tpu.memory_space<vmem>>, %arg19: memref<!tpu.dma_semaphore, #tpu.memory_space<semaphore_mem>>) attributes {dimension_semantics = [#tpu.dimension_semantics<core_parallel>, #tpu.dimension_semantics<subcore_parallel>], iteration_bounds = array<i64: 2, 16>, scalar_prefetch = 0 : i64, scratch_operands = 11 : i64, tpu.core_type = #tpu.core_type<sc_vector_subcore>, window_params = [{transform_indices = #map}, {transform_indices = #map1}, {transform_indices = #map1}, {transform_indices = #map1}, {transform_indices = #map1}, {transform_indices = #map1}, {transform_indices = #map}]} {
    %mul3A = arith.constant 2 : i32
    %mul3A_0 = arith.muli %arg1, %mul3A : i32
    %add3A = arith.addi %mul3A_0, %arg0 : i32
    %mul3A_1 = arith.constant 64 : i32
    %mul3A_2 = arith.muli %add3A, %mul3A_1 : i32
    "tpu.region"() ({
      %run_scoped3A_34 = tpu.sem_alloc : memref<!tpu.dma_semaphore, #tpu.memory_space<semaphore_mem>>
      %dma_start3A_35 = arith.constant 0 : i32
      %dma_start3A_36 = tpu.memref_slice %arg2[%mul3A_2, %dma_start3A_35] : memref<2048x1024xf32, #tpu.memory_space<hbm>> -> memref<64x1024xf32, #tpu.memory_space<hbm>>
      %dma_start3A_37 = arith.constant 0 : i32
      %dma_start3A_38 = tpu.memref_slice %arg2[%mul3A_2, %dma_start3A_37] : memref<2048x1024xf32, #tpu.memory_space<hbm>> -> memref<64x1024xf32, #tpu.memory_space<hbm>>
      tpu.enqueue_dma source(%dma_start3A_38 : memref<64x1024xf32, #tpu.memory_space<hbm>>) target(%arg18 : memref<64x1024xf32, #tpu.memory_space<vmem>>) target_semaphore(%run_scoped3A_34 : memref<!tpu.dma_semaphore, #tpu.memory_space<semaphore_mem>>)
      %dma_wait3A_39 = arith.constant 0 : i32
      %dma_wait3A_40 = tpu.memref_slice %arg2[%mul3A_2, %dma_wait3A_39] : memref<2048x1024xf32, #tpu.memory_space<hbm>> -> memref<64x1024xf32, #tpu.memory_space<hbm>>
      %dma_wait3A_41 = arith.constant 0 : i32
      %dma_wait3A_42 = tpu.memref_slice %arg2[%mul3A_2, %dma_wait3A_41] : memref<2048x1024xf32, #tpu.memory_space<hbm>> -> memref<64x1024xf32, #tpu.memory_space<hbm>>
      tpu.wait_dma2 semaphore(%run_scoped3A_34 : memref<!tpu.dma_semaphore, #tpu.memory_space<semaphore_mem>>) src(%dma_wait3A_42 : memref<64x1024xf32, #tpu.memory_space<hbm>>) dst(%arg18 : memref<64x1024xf32, #tpu.memory_space<vmem>>)
      tpu.yield
    }) : () -> ()
    %eq3A = arith.constant 0 : i32
    %eq3A_3 = arith.cmpi eq, %arg1, %eq3A : i32
    %convert_element_type3A = arith.extui %eq3A_3 : i1 to i32
    %cond3A = arith.constant 0 : i32
    %cond3A_4 = arith.cmpi ne, %convert_element_type3A, %cond3A : i32
    scf.if %cond3A_4 {
      "tpu.region"() ({
        %run_scoped3A_346 = tpu.sem_alloc : memref<!tpu.dma_semaphore, #tpu.memory_space<semaphore_mem>>
        tpu.enqueue_dma source(%arg3 : memref<2048xi32, #tpu.memory_space<hbm>>) target(%arg9 : memref<2048xi32, #tpu.memory_space<vmem>>) target_semaphore(%run_scoped3A_346 : memref<!tpu.dma_semaphore, #tpu.memory_space<semaphore_mem>>)
        tpu.wait_dma2 semaphore(%run_scoped3A_346 : memref<!tpu.dma_semaphore, #tpu.memory_space<semaphore_mem>>) src(%arg3 : memref<2048xi32, #tpu.memory_space<hbm>>) dst(%arg9 : memref<2048xi32, #tpu.memory_space<vmem>>)
        tpu.yield
      }) : () -> ()
      "tpu.region"() ({
        %run_scoped3A_346 = tpu.sem_alloc : memref<!tpu.dma_semaphore, #tpu.memory_space<semaphore_mem>>
        tpu.enqueue_dma source(%arg4 : memref<2048xi32, #tpu.memory_space<hbm>>) target(%arg10 : memref<2048xi32, #tpu.memory_space<vmem>>) target_semaphore(%run_scoped3A_346 : memref<!tpu.dma_semaphore, #tpu.memory_space<semaphore_mem>>)
        tpu.wait_dma2 semaphore(%run_scoped3A_346 : memref<!tpu.dma_semaphore, #tpu.memory_space<semaphore_mem>>) src(%arg4 : memref<2048xi32, #tpu.memory_space<hbm>>) dst(%arg10 : memref<2048xi32, #tpu.memory_space<vmem>>)
        tpu.yield
      }) : () -> ()
      %iota3A = tpu.iota {dimensions = array<i32: 0>} : vector<16xi32>
      %broadcast_in_dim3A = arith.constant 0 : i32
      %broadcast_in_dim3A_34 = vector.broadcast %broadcast_in_dim3A : i32 to vector<16xi32>
      %swap3A = arith.constant 0 : index
      %swap3A_35 = tpu.vector_load %arg13[%swap3A] {strides = array<i32>} : memref<16xi32, #tpu.memory_space<vmem>>, vector<16xi32>,
      %swap3A_36 = vector.shape_cast %swap3A_35 : vector<16xi32> to vector<16xi32>
      %swap3A_37 = vector.shape_cast %broadcast_in_dim3A_34 : vector<16xi32> to vector<16xi32>
      tpu.vector_store %arg13[%swap3A], %swap3A_37 {strides = array<i32>} : memref<16xi32, #tpu.memory_space<vmem>>, vector<16xi32>,
      %scan3A = arith.constant 0 : i32
      %scan3A_38 = arith.constant 0 : i32
      %scan3A_39 = arith.constant 128 : i32
      %scan3A_40 = arith.addi %scan3A_38, %scan3A_39 : i32
      %scan3A_41 = arith.constant 1 : i32
      scf.for %scan3A_346 = %scan3A_38 to %scan3A_40 step %scan3A_41  : i32 {
        %mul3A_347 = arith.constant 16 : i32
        %mul3A_348 = arith.muli %scan3A_346, %mul3A_347 : i32
        %get3A_349 = arith.index_cast %mul3A_348 : i32 to index
        %get3A_350 = tpu.vector_load %arg9[%get3A_349] {strides = array<i32>} : memref<2048xi32, #tpu.memory_space<vmem>>, vector<16xi32>,
        %get3A_351 = vector.shape_cast %get3A_350 : vector<16xi32> to vector<16xi32>
        %mul3A_352 = arith.constant 16 : i32
        %mul3A_353 = arith.muli %scan3A_346, %mul3A_352 : i32
        %get3A_354 = arith.index_cast %mul3A_353 : i32 to index
        %get3A_355 = tpu.vector_load %arg10[%get3A_354] {strides = array<i32>} : memref<2048xi32, #tpu.memory_space<vmem>>, vector<16xi32>,
        %get3A_356 = vector.shape_cast %get3A_355 : vector<16xi32> to vector<16xi32>
        %get3A_357 = arith.constant 0 : index
        %get3A_358 = tpu.vector_load %arg13[%get3A_357] {strides = array<i32>} : memref<16xi32, #tpu.memory_space<vmem>>, vector<16xi32>,
        %get3A_359 = vector.shape_cast %get3A_358 : vector<16xi32> to vector<16xi32>
        %eq3A_360 = arith.constant 0 : i32
        %eq3A_361 = vector.broadcast %eq3A_360 : i32 to vector<16xi32>
        %eq3A_362 = arith.cmpi eq, %get3A_351, %eq3A_361 : vector<16xi32>
        %jit3A_363 = arith.constant 1 : i32
        %jit3A_364 = arith.constant 0 : i32
        %broadcast_in_dim3A_365 = vector.broadcast %jit3A_363 : i32 to vector<16xi32>
        %broadcast_in_dim3A_366 = vector.broadcast %jit3A_364 : i32 to vector<16xi32>
        %select_n3A_367 = arith.select %eq3A_362, %broadcast_in_dim3A_365, %broadcast_in_dim3A_366 : vector<16xi1>, vector<16xi32>
        %eq3A_368 = arith.constant 0 : i32
        %eq3A_369 = vector.broadcast %eq3A_368 : i32 to vector<16xi32>
        %eq3A_370 = arith.cmpi eq, %get3A_356, %eq3A_369 : vector<16xi32>
        %jit3A_371 = arith.constant 1 : i32
        %jit3A_372 = arith.constant 0 : i32
        %broadcast_in_dim3A_373 = vector.broadcast %jit3A_371 : i32 to vector<16xi32>
        %broadcast_in_dim3A_374 = vector.broadcast %jit3A_372 : i32 to vector<16xi32>
        %select_n3A_375 = arith.select %eq3A_370, %broadcast_in_dim3A_373, %broadcast_in_dim3A_374 : vector<16xi1>, vector<16xi32>
        %add3A_376 = arith.addi %select_n3A_367, %select_n3A_375 : vector<16xi32>
        %sub3A_377 = arith.constant 1 : i32
        %sub3A_378 = vector.broadcast %sub3A_377 : i32 to vector<16xi32>
        %sub3A_379 = arith.subi %iota3A, %sub3A_378 : vector<16xi32>
        %max3A_380 = arith.constant 0 : i32
        %max3A_381 = vector.broadcast %max3A_380 : i32 to vector<16xi32>
        %max3A_382 = arith.maxsi %sub3A_379, %max3A_381 : vector<16xi32>
        %reshape3A_383 = vector.shape_cast %max3A_382 : vector<16xi32> to vector<16x1xi32>
        %gather3A_384 = vector.shape_cast %reshape3A_383 : vector<16x1xi32> to vector<16xi32>
        %gather3A_385 = tpu.dynamic_gather %add3A_376[%gather3A_384] in [0] : vector<16xi32>, vector<16xi32> -> vector<16xi32>
        %ge3A_386 = arith.constant 1 : i32
        %ge3A_387 = vector.broadcast %ge3A_386 : i32 to vector<16xi32>
        %ge3A_388 = arith.cmpi sge, %iota3A, %ge3A_387 : vector<16xi32>
        %jit3A_389 = arith.constant 0 : i32
        %broadcast_in_dim3A_390 = vector.broadcast %jit3A_389 : i32 to vector<16xi32>
        %select_n3A_391 = arith.select %ge3A_388, %gather3A_385, %broadcast_in_dim3A_390 : vector<16xi1>, vector<16xi32>
        %add3A_392 = arith.addi %add3A_376, %select_n3A_391 : vector<16xi32>
        %sub3A_393 = arith.constant 2 : i32
        %sub3A_394 = vector.broadcast %sub3A_393 : i32 to vector<16xi32>
        %sub3A_395 = arith.subi %iota3A, %sub3A_394 : vector<16xi32>
        %max3A_396 = arith.constant 0 : i32
        %max3A_397 = vector.broadcast %max3A_396 : i32 to vector<16xi32>
        %max3A_398 = arith.maxsi %sub3A_395, %max3A_397 : vector<16xi32>
        %reshape3A_399 = vector.shape_cast %max3A_398 : vector<16xi32> to vector<16x1xi32>
        %gather3A_400 = vector.shape_cast %reshape3A_399 : vector<16x1xi32> to vector<16xi32>
        %gather3A_401 = tpu.dynamic_gather %add3A_392[%gather3A_400] in [0] : vector<16xi32>, vector<16xi32> -> vector<16xi32>
        %ge3A_402 = arith.constant 2 : i32
        %ge3A_403 = vector.broadcast %ge3A_402 : i32 to vector<16xi32>
        %ge3A_404 = arith.cmpi sge, %iota3A, %ge3A_403 : vector<16xi32>
        %jit3A_405 = arith.constant 0 : i32
        %broadcast_in_dim3A_406 = vector.broadcast %jit3A_405 : i32 to vector<16xi32>
        %select_n3A_407 = arith.select %ge3A_404, %gather3A_401, %broadcast_in_dim3A_406 : vector<16xi1>, vector<16xi32>
        %add3A_408 = arith.addi %add3A_392, %select_n3A_407 : vector<16xi32>
        %sub3A_409 = arith.constant 4 : i32
        %sub3A_410 = vector.broadcast %sub3A_409 : i32 to vector<16xi32>
        %sub3A_411 = arith.subi %iota3A, %sub3A_410 : vector<16xi32>
        %max3A_412 = arith.constant 0 : i32
        %max3A_413 = vector.broadcast %max3A_412 : i32 to vector<16xi32>
        %max3A_414 = arith.maxsi %sub3A_411, %max3A_413 : vector<16xi32>
        %reshape3A_415 = vector.shape_cast %max3A_414 : vector<16xi32> to vector<16x1xi32>
        %gather3A_416 = vector.shape_cast %reshape3A_415 : vector<16x1xi32> to vector<16xi32>
        %gather3A_417 = tpu.dynamic_gather %add3A_408[%gather3A_416] in [0] : vector<16xi32>, vector<16xi32> -> vector<16xi32>
        %ge3A_418 = arith.constant 4 : i32
        %ge3A_419 = vector.broadcast %ge3A_418 : i32 to vector<16xi32>
        %ge3A_420 = arith.cmpi sge, %iota3A, %ge3A_419 : vector<16xi32>
        %jit3A_421 = arith.constant 0 : i32
        %broadcast_in_dim3A_422 = vector.broadcast %jit3A_421 : i32 to vector<16xi32>
        %select_n3A_423 = arith.select %ge3A_420, %gather3A_417, %broadcast_in_dim3A_422 : vector<16xi1>, vector<16xi32>
        %add3A_424 = arith.addi %add3A_408, %select_n3A_423 : vector<16xi32>
        %sub3A_425 = arith.constant 8 : i32
        %sub3A_426 = vector.broadcast %sub3A_425 : i32 to vector<16xi32>
        %sub3A_427 = arith.subi %iota3A, %sub3A_426 : vector<16xi32>
        %max3A_428 = arith.constant 0 : i32
        %max3A_429 = vector.broadcast %max3A_428 : i32 to vector<16xi32>
        %max3A_430 = arith.maxsi %sub3A_427, %max3A_429 : vector<16xi32>
        %reshape3A_431 = vector.shape_cast %max3A_430 : vector<16xi32> to vector<16x1xi32>
        %gather3A_432 = vector.shape_cast %reshape3A_431 : vector<16x1xi32> to vector<16xi32>
        %gather3A_433 = tpu.dynamic_gather %add3A_424[%gather3A_432] in [0] : vector<16xi32>, vector<16xi32> -> vector<16xi32>
        %ge3A_434 = arith.constant 8 : i32
        %ge3A_435 = vector.broadcast %ge3A_434 : i32 to vector<16xi32>
        %ge3A_436 = arith.cmpi sge, %iota3A, %ge3A_435 : vector<16xi32>
        %jit3A_437 = arith.constant 0 : i32
        %broadcast_in_dim3A_438 = vector.broadcast %jit3A_437 : i32 to vector<16xi32>
        %select_n3A_439 = arith.select %ge3A_436, %gather3A_433, %broadcast_in_dim3A_438 : vector<16xi1>, vector<16xi32>
        %add3A_440 = arith.addi %add3A_424, %select_n3A_439 : vector<16xi32>
        %broadcast_in_dim3A_441 = arith.constant 15 : i32
        %broadcast_in_dim3A_442 = vector.broadcast %broadcast_in_dim3A_441 : i32 to vector<16xi32>
        %reshape3A_443 = vector.shape_cast %broadcast_in_dim3A_442 : vector<16xi32> to vector<16x1xi32>
        %gather3A_444 = vector.shape_cast %reshape3A_443 : vector<16x1xi32> to vector<16xi32>
        %gather3A_445 = tpu.dynamic_gather %add3A_440[%gather3A_444] in [0] : vector<16xi32>, vector<16xi32> -> vector<16xi32>
        %eq3A_446 = arith.constant 0 : i32
        %eq3A_447 = vector.broadcast %eq3A_446 : i32 to vector<16xi32>
        %eq3A_448 = arith.cmpi eq, %iota3A, %eq3A_447 : vector<16xi32>
        %jit3A_449 = arith.constant 0 : i32
        %broadcast_in_dim3A_450 = vector.broadcast %jit3A_449 : i32 to vector<16xi32>
        %select_n3A_451 = arith.select %eq3A_448, %gather3A_445, %broadcast_in_dim3A_450 : vector<16xi1>, vector<16xi32>
        %add3A_452 = arith.addi %get3A_359, %select_n3A_451 : vector<16xi32>
        %eq3A_453 = arith.constant 1 : i32
        %eq3A_454 = vector.broadcast %eq3A_453 : i32 to vector<16xi32>
        %eq3A_455 = arith.cmpi eq, %get3A_351, %eq3A_454 : vector<16xi32>
        %jit3A_456 = arith.constant 1 : i32
        %jit3A_457 = arith.constant 0 : i32
        %broadcast_in_dim3A_458 = vector.broadcast %jit3A_456 : i32 to vector<16xi32>
        %broadcast_in_dim3A_459 = vector.broadcast %jit3A_457 : i32 to vector<16xi32>
        %select_n3A_460 = arith.select %eq3A_455, %broadcast_in_dim3A_458, %broadcast_in_dim3A_459 : vector<16xi1>, vector<16xi32>
        %eq3A_461 = arith.constant 1 : i32
        %eq3A_462 = vector.broadcast %eq3A_461 : i32 to vector<16xi32>
        %eq3A_463 = arith.cmpi eq, %get3A_356, %eq3A_462 : vector<16xi32>
        %jit3A_464 = arith.constant 1 : i32
        %jit3A_465 = arith.constant 0 : i32
        %broadcast_in_dim3A_466 = vector.broadcast %jit3A_464 : i32 to vector<16xi32>
        %broadcast_in_dim3A_467 = vector.broadcast %jit3A_465 : i32 to vector<16xi32>
        %select_n3A_468 = arith.select %eq3A_463, %broadcast_in_dim3A_466, %broadcast_in_dim3A_467 : vector<16xi1>, vector<16xi32>
        %add3A_469 = arith.addi %select_n3A_460, %select_n3A_468 : vector<16xi32>
        %sub3A_470 = arith.constant 1 : i32
        %sub3A_471 = vector.broadcast %sub3A_470 : i32 to vector<16xi32>
        %sub3A_472 = arith.subi %iota3A, %sub3A_471 : vector<16xi32>
        %max3A_473 = arith.constant 0 : i32
        %max3A_474 = vector.broadcast %max3A_473 : i32 to vector<16xi32>
        %max3A_475 = arith.maxsi %sub3A_472, %max3A_474 : vector<16xi32>
        %reshape3A_476 = vector.shape_cast %max3A_475 : vector<16xi32> to vector<16x1xi32>
        %gather3A_477 = vector.shape_cast %reshape3A_476 : vector<16x1xi32> to vector<16xi32>
        %gather3A_478 = tpu.dynamic_gather %add3A_469[%gather3A_477] in [0] : vector<16xi32>, vector<16xi32> -> vector<16xi32>
        %ge3A_479 = arith.constant 1 : i32
        %ge3A_480 = vector.broadcast %ge3A_479 : i32 to vector<16xi32>
        %ge3A_481 = arith.cmpi sge, %iota3A, %ge3A_480 : vector<16xi32>
        %jit3A_482 = arith.constant 0 : i32
        %broadcast_in_dim3A_483 = vector.broadcast %jit3A_482 : i32 to vector<16xi32>
        %select_n3A_484 = arith.select %ge3A_481, %gather3A_478, %broadcast_in_dim3A_483 : vector<16xi1>, vector<16xi32>
        %add3A_485 = arith.addi %add3A_469, %select_n3A_484 : vector<16xi32>
        %sub3A_486 = arith.constant 2 : i32
        %sub3A_487 = vector.broadcast %sub3A_486 : i32 to vector<16xi32>
        %sub3A_488 = arith.subi %iota3A, %sub3A_487 : vector<16xi32>
        %max3A_489 = arith.constant 0 : i32
        %max3A_490 = vector.broadcast %max3A_489 : i32 to vector<16xi32>
        %max3A_491 = arith.maxsi %sub3A_488, %max3A_490 : vector<16xi32>
        %reshape3A_492 = vector.shape_cast %max3A_491 : vector<16xi32> to vector<16x1xi32>
        %gather3A_493 = vector.shape_cast %reshape3A_492 : vector<16x1xi32> to vector<16xi32>
        %gather3A_494 = tpu.dynamic_gather %add3A_485[%gather3A_493] in [0] : vector<16xi32>, vector<16xi32> -> vector<16xi32>
        %ge3A_495 = arith.constant 2 : i32
        %ge3A_496 = vector.broadcast %ge3A_495 : i32 to vector<16xi32>
        %ge3A_497 = arith.cmpi sge, %iota3A, %ge3A_496 : vector<16xi32>
        %jit3A_498 = arith.constant 0 : i32
        %broadcast_in_dim3A_499 = vector.broadcast %jit3A_498 : i32 to vector<16xi32>
        %select_n3A_500 = arith.select %ge3A_497, %gather3A_494, %broadcast_in_dim3A_499 : vector<16xi1>, vector<16xi32>
        %add3A_501 = arith.addi %add3A_485, %select_n3A_500 : vector<16xi32>
        %sub3A_502 = arith.constant 4 : i32
        %sub3A_503 = vector.broadcast %sub3A_502 : i32 to vector<16xi32>
        %sub3A_504 = arith.subi %iota3A, %sub3A_503 : vector<16xi32>
        %max3A_505 = arith.constant 0 : i32
        %max3A_506 = vector.broadcast %max3A_505 : i32 to vector<16xi32>
        %max3A_507 = arith.maxsi %sub3A_504, %max3A_506 : vector<16xi32>
        %reshape3A_508 = vector.shape_cast %max3A_507 : vector<16xi32> to vector<16x1xi32>
        %gather3A_509 = vector.shape_cast %reshape3A_508 : vector<16x1xi32> to vector<16xi32>
        %gather3A_510 = tpu.dynamic_gather %add3A_501[%gather3A_509] in [0] : vector<16xi32>, vector<16xi32> -> vector<16xi32>
        %ge3A_511 = arith.constant 4 : i32
        %ge3A_512 = vector.broadcast %ge3A_511 : i32 to vector<16xi32>
        %ge3A_513 = arith.cmpi sge, %iota3A, %ge3A_512 : vector<16xi32>
        %jit3A_514 = arith.constant 0 : i32
        %broadcast_in_dim3A_515 = vector.broadcast %jit3A_514 : i32 to vector<16xi32>
        %select_n3A_516 = arith.select %ge3A_513, %gather3A_510, %broadcast_in_dim3A_515 : vector<16xi1>, vector<16xi32>
        %add3A_517 = arith.addi %add3A_501, %select_n3A_516 : vector<16xi32>
        %sub3A_518 = arith.constant 8 : i32
        %sub3A_519 = vector.broadcast %sub3A_518 : i32 to vector<16xi32>
        %sub3A_520 = arith.subi %iota3A, %sub3A_519 : vector<16xi32>
        %max3A_521 = arith.constant 0 : i32
        %max3A_522 = vector.broadcast %max3A_521 : i32 to vector<16xi32>
        %max3A_523 = arith.maxsi %sub3A_520, %max3A_522 : vector<16xi32>
        %reshape3A_524 = vector.shape_cast %max3A_523 : vector<16xi32> to vector<16x1xi32>
        %gather3A_525 = vector.shape_cast %reshape3A_524 : vector<16x1xi32> to vector<16xi32>
        %gather3A_526 = tpu.dynamic_gather %add3A_517[%gather3A_525] in [0] : vector<16xi32>, vector<16xi32> -> vector<16xi32>
        %ge3A_527 = arith.constant 8 : i32
        %ge3A_528 = vector.broadcast %ge3A_527 : i32 to vector<16xi32>
        %ge3A_529 = arith.cmpi sge, %iota3A, %ge3A_528 : vector<16xi32>
        %jit3A_530 = arith.constant 0 : i32
        %broadcast_in_dim3A_531 = vector.broadcast %jit3A_530 : i32 to vector<16xi32>
        %select_n3A_532 = arith.select %ge3A_529, %gather3A_526, %broadcast_in_dim3A_531 : vector<16xi1>, vector<16xi32>
        %add3A_533 = arith.addi %add3A_517, %select_n3A_532 : vector<16xi32>
        %broadcast_in_dim3A_534 = arith.constant 15 : i32
        %broadcast_in_dim3A_535 = vector.broadcast %broadcast_in_dim3A_534 : i32 to vector<16xi32>
        %reshape3A_536 = vector.shape_cast %broadcast_in_dim3A_535 : vector<16xi32> to vector<16x1xi32>
        %gather3A_537 = vector.shape_cast %reshape3A_536 : vector<16x1xi32> to vector<16xi32>
        %gather3A_538 = tpu.dynamic_gather %add3A_533[%gather3A_537] in [0] : vector<16xi32>, vector<16xi32> -> vector<16xi32>
        %eq3A_539 = arith.constant 1 : i32
        %eq3A_540 = vector.broadcast %eq3A_539 : i32 to vector<16xi32>
        %eq3A_541 = arith.cmpi eq, %iota3A, %eq3A_540 : vector<16xi32>
        %jit3A_542 = arith.constant 0 : i32
        %broadcast_in_dim3A_543 = vector.broadcast %jit3A_542 : i32 to vector<16xi32>
        %select_n3A_544 = arith.select %eq3A_541, %gather3A_538, %broadcast_in_dim3A_543 : vector<16xi1>, vector<16xi32>
        %add3A_545 = arith.addi %add3A_452, %select_n3A_544 : vector<16xi32>
        %eq3A_546 = arith.constant 2 : i32
        %eq3A_547 = vector.broadcast %eq3A_546 : i32 to vector<16xi32>
        %eq3A_548 = arith.cmpi eq, %get3A_351, %eq3A_547 : vector<16xi32>
        %jit3A_549 = arith.constant 1 : i32
        %jit3A_550 = arith.constant 0 : i32
        %broadcast_in_dim3A_551 = vector.broadcast %jit3A_549 : i32 to vector<16xi32>
        %broadcast_in_dim3A_552 = vector.broadcast %jit3A_550 : i32 to vector<16xi32>
        %select_n3A_553 = arith.select %eq3A_548, %broadcast_in_dim3A_551, %broadcast_in_dim3A_552 : vector<16xi1>, vector<16xi32>
        %eq3A_554 = arith.constant 2 : i32
        %eq3A_555 = vector.broadcast %eq3A_554 : i32 to vector<16xi32>
        %eq3A_556 = arith.cmpi eq, %get3A_356, %eq3A_555 : vector<16xi32>
        %jit3A_557 = arith.constant 1 : i32
        %jit3A_558 = arith.constant 0 : i32
        %broadcast_in_dim3A_559 = vector.broadcast %jit3A_557 : i32 to vector<16xi32>
        %broadcast_in_dim3A_560 = vector.broadcast %jit3A_558 : i32 to vector<16xi32>
        %select_n3A_561 = arith.select %eq3A_556, %broadcast_in_dim3A_559, %broadcast_in_dim3A_560 : vector<16xi1>, vector<16xi32>
        %add3A_562 = arith.addi %select_n3A_553, %select_n3A_561 : vector<16xi32>
        %sub3A_563 = arith.constant 1 : i32
        %sub3A_564 = vector.broadcast %sub3A_563 : i32 to vector<16xi32>
        %sub3A_565 = arith.subi %iota3A, %sub3A_564 : vector<16xi32>
        %max3A_566 = arith.constant 0 : i32
        %max3A_567 = vector.broadcast %max3A_566 : i32 to vector<16xi32>
        %max3A_568 = arith.maxsi %sub3A_565, %max3A_567 : vector<16xi32>
        %reshape3A_569 = vector.shape_cast %max3A_568 : vector<16xi32> to vector<16x1xi32>
        %gather3A_570 = vector.shape_cast %reshape3A_569 : vector<16x1xi32> to vector<16xi32>
        %gather3A_571 = tpu.dynamic_gather %add3A_562[%gather3A_570] in [0] : vector<16xi32>, vector<16xi32> -> vector<16xi32>
        %ge3A_572 = arith.constant 1 : i32
        %ge3A_573 = vector.broadcast %ge3A_572 : i32 to vector<16xi32>
        %ge3A_574 = arith.cmpi sge, %iota3A, %ge3A_573 : vector<16xi32>
        %jit3A_575 = arith.constant 0 : i32
        %broadcast_in_dim3A_576 = vector.broadcast %jit3A_575 : i32 to vector<16xi32>
        %select_n3A_577 = arith.select %ge3A_574, %gather3A_571, %broadcast_in_dim3A_576 : vector<16xi1>, vector<16xi32>
        %add3A_578 = arith.addi %add3A_562, %select_n3A_577 : vector<16xi32>
        %sub3A_579 = arith.constant 2 : i32
        %sub3A_580 = vector.broadcast %sub3A_579 : i32 to vector<16xi32>
        %sub3A_581 = arith.subi %iota3A, %sub3A_580 : vector<16xi32>
        %max3A_582 = arith.constant 0 : i32
        %max3A_583 = vector.broadcast %max3A_582 : i32 to vector<16xi32>
        %max3A_584 = arith.maxsi %sub3A_581, %max3A_583 : vector<16xi32>
        %reshape3A_585 = vector.shape_cast %max3A_584 : vector<16xi32> to vector<16x1xi32>
        %gather3A_586 = vector.shape_cast %reshape3A_585 : vector<16x1xi32> to vector<16xi32>
        %gather3A_587 = tpu.dynamic_gather %add3A_578[%gather3A_586] in [0] : vector<16xi32>, vector<16xi32> -> vector<16xi32>
        %ge3A_588 = arith.constant 2 : i32
        %ge3A_589 = vector.broadcast %ge3A_588 : i32 to vector<16xi32>
        %ge3A_590 = arith.cmpi sge, %iota3A, %ge3A_589 : vector<16xi32>
        %jit3A_591 = arith.constant 0 : i32
        %broadcast_in_dim3A_592 = vector.broadcast %jit3A_591 : i32 to vector<16xi32>
        %select_n3A_593 = arith.select %ge3A_590, %gather3A_587, %broadcast_in_dim3A_592 : vector<16xi1>, vector<16xi32>
        %add3A_594 = arith.addi %add3A_578, %select_n3A_593 : vector<16xi32>
        %sub3A_595 = arith.constant 4 : i32
        %sub3A_596 = vector.broadcast %sub3A_595 : i32 to vector<16xi32>
        %sub3A_597 = arith.subi %iota3A, %sub3A_596 : vector<16xi32>
        %max3A_598 = arith.constant 0 : i32
        %max3A_599 = vector.broadcast %max3A_598 : i32 to vector<16xi32>
        %max3A_600 = arith.maxsi %sub3A_597, %max3A_599 : vector<16xi32>
        %reshape3A_601 = vector.shape_cast %max3A_600 : vector<16xi32> to vector<16x1xi32>
        %gather3A_602 = vector.shape_cast %reshape3A_601 : vector<16x1xi32> to vector<16xi32>
        %gather3A_603 = tpu.dynamic_gather %add3A_594[%gather3A_602] in [0] : vector<16xi32>, vector<16xi32> -> vector<16xi32>
        %ge3A_604 = arith.constant 4 : i32
        %ge3A_605 = vector.broadcast %ge3A_604 : i32 to vector<16xi32>
        %ge3A_606 = arith.cmpi sge, %iota3A, %ge3A_605 : vector<16xi32>
        %jit3A_607 = arith.constant 0 : i32
        %broadcast_in_dim3A_608 = vector.broadcast %jit3A_607 : i32 to vector<16xi32>
        %select_n3A_609 = arith.select %ge3A_606, %gather3A_603, %broadcast_in_dim3A_608 : vector<16xi1>, vector<16xi32>
        %add3A_610 = arith.addi %add3A_594, %select_n3A_609 : vector<16xi32>
        %sub3A_611 = arith.constant 8 : i32
        %sub3A_612 = vector.broadcast %sub3A_611 : i32 to vector<16xi32>
        %sub3A_613 = arith.subi %iota3A, %sub3A_612 : vector<16xi32>
        %max3A_614 = arith.constant 0 : i32
        %max3A_615 = vector.broadcast %max3A_614 : i32 to vector<16xi32>
        %max3A_616 = arith.maxsi %sub3A_613, %max3A_615 : vector<16xi32>
        %reshape3A_617 = vector.shape_cast %max3A_616 : vector<16xi32> to vector<16x1xi32>
        %gather3A_618 = vector.shape_cast %reshape3A_617 : vector<16x1xi32> to vector<16xi32>
        %gather3A_619 = tpu.dynamic_gather %add3A_610[%gather3A_618] in [0] : vector<16xi32>, vector<16xi32> -> vector<16xi32>
        %ge3A_620 = arith.constant 8 : i32
        %ge3A_621 = vector.broadcast %ge3A_620 : i32 to vector<16xi32>
        %ge3A_622 = arith.cmpi sge, %iota3A, %ge3A_621 : vector<16xi32>
        %jit3A_623 = arith.constant 0 : i32
        %broadcast_in_dim3A_624 = vector.broadcast %jit3A_623 : i32 to vector<16xi32>
        %select_n3A_625 = arith.select %ge3A_622, %gather3A_619, %broadcast_in_dim3A_624 : vector<16xi1>, vector<16xi32>
        %add3A_626 = arith.addi %add3A_610, %select_n3A_625 : vector<16xi32>
        %broadcast_in_dim3A_627 = arith.constant 15 : i32
        %broadcast_in_dim3A_628 = vector.broadcast %broadcast_in_dim3A_627 : i32 to vector<16xi32>
        %reshape3A_629 = vector.shape_cast %broadcast_in_dim3A_628 : vector<16xi32> to vector<16x1xi32>
        %gather3A_630 = vector.shape_cast %reshape3A_629 : vector<16x1xi32> to vector<16xi32>
        %gather3A_631 = tpu.dynamic_gather %add3A_626[%gather3A_630] in [0] : vector<16xi32>, vector<16xi32> -> vector<16xi32>
        %eq3A_632 = arith.constant 2 : i32
        %eq3A_633 = vector.broadcast %eq3A_632 : i32 to vector<16xi32>
        %eq3A_634 = arith.cmpi eq, %iota3A, %eq3A_633 : vector<16xi32>
        %jit3A_635 = arith.constant 0 : i32
        %broadcast_in_dim3A_636 = vector.broadcast %jit3A_635 : i32 to vector<16xi32>
        %select_n3A_637 = arith.select %eq3A_634, %gather3A_631, %broadcast_in_dim3A_636 : vector<16xi1>, vector<16xi32>
        %add3A_638 = arith.addi %add3A_545, %select_n3A_637 : vector<16xi32>
        %eq3A_639 = arith.constant 3 : i32
        %eq3A_640 = vector.broadcast %eq3A_639 : i32 to vector<16xi32>
        %eq3A_641 = arith.cmpi eq, %get3A_351, %eq3A_640 : vector<16xi32>
        %jit3A_642 = arith.constant 1 : i32
        %jit3A_643 = arith.constant 0 : i32
        %broadcast_in_dim3A_644 = vector.broadcast %jit3A_642 : i32 to vector<16xi32>
        %broadcast_in_dim3A_645 = vector.broadcast %jit3A_643 : i32 to vector<16xi32>
        %select_n3A_646 = arith.select %eq3A_641, %broadcast_in_dim3A_644, %broadcast_in_dim3A_645 : vector<16xi1>, vector<16xi32>
        %eq3A_647 = arith.constant 3 : i32
        %eq3A_648 = vector.broadcast %eq3A_647 : i32 to vector<16xi32>
        %eq3A_649 = arith.cmpi eq, %get3A_356, %eq3A_648 : vector<16xi32>
        %jit3A_650 = arith.constant 1 : i32
        %jit3A_651 = arith.constant 0 : i32
        %broadcast_in_dim3A_652 = vector.broadcast %jit3A_650 : i32 to vector<16xi32>
        %broadcast_in_dim3A_653 = vector.broadcast %jit3A_651 : i32 to vector<16xi32>
        %select_n3A_654 = arith.select %eq3A_649, %broadcast_in_dim3A_652, %broadcast_in_dim3A_653 : vector<16xi1>, vector<16xi32>
        %add3A_655 = arith.addi %select_n3A_646, %select_n3A_654 : vector<16xi32>
        %sub3A_656 = arith.constant 1 : i32
        %sub3A_657 = vector.broadcast %sub3A_656 : i32 to vector<16xi32>
        %sub3A_658 = arith.subi %iota3A, %sub3A_657 : vector<16xi32>
        %max3A_659 = arith.constant 0 : i32
        %max3A_660 = vector.broadcast %max3A_659 : i32 to vector<16xi32>
        %max3A_661 = arith.maxsi %sub3A_658, %max3A_660 : vector<16xi32>
        %reshape3A_662 = vector.shape_cast %max3A_661 : vector<16xi32> to vector<16x1xi32>
        %gather3A_663 = vector.shape_cast %reshape3A_662 : vector<16x1xi32> to vector<16xi32>
        %gather3A_664 = tpu.dynamic_gather %add3A_655[%gather3A_663] in [0] : vector<16xi32>, vector<16xi32> -> vector<16xi32>
        %ge3A_665 = arith.constant 1 : i32
        %ge3A_666 = vector.broadcast %ge3A_665 : i32 to vector<16xi32>
        %ge3A_667 = arith.cmpi sge, %iota3A, %ge3A_666 : vector<16xi32>
        %jit3A_668 = arith.constant 0 : i32
        %broadcast_in_dim3A_669 = vector.broadcast %jit3A_668 : i32 to vector<16xi32>
        %select_n3A_670 = arith.select %ge3A_667, %gather3A_664, %broadcast_in_dim3A_669 : vector<16xi1>, vector<16xi32>
        %add3A_671 = arith.addi %add3A_655, %select_n3A_670 : vector<16xi32>
        %sub3A_672 = arith.constant 2 : i32
        %sub3A_673 = vector.broadcast %sub3A_672 : i32 to vector<16xi32>
        %sub3A_674 = arith.subi %iota3A, %sub3A_673 : vector<16xi32>
        %max3A_675 = arith.constant 0 : i32
        %max3A_676 = vector.broadcast %max3A_675 : i32 to vector<16xi32>
        %max3A_677 = arith.maxsi %sub3A_674, %max3A_676 : vector<16xi32>
        %reshape3A_678 = vector.shape_cast %max3A_677 : vector<16xi32> to vector<16x1xi32>
        %gather3A_679 = vector.shape_cast %reshape3A_678 : vector<16x1xi32> to vector<16xi32>
        %gather3A_680 = tpu.dynamic_gather %add3A_671[%gather3A_679] in [0] : vector<16xi32>, vector<16xi32> -> vector<16xi32>
        %ge3A_681 = arith.constant 2 : i32
        %ge3A_682 = vector.broadcast %ge3A_681 : i32 to vector<16xi32>
        %ge3A_683 = arith.cmpi sge, %iota3A, %ge3A_682 : vector<16xi32>
        %jit3A_684 = arith.constant 0 : i32
        %broadcast_in_dim3A_685 = vector.broadcast %jit3A_684 : i32 to vector<16xi32>
        %select_n3A_686 = arith.select %ge3A_683, %gather3A_680, %broadcast_in_dim3A_685 : vector<16xi1>, vector<16xi32>
        %add3A_687 = arith.addi %add3A_671, %select_n3A_686 : vector<16xi32>
        %sub3A_688 = arith.constant 4 : i32
        %sub3A_689 = vector.broadcast %sub3A_688 : i32 to vector<16xi32>
        %sub3A_690 = arith.subi %iota3A, %sub3A_689 : vector<16xi32>
        %max3A_691 = arith.constant 0 : i32
        %max3A_692 = vector.broadcast %max3A_691 : i32 to vector<16xi32>
        %max3A_693 = arith.maxsi %sub3A_690, %max3A_692 : vector<16xi32>
        %reshape3A_694 = vector.shape_cast %max3A_693 : vector<16xi32> to vector<16x1xi32>
        %gather3A_695 = vector.shape_cast %reshape3A_694 : vector<16x1xi32> to vector<16xi32>
        %gather3A_696 = tpu.dynamic_gather %add3A_687[%gather3A_695] in [0] : vector<16xi32>, vector<16xi32> -> vector<16xi32>
        %ge3A_697 = arith.constant 4 : i32
        %ge3A_698 = vector.broadcast %ge3A_697 : i32 to vector<16xi32>
        %ge3A_699 = arith.cmpi sge, %iota3A, %ge3A_698 : vector<16xi32>
        %jit3A_700 = arith.constant 0 : i32
        %broadcast_in_dim3A_701 = vector.broadcast %jit3A_700 : i32 to vector<16xi32>
        %select_n3A_702 = arith.select %ge3A_699, %gather3A_696, %broadcast_in_dim3A_701 : vector<16xi1>, vector<16xi32>
        %add3A_703 = arith.addi %add3A_687, %select_n3A_702 : vector<16xi32>
        %sub3A_704 = arith.constant 8 : i32
        %sub3A_705 = vector.broadcast %sub3A_704 : i32 to vector<16xi32>
        %sub3A_706 = arith.subi %iota3A, %sub3A_705 : vector<16xi32>
        %max3A_707 = arith.constant 0 : i32
        %max3A_708 = vector.broadcast %max3A_707 : i32 to vector<16xi32>
        %max3A_709 = arith.maxsi %sub3A_706, %max3A_708 : vector<16xi32>
        %reshape3A_710 = vector.shape_cast %max3A_709 : vector<16xi32> to vector<16x1xi32>
        %gather3A_711 = vector.shape_cast %reshape3A_710 : vector<16x1xi32> to vector<16xi32>
        %gather3A_712 = tpu.dynamic_gather %add3A_703[%gather3A_711] in [0] : vector<16xi32>, vector<16xi32> -> vector<16xi32>
        %ge3A_713 = arith.constant 8 : i32
        %ge3A_714 = vector.broadcast %ge3A_713 : i32 to vector<16xi32>
        %ge3A_715 = arith.cmpi sge, %iota3A, %ge3A_714 : vector<16xi32>
        %jit3A_716 = arith.constant 0 : i32
        %broadcast_in_dim3A_717 = vector.broadcast %jit3A_716 : i32 to vector<16xi32>
        %select_n3A_718 = arith.select %ge3A_715, %gather3A_712, %broadcast_in_dim3A_717 : vector<16xi1>, vector<16xi32>
        %add3A_719 = arith.addi %add3A_703, %select_n3A_718 : vector<16xi32>
        %broadcast_in_dim3A_720 = arith.constant 15 : i32
        %broadcast_in_dim3A_721 = vector.broadcast %broadcast_in_dim3A_720 : i32 to vector<16xi32>
        %reshape3A_722 = vector.shape_cast %broadcast_in_dim3A_721 : vector<16xi32> to vector<16x1xi32>
        %gather3A_723 = vector.shape_cast %reshape3A_722 : vector<16x1xi32> to vector<16xi32>
        %gather3A_724 = tpu.dynamic_gather %add3A_719[%gather3A_723] in [0] : vector<16xi32>, vector<16xi32> -> vector<16xi32>
        %eq3A_725 = arith.constant 3 : i32
        %eq3A_726 = vector.broadcast %eq3A_725 : i32 to vector<16xi32>
        %eq3A_727 = arith.cmpi eq, %iota3A, %eq3A_726 : vector<16xi32>
        %jit3A_728 = arith.constant 0 : i32
        %broadcast_in_dim3A_729 = vector.broadcast %jit3A_728 : i32 to vector<16xi32>
        %select_n3A_730 = arith.select %eq3A_727, %gather3A_724, %broadcast_in_dim3A_729 : vector<16xi1>, vector<16xi32>
        %add3A_731 = arith.addi %add3A_638, %select_n3A_730 : vector<16xi32>
        %eq3A_732 = arith.constant 4 : i32
        %eq3A_733 = vector.broadcast %eq3A_732 : i32 to vector<16xi32>
        %eq3A_734 = arith.cmpi eq, %get3A_351, %eq3A_733 : vector<16xi32>
        %jit3A_735 = arith.constant 1 : i32
        %jit3A_736 = arith.constant 0 : i32
        %broadcast_in_dim3A_737 = vector.broadcast %jit3A_735 : i32 to vector<16xi32>
        %broadcast_in_dim3A_738 = vector.broadcast %jit3A_736 : i32 to vector<16xi32>
        %select_n3A_739 = arith.select %eq3A_734, %broadcast_in_dim3A_737, %broadcast_in_dim3A_738 : vector<16xi1>, vector<16xi32>
        %eq3A_740 = arith.constant 4 : i32
        %eq3A_741 = vector.broadcast %eq3A_740 : i32 to vector<16xi32>
        %eq3A_742 = arith.cmpi eq, %get3A_356, %eq3A_741 : vector<16xi32>
        %jit3A_743 = arith.constant 1 : i32
        %jit3A_744 = arith.constant 0 : i32
        %broadcast_in_dim3A_745 = vector.broadcast %jit3A_743 : i32 to vector<16xi32>
        %broadcast_in_dim3A_746 = vector.broadcast %jit3A_744 : i32 to vector<16xi32>
        %select_n3A_747 = arith.select %eq3A_742, %broadcast_in_dim3A_745, %broadcast_in_dim3A_746 : vector<16xi1>, vector<16xi32>
        %add3A_748 = arith.addi %select_n3A_739, %select_n3A_747 : vector<16xi32>
        %sub3A_749 = arith.constant 1 : i32
        %sub3A_750 = vector.broadcast %sub3A_749 : i32 to vector<16xi32>
        %sub3A_751 = arith.subi %iota3A, %sub3A_750 : vector<16xi32>
        %max3A_752 = arith.constant 0 : i32
        %max3A_753 = vector.broadcast %max3A_752 : i32 to vector<16xi32>
        %max3A_754 = arith.maxsi %sub3A_751, %max3A_753 : vector<16xi32>
        %reshape3A_755 = vector.shape_cast %max3A_754 : vector<16xi32> to vector<16x1xi32>
        %gather3A_756 = vector.shape_cast %reshape3A_755 : vector<16x1xi32> to vector<16xi32>
        %gather3A_757 = tpu.dynamic_gather %add3A_748[%gather3A_756] in [0] : vector<16xi32>, vector<16xi32> -> vector<16xi32>
        %ge3A_758 = arith.constant 1 : i32
        %ge3A_759 = vector.broadcast %ge3A_758 : i32 to vector<16xi32>
        %ge3A_760 = arith.cmpi sge, %iota3A, %ge3A_759 : vector<16xi32>
        %jit3A_761 = arith.constant 0 : i32
        %broadcast_in_dim3A_762 = vector.broadcast %jit3A_761 : i32 to vector<16xi32>
        %select_n3A_763 = arith.select %ge3A_760, %gather3A_757, %broadcast_in_dim3A_762 : vector<16xi1>, vector<16xi32>
        %add3A_764 = arith.addi %add3A_748, %select_n3A_763 : vector<16xi32>
        %sub3A_765 = arith.constant 2 : i32
        %sub3A_766 = vector.broadcast %sub3A_765 : i32 to vector<16xi32>
        %sub3A_767 = arith.subi %iota3A, %sub3A_766 : vector<16xi32>
        %max3A_768 = arith.constant 0 : i32
        %max3A_769 = vector.broadcast %max3A_768 : i32 to vector<16xi32>
        %max3A_770 = arith.maxsi %sub3A_767, %max3A_769 : vector<16xi32>
        %reshape3A_771 = vector.shape_cast %max3A_770 : vector<16xi32> to vector<16x1xi32>
        %gather3A_772 = vector.shape_cast %reshape3A_771 : vector<16x1xi32> to vector<16xi32>
        %gather3A_773 = tpu.dynamic_gather %add3A_764[%gather3A_772] in [0] : vector<16xi32>, vector<16xi32> -> vector<16xi32>
        %ge3A_774 = arith.constant 2 : i32
        %ge3A_775 = vector.broadcast %ge3A_774 : i32 to vector<16xi32>
        %ge3A_776 = arith.cmpi sge, %iota3A, %ge3A_775 : vector<16xi32>
        %jit3A_777 = arith.constant 0 : i32
        %broadcast_in_dim3A_778 = vector.broadcast %jit3A_777 : i32 to vector<16xi32>
        %select_n3A_779 = arith.select %ge3A_776, %gather3A_773, %broadcast_in_dim3A_778 : vector<16xi1>, vector<16xi32>
        %add3A_780 = arith.addi %add3A_764, %select_n3A_779 : vector<16xi32>
        %sub3A_781 = arith.constant 4 : i32
        %sub3A_782 = vector.broadcast %sub3A_781 : i32 to vector<16xi32>
        %sub3A_783 = arith.subi %iota3A, %sub3A_782 : vector<16xi32>
        %max3A_784 = arith.constant 0 : i32
        %max3A_785 = vector.broadcast %max3A_784 : i32 to vector<16xi32>
        %max3A_786 = arith.maxsi %sub3A_783, %max3A_785 : vector<16xi32>
        %reshape3A_787 = vector.shape_cast %max3A_786 : vector<16xi32> to vector<16x1xi32>
        %gather3A_788 = vector.shape_cast %reshape3A_787 : vector<16x1xi32> to vector<16xi32>
        %gather3A_789 = tpu.dynamic_gather %add3A_780[%gather3A_788] in [0] : vector<16xi32>, vector<16xi32> -> vector<16xi32>
        %ge3A_790 = arith.constant 4 : i32
        %ge3A_791 = vector.broadcast %ge3A_790 : i32 to vector<16xi32>
        %ge3A_792 = arith.cmpi sge, %iota3A, %ge3A_791 : vector<16xi32>
        %jit3A_793 = arith.constant 0 : i32
        %broadcast_in_dim3A_794 = vector.broadcast %jit3A_793 : i32 to vector<16xi32>
        %select_n3A_795 = arith.select %ge3A_792, %gather3A_789, %broadcast_in_dim3A_794 : vector<16xi1>, vector<16xi32>
        %add3A_796 = arith.addi %add3A_780, %select_n3A_795 : vector<16xi32>
        %sub3A_797 = arith.constant 8 : i32
        %sub3A_798 = vector.broadcast %sub3A_797 : i32 to vector<16xi32>
        %sub3A_799 = arith.subi %iota3A, %sub3A_798 : vector<16xi32>
        %max3A_800 = arith.constant 0 : i32
        %max3A_801 = vector.broadcast %max3A_800 : i32 to vector<16xi32>
        %max3A_802 = arith.maxsi %sub3A_799, %max3A_801 : vector<16xi32>
        %reshape3A_803 = vector.shape_cast %max3A_802 : vector<16xi32> to vector<16x1xi32>
        %gather3A_804 = vector.shape_cast %reshape3A_803 : vector<16x1xi32> to vector<16xi32>
        %gather3A_805 = tpu.dynamic_gather %add3A_796[%gather3A_804] in [0] : vector<16xi32>, vector<16xi32> -> vector<16xi32>
        %ge3A_806 = arith.constant 8 : i32
        %ge3A_807 = vector.broadcast %ge3A_806 : i32 to vector<16xi32>
        %ge3A_808 = arith.cmpi sge, %iota3A, %ge3A_807 : vector<16xi32>
        %jit3A_809 = arith.constant 0 : i32
        %broadcast_in_dim3A_810 = vector.broadcast %jit3A_809 : i32 to vector<16xi32>
        %select_n3A_811 = arith.select %ge3A_808, %gather3A_805, %broadcast_in_dim3A_810 : vector<16xi1>, vector<16xi32>
        %add3A_812 = arith.addi %add3A_796, %select_n3A_811 : vector<16xi32>
        %broadcast_in_dim3A_813 = arith.constant 15 : i32
        %broadcast_in_dim3A_814 = vector.broadcast %broadcast_in_dim3A_813 : i32 to vector<16xi32>
        %reshape3A_815 = vector.shape_cast %broadcast_in_dim3A_814 : vector<16xi32> to vector<16x1xi32>
        %gather3A_816 = vector.shape_cast %reshape3A_815 : vector<16x1xi32> to vector<16xi32>
        %gather3A_817 = tpu.dynamic_gather %add3A_812[%gather3A_816] in [0] : vector<16xi32>, vector<16xi32> -> vector<16xi32>
        %eq3A_818 = arith.constant 4 : i32
        %eq3A_819 = vector.broadcast %eq3A_818 : i32 to vector<16xi32>
        %eq3A_820 = arith.cmpi eq, %iota3A, %eq3A_819 : vector<16xi32>
        %jit3A_821 = arith.constant 0 : i32
        %broadcast_in_dim3A_822 = vector.broadcast %jit3A_821 : i32 to vector<16xi32>
        %select_n3A_823 = arith.select %eq3A_820, %gather3A_817, %broadcast_in_dim3A_822 : vector<16xi1>, vector<16xi32>
        %add3A_824 = arith.addi %add3A_731, %select_n3A_823 : vector<16xi32>
        %eq3A_825 = arith.constant 5 : i32
        %eq3A_826 = vector.broadcast %eq3A_825 : i32 to vector<16xi32>
        %eq3A_827 = arith.cmpi eq, %get3A_351, %eq3A_826 : vector<16xi32>
        %jit3A_828 = arith.constant 1 : i32
        %jit3A_829 = arith.constant 0 : i32
        %broadcast_in_dim3A_830 = vector.broadcast %jit3A_828 : i32 to vector<16xi32>
        %broadcast_in_dim3A_831 = vector.broadcast %jit3A_829 : i32 to vector<16xi32>
        %select_n3A_832 = arith.select %eq3A_827, %broadcast_in_dim3A_830, %broadcast_in_dim3A_831 : vector<16xi1>, vector<16xi32>
        %eq3A_833 = arith.constant 5 : i32
        %eq3A_834 = vector.broadcast %eq3A_833 : i32 to vector<16xi32>
        %eq3A_835 = arith.cmpi eq, %get3A_356, %eq3A_834 : vector<16xi32>
        %jit3A_836 = arith.constant 1 : i32
        %jit3A_837 = arith.constant 0 : i32
        %broadcast_in_dim3A_838 = vector.broadcast %jit3A_836 : i32 to vector<16xi32>
        %broadcast_in_dim3A_839 = vector.broadcast %jit3A_837 : i32 to vector<16xi32>
        %select_n3A_840 = arith.select %eq3A_835, %broadcast_in_dim3A_838, %broadcast_in_dim3A_839 : vector<16xi1>, vector<16xi32>
        %add3A_841 = arith.addi %select_n3A_832, %select_n3A_840 : vector<16xi32>
        %sub3A_842 = arith.constant 1 : i32
        %sub3A_843 = vector.broadcast %sub3A_842 : i32 to vector<16xi32>
        %sub3A_844 = arith.subi %iota3A, %sub3A_843 : vector<16xi32>
        %max3A_845 = arith.constant 0 : i32
        %max3A_846 = vector.broadcast %max3A_845 : i32 to vector<16xi32>
        %max3A_847 = arith.maxsi %sub3A_844, %max3A_846 : vector<16xi32>
        %reshape3A_848 = vector.shape_cast %max3A_847 : vector<16xi32> to vector<16x1xi32>
        %gather3A_849 = vector.shape_cast %reshape3A_848 : vector<16x1xi32> to vector<16xi32>
        %gather3A_850 = tpu.dynamic_gather %add3A_841[%gather3A_849] in [0] : vector<16xi32>, vector<16xi32> -> vector<16xi32>
        %ge3A_851 = arith.constant 1 : i32
        %ge3A_852 = vector.broadcast %ge3A_851 : i32 to vector<16xi32>
        %ge3A_853 = arith.cmpi sge, %iota3A, %ge3A_852 : vector<16xi32>
        %jit3A_854 = arith.constant 0 : i32
        %broadcast_in_dim3A_855 = vector.broadcast %jit3A_854 : i32 to vector<16xi32>
        %select_n3A_856 = arith.select %ge3A_853, %gather3A_850, %broadcast_in_dim3A_855 : vector<16xi1>, vector<16xi32>
        %add3A_857 = arith.addi %add3A_841, %select_n3A_856 : vector<16xi32>
        %sub3A_858 = arith.constant 2 : i32
        %sub3A_859 = vector.broadcast %sub3A_858 : i32 to vector<16xi32>
        %sub3A_860 = arith.subi %iota3A, %sub3A_859 : vector<16xi32>
        %max3A_861 = arith.constant 0 : i32
        %max3A_862 = vector.broadcast %max3A_861 : i32 to vector<16xi32>
        %max3A_863 = arith.maxsi %sub3A_860, %max3A_862 : vector<16xi32>
        %reshape3A_864 = vector.shape_cast %max3A_863 : vector<16xi32> to vector<16x1xi32>
        %gather3A_865 = vector.shape_cast %reshape3A_864 : vector<16x1xi32> to vector<16xi32>
        %gather3A_866 = tpu.dynamic_gather %add3A_857[%gather3A_865] in [0] : vector<16xi32>, vector<16xi32> -> vector<16xi32>
        %ge3A_867 = arith.constant 2 : i32
        %ge3A_868 = vector.broadcast %ge3A_867 : i32 to vector<16xi32>
        %ge3A_869 = arith.cmpi sge, %iota3A, %ge3A_868 : vector<16xi32>
        %jit3A_870 = arith.constant 0 : i32
        %broadcast_in_dim3A_871 = vector.broadcast %jit3A_870 : i32 to vector<16xi32>
        %select_n3A_872 = arith.select %ge3A_869, %gather3A_866, %broadcast_in_dim3A_871 : vector<16xi1>, vector<16xi32>
        %add3A_873 = arith.addi %add3A_857, %select_n3A_872 : vector<16xi32>
        %sub3A_874 = arith.constant 4 : i32
        %sub3A_875 = vector.broadcast %sub3A_874 : i32 to vector<16xi32>
        %sub3A_876 = arith.subi %iota3A, %sub3A_875 : vector<16xi32>
        %max3A_877 = arith.constant 0 : i32
        %max3A_878 = vector.broadcast %max3A_877 : i32 to vector<16xi32>
        %max3A_879 = arith.maxsi %sub3A_876, %max3A_878 : vector<16xi32>
        %reshape3A_880 = vector.shape_cast %max3A_879 : vector<16xi32> to vector<16x1xi32>
        %gather3A_881 = vector.shape_cast %reshape3A_880 : vector<16x1xi32> to vector<16xi32>
        %gather3A_882 = tpu.dynamic_gather %add3A_873[%gather3A_881] in [0] : vector<16xi32>, vector<16xi32> -> vector<16xi32>
        %ge3A_883 = arith.constant 4 : i32
        %ge3A_884 = vector.broadcast %ge3A_883 : i32 to vector<16xi32>
        %ge3A_885 = arith.cmpi sge, %iota3A, %ge3A_884 : vector<16xi32>
        %jit3A_886 = arith.constant 0 : i32
        %broadcast_in_dim3A_887 = vector.broadcast %jit3A_886 : i32 to vector<16xi32>
        %select_n3A_888 = arith.select %ge3A_885, %gather3A_882, %broadcast_in_dim3A_887 : vector<16xi1>, vector<16xi32>
        %add3A_889 = arith.addi %add3A_873, %select_n3A_888 : vector<16xi32>
        %sub3A_890 = arith.constant 8 : i32
        %sub3A_891 = vector.broadcast %sub3A_890 : i32 to vector<16xi32>
        %sub3A_892 = arith.subi %iota3A, %sub3A_891 : vector<16xi32>
        %max3A_893 = arith.constant 0 : i32
        %max3A_894 = vector.broadcast %max3A_893 : i32 to vector<16xi32>
        %max3A_895 = arith.maxsi %sub3A_892, %max3A_894 : vector<16xi32>
        %reshape3A_896 = vector.shape_cast %max3A_895 : vector<16xi32> to vector<16x1xi32>
        %gather3A_897 = vector.shape_cast %reshape3A_896 : vector<16x1xi32> to vector<16xi32>
        %gather3A_898 = tpu.dynamic_gather %add3A_889[%gather3A_897] in [0] : vector<16xi32>, vector<16xi32> -> vector<16xi32>
        %ge3A_899 = arith.constant 8 : i32
        %ge3A_900 = vector.broadcast %ge3A_899 : i32 to vector<16xi32>
        %ge3A_901 = arith.cmpi sge, %iota3A, %ge3A_900 : vector<16xi32>
        %jit3A_902 = arith.constant 0 : i32
        %broadcast_in_dim3A_903 = vector.broadcast %jit3A_902 : i32 to vector<16xi32>
        %select_n3A_904 = arith.select %ge3A_901, %gather3A_898, %broadcast_in_dim3A_903 : vector<16xi1>, vector<16xi32>
        %add3A_905 = arith.addi %add3A_889, %select_n3A_904 : vector<16xi32>
        %broadcast_in_dim3A_906 = arith.constant 15 : i32
        %broadcast_in_dim3A_907 = vector.broadcast %broadcast_in_dim3A_906 : i32 to vector<16xi32>
        %reshape3A_908 = vector.shape_cast %broadcast_in_dim3A_907 : vector<16xi32> to vector<16x1xi32>
        %gather3A_909 = vector.shape_cast %reshape3A_908 : vector<16x1xi32> to vector<16xi32>
        %gather3A_910 = tpu.dynamic_gather %add3A_905[%gather3A_909] in [0] : vector<16xi32>, vector<16xi32> -> vector<16xi32>
        %eq3A_911 = arith.constant 5 : i32
        %eq3A_912 = vector.broadcast %eq3A_911 : i32 to vector<16xi32>
        %eq3A_913 = arith.cmpi eq, %iota3A, %eq3A_912 : vector<16xi32>
        %jit3A_914 = arith.constant 0 : i32
        %broadcast_in_dim3A_915 = vector.broadcast %jit3A_914 : i32 to vector<16xi32>
        %select_n3A_916 = arith.select %eq3A_913, %gather3A_910, %broadcast_in_dim3A_915 : vector<16xi1>, vector<16xi32>
        %add3A_917 = arith.addi %add3A_824, %select_n3A_916 : vector<16xi32>
        %eq3A_918 = arith.constant 6 : i32
        %eq3A_919 = vector.broadcast %eq3A_918 : i32 to vector<16xi32>
        %eq3A_920 = arith.cmpi eq, %get3A_351, %eq3A_919 : vector<16xi32>
        %jit3A_921 = arith.constant 1 : i32
        %jit3A_922 = arith.constant 0 : i32
        %broadcast_in_dim3A_923 = vector.broadcast %jit3A_921 : i32 to vector<16xi32>
        %broadcast_in_dim3A_924 = vector.broadcast %jit3A_922 : i32 to vector<16xi32>
        %select_n3A_925 = arith.select %eq3A_920, %broadcast_in_dim3A_923, %broadcast_in_dim3A_924 : vector<16xi1>, vector<16xi32>
        %eq3A_926 = arith.constant 6 : i32
        %eq3A_927 = vector.broadcast %eq3A_926 : i32 to vector<16xi32>
        %eq3A_928 = arith.cmpi eq, %get3A_356, %eq3A_927 : vector<16xi32>
        %jit3A_929 = arith.constant 1 : i32
        %jit3A_930 = arith.constant 0 : i32
        %broadcast_in_dim3A_931 = vector.broadcast %jit3A_929 : i32 to vector<16xi32>
        %broadcast_in_dim3A_932 = vector.broadcast %jit3A_930 : i32 to vector<16xi32>
        %select_n3A_933 = arith.select %eq3A_928, %broadcast_in_dim3A_931, %broadcast_in_dim3A_932 : vector<16xi1>, vector<16xi32>
        %add3A_934 = arith.addi %select_n3A_925, %select_n3A_933 : vector<16xi32>
        %sub3A_935 = arith.constant 1 : i32
        %sub3A_936 = vector.broadcast %sub3A_935 : i32 to vector<16xi32>
        %sub3A_937 = arith.subi %iota3A, %sub3A_936 : vector<16xi32>
        %max3A_938 = arith.constant 0 : i32
        %max3A_939 = vector.broadcast %max3A_938 : i32 to vector<16xi32>
        %max3A_940 = arith.maxsi %sub3A_937, %max3A_939 : vector<16xi32>
        %reshape3A_941 = vector.shape_cast %max3A_940 : vector<16xi32> to vector<16x1xi32>
        %gather3A_942 = vector.shape_cast %reshape3A_941 : vector<16x1xi32> to vector<16xi32>
        %gather3A_943 = tpu.dynamic_gather %add3A_934[%gather3A_942] in [0] : vector<16xi32>, vector<16xi32> -> vector<16xi32>
        %ge3A_944 = arith.constant 1 : i32
        %ge3A_945 = vector.broadcast %ge3A_944 : i32 to vector<16xi32>
        %ge3A_946 = arith.cmpi sge, %iota3A, %ge3A_945 : vector<16xi32>
        %jit3A_947 = arith.constant 0 : i32
        %broadcast_in_dim3A_948 = vector.broadcast %jit3A_947 : i32 to vector<16xi32>
        %select_n3A_949 = arith.select %ge3A_946, %gather3A_943, %broadcast_in_dim3A_948 : vector<16xi1>, vector<16xi32>
        %add3A_950 = arith.addi %add3A_934, %select_n3A_949 : vector<16xi32>
        %sub3A_951 = arith.constant 2 : i32
        %sub3A_952 = vector.broadcast %sub3A_951 : i32 to vector<16xi32>
        %sub3A_953 = arith.subi %iota3A, %sub3A_952 : vector<16xi32>
        %max3A_954 = arith.constant 0 : i32
        %max3A_955 = vector.broadcast %max3A_954 : i32 to vector<16xi32>
        %max3A_956 = arith.maxsi %sub3A_953, %max3A_955 : vector<16xi32>
        %reshape3A_957 = vector.shape_cast %max3A_956 : vector<16xi32> to vector<16x1xi32>
        %gather3A_958 = vector.shape_cast %reshape3A_957 : vector<16x1xi32> to vector<16xi32>
        %gather3A_959 = tpu.dynamic_gather %add3A_950[%gather3A_958] in [0] : vector<16xi32>, vector<16xi32> -> vector<16xi32>
        %ge3A_960 = arith.constant 2 : i32
        %ge3A_961 = vector.broadcast %ge3A_960 : i32 to vector<16xi32>
        %ge3A_962 = arith.cmpi sge, %iota3A, %ge3A_961 : vector<16xi32>
        %jit3A_963 = arith.constant 0 : i32
        %broadcast_in_dim3A_964 = vector.broadcast %jit3A_963 : i32 to vector<16xi32>
        %select_n3A_965 = arith.select %ge3A_962, %gather3A_959, %broadcast_in_dim3A_964 : vector<16xi1>, vector<16xi32>
        %add3A_966 = arith.addi %add3A_950, %select_n3A_965 : vector<16xi32>
        %sub3A_967 = arith.constant 4 : i32
        %sub3A_968 = vector.broadcast %sub3A_967 : i32 to vector<16xi32>
        %sub3A_969 = arith.subi %iota3A, %sub3A_968 : vector<16xi32>
        %max3A_970 = arith.constant 0 : i32
        %max3A_971 = vector.broadcast %max3A_970 : i32 to vector<16xi32>
        %max3A_972 = arith.maxsi %sub3A_969, %max3A_971 : vector<16xi32>
        %reshape3A_973 = vector.shape_cast %max3A_972 : vector<16xi32> to vector<16x1xi32>
        %gather3A_974 = vector.shape_cast %reshape3A_973 : vector<16x1xi32> to vector<16xi32>
        %gather3A_975 = tpu.dynamic_gather %add3A_966[%gather3A_974] in [0] : vector<16xi32>, vector<16xi32> -> vector<16xi32>
        %ge3A_976 = arith.constant 4 : i32
        %ge3A_977 = vector.broadcast %ge3A_976 : i32 to vector<16xi32>
        %ge3A_978 = arith.cmpi sge, %iota3A, %ge3A_977 : vector<16xi32>
        %jit3A_979 = arith.constant 0 : i32
        %broadcast_in_dim3A_980 = vector.broadcast %jit3A_979 : i32 to vector<16xi32>
        %select_n3A_981 = arith.select %ge3A_978, %gather3A_975, %broadcast_in_dim3A_980 : vector<16xi1>, vector<16xi32>
        %add3A_982 = arith.addi %add3A_966, %select_n3A_981 : vector<16xi32>
        %sub3A_983 = arith.constant 8 : i32
        %sub3A_984 = vector.broadcast %sub3A_983 : i32 to vector<16xi32>
        %sub3A_985 = arith.subi %iota3A, %sub3A_984 : vector<16xi32>
        %max3A_986 = arith.constant 0 : i32
        %max3A_987 = vector.broadcast %max3A_986 : i32 to vector<16xi32>
        %max3A_988 = arith.maxsi %sub3A_985, %max3A_987 : vector<16xi32>
        %reshape3A_989 = vector.shape_cast %max3A_988 : vector<16xi32> to vector<16x1xi32>
        %gather3A_990 = vector.shape_cast %reshape3A_989 : vector<16x1xi32> to vector<16xi32>
        %gather3A_991 = tpu.dynamic_gather %add3A_982[%gather3A_990] in [0] : vector<16xi32>, vector<16xi32> -> vector<16xi32>
        %ge3A_992 = arith.constant 8 : i32
        %ge3A_993 = vector.broadcast %ge3A_992 : i32 to vector<16xi32>
        %ge3A_994 = arith.cmpi sge, %iota3A, %ge3A_993 : vector<16xi32>
        %jit3A_995 = arith.constant 0 : i32
        %broadcast_in_dim3A_996 = vector.broadcast %jit3A_995 : i32 to vector<16xi32>
        %select_n3A_997 = arith.select %ge3A_994, %gather3A_991, %broadcast_in_dim3A_996 : vector<16xi1>, vector<16xi32>
        %add3A_998 = arith.addi %add3A_982, %select_n3A_997 : vector<16xi32>
        %broadcast_in_dim3A_999 = arith.constant 15 : i32
        %broadcast_in_dim3A_1000 = vector.broadcast %broadcast_in_dim3A_999 : i32 to vector<16xi32>
        %reshape3A_1001 = vector.shape_cast %broadcast_in_dim3A_1000 : vector<16xi32> to vector<16x1xi32>
        %gather3A_1002 = vector.shape_cast %reshape3A_1001 : vector<16x1xi32> to vector<16xi32>
        %gather3A_1003 = tpu.dynamic_gather %add3A_998[%gather3A_1002] in [0] : vector<16xi32>, vector<16xi32> -> vector<16xi32>
        %eq3A_1004 = arith.constant 6 : i32
        %eq3A_1005 = vector.broadcast %eq3A_1004 : i32 to vector<16xi32>
        %eq3A_1006 = arith.cmpi eq, %iota3A, %eq3A_1005 : vector<16xi32>
        %jit3A_1007 = arith.constant 0 : i32
        %broadcast_in_dim3A_1008 = vector.broadcast %jit3A_1007 : i32 to vector<16xi32>
        %select_n3A_1009 = arith.select %eq3A_1006, %gather3A_1003, %broadcast_in_dim3A_1008 : vector<16xi1>, vector<16xi32>
        %add3A_1010 = arith.addi %add3A_917, %select_n3A_1009 : vector<16xi32>
        %eq3A_1011 = arith.constant 7 : i32
        %eq3A_1012 = vector.broadcast %eq3A_1011 : i32 to vector<16xi32>
        %eq3A_1013 = arith.cmpi eq, %get3A_351, %eq3A_1012 : vector<16xi32>
        %jit3A_1014 = arith.constant 1 : i32
        %jit3A_1015 = arith.constant 0 : i32
        %broadcast_in_dim3A_1016 = vector.broadcast %jit3A_1014 : i32 to vector<16xi32>
        %broadcast_in_dim3A_1017 = vector.broadcast %jit3A_1015 : i32 to vector<16xi32>
        %select_n3A_1018 = arith.select %eq3A_1013, %broadcast_in_dim3A_1016, %broadcast_in_dim3A_1017 : vector<16xi1>, vector<16xi32>
        %eq3A_1019 = arith.constant 7 : i32
        %eq3A_1020 = vector.broadcast %eq3A_1019 : i32 to vector<16xi32>
        %eq3A_1021 = arith.cmpi eq, %get3A_356, %eq3A_1020 : vector<16xi32>
        %jit3A_1022 = arith.constant 1 : i32
        %jit3A_1023 = arith.constant 0 : i32
        %broadcast_in_dim3A_1024 = vector.broadcast %jit3A_1022 : i32 to vector<16xi32>
        %broadcast_in_dim3A_1025 = vector.broadcast %jit3A_1023 : i32 to vector<16xi32>
        %select_n3A_1026 = arith.select %eq3A_1021, %broadcast_in_dim3A_1024, %broadcast_in_dim3A_1025 : vector<16xi1>, vector<16xi32>
        %add3A_1027 = arith.addi %select_n3A_1018, %select_n3A_1026 : vector<16xi32>
        %sub3A_1028 = arith.constant 1 : i32
        %sub3A_1029 = vector.broadcast %sub3A_1028 : i32 to vector<16xi32>
        %sub3A_1030 = arith.subi %iota3A, %sub3A_1029 : vector<16xi32>
        %max3A_1031 = arith.constant 0 : i32
        %max3A_1032 = vector.broadcast %max3A_1031 : i32 to vector<16xi32>
        %max3A_1033 = arith.maxsi %sub3A_1030, %max3A_1032 : vector<16xi32>
        %reshape3A_1034 = vector.shape_cast %max3A_1033 : vector<16xi32> to vector<16x1xi32>
        %gather3A_1035 = vector.shape_cast %reshape3A_1034 : vector<16x1xi32> to vector<16xi32>
        %gather3A_1036 = tpu.dynamic_gather %add3A_1027[%gather3A_1035] in [0] : vector<16xi32>, vector<16xi32> -> vector<16xi32>
        %ge3A_1037 = arith.constant 1 : i32
        %ge3A_1038 = vector.broadcast %ge3A_1037 : i32 to vector<16xi32>
        %ge3A_1039 = arith.cmpi sge, %iota3A, %ge3A_1038 : vector<16xi32>
        %jit3A_1040 = arith.constant 0 : i32
        %broadcast_in_dim3A_1041 = vector.broadcast %jit3A_1040 : i32 to vector<16xi32>
        %select_n3A_1042 = arith.select %ge3A_1039, %gather3A_1036, %broadcast_in_dim3A_1041 : vector<16xi1>, vector<16xi32>
        %add3A_1043 = arith.addi %add3A_1027, %select_n3A_1042 : vector<16xi32>
        %sub3A_1044 = arith.constant 2 : i32
        %sub3A_1045 = vector.broadcast %sub3A_1044 : i32 to vector<16xi32>
        %sub3A_1046 = arith.subi %iota3A, %sub3A_1045 : vector<16xi32>
        %max3A_1047 = arith.constant 0 : i32
        %max3A_1048 = vector.broadcast %max3A_1047 : i32 to vector<16xi32>
        %max3A_1049 = arith.maxsi %sub3A_1046, %max3A_1048 : vector<16xi32>
        %reshape3A_1050 = vector.shape_cast %max3A_1049 : vector<16xi32> to vector<16x1xi32>
        %gather3A_1051 = vector.shape_cast %reshape3A_1050 : vector<16x1xi32> to vector<16xi32>
        %gather3A_1052 = tpu.dynamic_gather %add3A_1043[%gather3A_1051] in [0] : vector<16xi32>, vector<16xi32> -> vector<16xi32>
        %ge3A_1053 = arith.constant 2 : i32
        %ge3A_1054 = vector.broadcast %ge3A_1053 : i32 to vector<16xi32>
        %ge3A_1055 = arith.cmpi sge, %iota3A, %ge3A_1054 : vector<16xi32>
        %jit3A_1056 = arith.constant 0 : i32
        %broadcast_in_dim3A_1057 = vector.broadcast %jit3A_1056 : i32 to vector<16xi32>
        %select_n3A_1058 = arith.select %ge3A_1055, %gather3A_1052, %broadcast_in_dim3A_1057 : vector<16xi1>, vector<16xi32>
        %add3A_1059 = arith.addi %add3A_1043, %select_n3A_1058 : vector<16xi32>
        %sub3A_1060 = arith.constant 4 : i32
        %sub3A_1061 = vector.broadcast %sub3A_1060 : i32 to vector<16xi32>
        %sub3A_1062 = arith.subi %iota3A, %sub3A_1061 : vector<16xi32>
        %max3A_1063 = arith.constant 0 : i32
        %max3A_1064 = vector.broadcast %max3A_1063 : i32 to vector<16xi32>
        %max3A_1065 = arith.maxsi %sub3A_1062, %max3A_1064 : vector<16xi32>
        %reshape3A_1066 = vector.shape_cast %max3A_1065 : vector<16xi32> to vector<16x1xi32>
        %gather3A_1067 = vector.shape_cast %reshape3A_1066 : vector<16x1xi32> to vector<16xi32>
        %gather3A_1068 = tpu.dynamic_gather %add3A_1059[%gather3A_1067] in [0] : vector<16xi32>, vector<16xi32> -> vector<16xi32>
        %ge3A_1069 = arith.constant 4 : i32
        %ge3A_1070 = vector.broadcast %ge3A_1069 : i32 to vector<16xi32>
        %ge3A_1071 = arith.cmpi sge, %iota3A, %ge3A_1070 : vector<16xi32>
        %jit3A_1072 = arith.constant 0 : i32
        %broadcast_in_dim3A_1073 = vector.broadcast %jit3A_1072 : i32 to vector<16xi32>
        %select_n3A_1074 = arith.select %ge3A_1071, %gather3A_1068, %broadcast_in_dim3A_1073 : vector<16xi1>, vector<16xi32>
        %add3A_1075 = arith.addi %add3A_1059, %select_n3A_1074 : vector<16xi32>
        %sub3A_1076 = arith.constant 8 : i32
        %sub3A_1077 = vector.broadcast %sub3A_1076 : i32 to vector<16xi32>
        %sub3A_1078 = arith.subi %iota3A, %sub3A_1077 : vector<16xi32>
        %max3A_1079 = arith.constant 0 : i32
        %max3A_1080 = vector.broadcast %max3A_1079 : i32 to vector<16xi32>
        %max3A_1081 = arith.maxsi %sub3A_1078, %max3A_1080 : vector<16xi32>
        %reshape3A_1082 = vector.shape_cast %max3A_1081 : vector<16xi32> to vector<16x1xi32>
        %gather3A_1083 = vector.shape_cast %reshape3A_1082 : vector<16x1xi32> to vector<16xi32>
        %gather3A_1084 = tpu.dynamic_gather %add3A_1075[%gather3A_1083] in [0] : vector<16xi32>, vector<16xi32> -> vector<16xi32>
        %ge3A_1085 = arith.constant 8 : i32
        %ge3A_1086 = vector.broadcast %ge3A_1085 : i32 to vector<16xi32>
        %ge3A_1087 = arith.cmpi sge, %iota3A, %ge3A_1086 : vector<16xi32>
        %jit3A_1088 = arith.constant 0 : i32
        %broadcast_in_dim3A_1089 = vector.broadcast %jit3A_1088 : i32 to vector<16xi32>
        %select_n3A_1090 = arith.select %ge3A_1087, %gather3A_1084, %broadcast_in_dim3A_1089 : vector<16xi1>, vector<16xi32>
        %add3A_1091 = arith.addi %add3A_1075, %select_n3A_1090 : vector<16xi32>
        %broadcast_in_dim3A_1092 = arith.constant 15 : i32
        %broadcast_in_dim3A_1093 = vector.broadcast %broadcast_in_dim3A_1092 : i32 to vector<16xi32>
        %reshape3A_1094 = vector.shape_cast %broadcast_in_dim3A_1093 : vector<16xi32> to vector<16x1xi32>
        %gather3A_1095 = vector.shape_cast %reshape3A_1094 : vector<16x1xi32> to vector<16xi32>
        %gather3A_1096 = tpu.dynamic_gather %add3A_1091[%gather3A_1095] in [0] : vector<16xi32>, vector<16xi32> -> vector<16xi32>
        %eq3A_1097 = arith.constant 7 : i32
        %eq3A_1098 = vector.broadcast %eq3A_1097 : i32 to vector<16xi32>
        %eq3A_1099 = arith.cmpi eq, %iota3A, %eq3A_1098 : vector<16xi32>
        %jit3A_1100 = arith.constant 0 : i32
        %broadcast_in_dim3A_1101 = vector.broadcast %jit3A_1100 : i32 to vector<16xi32>
        %select_n3A_1102 = arith.select %eq3A_1099, %gather3A_1096, %broadcast_in_dim3A_1101 : vector<16xi1>, vector<16xi32>
        %add3A_1103 = arith.addi %add3A_1010, %select_n3A_1102 : vector<16xi32>
        %swap3A_1104 = arith.constant 0 : index
        %swap3A_1105 = tpu.vector_load %arg13[%swap3A_1104] {strides = array<i32>} : memref<16xi32, #tpu.memory_space<vmem>>, vector<16xi32>,
        %swap3A_1106 = vector.shape_cast %swap3A_1105 : vector<16xi32> to vector<16xi32>
        %swap3A_1107 = vector.shape_cast %add3A_1103 : vector<16xi32> to vector<16xi32>
        tpu.vector_store %arg13[%swap3A_1104], %swap3A_1107 {strides = array<i32>} : memref<16xi32, #tpu.memory_space<vmem>>, vector<16xi32>,
      }
      %scan3A_42 = arith.constant 128 : i32
      %get3A = arith.constant 0 : index
      %get3A_43 = tpu.vector_load %arg13[%get3A] {strides = array<i32>} : memref<16xi32, #tpu.memory_space<vmem>>, vector<16xi32>,
      %get3A_44 = vector.shape_cast %get3A_43 : vector<16xi32> to vector<16xi32>
      %add3A_45 = arith.constant 255 : i32
      %add3A_46 = vector.broadcast %add3A_45 : i32 to vector<16xi32>
      %add3A_47 = arith.addi %get3A_44, %add3A_46 : vector<16xi32>
      %shift_right_arithmetic3A = arith.constant 8 : i32
      %shift_right_arithmetic3A_48 = vector.broadcast %shift_right_arithmetic3A : i32 to vector<16xi32>
      %shift_right_arithmetic3A_49 = arith.shrsi %add3A_47, %shift_right_arithmetic3A_48 : vector<16xi32>
      %sub3A = arith.constant 1 : i32
      %sub3A_50 = vector.broadcast %sub3A : i32 to vector<16xi32>
      %sub3A_51 = arith.subi %iota3A, %sub3A_50 : vector<16xi32>
      %max3A = arith.constant 0 : i32
      %max3A_52 = vector.broadcast %max3A : i32 to vector<16xi32>
      %max3A_53 = arith.maxsi %sub3A_51, %max3A_52 : vector<16xi32>
      %reshape3A = vector.shape_cast %max3A_53 : vector<16xi32> to vector<16x1xi32>
      %gather3A = vector.shape_cast %reshape3A : vector<16x1xi32> to vector<16xi32>
      %gather3A_54 = tpu.dynamic_gather %shift_right_arithmetic3A_49[%gather3A] in [0] : vector<16xi32>, vector<16xi32> -> vector<16xi32>
      %ge3A = arith.constant 1 : i32
      %ge3A_55 = vector.broadcast %ge3A : i32 to vector<16xi32>
      %ge3A_56 = arith.cmpi sge, %iota3A, %ge3A_55 : vector<16xi32>
      %jit3A = arith.constant 0 : i32
      %broadcast_in_dim3A_57 = vector.broadcast %jit3A : i32 to vector<16xi32>
      %select_n3A = arith.select %ge3A_56, %gather3A_54, %broadcast_in_dim3A_57 : vector<16xi1>, vector<16xi32>
      %add3A_58 = arith.addi %shift_right_arithmetic3A_49, %select_n3A : vector<16xi32>
      %sub3A_59 = arith.constant 2 : i32
      %sub3A_60 = vector.broadcast %sub3A_59 : i32 to vector<16xi32>
      %sub3A_61 = arith.subi %iota3A, %sub3A_60 : vector<16xi32>
      %max3A_62 = arith.constant 0 : i32
      %max3A_63 = vector.broadcast %max3A_62 : i32 to vector<16xi32>
      %max3A_64 = arith.maxsi %sub3A_61, %max3A_63 : vector<16xi32>
      %reshape3A_65 = vector.shape_cast %max3A_64 : vector<16xi32> to vector<16x1xi32>
      %gather3A_66 = vector.shape_cast %reshape3A_65 : vector<16x1xi32> to vector<16xi32>
      %gather3A_67 = tpu.dynamic_gather %add3A_58[%gather3A_66] in [0] : vector<16xi32>, vector<16xi32> -> vector<16xi32>
      %ge3A_68 = arith.constant 2 : i32
      %ge3A_69 = vector.broadcast %ge3A_68 : i32 to vector<16xi32>
      %ge3A_70 = arith.cmpi sge, %iota3A, %ge3A_69 : vector<16xi32>
      %jit3A_71 = arith.constant 0 : i32
      %broadcast_in_dim3A_72 = vector.broadcast %jit3A_71 : i32 to vector<16xi32>
      %select_n3A_73 = arith.select %ge3A_70, %gather3A_67, %broadcast_in_dim3A_72 : vector<16xi1>, vector<16xi32>
      %add3A_74 = arith.addi %add3A_58, %select_n3A_73 : vector<16xi32>
      %sub3A_75 = arith.constant 4 : i32
      %sub3A_76 = vector.broadcast %sub3A_75 : i32 to vector<16xi32>
      %sub3A_77 = arith.subi %iota3A, %sub3A_76 : vector<16xi32>
      %max3A_78 = arith.constant 0 : i32
      %max3A_79 = vector.broadcast %max3A_78 : i32 to vector<16xi32>
      %max3A_80 = arith.maxsi %sub3A_77, %max3A_79 : vector<16xi32>
      %reshape3A_81 = vector.shape_cast %max3A_80 : vector<16xi32> to vector<16x1xi32>
      %gather3A_82 = vector.shape_cast %reshape3A_81 : vector<16x1xi32> to vector<16xi32>
      %gather3A_83 = tpu.dynamic_gather %add3A_74[%gather3A_82] in [0] : vector<16xi32>, vector<16xi32> -> vector<16xi32>
      %ge3A_84 = arith.constant 4 : i32
      %ge3A_85 = vector.broadcast %ge3A_84 : i32 to vector<16xi32>
      %ge3A_86 = arith.cmpi sge, %iota3A, %ge3A_85 : vector<16xi32>
      %jit3A_87 = arith.constant 0 : i32
      %broadcast_in_dim3A_88 = vector.broadcast %jit3A_87 : i32 to vector<16xi32>
      %select_n3A_89 = arith.select %ge3A_86, %gather3A_83, %broadcast_in_dim3A_88 : vector<16xi1>, vector<16xi32>
      %add3A_90 = arith.addi %add3A_74, %select_n3A_89 : vector<16xi32>
      %sub3A_91 = arith.constant 8 : i32
      %sub3A_92 = vector.broadcast %sub3A_91 : i32 to vector<16xi32>
      %sub3A_93 = arith.subi %iota3A, %sub3A_92 : vector<16xi32>
      %max3A_94 = arith.constant 0 : i32
      %max3A_95 = vector.broadcast %max3A_94 : i32 to vector<16xi32>
      %max3A_96 = arith.maxsi %sub3A_93, %max3A_95 : vector<16xi32>
      %reshape3A_97 = vector.shape_cast %max3A_96 : vector<16xi32> to vector<16x1xi32>
      %gather3A_98 = vector.shape_cast %reshape3A_97 : vector<16x1xi32> to vector<16xi32>
      %gather3A_99 = tpu.dynamic_gather %add3A_90[%gather3A_98] in [0] : vector<16xi32>, vector<16xi32> -> vector<16xi32>
      %ge3A_100 = arith.constant 8 : i32
      %ge3A_101 = vector.broadcast %ge3A_100 : i32 to vector<16xi32>
      %ge3A_102 = arith.cmpi sge, %iota3A, %ge3A_101 : vector<16xi32>
      %jit3A_103 = arith.constant 0 : i32
      %broadcast_in_dim3A_104 = vector.broadcast %jit3A_103 : i32 to vector<16xi32>
      %select_n3A_105 = arith.select %ge3A_102, %gather3A_99, %broadcast_in_dim3A_104 : vector<16xi1>, vector<16xi32>
      %add3A_106 = arith.addi %add3A_90, %select_n3A_105 : vector<16xi32>
      %sub3A_107 = arith.subi %add3A_106, %shift_right_arithmetic3A_49 : vector<16xi32>
      %mul3A_108 = arith.constant 256 : i32
      %mul3A_109 = vector.broadcast %mul3A_108 : i32 to vector<16xi32>
      %mul3A_110 = arith.muli %sub3A_107, %mul3A_109 : vector<16xi32>
      %broadcast_in_dim3A_111 = arith.constant 15 : i32
      %broadcast_in_dim3A_112 = vector.broadcast %broadcast_in_dim3A_111 : i32 to vector<16xi32>
      %reshape3A_113 = vector.shape_cast %broadcast_in_dim3A_112 : vector<16xi32> to vector<16x1xi32>
      %gather3A_114 = vector.shape_cast %reshape3A_113 : vector<16x1xi32> to vector<16xi32>
      %gather3A_115 = tpu.dynamic_gather %add3A_106[%gather3A_114] in [0] : vector<16xi32>, vector<16xi32> -> vector<16xi32>
      %swap3A_116 = arith.constant 0 : index
      %swap3A_117 = tpu.vector_load %arg15[%swap3A_116] {strides = array<i32>} : memref<16xi32, #tpu.memory_space<vmem>>, vector<16xi32>,
      %swap3A_118 = vector.shape_cast %swap3A_117 : vector<16xi32> to vector<16xi32>
      %swap3A_119 = vector.shape_cast %gather3A_115 : vector<16xi32> to vector<16xi32>
      tpu.vector_store %arg15[%swap3A_116], %swap3A_119 {strides = array<i32>} : memref<16xi32, #tpu.memory_space<vmem>>, vector<16xi32>,
      %add3A_120 = arith.constant 0 : i32
      %add3A_121 = vector.broadcast %add3A_120 : i32 to vector<16xi32>
      %add3A_122 = arith.addi %iota3A, %add3A_121 : vector<16xi32>
      %broadcast_in_dim3A_123 = arith.constant 0 : i32
      %broadcast_in_dim3A_124 = vector.broadcast %broadcast_in_dim3A_123 : i32 to vector<16xi32>
      %reshape3A_125 = vector.shape_cast %broadcast_in_dim3A_124 : vector<16xi32> to vector<16x1xi32>
      %gather3A_126 = vector.shape_cast %reshape3A_125 : vector<16x1xi32> to vector<16xi32>
      %gather3A_127 = tpu.dynamic_gather %add3A_106[%gather3A_126] in [0] : vector<16xi32>, vector<16xi32> -> vector<16xi32>
      %ge3A_128 = arith.cmpi sge, %add3A_122, %gather3A_127 : vector<16xi32>
      %jit3A_129 = arith.constant 1 : i32
      %jit3A_130 = arith.constant 0 : i32
      %broadcast_in_dim3A_131 = vector.broadcast %jit3A_129 : i32 to vector<16xi32>
      %broadcast_in_dim3A_132 = vector.broadcast %jit3A_130 : i32 to vector<16xi32>
      %select_n3A_133 = arith.select %ge3A_128, %broadcast_in_dim3A_131, %broadcast_in_dim3A_132 : vector<16xi1>, vector<16xi32>
      %add3A_134 = arith.addi %broadcast_in_dim3A_34, %select_n3A_133 : vector<16xi32>
      %broadcast_in_dim3A_135 = arith.constant 1 : i32
      %broadcast_in_dim3A_136 = vector.broadcast %broadcast_in_dim3A_135 : i32 to vector<16xi32>
      %reshape3A_137 = vector.shape_cast %broadcast_in_dim3A_136 : vector<16xi32> to vector<16x1xi32>
      %gather3A_138 = vector.shape_cast %reshape3A_137 : vector<16x1xi32> to vector<16xi32>
      %gather3A_139 = tpu.dynamic_gather %add3A_106[%gather3A_138] in [0] : vector<16xi32>, vector<16xi32> -> vector<16xi32>
      %ge3A_140 = arith.cmpi sge, %add3A_122, %gather3A_139 : vector<16xi32>
      %jit3A_141 = arith.constant 1 : i32
      %jit3A_142 = arith.constant 0 : i32
      %broadcast_in_dim3A_143 = vector.broadcast %jit3A_141 : i32 to vector<16xi32>
      %broadcast_in_dim3A_144 = vector.broadcast %jit3A_142 : i32 to vector<16xi32>
      %select_n3A_145 = arith.select %ge3A_140, %broadcast_in_dim3A_143, %broadcast_in_dim3A_144 : vector<16xi1>, vector<16xi32>
      %add3A_146 = arith.addi %add3A_134, %select_n3A_145 : vector<16xi32>
      %broadcast_in_dim3A_147 = arith.constant 2 : i32
      %broadcast_in_dim3A_148 = vector.broadcast %broadcast_in_dim3A_147 : i32 to vector<16xi32>
      %reshape3A_149 = vector.shape_cast %broadcast_in_dim3A_148 : vector<16xi32> to vector<16x1xi32>
      %gather3A_150 = vector.shape_cast %reshape3A_149 : vector<16x1xi32> to vector<16xi32>
      %gather3A_151 = tpu.dynamic_gather %add3A_106[%gather3A_150] in [0] : vector<16xi32>, vector<16xi32> -> vector<16xi32>
      %ge3A_152 = arith.cmpi sge, %add3A_122, %gather3A_151 : vector<16xi32>
      %jit3A_153 = arith.constant 1 : i32
      %jit3A_154 = arith.constant 0 : i32
      %broadcast_in_dim3A_155 = vector.broadcast %jit3A_153 : i32 to vector<16xi32>
      %broadcast_in_dim3A_156 = vector.broadcast %jit3A_154 : i32 to vector<16xi32>
      %select_n3A_157 = arith.select %ge3A_152, %broadcast_in_dim3A_155, %broadcast_in_dim3A_156 : vector<16xi1>, vector<16xi32>
      %add3A_158 = arith.addi %add3A_146, %select_n3A_157 : vector<16xi32>
      %broadcast_in_dim3A_159 = arith.constant 3 : i32
      %broadcast_in_dim3A_160 = vector.broadcast %broadcast_in_dim3A_159 : i32 to vector<16xi32>
      %reshape3A_161 = vector.shape_cast %broadcast_in_dim3A_160 : vector<16xi32> to vector<16x1xi32>
      %gather3A_162 = vector.shape_cast %reshape3A_161 : vector<16x1xi32> to vector<16xi32>
      %gather3A_163 = tpu.dynamic_gather %add3A_106[%gather3A_162] in [0] : vector<16xi32>, vector<16xi32> -> vector<16xi32>
      %ge3A_164 = arith.cmpi sge, %add3A_122, %gather3A_163 : vector<16xi32>
      %jit3A_165 = arith.constant 1 : i32
      %jit3A_166 = arith.constant 0 : i32
      %broadcast_in_dim3A_167 = vector.broadcast %jit3A_165 : i32 to vector<16xi32>
      %broadcast_in_dim3A_168 = vector.broadcast %jit3A_166 : i32 to vector<16xi32>
      %select_n3A_169 = arith.select %ge3A_164, %broadcast_in_dim3A_167, %broadcast_in_dim3A_168 : vector<16xi1>, vector<16xi32>
      %add3A_170 = arith.addi %add3A_158, %select_n3A_169 : vector<16xi32>
      %broadcast_in_dim3A_171 = arith.constant 4 : i32
      %broadcast_in_dim3A_172 = vector.broadcast %broadcast_in_dim3A_171 : i32 to vector<16xi32>
      %reshape3A_173 = vector.shape_cast %broadcast_in_dim3A_172 : vector<16xi32> to vector<16x1xi32>
      %gather3A_174 = vector.shape_cast %reshape3A_173 : vector<16x1xi32> to vector<16xi32>
      %gather3A_175 = tpu.dynamic_gather %add3A_106[%gather3A_174] in [0] : vector<16xi32>, vector<16xi32> -> vector<16xi32>
      %ge3A_176 = arith.cmpi sge, %add3A_122, %gather3A_175 : vector<16xi32>
      %jit3A_177 = arith.constant 1 : i32
      %jit3A_178 = arith.constant 0 : i32
      %broadcast_in_dim3A_179 = vector.broadcast %jit3A_177 : i32 to vector<16xi32>
      %broadcast_in_dim3A_180 = vector.broadcast %jit3A_178 : i32 to vector<16xi32>
      %select_n3A_181 = arith.select %ge3A_176, %broadcast_in_dim3A_179, %broadcast_in_dim3A_180 : vector<16xi1>, vector<16xi32>
      %add3A_182 = arith.addi %add3A_170, %select_n3A_181 : vector<16xi32>
      %broadcast_in_dim3A_183 = arith.constant 5 : i32
      %broadcast_in_dim3A_184 = vector.broadcast %broadcast_in_dim3A_183 : i32 to vector<16xi32>
      %reshape3A_185 = vector.shape_cast %broadcast_in_dim3A_184 : vector<16xi32> to vector<16x1xi32>
      %gather3A_186 = vector.shape_cast %reshape3A_185 : vector<16x1xi32> to vector<16xi32>
      %gather3A_187 = tpu.dynamic_gather %add3A_106[%gather3A_186] in [0] : vector<16xi32>, vector<16xi32> -> vector<16xi32>
      %ge3A_188 = arith.cmpi sge, %add3A_122, %gather3A_187 : vector<16xi32>
      %jit3A_189 = arith.constant 1 : i32
      %jit3A_190 = arith.constant 0 : i32
      %broadcast_in_dim3A_191 = vector.broadcast %jit3A_189 : i32 to vector<16xi32>
      %broadcast_in_dim3A_192 = vector.broadcast %jit3A_190 : i32 to vector<16xi32>
      %select_n3A_193 = arith.select %ge3A_188, %broadcast_in_dim3A_191, %broadcast_in_dim3A_192 : vector<16xi1>, vector<16xi32>
      %add3A_194 = arith.addi %add3A_182, %select_n3A_193 : vector<16xi32>
      %broadcast_in_dim3A_195 = arith.constant 6 : i32
      %broadcast_in_dim3A_196 = vector.broadcast %broadcast_in_dim3A_195 : i32 to vector<16xi32>
      %reshape3A_197 = vector.shape_cast %broadcast_in_dim3A_196 : vector<16xi32> to vector<16x1xi32>
      %gather3A_198 = vector.shape_cast %reshape3A_197 : vector<16x1xi32> to vector<16xi32>
      %gather3A_199 = tpu.dynamic_gather %add3A_106[%gather3A_198] in [0] : vector<16xi32>, vector<16xi32> -> vector<16xi32>
      %ge3A_200 = arith.cmpi sge, %add3A_122, %gather3A_199 : vector<16xi32>
      %jit3A_201 = arith.constant 1 : i32
      %jit3A_202 = arith.constant 0 : i32
      %broadcast_in_dim3A_203 = vector.broadcast %jit3A_201 : i32 to vector<16xi32>
      %broadcast_in_dim3A_204 = vector.broadcast %jit3A_202 : i32 to vector<16xi32>
      %select_n3A_205 = arith.select %ge3A_200, %broadcast_in_dim3A_203, %broadcast_in_dim3A_204 : vector<16xi1>, vector<16xi32>
      %add3A_206 = arith.addi %add3A_194, %select_n3A_205 : vector<16xi32>
      %broadcast_in_dim3A_207 = arith.constant 7 : i32
      %broadcast_in_dim3A_208 = vector.broadcast %broadcast_in_dim3A_207 : i32 to vector<16xi32>
      %reshape3A_209 = vector.shape_cast %broadcast_in_dim3A_208 : vector<16xi32> to vector<16x1xi32>
      %gather3A_210 = vector.shape_cast %reshape3A_209 : vector<16x1xi32> to vector<16xi32>
      %gather3A_211 = tpu.dynamic_gather %add3A_106[%gather3A_210] in [0] : vector<16xi32>, vector<16xi32> -> vector<16xi32>
      %ge3A_212 = arith.cmpi sge, %add3A_122, %gather3A_211 : vector<16xi32>
      %jit3A_213 = arith.constant 1 : i32
      %jit3A_214 = arith.constant 0 : i32
      %broadcast_in_dim3A_215 = vector.broadcast %jit3A_213 : i32 to vector<16xi32>
      %broadcast_in_dim3A_216 = vector.broadcast %jit3A_214 : i32 to vector<16xi32>
      %select_n3A_217 = arith.select %ge3A_212, %broadcast_in_dim3A_215, %broadcast_in_dim3A_216 : vector<16xi1>, vector<16xi32>
      %add3A_218 = arith.addi %add3A_206, %select_n3A_217 : vector<16xi32>
      %min3A = arith.constant 7 : i32
      %min3A_219 = vector.broadcast %min3A : i32 to vector<16xi32>
      %min3A_220 = arith.minsi %add3A_218, %min3A_219 : vector<16xi32>
      %swap3A_221 = arith.constant 0 : index
      %swap3A_222 = tpu.vector_load %arg12[%swap3A_221] {strides = array<i32>} : memref<32xi32, #tpu.memory_space<vmem>>, vector<16xi32>,
      %swap3A_223 = vector.shape_cast %swap3A_222 : vector<16xi32> to vector<16xi32>
      %swap3A_224 = vector.shape_cast %min3A_220 : vector<16xi32> to vector<16xi32>
      tpu.vector_store %arg12[%swap3A_221], %swap3A_224 {strides = array<i32>} : memref<32xi32, #tpu.memory_space<vmem>>, vector<16xi32>,
      %add3A_225 = arith.constant 16 : i32
      %add3A_226 = vector.broadcast %add3A_225 : i32 to vector<16xi32>
      %add3A_227 = arith.addi %iota3A, %add3A_226 : vector<16xi32>
      %broadcast_in_dim3A_228 = arith.constant 0 : i32
      %broadcast_in_dim3A_229 = vector.broadcast %broadcast_in_dim3A_228 : i32 to vector<16xi32>
      %reshape3A_230 = vector.shape_cast %broadcast_in_dim3A_229 : vector<16xi32> to vector<16x1xi32>
      %gather3A_231 = vector.shape_cast %reshape3A_230 : vector<16x1xi32> to vector<16xi32>
      %gather3A_232 = tpu.dynamic_gather %add3A_106[%gather3A_231] in [0] : vector<16xi32>, vector<16xi32> -> vector<16xi32>
      %ge3A_233 = arith.cmpi sge, %add3A_227, %gather3A_232 : vector<16xi32>
      %jit3A_234 = arith.constant 1 : i32
      %jit3A_235 = arith.constant 0 : i32
      %broadcast_in_dim3A_236 = vector.broadcast %jit3A_234 : i32 to vector<16xi32>
      %broadcast_in_dim3A_237 = vector.broadcast %jit3A_235 : i32 to vector<16xi32>
      %select_n3A_238 = arith.select %ge3A_233, %broadcast_in_dim3A_236, %broadcast_in_dim3A_237 : vector<16xi1>, vector<16xi32>
      %add3A_239 = arith.addi %broadcast_in_dim3A_34, %select_n3A_238 : vector<16xi32>
      %broadcast_in_dim3A_240 = arith.constant 1 : i32
      %broadcast_in_dim3A_241 = vector.broadcast %broadcast_in_dim3A_240 : i32 to vector<16xi32>
      %reshape3A_242 = vector.shape_cast %broadcast_in_dim3A_241 : vector<16xi32> to vector<16x1xi32>
      %gather3A_243 = vector.shape_cast %reshape3A_242 : vector<16x1xi32> to vector<16xi32>
      %gather3A_244 = tpu.dynamic_gather %add3A_106[%gather3A_243] in [0] : vector<16xi32>, vector<16xi32> -> vector<16xi32>
      %ge3A_245 = arith.cmpi sge, %add3A_227, %gather3A_244 : vector<16xi32>
      %jit3A_246 = arith.constant 1 : i32
      %jit3A_247 = arith.constant 0 : i32
      %broadcast_in_dim3A_248 = vector.broadcast %jit3A_246 : i32 to vector<16xi32>
      %broadcast_in_dim3A_249 = vector.broadcast %jit3A_247 : i32 to vector<16xi32>
      %select_n3A_250 = arith.select %ge3A_245, %broadcast_in_dim3A_248, %broadcast_in_dim3A_249 : vector<16xi1>, vector<16xi32>
      %add3A_251 = arith.addi %add3A_239, %select_n3A_250 : vector<16xi32>
      %broadcast_in_dim3A_252 = arith.constant 2 : i32
      %broadcast_in_dim3A_253 = vector.broadcast %broadcast_in_dim3A_252 : i32 to vector<16xi32>
      %reshape3A_254 = vector.shape_cast %broadcast_in_dim3A_253 : vector<16xi32> to vector<16x1xi32>
      %gather3A_255 = vector.shape_cast %reshape3A_254 : vector<16x1xi32> to vector<16xi32>
      %gather3A_256 = tpu.dynamic_gather %add3A_106[%gather3A_255] in [0] : vector<16xi32>, vector<16xi32> -> vector<16xi32>
      %ge3A_257 = arith.cmpi sge, %add3A_227, %gather3A_256 : vector<16xi32>
      %jit3A_258 = arith.constant 1 : i32
      %jit3A_259 = arith.constant 0 : i32
      %broadcast_in_dim3A_260 = vector.broadcast %jit3A_258 : i32 to vector<16xi32>
      %broadcast_in_dim3A_261 = vector.broadcast %jit3A_259 : i32 to vector<16xi32>
      %select_n3A_262 = arith.select %ge3A_257, %broadcast_in_dim3A_260, %broadcast_in_dim3A_261 : vector<16xi1>, vector<16xi32>
      %add3A_263 = arith.addi %add3A_251, %select_n3A_262 : vector<16xi32>
      %broadcast_in_dim3A_264 = arith.constant 3 : i32
      %broadcast_in_dim3A_265 = vector.broadcast %broadcast_in_dim3A_264 : i32 to vector<16xi32>
      %reshape3A_266 = vector.shape_cast %broadcast_in_dim3A_265 : vector<16xi32> to vector<16x1xi32>
      %gather3A_267 = vector.shape_cast %reshape3A_266 : vector<16x1xi32> to vector<16xi32>
      %gather3A_268 = tpu.dynamic_gather %add3A_106[%gather3A_267] in [0] : vector<16xi32>, vector<16xi32> -> vector<16xi32>
      %ge3A_269 = arith.cmpi sge, %add3A_227, %gather3A_268 : vector<16xi32>
      %jit3A_270 = arith.constant 1 : i32
      %jit3A_271 = arith.constant 0 : i32
      %broadcast_in_dim3A_272 = vector.broadcast %jit3A_270 : i32 to vector<16xi32>
      %broadcast_in_dim3A_273 = vector.broadcast %jit3A_271 : i32 to vector<16xi32>
      %select_n3A_274 = arith.select %ge3A_269, %broadcast_in_dim3A_272, %broadcast_in_dim3A_273 : vector<16xi1>, vector<16xi32>
      %add3A_275 = arith.addi %add3A_263, %select_n3A_274 : vector<16xi32>
      %broadcast_in_dim3A_276 = arith.constant 4 : i32
      %broadcast_in_dim3A_277 = vector.broadcast %broadcast_in_dim3A_276 : i32 to vector<16xi32>
      %reshape3A_278 = vector.shape_cast %broadcast_in_dim3A_277 : vector<16xi32> to vector<16x1xi32>
      %gather3A_279 = vector.shape_cast %reshape3A_278 : vector<16x1xi32> to vector<16xi32>
      %gather3A_280 = tpu.dynamic_gather %add3A_106[%gather3A_279] in [0] : vector<16xi32>, vector<16xi32> -> vector<16xi32>
      %ge3A_281 = arith.cmpi sge, %add3A_227, %gather3A_280 : vector<16xi32>
      %jit3A_282 = arith.constant 1 : i32
      %jit3A_283 = arith.constant 0 : i32
      %broadcast_in_dim3A_284 = vector.broadcast %jit3A_282 : i32 to vector<16xi32>
      %broadcast_in_dim3A_285 = vector.broadcast %jit3A_283 : i32 to vector<16xi32>
      %select_n3A_286 = arith.select %ge3A_281, %broadcast_in_dim3A_284, %broadcast_in_dim3A_285 : vector<16xi1>, vector<16xi32>
      %add3A_287 = arith.addi %add3A_275, %select_n3A_286 : vector<16xi32>
      %broadcast_in_dim3A_288 = arith.constant 5 : i32
      %broadcast_in_dim3A_289 = vector.broadcast %broadcast_in_dim3A_288 : i32 to vector<16xi32>
      %reshape3A_290 = vector.shape_cast %broadcast_in_dim3A_289 : vector<16xi32> to vector<16x1xi32>
      %gather3A_291 = vector.shape_cast %reshape3A_290 : vector<16x1xi32> to vector<16xi32>
      %gather3A_292 = tpu.dynamic_gather %add3A_106[%gather3A_291] in [0] : vector<16xi32>, vector<16xi32> -> vector<16xi32>
      %ge3A_293 = arith.cmpi sge, %add3A_227, %gather3A_292 : vector<16xi32>
      %jit3A_294 = arith.constant 1 : i32
      %jit3A_295 = arith.constant 0 : i32
      %broadcast_in_dim3A_296 = vector.broadcast %jit3A_294 : i32 to vector<16xi32>
      %broadcast_in_dim3A_297 = vector.broadcast %jit3A_295 : i32 to vector<16xi32>
      %select_n3A_298 = arith.select %ge3A_293, %broadcast_in_dim3A_296, %broadcast_in_dim3A_297 : vector<16xi1>, vector<16xi32>
      %add3A_299 = arith.addi %add3A_287, %select_n3A_298 : vector<16xi32>
      %broadcast_in_dim3A_300 = arith.constant 6 : i32
      %broadcast_in_dim3A_301 = vector.broadcast %broadcast_in_dim3A_300 : i32 to vector<16xi32>
      %reshape3A_302 = vector.shape_cast %broadcast_in_dim3A_301 : vector<16xi32> to vector<16x1xi32>
      %gather3A_303 = vector.shape_cast %reshape3A_302 : vector<16x1xi32> to vector<16xi32>
      %gather3A_304 = tpu.dynamic_gather %add3A_106[%gather3A_303] in [0] : vector<16xi32>, vector<16xi32> -> vector<16xi32>
      %ge3A_305 = arith.cmpi sge, %add3A_227, %gather3A_304 : vector<16xi32>
      %jit3A_306 = arith.constant 1 : i32
      %jit3A_307 = arith.constant 0 : i32
      %broadcast_in_dim3A_308 = vector.broadcast %jit3A_306 : i32 to vector<16xi32>
      %broadcast_in_dim3A_309 = vector.broadcast %jit3A_307 : i32 to vector<16xi32>
      %select_n3A_310 = arith.select %ge3A_305, %broadcast_in_dim3A_308, %broadcast_in_dim3A_309 : vector<16xi1>, vector<16xi32>
      %add3A_311 = arith.addi %add3A_299, %select_n3A_310 : vector<16xi32>
      %broadcast_in_dim3A_312 = arith.constant 7 : i32
      %broadcast_in_dim3A_313 = vector.broadcast %broadcast_in_dim3A_312 : i32 to vector<16xi32>
      %reshape3A_314 = vector.shape_cast %broadcast_in_dim3A_313 : vector<16xi32> to vector<16x1xi32>
      %gather3A_315 = vector.shape_cast %reshape3A_314 : vector<16x1xi32> to vector<16xi32>
      %gather3A_316 = tpu.dynamic_gather %add3A_106[%gather3A_315] in [0] : vector<16xi32>, vector<16xi32> -> vector<16xi32>
      %ge3A_317 = arith.cmpi sge, %add3A_227, %gather3A_316 : vector<16xi32>
      %jit3A_318 = arith.constant 1 : i32
      %jit3A_319 = arith.constant 0 : i32
      %broadcast_in_dim3A_320 = vector.broadcast %jit3A_318 : i32 to vector<16xi32>
      %broadcast_in_dim3A_321 = vector.broadcast %jit3A_319 : i32 to vector<16xi32>
      %select_n3A_322 = arith.select %ge3A_317, %broadcast_in_dim3A_320, %broadcast_in_dim3A_321 : vector<16xi1>, vector<16xi32>
      %add3A_323 = arith.addi %add3A_311, %select_n3A_322 : vector<16xi32>
      %min3A_324 = arith.constant 7 : i32
      %min3A_325 = vector.broadcast %min3A_324 : i32 to vector<16xi32>
      %min3A_326 = arith.minsi %add3A_323, %min3A_325 : vector<16xi32>
      %swap3A_327 = arith.constant 16 : index
      %swap3A_328 = tpu.vector_load %arg12[%swap3A_327] {strides = array<i32>} : memref<32xi32, #tpu.memory_space<vmem>>, vector<16xi32>,
      %swap3A_329 = vector.shape_cast %swap3A_328 : vector<16xi32> to vector<16xi32>
      %swap3A_330 = vector.shape_cast %min3A_326 : vector<16xi32> to vector<16xi32>
      tpu.vector_store %arg12[%swap3A_327], %swap3A_330 {strides = array<i32>} : memref<32xi32, #tpu.memory_space<vmem>>, vector<16xi32>,
      %swap3A_331 = arith.constant 0 : index
      %swap3A_332 = tpu.vector_load %arg14[%swap3A_331] {strides = array<i32>} : memref<16xi32, #tpu.memory_space<vmem>>, vector<16xi32>,
      %swap3A_333 = vector.shape_cast %swap3A_332 : vector<16xi32> to vector<16xi32>
      %swap3A_334 = vector.shape_cast %mul3A_110 : vector<16xi32> to vector<16xi32>
      tpu.vector_store %arg14[%swap3A_331], %swap3A_334 {strides = array<i32>} : memref<16xi32, #tpu.memory_space<vmem>>, vector<16xi32>,
      %scan3A_335 = arith.constant 0 : i32
      %scan3A_336 = arith.constant 0 : i32
      %scan3A_337 = arith.constant 128 : i32
      %scan3A_338 = arith.addi %scan3A_336, %scan3A_337 : i32
      %scan3A_339 = arith.constant 1 : i32
      scf.for %scan3A_346 = %scan3A_336 to %scan3A_338 step %scan3A_339  : i32 {
        %get3A_347 = arith.constant 0 : index
        %get3A_348 = tpu.vector_load %arg14[%get3A_347] {strides = array<i32>} : memref<16xi32, #tpu.memory_space<vmem>>, vector<16xi32>,
        %get3A_349 = vector.shape_cast %get3A_348 : vector<16xi32> to vector<16xi32>
        %mul3A_350 = arith.constant 16 : i32
        %mul3A_351 = arith.muli %scan3A_346, %mul3A_350 : i32
        %get3A_352 = arith.index_cast %mul3A_351 : i32 to index
        %get3A_353 = tpu.vector_load %arg9[%get3A_352] {strides = array<i32>} : memref<2048xi32, #tpu.memory_space<vmem>>, vector<16xi32>,
        %get3A_354 = vector.shape_cast %get3A_353 : vector<16xi32> to vector<16xi32>
        %eq3A_355 = arith.constant 0 : i32
        %eq3A_356 = vector.broadcast %eq3A_355 : i32 to vector<16xi32>
        %eq3A_357 = arith.cmpi eq, %get3A_354, %eq3A_356 : vector<16xi32>
        %jit3A_358 = arith.constant 1 : i32
        %jit3A_359 = arith.constant 0 : i32
        %broadcast_in_dim3A_360 = vector.broadcast %jit3A_358 : i32 to vector<16xi32>
        %broadcast_in_dim3A_361 = vector.broadcast %jit3A_359 : i32 to vector<16xi32>
        %select_n3A_362 = arith.select %eq3A_357, %broadcast_in_dim3A_360, %broadcast_in_dim3A_361 : vector<16xi1>, vector<16xi32>
        %sub3A_363 = arith.constant 1 : i32
        %sub3A_364 = vector.broadcast %sub3A_363 : i32 to vector<16xi32>
        %sub3A_365 = arith.subi %iota3A, %sub3A_364 : vector<16xi32>
        %max3A_366 = arith.constant 0 : i32
        %max3A_367 = vector.broadcast %max3A_366 : i32 to vector<16xi32>
        %max3A_368 = arith.maxsi %sub3A_365, %max3A_367 : vector<16xi32>
        %reshape3A_369 = vector.shape_cast %max3A_368 : vector<16xi32> to vector<16x1xi32>
        %gather3A_370 = vector.shape_cast %reshape3A_369 : vector<16x1xi32> to vector<16xi32>
        %gather3A_371 = tpu.dynamic_gather %select_n3A_362[%gather3A_370] in [0] : vector<16xi32>, vector<16xi32> -> vector<16xi32>
        %ge3A_372 = arith.constant 1 : i32
        %ge3A_373 = vector.broadcast %ge3A_372 : i32 to vector<16xi32>
        %ge3A_374 = arith.cmpi sge, %iota3A, %ge3A_373 : vector<16xi32>
        %jit3A_375 = arith.constant 0 : i32
        %broadcast_in_dim3A_376 = vector.broadcast %jit3A_375 : i32 to vector<16xi32>
        %select_n3A_377 = arith.select %ge3A_374, %gather3A_371, %broadcast_in_dim3A_376 : vector<16xi1>, vector<16xi32>
        %add3A_378 = arith.addi %select_n3A_362, %select_n3A_377 : vector<16xi32>
        %sub3A_379 = arith.constant 2 : i32
        %sub3A_380 = vector.broadcast %sub3A_379 : i32 to vector<16xi32>
        %sub3A_381 = arith.subi %iota3A, %sub3A_380 : vector<16xi32>
        %max3A_382 = arith.constant 0 : i32
        %max3A_383 = vector.broadcast %max3A_382 : i32 to vector<16xi32>
        %max3A_384 = arith.maxsi %sub3A_381, %max3A_383 : vector<16xi32>
        %reshape3A_385 = vector.shape_cast %max3A_384 : vector<16xi32> to vector<16x1xi32>
        %gather3A_386 = vector.shape_cast %reshape3A_385 : vector<16x1xi32> to vector<16xi32>
        %gather3A_387 = tpu.dynamic_gather %add3A_378[%gather3A_386] in [0] : vector<16xi32>, vector<16xi32> -> vector<16xi32>
        %ge3A_388 = arith.constant 2 : i32
        %ge3A_389 = vector.broadcast %ge3A_388 : i32 to vector<16xi32>
        %ge3A_390 = arith.cmpi sge, %iota3A, %ge3A_389 : vector<16xi32>
        %jit3A_391 = arith.constant 0 : i32
        %broadcast_in_dim3A_392 = vector.broadcast %jit3A_391 : i32 to vector<16xi32>
        %select_n3A_393 = arith.select %ge3A_390, %gather3A_387, %broadcast_in_dim3A_392 : vector<16xi1>, vector<16xi32>
        %add3A_394 = arith.addi %add3A_378, %select_n3A_393 : vector<16xi32>
        %sub3A_395 = arith.constant 4 : i32
        %sub3A_396 = vector.broadcast %sub3A_395 : i32 to vector<16xi32>
        %sub3A_397 = arith.subi %iota3A, %sub3A_396 : vector<16xi32>
        %max3A_398 = arith.constant 0 : i32
        %max3A_399 = vector.broadcast %max3A_398 : i32 to vector<16xi32>
        %max3A_400 = arith.maxsi %sub3A_397, %max3A_399 : vector<16xi32>
        %reshape3A_401 = vector.shape_cast %max3A_400 : vector<16xi32> to vector<16x1xi32>
        %gather3A_402 = vector.shape_cast %reshape3A_401 : vector<16x1xi32> to vector<16xi32>
        %gather3A_403 = tpu.dynamic_gather %add3A_394[%gather3A_402] in [0] : vector<16xi32>, vector<16xi32> -> vector<16xi32>
        %ge3A_404 = arith.constant 4 : i32
        %ge3A_405 = vector.broadcast %ge3A_404 : i32 to vector<16xi32>
        %ge3A_406 = arith.cmpi sge, %iota3A, %ge3A_405 : vector<16xi32>
        %jit3A_407 = arith.constant 0 : i32
        %broadcast_in_dim3A_408 = vector.broadcast %jit3A_407 : i32 to vector<16xi32>
        %select_n3A_409 = arith.select %ge3A_406, %gather3A_403, %broadcast_in_dim3A_408 : vector<16xi1>, vector<16xi32>
        %add3A_410 = arith.addi %add3A_394, %select_n3A_409 : vector<16xi32>
        %sub3A_411 = arith.constant 8 : i32
        %sub3A_412 = vector.broadcast %sub3A_411 : i32 to vector<16xi32>
        %sub3A_413 = arith.subi %iota3A, %sub3A_412 : vector<16xi32>
        %max3A_414 = arith.constant 0 : i32
        %max3A_415 = vector.broadcast %max3A_414 : i32 to vector<16xi32>
        %max3A_416 = arith.maxsi %sub3A_413, %max3A_415 : vector<16xi32>
        %reshape3A_417 = vector.shape_cast %max3A_416 : vector<16xi32> to vector<16x1xi32>
        %gather3A_418 = vector.shape_cast %reshape3A_417 : vector<16x1xi32> to vector<16xi32>
        %gather3A_419 = tpu.dynamic_gather %add3A_410[%gather3A_418] in [0] : vector<16xi32>, vector<16xi32> -> vector<16xi32>
        %ge3A_420 = arith.constant 8 : i32
        %ge3A_421 = vector.broadcast %ge3A_420 : i32 to vector<16xi32>
        %ge3A_422 = arith.cmpi sge, %iota3A, %ge3A_421 : vector<16xi32>
        %jit3A_423 = arith.constant 0 : i32
        %broadcast_in_dim3A_424 = vector.broadcast %jit3A_423 : i32 to vector<16xi32>
        %select_n3A_425 = arith.select %ge3A_422, %gather3A_419, %broadcast_in_dim3A_424 : vector<16xi1>, vector<16xi32>
        %add3A_426 = arith.addi %add3A_410, %select_n3A_425 : vector<16xi32>
        %broadcast_in_dim3A_427 = arith.constant 0 : i32
        %broadcast_in_dim3A_428 = vector.broadcast %broadcast_in_dim3A_427 : i32 to vector<16xi32>
        %reshape3A_429 = vector.shape_cast %broadcast_in_dim3A_428 : vector<16xi32> to vector<16x1xi32>
        %gather3A_430 = vector.shape_cast %reshape3A_429 : vector<16x1xi32> to vector<16xi32>
        %gather3A_431 = tpu.dynamic_gather %get3A_349[%gather3A_430] in [0] : vector<16xi32>, vector<16xi32> -> vector<16xi32>
        %add3A_432 = arith.addi %gather3A_431, %add3A_426 : vector<16xi32>
        %sub3A_433 = arith.subi %add3A_432, %select_n3A_362 : vector<16xi32>
        %select_n3A_434 = arith.select %eq3A_357, %sub3A_433, %broadcast_in_dim3A_34 : vector<16xi1>, vector<16xi32>
        %eq3A_435 = arith.constant 0 : i32
        %eq3A_436 = vector.broadcast %eq3A_435 : i32 to vector<16xi32>
        %eq3A_437 = arith.cmpi eq, %iota3A, %eq3A_436 : vector<16xi32>
        %broadcast_in_dim3A_438 = arith.constant 15 : i32
        %broadcast_in_dim3A_439 = vector.broadcast %broadcast_in_dim3A_438 : i32 to vector<16xi32>
        %reshape3A_440 = vector.shape_cast %broadcast_in_dim3A_439 : vector<16xi32> to vector<16x1xi32>
        %gather3A_441 = vector.shape_cast %reshape3A_440 : vector<16x1xi32> to vector<16xi32>
        %gather3A_442 = tpu.dynamic_gather %add3A_426[%gather3A_441] in [0] : vector<16xi32>, vector<16xi32> -> vector<16xi32>
        %jit3A_443 = arith.constant 0 : i32
        %broadcast_in_dim3A_444 = vector.broadcast %jit3A_443 : i32 to vector<16xi32>
        %select_n3A_445 = arith.select %eq3A_437, %gather3A_442, %broadcast_in_dim3A_444 : vector<16xi1>, vector<16xi32>
        %add3A_446 = arith.addi %get3A_349, %select_n3A_445 : vector<16xi32>
        %eq3A_447 = arith.constant 1 : i32
        %eq3A_448 = vector.broadcast %eq3A_447 : i32 to vector<16xi32>
        %eq3A_449 = arith.cmpi eq, %get3A_354, %eq3A_448 : vector<16xi32>
        %jit3A_450 = arith.constant 1 : i32
        %jit3A_451 = arith.constant 0 : i32
        %broadcast_in_dim3A_452 = vector.broadcast %jit3A_450 : i32 to vector<16xi32>
        %broadcast_in_dim3A_453 = vector.broadcast %jit3A_451 : i32 to vector<16xi32>
        %select_n3A_454 = arith.select %eq3A_449, %broadcast_in_dim3A_452, %broadcast_in_dim3A_453 : vector<16xi1>, vector<16xi32>
        %sub3A_455 = arith.constant 1 : i32
        %sub3A_456 = vector.broadcast %sub3A_455 : i32 to vector<16xi32>
        %sub3A_457 = arith.subi %iota3A, %sub3A_456 : vector<16xi32>
        %max3A_458 = arith.constant 0 : i32
        %max3A_459 = vector.broadcast %max3A_458 : i32 to vector<16xi32>
        %max3A_460 = arith.maxsi %sub3A_457, %max3A_459 : vector<16xi32>
        %reshape3A_461 = vector.shape_cast %max3A_460 : vector<16xi32> to vector<16x1xi32>
        %gather3A_462 = vector.shape_cast %reshape3A_461 : vector<16x1xi32> to vector<16xi32>
        %gather3A_463 = tpu.dynamic_gather %select_n3A_454[%gather3A_462] in [0] : vector<16xi32>, vector<16xi32> -> vector<16xi32>
        %ge3A_464 = arith.constant 1 : i32
        %ge3A_465 = vector.broadcast %ge3A_464 : i32 to vector<16xi32>
        %ge3A_466 = arith.cmpi sge, %iota3A, %ge3A_465 : vector<16xi32>
        %jit3A_467 = arith.constant 0 : i32
        %broadcast_in_dim3A_468 = vector.broadcast %jit3A_467 : i32 to vector<16xi32>
        %select_n3A_469 = arith.select %ge3A_466, %gather3A_463, %broadcast_in_dim3A_468 : vector<16xi1>, vector<16xi32>
        %add3A_470 = arith.addi %select_n3A_454, %select_n3A_469 : vector<16xi32>
        %sub3A_471 = arith.constant 2 : i32
        %sub3A_472 = vector.broadcast %sub3A_471 : i32 to vector<16xi32>
        %sub3A_473 = arith.subi %iota3A, %sub3A_472 : vector<16xi32>
        %max3A_474 = arith.constant 0 : i32
        %max3A_475 = vector.broadcast %max3A_474 : i32 to vector<16xi32>
        %max3A_476 = arith.maxsi %sub3A_473, %max3A_475 : vector<16xi32>
        %reshape3A_477 = vector.shape_cast %max3A_476 : vector<16xi32> to vector<16x1xi32>
        %gather3A_478 = vector.shape_cast %reshape3A_477 : vector<16x1xi32> to vector<16xi32>
        %gather3A_479 = tpu.dynamic_gather %add3A_470[%gather3A_478] in [0] : vector<16xi32>, vector<16xi32> -> vector<16xi32>
        %ge3A_480 = arith.constant 2 : i32
        %ge3A_481 = vector.broadcast %ge3A_480 : i32 to vector<16xi32>
        %ge3A_482 = arith.cmpi sge, %iota3A, %ge3A_481 : vector<16xi32>
        %jit3A_483 = arith.constant 0 : i32
        %broadcast_in_dim3A_484 = vector.broadcast %jit3A_483 : i32 to vector<16xi32>
        %select_n3A_485 = arith.select %ge3A_482, %gather3A_479, %broadcast_in_dim3A_484 : vector<16xi1>, vector<16xi32>
        %add3A_486 = arith.addi %add3A_470, %select_n3A_485 : vector<16xi32>
        %sub3A_487 = arith.constant 4 : i32
        %sub3A_488 = vector.broadcast %sub3A_487 : i32 to vector<16xi32>
        %sub3A_489 = arith.subi %iota3A, %sub3A_488 : vector<16xi32>
        %max3A_490 = arith.constant 0 : i32
        %max3A_491 = vector.broadcast %max3A_490 : i32 to vector<16xi32>
        %max3A_492 = arith.maxsi %sub3A_489, %max3A_491 : vector<16xi32>
        %reshape3A_493 = vector.shape_cast %max3A_492 : vector<16xi32> to vector<16x1xi32>
        %gather3A_494 = vector.shape_cast %reshape3A_493 : vector<16x1xi32> to vector<16xi32>
        %gather3A_495 = tpu.dynamic_gather %add3A_486[%gather3A_494] in [0] : vector<16xi32>, vector<16xi32> -> vector<16xi32>
        %ge3A_496 = arith.constant 4 : i32
        %ge3A_497 = vector.broadcast %ge3A_496 : i32 to vector<16xi32>
        %ge3A_498 = arith.cmpi sge, %iota3A, %ge3A_497 : vector<16xi32>
        %jit3A_499 = arith.constant 0 : i32
        %broadcast_in_dim3A_500 = vector.broadcast %jit3A_499 : i32 to vector<16xi32>
        %select_n3A_501 = arith.select %ge3A_498, %gather3A_495, %broadcast_in_dim3A_500 : vector<16xi1>, vector<16xi32>
        %add3A_502 = arith.addi %add3A_486, %select_n3A_501 : vector<16xi32>
        %sub3A_503 = arith.constant 8 : i32
        %sub3A_504 = vector.broadcast %sub3A_503 : i32 to vector<16xi32>
        %sub3A_505 = arith.subi %iota3A, %sub3A_504 : vector<16xi32>
        %max3A_506 = arith.constant 0 : i32
        %max3A_507 = vector.broadcast %max3A_506 : i32 to vector<16xi32>
        %max3A_508 = arith.maxsi %sub3A_505, %max3A_507 : vector<16xi32>
        %reshape3A_509 = vector.shape_cast %max3A_508 : vector<16xi32> to vector<16x1xi32>
        %gather3A_510 = vector.shape_cast %reshape3A_509 : vector<16x1xi32> to vector<16xi32>
        %gather3A_511 = tpu.dynamic_gather %add3A_502[%gather3A_510] in [0] : vector<16xi32>, vector<16xi32> -> vector<16xi32>
        %ge3A_512 = arith.constant 8 : i32
        %ge3A_513 = vector.broadcast %ge3A_512 : i32 to vector<16xi32>
        %ge3A_514 = arith.cmpi sge, %iota3A, %ge3A_513 : vector<16xi32>
        %jit3A_515 = arith.constant 0 : i32
        %broadcast_in_dim3A_516 = vector.broadcast %jit3A_515 : i32 to vector<16xi32>
        %select_n3A_517 = arith.select %ge3A_514, %gather3A_511, %broadcast_in_dim3A_516 : vector<16xi1>, vector<16xi32>
        %add3A_518 = arith.addi %add3A_502, %select_n3A_517 : vector<16xi32>
        %broadcast_in_dim3A_519 = arith.constant 1 : i32
        %broadcast_in_dim3A_520 = vector.broadcast %broadcast_in_dim3A_519 : i32 to vector<16xi32>
        %reshape3A_521 = vector.shape_cast %broadcast_in_dim3A_520 : vector<16xi32> to vector<16x1xi32>
        %gather3A_522 = vector.shape_cast %reshape3A_521 : vector<16x1xi32> to vector<16xi32>
        %gather3A_523 = tpu.dynamic_gather %add3A_446[%gather3A_522] in [0] : vector<16xi32>, vector<16xi32> -> vector<16xi32>
        %add3A_524 = arith.addi %gather3A_523, %add3A_518 : vector<16xi32>
        %sub3A_525 = arith.subi %add3A_524, %select_n3A_454 : vector<16xi32>
        %select_n3A_526 = arith.select %eq3A_449, %sub3A_525, %select_n3A_434 : vector<16xi1>, vector<16xi32>
        %eq3A_527 = arith.constant 1 : i32
        %eq3A_528 = vector.broadcast %eq3A_527 : i32 to vector<16xi32>
        %eq3A_529 = arith.cmpi eq, %iota3A, %eq3A_528 : vector<16xi32>
        %broadcast_in_dim3A_530 = arith.constant 15 : i32
        %broadcast_in_dim3A_531 = vector.broadcast %broadcast_in_dim3A_530 : i32 to vector<16xi32>
        %reshape3A_532 = vector.shape_cast %broadcast_in_dim3A_531 : vector<16xi32> to vector<16x1xi32>
        %gather3A_533 = vector.shape_cast %reshape3A_532 : vector<16x1xi32> to vector<16xi32>
        %gather3A_534 = tpu.dynamic_gather %add3A_518[%gather3A_533] in [0] : vector<16xi32>, vector<16xi32> -> vector<16xi32>
        %jit3A_535 = arith.constant 0 : i32
        %broadcast_in_dim3A_536 = vector.broadcast %jit3A_535 : i32 to vector<16xi32>
        %select_n3A_537 = arith.select %eq3A_529, %gather3A_534, %broadcast_in_dim3A_536 : vector<16xi1>, vector<16xi32>
        %add3A_538 = arith.addi %add3A_446, %select_n3A_537 : vector<16xi32>
        %eq3A_539 = arith.constant 2 : i32
        %eq3A_540 = vector.broadcast %eq3A_539 : i32 to vector<16xi32>
        %eq3A_541 = arith.cmpi eq, %get3A_354, %eq3A_540 : vector<16xi32>
        %jit3A_542 = arith.constant 1 : i32
        %jit3A_543 = arith.constant 0 : i32
        %broadcast_in_dim3A_544 = vector.broadcast %jit3A_542 : i32 to vector<16xi32>
        %broadcast_in_dim3A_545 = vector.broadcast %jit3A_543 : i32 to vector<16xi32>
        %select_n3A_546 = arith.select %eq3A_541, %broadcast_in_dim3A_544, %broadcast_in_dim3A_545 : vector<16xi1>, vector<16xi32>
        %sub3A_547 = arith.constant 1 : i32
        %sub3A_548 = vector.broadcast %sub3A_547 : i32 to vector<16xi32>
        %sub3A_549 = arith.subi %iota3A, %sub3A_548 : vector<16xi32>
        %max3A_550 = arith.constant 0 : i32
        %max3A_551 = vector.broadcast %max3A_550 : i32 to vector<16xi32>
        %max3A_552 = arith.maxsi %sub3A_549, %max3A_551 : vector<16xi32>
        %reshape3A_553 = vector.shape_cast %max3A_552 : vector<16xi32> to vector<16x1xi32>
        %gather3A_554 = vector.shape_cast %reshape3A_553 : vector<16x1xi32> to vector<16xi32>
        %gather3A_555 = tpu.dynamic_gather %select_n3A_546[%gather3A_554] in [0] : vector<16xi32>, vector<16xi32> -> vector<16xi32>
        %ge3A_556 = arith.constant 1 : i32
        %ge3A_557 = vector.broadcast %ge3A_556 : i32 to vector<16xi32>
        %ge3A_558 = arith.cmpi sge, %iota3A, %ge3A_557 : vector<16xi32>
        %jit3A_559 = arith.constant 0 : i32
        %broadcast_in_dim3A_560 = vector.broadcast %jit3A_559 : i32 to vector<16xi32>
        %select_n3A_561 = arith.select %ge3A_558, %gather3A_555, %broadcast_in_dim3A_560 : vector<16xi1>, vector<16xi32>
        %add3A_562 = arith.addi %select_n3A_546, %select_n3A_561 : vector<16xi32>
        %sub3A_563 = arith.constant 2 : i32
        %sub3A_564 = vector.broadcast %sub3A_563 : i32 to vector<16xi32>
        %sub3A_565 = arith.subi %iota3A, %sub3A_564 : vector<16xi32>
        %max3A_566 = arith.constant 0 : i32
        %max3A_567 = vector.broadcast %max3A_566 : i32 to vector<16xi32>
        %max3A_568 = arith.maxsi %sub3A_565, %max3A_567 : vector<16xi32>
        %reshape3A_569 = vector.shape_cast %max3A_568 : vector<16xi32> to vector<16x1xi32>
        %gather3A_570 = vector.shape_cast %reshape3A_569 : vector<16x1xi32> to vector<16xi32>
        %gather3A_571 = tpu.dynamic_gather %add3A_562[%gather3A_570] in [0] : vector<16xi32>, vector<16xi32> -> vector<16xi32>
        %ge3A_572 = arith.constant 2 : i32
        %ge3A_573 = vector.broadcast %ge3A_572 : i32 to vector<16xi32>
        %ge3A_574 = arith.cmpi sge, %iota3A, %ge3A_573 : vector<16xi32>
        %jit3A_575 = arith.constant 0 : i32
        %broadcast_in_dim3A_576 = vector.broadcast %jit3A_575 : i32 to vector<16xi32>
        %select_n3A_577 = arith.select %ge3A_574, %gather3A_571, %broadcast_in_dim3A_576 : vector<16xi1>, vector<16xi32>
        %add3A_578 = arith.addi %add3A_562, %select_n3A_577 : vector<16xi32>
        %sub3A_579 = arith.constant 4 : i32
        %sub3A_580 = vector.broadcast %sub3A_579 : i32 to vector<16xi32>
        %sub3A_581 = arith.subi %iota3A, %sub3A_580 : vector<16xi32>
        %max3A_582 = arith.constant 0 : i32
        %max3A_583 = vector.broadcast %max3A_582 : i32 to vector<16xi32>
        %max3A_584 = arith.maxsi %sub3A_581, %max3A_583 : vector<16xi32>
        %reshape3A_585 = vector.shape_cast %max3A_584 : vector<16xi32> to vector<16x1xi32>
        %gather3A_586 = vector.shape_cast %reshape3A_585 : vector<16x1xi32> to vector<16xi32>
        %gather3A_587 = tpu.dynamic_gather %add3A_578[%gather3A_586] in [0] : vector<16xi32>, vector<16xi32> -> vector<16xi32>
        %ge3A_588 = arith.constant 4 : i32
        %ge3A_589 = vector.broadcast %ge3A_588 : i32 to vector<16xi32>
        %ge3A_590 = arith.cmpi sge, %iota3A, %ge3A_589 : vector<16xi32>
        %jit3A_591 = arith.constant 0 : i32
        %broadcast_in_dim3A_592 = vector.broadcast %jit3A_591 : i32 to vector<16xi32>
        %select_n3A_593 = arith.select %ge3A_590, %gather3A_587, %broadcast_in_dim3A_592 : vector<16xi1>, vector<16xi32>
        %add3A_594 = arith.addi %add3A_578, %select_n3A_593 : vector<16xi32>
        %sub3A_595 = arith.constant 8 : i32
        %sub3A_596 = vector.broadcast %sub3A_595 : i32 to vector<16xi32>
        %sub3A_597 = arith.subi %iota3A, %sub3A_596 : vector<16xi32>
        %max3A_598 = arith.constant 0 : i32
        %max3A_599 = vector.broadcast %max3A_598 : i32 to vector<16xi32>
        %max3A_600 = arith.maxsi %sub3A_597, %max3A_599 : vector<16xi32>
        %reshape3A_601 = vector.shape_cast %max3A_600 : vector<16xi32> to vector<16x1xi32>
        %gather3A_602 = vector.shape_cast %reshape3A_601 : vector<16x1xi32> to vector<16xi32>
        %gather3A_603 = tpu.dynamic_gather %add3A_594[%gather3A_602] in [0] : vector<16xi32>, vector<16xi32> -> vector<16xi32>
        %ge3A_604 = arith.constant 8 : i32
        %ge3A_605 = vector.broadcast %ge3A_604 : i32 to vector<16xi32>
        %ge3A_606 = arith.cmpi sge, %iota3A, %ge3A_605 : vector<16xi32>
        %jit3A_607 = arith.constant 0 : i32
        %broadcast_in_dim3A_608 = vector.broadcast %jit3A_607 : i32 to vector<16xi32>
        %select_n3A_609 = arith.select %ge3A_606, %gather3A_603, %broadcast_in_dim3A_608 : vector<16xi1>, vector<16xi32>
        %add3A_610 = arith.addi %add3A_594, %select_n3A_609 : vector<16xi32>
        %broadcast_in_dim3A_611 = arith.constant 2 : i32
        %broadcast_in_dim3A_612 = vector.broadcast %broadcast_in_dim3A_611 : i32 to vector<16xi32>
        %reshape3A_613 = vector.shape_cast %broadcast_in_dim3A_612 : vector<16xi32> to vector<16x1xi32>
        %gather3A_614 = vector.shape_cast %reshape3A_613 : vector<16x1xi32> to vector<16xi32>
        %gather3A_615 = tpu.dynamic_gather %add3A_538[%gather3A_614] in [0] : vector<16xi32>, vector<16xi32> -> vector<16xi32>
        %add3A_616 = arith.addi %gather3A_615, %add3A_610 : vector<16xi32>
        %sub3A_617 = arith.subi %add3A_616, %select_n3A_546 : vector<16xi32>
        %select_n3A_618 = arith.select %eq3A_541, %sub3A_617, %select_n3A_526 : vector<16xi1>, vector<16xi32>
        %eq3A_619 = arith.constant 2 : i32
        %eq3A_620 = vector.broadcast %eq3A_619 : i32 to vector<16xi32>
        %eq3A_621 = arith.cmpi eq, %iota3A, %eq3A_620 : vector<16xi32>
        %broadcast_in_dim3A_622 = arith.constant 15 : i32
        %broadcast_in_dim3A_623 = vector.broadcast %broadcast_in_dim3A_622 : i32 to vector<16xi32>
        %reshape3A_624 = vector.shape_cast %broadcast_in_dim3A_623 : vector<16xi32> to vector<16x1xi32>
        %gather3A_625 = vector.shape_cast %reshape3A_624 : vector<16x1xi32> to vector<16xi32>
        %gather3A_626 = tpu.dynamic_gather %add3A_610[%gather3A_625] in [0] : vector<16xi32>, vector<16xi32> -> vector<16xi32>
        %jit3A_627 = arith.constant 0 : i32
        %broadcast_in_dim3A_628 = vector.broadcast %jit3A_627 : i32 to vector<16xi32>
        %select_n3A_629 = arith.select %eq3A_621, %gather3A_626, %broadcast_in_dim3A_628 : vector<16xi1>, vector<16xi32>
        %add3A_630 = arith.addi %add3A_538, %select_n3A_629 : vector<16xi32>
        %eq3A_631 = arith.constant 3 : i32
        %eq3A_632 = vector.broadcast %eq3A_631 : i32 to vector<16xi32>
        %eq3A_633 = arith.cmpi eq, %get3A_354, %eq3A_632 : vector<16xi32>
        %jit3A_634 = arith.constant 1 : i32
        %jit3A_635 = arith.constant 0 : i32
        %broadcast_in_dim3A_636 = vector.broadcast %jit3A_634 : i32 to vector<16xi32>
        %broadcast_in_dim3A_637 = vector.broadcast %jit3A_635 : i32 to vector<16xi32>
        %select_n3A_638 = arith.select %eq3A_633, %broadcast_in_dim3A_636, %broadcast_in_dim3A_637 : vector<16xi1>, vector<16xi32>
        %sub3A_639 = arith.constant 1 : i32
        %sub3A_640 = vector.broadcast %sub3A_639 : i32 to vector<16xi32>
        %sub3A_641 = arith.subi %iota3A, %sub3A_640 : vector<16xi32>
        %max3A_642 = arith.constant 0 : i32
        %max3A_643 = vector.broadcast %max3A_642 : i32 to vector<16xi32>
        %max3A_644 = arith.maxsi %sub3A_641, %max3A_643 : vector<16xi32>
        %reshape3A_645 = vector.shape_cast %max3A_644 : vector<16xi32> to vector<16x1xi32>
        %gather3A_646 = vector.shape_cast %reshape3A_645 : vector<16x1xi32> to vector<16xi32>
        %gather3A_647 = tpu.dynamic_gather %select_n3A_638[%gather3A_646] in [0] : vector<16xi32>, vector<16xi32> -> vector<16xi32>
        %ge3A_648 = arith.constant 1 : i32
        %ge3A_649 = vector.broadcast %ge3A_648 : i32 to vector<16xi32>
        %ge3A_650 = arith.cmpi sge, %iota3A, %ge3A_649 : vector<16xi32>
        %jit3A_651 = arith.constant 0 : i32
        %broadcast_in_dim3A_652 = vector.broadcast %jit3A_651 : i32 to vector<16xi32>
        %select_n3A_653 = arith.select %ge3A_650, %gather3A_647, %broadcast_in_dim3A_652 : vector<16xi1>, vector<16xi32>
        %add3A_654 = arith.addi %select_n3A_638, %select_n3A_653 : vector<16xi32>
        %sub3A_655 = arith.constant 2 : i32
        %sub3A_656 = vector.broadcast %sub3A_655 : i32 to vector<16xi32>
        %sub3A_657 = arith.subi %iota3A, %sub3A_656 : vector<16xi32>
        %max3A_658 = arith.constant 0 : i32
        %max3A_659 = vector.broadcast %max3A_658 : i32 to vector<16xi32>
        %max3A_660 = arith.maxsi %sub3A_657, %max3A_659 : vector<16xi32>
        %reshape3A_661 = vector.shape_cast %max3A_660 : vector<16xi32> to vector<16x1xi32>
        %gather3A_662 = vector.shape_cast %reshape3A_661 : vector<16x1xi32> to vector<16xi32>
        %gather3A_663 = tpu.dynamic_gather %add3A_654[%gather3A_662] in [0] : vector<16xi32>, vector<16xi32> -> vector<16xi32>
        %ge3A_664 = arith.constant 2 : i32
        %ge3A_665 = vector.broadcast %ge3A_664 : i32 to vector<16xi32>
        %ge3A_666 = arith.cmpi sge, %iota3A, %ge3A_665 : vector<16xi32>
        %jit3A_667 = arith.constant 0 : i32
        %broadcast_in_dim3A_668 = vector.broadcast %jit3A_667 : i32 to vector<16xi32>
        %select_n3A_669 = arith.select %ge3A_666, %gather3A_663, %broadcast_in_dim3A_668 : vector<16xi1>, vector<16xi32>
        %add3A_670 = arith.addi %add3A_654, %select_n3A_669 : vector<16xi32>
        %sub3A_671 = arith.constant 4 : i32
        %sub3A_672 = vector.broadcast %sub3A_671 : i32 to vector<16xi32>
        %sub3A_673 = arith.subi %iota3A, %sub3A_672 : vector<16xi32>
        %max3A_674 = arith.constant 0 : i32
        %max3A_675 = vector.broadcast %max3A_674 : i32 to vector<16xi32>
        %max3A_676 = arith.maxsi %sub3A_673, %max3A_675 : vector<16xi32>
        %reshape3A_677 = vector.shape_cast %max3A_676 : vector<16xi32> to vector<16x1xi32>
        %gather3A_678 = vector.shape_cast %reshape3A_677 : vector<16x1xi32> to vector<16xi32>
        %gather3A_679 = tpu.dynamic_gather %add3A_670[%gather3A_678] in [0] : vector<16xi32>, vector<16xi32> -> vector<16xi32>
        %ge3A_680 = arith.constant 4 : i32
        %ge3A_681 = vector.broadcast %ge3A_680 : i32 to vector<16xi32>
        %ge3A_682 = arith.cmpi sge, %iota3A, %ge3A_681 : vector<16xi32>
        %jit3A_683 = arith.constant 0 : i32
        %broadcast_in_dim3A_684 = vector.broadcast %jit3A_683 : i32 to vector<16xi32>
        %select_n3A_685 = arith.select %ge3A_682, %gather3A_679, %broadcast_in_dim3A_684 : vector<16xi1>, vector<16xi32>
        %add3A_686 = arith.addi %add3A_670, %select_n3A_685 : vector<16xi32>
        %sub3A_687 = arith.constant 8 : i32
        %sub3A_688 = vector.broadcast %sub3A_687 : i32 to vector<16xi32>
        %sub3A_689 = arith.subi %iota3A, %sub3A_688 : vector<16xi32>
        %max3A_690 = arith.constant 0 : i32
        %max3A_691 = vector.broadcast %max3A_690 : i32 to vector<16xi32>
        %max3A_692 = arith.maxsi %sub3A_689, %max3A_691 : vector<16xi32>
        %reshape3A_693 = vector.shape_cast %max3A_692 : vector<16xi32> to vector<16x1xi32>
        %gather3A_694 = vector.shape_cast %reshape3A_693 : vector<16x1xi32> to vector<16xi32>
        %gather3A_695 = tpu.dynamic_gather %add3A_686[%gather3A_694] in [0] : vector<16xi32>, vector<16xi32> -> vector<16xi32>
        %ge3A_696 = arith.constant 8 : i32
        %ge3A_697 = vector.broadcast %ge3A_696 : i32 to vector<16xi32>
        %ge3A_698 = arith.cmpi sge, %iota3A, %ge3A_697 : vector<16xi32>
        %jit3A_699 = arith.constant 0 : i32
        %broadcast_in_dim3A_700 = vector.broadcast %jit3A_699 : i32 to vector<16xi32>
        %select_n3A_701 = arith.select %ge3A_698, %gather3A_695, %broadcast_in_dim3A_700 : vector<16xi1>, vector<16xi32>
        %add3A_702 = arith.addi %add3A_686, %select_n3A_701 : vector<16xi32>
        %broadcast_in_dim3A_703 = arith.constant 3 : i32
        %broadcast_in_dim3A_704 = vector.broadcast %broadcast_in_dim3A_703 : i32 to vector<16xi32>
        %reshape3A_705 = vector.shape_cast %broadcast_in_dim3A_704 : vector<16xi32> to vector<16x1xi32>
        %gather3A_706 = vector.shape_cast %reshape3A_705 : vector<16x1xi32> to vector<16xi32>
        %gather3A_707 = tpu.dynamic_gather %add3A_630[%gather3A_706] in [0] : vector<16xi32>, vector<16xi32> -> vector<16xi32>
        %add3A_708 = arith.addi %gather3A_707, %add3A_702 : vector<16xi32>
        %sub3A_709 = arith.subi %add3A_708, %select_n3A_638 : vector<16xi32>
        %select_n3A_710 = arith.select %eq3A_633, %sub3A_709, %select_n3A_618 : vector<16xi1>, vector<16xi32>
        %eq3A_711 = arith.constant 3 : i32
        %eq3A_712 = vector.broadcast %eq3A_711 : i32 to vector<16xi32>
        %eq3A_713 = arith.cmpi eq, %iota3A, %eq3A_712 : vector<16xi32>
        %broadcast_in_dim3A_714 = arith.constant 15 : i32
        %broadcast_in_dim3A_715 = vector.broadcast %broadcast_in_dim3A_714 : i32 to vector<16xi32>
        %reshape3A_716 = vector.shape_cast %broadcast_in_dim3A_715 : vector<16xi32> to vector<16x1xi32>
        %gather3A_717 = vector.shape_cast %reshape3A_716 : vector<16x1xi32> to vector<16xi32>
        %gather3A_718 = tpu.dynamic_gather %add3A_702[%gather3A_717] in [0] : vector<16xi32>, vector<16xi32> -> vector<16xi32>
        %jit3A_719 = arith.constant 0 : i32
        %broadcast_in_dim3A_720 = vector.broadcast %jit3A_719 : i32 to vector<16xi32>
        %select_n3A_721 = arith.select %eq3A_713, %gather3A_718, %broadcast_in_dim3A_720 : vector<16xi1>, vector<16xi32>
        %add3A_722 = arith.addi %add3A_630, %select_n3A_721 : vector<16xi32>
        %eq3A_723 = arith.constant 4 : i32
        %eq3A_724 = vector.broadcast %eq3A_723 : i32 to vector<16xi32>
        %eq3A_725 = arith.cmpi eq, %get3A_354, %eq3A_724 : vector<16xi32>
        %jit3A_726 = arith.constant 1 : i32
        %jit3A_727 = arith.constant 0 : i32
        %broadcast_in_dim3A_728 = vector.broadcast %jit3A_726 : i32 to vector<16xi32>
        %broadcast_in_dim3A_729 = vector.broadcast %jit3A_727 : i32 to vector<16xi32>
        %select_n3A_730 = arith.select %eq3A_725, %broadcast_in_dim3A_728, %broadcast_in_dim3A_729 : vector<16xi1>, vector<16xi32>
        %sub3A_731 = arith.constant 1 : i32
        %sub3A_732 = vector.broadcast %sub3A_731 : i32 to vector<16xi32>
        %sub3A_733 = arith.subi %iota3A, %sub3A_732 : vector<16xi32>
        %max3A_734 = arith.constant 0 : i32
        %max3A_735 = vector.broadcast %max3A_734 : i32 to vector<16xi32>
        %max3A_736 = arith.maxsi %sub3A_733, %max3A_735 : vector<16xi32>
        %reshape3A_737 = vector.shape_cast %max3A_736 : vector<16xi32> to vector<16x1xi32>
        %gather3A_738 = vector.shape_cast %reshape3A_737 : vector<16x1xi32> to vector<16xi32>
        %gather3A_739 = tpu.dynamic_gather %select_n3A_730[%gather3A_738] in [0] : vector<16xi32>, vector<16xi32> -> vector<16xi32>
        %ge3A_740 = arith.constant 1 : i32
        %ge3A_741 = vector.broadcast %ge3A_740 : i32 to vector<16xi32>
        %ge3A_742 = arith.cmpi sge, %iota3A, %ge3A_741 : vector<16xi32>
        %jit3A_743 = arith.constant 0 : i32
        %broadcast_in_dim3A_744 = vector.broadcast %jit3A_743 : i32 to vector<16xi32>
        %select_n3A_745 = arith.select %ge3A_742, %gather3A_739, %broadcast_in_dim3A_744 : vector<16xi1>, vector<16xi32>
        %add3A_746 = arith.addi %select_n3A_730, %select_n3A_745 : vector<16xi32>
        %sub3A_747 = arith.constant 2 : i32
        %sub3A_748 = vector.broadcast %sub3A_747 : i32 to vector<16xi32>
        %sub3A_749 = arith.subi %iota3A, %sub3A_748 : vector<16xi32>
        %max3A_750 = arith.constant 0 : i32
        %max3A_751 = vector.broadcast %max3A_750 : i32 to vector<16xi32>
        %max3A_752 = arith.maxsi %sub3A_749, %max3A_751 : vector<16xi32>
        %reshape3A_753 = vector.shape_cast %max3A_752 : vector<16xi32> to vector<16x1xi32>
        %gather3A_754 = vector.shape_cast %reshape3A_753 : vector<16x1xi32> to vector<16xi32>
        %gather3A_755 = tpu.dynamic_gather %add3A_746[%gather3A_754] in [0] : vector<16xi32>, vector<16xi32> -> vector<16xi32>
        %ge3A_756 = arith.constant 2 : i32
        %ge3A_757 = vector.broadcast %ge3A_756 : i32 to vector<16xi32>
        %ge3A_758 = arith.cmpi sge, %iota3A, %ge3A_757 : vector<16xi32>
        %jit3A_759 = arith.constant 0 : i32
        %broadcast_in_dim3A_760 = vector.broadcast %jit3A_759 : i32 to vector<16xi32>
        %select_n3A_761 = arith.select %ge3A_758, %gather3A_755, %broadcast_in_dim3A_760 : vector<16xi1>, vector<16xi32>
        %add3A_762 = arith.addi %add3A_746, %select_n3A_761 : vector<16xi32>
        %sub3A_763 = arith.constant 4 : i32
        %sub3A_764 = vector.broadcast %sub3A_763 : i32 to vector<16xi32>
        %sub3A_765 = arith.subi %iota3A, %sub3A_764 : vector<16xi32>
        %max3A_766 = arith.constant 0 : i32
        %max3A_767 = vector.broadcast %max3A_766 : i32 to vector<16xi32>
        %max3A_768 = arith.maxsi %sub3A_765, %max3A_767 : vector<16xi32>
        %reshape3A_769 = vector.shape_cast %max3A_768 : vector<16xi32> to vector<16x1xi32>
        %gather3A_770 = vector.shape_cast %reshape3A_769 : vector<16x1xi32> to vector<16xi32>
        %gather3A_771 = tpu.dynamic_gather %add3A_762[%gather3A_770] in [0] : vector<16xi32>, vector<16xi32> -> vector<16xi32>
        %ge3A_772 = arith.constant 4 : i32
        %ge3A_773 = vector.broadcast %ge3A_772 : i32 to vector<16xi32>
        %ge3A_774 = arith.cmpi sge, %iota3A, %ge3A_773 : vector<16xi32>
        %jit3A_775 = arith.constant 0 : i32
        %broadcast_in_dim3A_776 = vector.broadcast %jit3A_775 : i32 to vector<16xi32>
        %select_n3A_777 = arith.select %ge3A_774, %gather3A_771, %broadcast_in_dim3A_776 : vector<16xi1>, vector<16xi32>
        %add3A_778 = arith.addi %add3A_762, %select_n3A_777 : vector<16xi32>
        %sub3A_779 = arith.constant 8 : i32
        %sub3A_780 = vector.broadcast %sub3A_779 : i32 to vector<16xi32>
        %sub3A_781 = arith.subi %iota3A, %sub3A_780 : vector<16xi32>
        %max3A_782 = arith.constant 0 : i32
        %max3A_783 = vector.broadcast %max3A_782 : i32 to vector<16xi32>
        %max3A_784 = arith.maxsi %sub3A_781, %max3A_783 : vector<16xi32>
        %reshape3A_785 = vector.shape_cast %max3A_784 : vector<16xi32> to vector<16x1xi32>
        %gather3A_786 = vector.shape_cast %reshape3A_785 : vector<16x1xi32> to vector<16xi32>
        %gather3A_787 = tpu.dynamic_gather %add3A_778[%gather3A_786] in [0] : vector<16xi32>, vector<16xi32> -> vector<16xi32>
        %ge3A_788 = arith.constant 8 : i32
        %ge3A_789 = vector.broadcast %ge3A_788 : i32 to vector<16xi32>
        %ge3A_790 = arith.cmpi sge, %iota3A, %ge3A_789 : vector<16xi32>
        %jit3A_791 = arith.constant 0 : i32
        %broadcast_in_dim3A_792 = vector.broadcast %jit3A_791 : i32 to vector<16xi32>
        %select_n3A_793 = arith.select %ge3A_790, %gather3A_787, %broadcast_in_dim3A_792 : vector<16xi1>, vector<16xi32>
        %add3A_794 = arith.addi %add3A_778, %select_n3A_793 : vector<16xi32>
        %broadcast_in_dim3A_795 = arith.constant 4 : i32
        %broadcast_in_dim3A_796 = vector.broadcast %broadcast_in_dim3A_795 : i32 to vector<16xi32>
        %reshape3A_797 = vector.shape_cast %broadcast_in_dim3A_796 : vector<16xi32> to vector<16x1xi32>
        %gather3A_798 = vector.shape_cast %reshape3A_797 : vector<16x1xi32> to vector<16xi32>
        %gather3A_799 = tpu.dynamic_gather %add3A_722[%gather3A_798] in [0] : vector<16xi32>, vector<16xi32> -> vector<16xi32>
        %add3A_800 = arith.addi %gather3A_799, %add3A_794 : vector<16xi32>
        %sub3A_801 = arith.subi %add3A_800, %select_n3A_730 : vector<16xi32>
        %select_n3A_802 = arith.select %eq3A_725, %sub3A_801, %select_n3A_710 : vector<16xi1>, vector<16xi32>
        %eq3A_803 = arith.constant 4 : i32
        %eq3A_804 = vector.broadcast %eq3A_803 : i32 to vector<16xi32>
        %eq3A_805 = arith.cmpi eq, %iota3A, %eq3A_804 : vector<16xi32>
        %broadcast_in_dim3A_806 = arith.constant 15 : i32
        %broadcast_in_dim3A_807 = vector.broadcast %broadcast_in_dim3A_806 : i32 to vector<16xi32>
        %reshape3A_808 = vector.shape_cast %broadcast_in_dim3A_807 : vector<16xi32> to vector<16x1xi32>
        %gather3A_809 = vector.shape_cast %reshape3A_808 : vector<16x1xi32> to vector<16xi32>
        %gather3A_810 = tpu.dynamic_gather %add3A_794[%gather3A_809] in [0] : vector<16xi32>, vector<16xi32> -> vector<16xi32>
        %jit3A_811 = arith.constant 0 : i32
        %broadcast_in_dim3A_812 = vector.broadcast %jit3A_811 : i32 to vector<16xi32>
        %select_n3A_813 = arith.select %eq3A_805, %gather3A_810, %broadcast_in_dim3A_812 : vector<16xi1>, vector<16xi32>
        %add3A_814 = arith.addi %add3A_722, %select_n3A_813 : vector<16xi32>
        %eq3A_815 = arith.constant 5 : i32
        %eq3A_816 = vector.broadcast %eq3A_815 : i32 to vector<16xi32>
        %eq3A_817 = arith.cmpi eq, %get3A_354, %eq3A_816 : vector<16xi32>
        %jit3A_818 = arith.constant 1 : i32
        %jit3A_819 = arith.constant 0 : i32
        %broadcast_in_dim3A_820 = vector.broadcast %jit3A_818 : i32 to vector<16xi32>
        %broadcast_in_dim3A_821 = vector.broadcast %jit3A_819 : i32 to vector<16xi32>
        %select_n3A_822 = arith.select %eq3A_817, %broadcast_in_dim3A_820, %broadcast_in_dim3A_821 : vector<16xi1>, vector<16xi32>
        %sub3A_823 = arith.constant 1 : i32
        %sub3A_824 = vector.broadcast %sub3A_823 : i32 to vector<16xi32>
        %sub3A_825 = arith.subi %iota3A, %sub3A_824 : vector<16xi32>
        %max3A_826 = arith.constant 0 : i32
        %max3A_827 = vector.broadcast %max3A_826 : i32 to vector<16xi32>
        %max3A_828 = arith.maxsi %sub3A_825, %max3A_827 : vector<16xi32>
        %reshape3A_829 = vector.shape_cast %max3A_828 : vector<16xi32> to vector<16x1xi32>
        %gather3A_830 = vector.shape_cast %reshape3A_829 : vector<16x1xi32> to vector<16xi32>
        %gather3A_831 = tpu.dynamic_gather %select_n3A_822[%gather3A_830] in [0] : vector<16xi32>, vector<16xi32> -> vector<16xi32>
        %ge3A_832 = arith.constant 1 : i32
        %ge3A_833 = vector.broadcast %ge3A_832 : i32 to vector<16xi32>
        %ge3A_834 = arith.cmpi sge, %iota3A, %ge3A_833 : vector<16xi32>
        %jit3A_835 = arith.constant 0 : i32
        %broadcast_in_dim3A_836 = vector.broadcast %jit3A_835 : i32 to vector<16xi32>
        %select_n3A_837 = arith.select %ge3A_834, %gather3A_831, %broadcast_in_dim3A_836 : vector<16xi1>, vector<16xi32>
        %add3A_838 = arith.addi %select_n3A_822, %select_n3A_837 : vector<16xi32>
        %sub3A_839 = arith.constant 2 : i32
        %sub3A_840 = vector.broadcast %sub3A_839 : i32 to vector<16xi32>
        %sub3A_841 = arith.subi %iota3A, %sub3A_840 : vector<16xi32>
        %max3A_842 = arith.constant 0 : i32
        %max3A_843 = vector.broadcast %max3A_842 : i32 to vector<16xi32>
        %max3A_844 = arith.maxsi %sub3A_841, %max3A_843 : vector<16xi32>
        %reshape3A_845 = vector.shape_cast %max3A_844 : vector<16xi32> to vector<16x1xi32>
        %gather3A_846 = vector.shape_cast %reshape3A_845 : vector<16x1xi32> to vector<16xi32>
        %gather3A_847 = tpu.dynamic_gather %add3A_838[%gather3A_846] in [0] : vector<16xi32>, vector<16xi32> -> vector<16xi32>
        %ge3A_848 = arith.constant 2 : i32
        %ge3A_849 = vector.broadcast %ge3A_848 : i32 to vector<16xi32>
        %ge3A_850 = arith.cmpi sge, %iota3A, %ge3A_849 : vector<16xi32>
        %jit3A_851 = arith.constant 0 : i32
        %broadcast_in_dim3A_852 = vector.broadcast %jit3A_851 : i32 to vector<16xi32>
        %select_n3A_853 = arith.select %ge3A_850, %gather3A_847, %broadcast_in_dim3A_852 : vector<16xi1>, vector<16xi32>
        %add3A_854 = arith.addi %add3A_838, %select_n3A_853 : vector<16xi32>
        %sub3A_855 = arith.constant 4 : i32
        %sub3A_856 = vector.broadcast %sub3A_855 : i32 to vector<16xi32>
        %sub3A_857 = arith.subi %iota3A, %sub3A_856 : vector<16xi32>
        %max3A_858 = arith.constant 0 : i32
        %max3A_859 = vector.broadcast %max3A_858 : i32 to vector<16xi32>
        %max3A_860 = arith.maxsi %sub3A_857, %max3A_859 : vector<16xi32>
        %reshape3A_861 = vector.shape_cast %max3A_860 : vector<16xi32> to vector<16x1xi32>
        %gather3A_862 = vector.shape_cast %reshape3A_861 : vector<16x1xi32> to vector<16xi32>
        %gather3A_863 = tpu.dynamic_gather %add3A_854[%gather3A_862] in [0] : vector<16xi32>, vector<16xi32> -> vector<16xi32>
        %ge3A_864 = arith.constant 4 : i32
        %ge3A_865 = vector.broadcast %ge3A_864 : i32 to vector<16xi32>
        %ge3A_866 = arith.cmpi sge, %iota3A, %ge3A_865 : vector<16xi32>
        %jit3A_867 = arith.constant 0 : i32
        %broadcast_in_dim3A_868 = vector.broadcast %jit3A_867 : i32 to vector<16xi32>
        %select_n3A_869 = arith.select %ge3A_866, %gather3A_863, %broadcast_in_dim3A_868 : vector<16xi1>, vector<16xi32>
        %add3A_870 = arith.addi %add3A_854, %select_n3A_869 : vector<16xi32>
        %sub3A_871 = arith.constant 8 : i32
        %sub3A_872 = vector.broadcast %sub3A_871 : i32 to vector<16xi32>
        %sub3A_873 = arith.subi %iota3A, %sub3A_872 : vector<16xi32>
        %max3A_874 = arith.constant 0 : i32
        %max3A_875 = vector.broadcast %max3A_874 : i32 to vector<16xi32>
        %max3A_876 = arith.maxsi %sub3A_873, %max3A_875 : vector<16xi32>
        %reshape3A_877 = vector.shape_cast %max3A_876 : vector<16xi32> to vector<16x1xi32>
        %gather3A_878 = vector.shape_cast %reshape3A_877 : vector<16x1xi32> to vector<16xi32>
        %gather3A_879 = tpu.dynamic_gather %add3A_870[%gather3A_878] in [0] : vector<16xi32>, vector<16xi32> -> vector<16xi32>
        %ge3A_880 = arith.constant 8 : i32
        %ge3A_881 = vector.broadcast %ge3A_880 : i32 to vector<16xi32>
        %ge3A_882 = arith.cmpi sge, %iota3A, %ge3A_881 : vector<16xi32>
        %jit3A_883 = arith.constant 0 : i32
        %broadcast_in_dim3A_884 = vector.broadcast %jit3A_883 : i32 to vector<16xi32>
        %select_n3A_885 = arith.select %ge3A_882, %gather3A_879, %broadcast_in_dim3A_884 : vector<16xi1>, vector<16xi32>
        %add3A_886 = arith.addi %add3A_870, %select_n3A_885 : vector<16xi32>
        %broadcast_in_dim3A_887 = arith.constant 5 : i32
        %broadcast_in_dim3A_888 = vector.broadcast %broadcast_in_dim3A_887 : i32 to vector<16xi32>
        %reshape3A_889 = vector.shape_cast %broadcast_in_dim3A_888 : vector<16xi32> to vector<16x1xi32>
        %gather3A_890 = vector.shape_cast %reshape3A_889 : vector<16x1xi32> to vector<16xi32>
        %gather3A_891 = tpu.dynamic_gather %add3A_814[%gather3A_890] in [0] : vector<16xi32>, vector<16xi32> -> vector<16xi32>
        %add3A_892 = arith.addi %gather3A_891, %add3A_886 : vector<16xi32>
        %sub3A_893 = arith.subi %add3A_892, %select_n3A_822 : vector<16xi32>
        %select_n3A_894 = arith.select %eq3A_817, %sub3A_893, %select_n3A_802 : vector<16xi1>, vector<16xi32>
        %eq3A_895 = arith.constant 5 : i32
        %eq3A_896 = vector.broadcast %eq3A_895 : i32 to vector<16xi32>
        %eq3A_897 = arith.cmpi eq, %iota3A, %eq3A_896 : vector<16xi32>
        %broadcast_in_dim3A_898 = arith.constant 15 : i32
        %broadcast_in_dim3A_899 = vector.broadcast %broadcast_in_dim3A_898 : i32 to vector<16xi32>
        %reshape3A_900 = vector.shape_cast %broadcast_in_dim3A_899 : vector<16xi32> to vector<16x1xi32>
        %gather3A_901 = vector.shape_cast %reshape3A_900 : vector<16x1xi32> to vector<16xi32>
        %gather3A_902 = tpu.dynamic_gather %add3A_886[%gather3A_901] in [0] : vector<16xi32>, vector<16xi32> -> vector<16xi32>
        %jit3A_903 = arith.constant 0 : i32
        %broadcast_in_dim3A_904 = vector.broadcast %jit3A_903 : i32 to vector<16xi32>
        %select_n3A_905 = arith.select %eq3A_897, %gather3A_902, %broadcast_in_dim3A_904 : vector<16xi1>, vector<16xi32>
        %add3A_906 = arith.addi %add3A_814, %select_n3A_905 : vector<16xi32>
        %eq3A_907 = arith.constant 6 : i32
        %eq3A_908 = vector.broadcast %eq3A_907 : i32 to vector<16xi32>
        %eq3A_909 = arith.cmpi eq, %get3A_354, %eq3A_908 : vector<16xi32>
        %jit3A_910 = arith.constant 1 : i32
        %jit3A_911 = arith.constant 0 : i32
        %broadcast_in_dim3A_912 = vector.broadcast %jit3A_910 : i32 to vector<16xi32>
        %broadcast_in_dim3A_913 = vector.broadcast %jit3A_911 : i32 to vector<16xi32>
        %select_n3A_914 = arith.select %eq3A_909, %broadcast_in_dim3A_912, %broadcast_in_dim3A_913 : vector<16xi1>, vector<16xi32>
        %sub3A_915 = arith.constant 1 : i32
        %sub3A_916 = vector.broadcast %sub3A_915 : i32 to vector<16xi32>
        %sub3A_917 = arith.subi %iota3A, %sub3A_916 : vector<16xi32>
        %max3A_918 = arith.constant 0 : i32
        %max3A_919 = vector.broadcast %max3A_918 : i32 to vector<16xi32>
        %max3A_920 = arith.maxsi %sub3A_917, %max3A_919 : vector<16xi32>
        %reshape3A_921 = vector.shape_cast %max3A_920 : vector<16xi32> to vector<16x1xi32>
        %gather3A_922 = vector.shape_cast %reshape3A_921 : vector<16x1xi32> to vector<16xi32>
        %gather3A_923 = tpu.dynamic_gather %select_n3A_914[%gather3A_922] in [0] : vector<16xi32>, vector<16xi32> -> vector<16xi32>
        %ge3A_924 = arith.constant 1 : i32
        %ge3A_925 = vector.broadcast %ge3A_924 : i32 to vector<16xi32>
        %ge3A_926 = arith.cmpi sge, %iota3A, %ge3A_925 : vector<16xi32>
        %jit3A_927 = arith.constant 0 : i32
        %broadcast_in_dim3A_928 = vector.broadcast %jit3A_927 : i32 to vector<16xi32>
        %select_n3A_929 = arith.select %ge3A_926, %gather3A_923, %broadcast_in_dim3A_928 : vector<16xi1>, vector<16xi32>
        %add3A_930 = arith.addi %select_n3A_914, %select_n3A_929 : vector<16xi32>
        %sub3A_931 = arith.constant 2 : i32
        %sub3A_932 = vector.broadcast %sub3A_931 : i32 to vector<16xi32>
        %sub3A_933 = arith.subi %iota3A, %sub3A_932 : vector<16xi32>
        %max3A_934 = arith.constant 0 : i32
        %max3A_935 = vector.broadcast %max3A_934 : i32 to vector<16xi32>
        %max3A_936 = arith.maxsi %sub3A_933, %max3A_935 : vector<16xi32>
        %reshape3A_937 = vector.shape_cast %max3A_936 : vector<16xi32> to vector<16x1xi32>
        %gather3A_938 = vector.shape_cast %reshape3A_937 : vector<16x1xi32> to vector<16xi32>
        %gather3A_939 = tpu.dynamic_gather %add3A_930[%gather3A_938] in [0] : vector<16xi32>, vector<16xi32> -> vector<16xi32>
        %ge3A_940 = arith.constant 2 : i32
        %ge3A_941 = vector.broadcast %ge3A_940 : i32 to vector<16xi32>
        %ge3A_942 = arith.cmpi sge, %iota3A, %ge3A_941 : vector<16xi32>
        %jit3A_943 = arith.constant 0 : i32
        %broadcast_in_dim3A_944 = vector.broadcast %jit3A_943 : i32 to vector<16xi32>
        %select_n3A_945 = arith.select %ge3A_942, %gather3A_939, %broadcast_in_dim3A_944 : vector<16xi1>, vector<16xi32>
        %add3A_946 = arith.addi %add3A_930, %select_n3A_945 : vector<16xi32>
        %sub3A_947 = arith.constant 4 : i32
        %sub3A_948 = vector.broadcast %sub3A_947 : i32 to vector<16xi32>
        %sub3A_949 = arith.subi %iota3A, %sub3A_948 : vector<16xi32>
        %max3A_950 = arith.constant 0 : i32
        %max3A_951 = vector.broadcast %max3A_950 : i32 to vector<16xi32>
        %max3A_952 = arith.maxsi %sub3A_949, %max3A_951 : vector<16xi32>
        %reshape3A_953 = vector.shape_cast %max3A_952 : vector<16xi32> to vector<16x1xi32>
        %gather3A_954 = vector.shape_cast %reshape3A_953 : vector<16x1xi32> to vector<16xi32>
        %gather3A_955 = tpu.dynamic_gather %add3A_946[%gather3A_954] in [0] : vector<16xi32>, vector<16xi32> -> vector<16xi32>
        %ge3A_956 = arith.constant 4 : i32
        %ge3A_957 = vector.broadcast %ge3A_956 : i32 to vector<16xi32>
        %ge3A_958 = arith.cmpi sge, %iota3A, %ge3A_957 : vector<16xi32>
        %jit3A_959 = arith.constant 0 : i32
        %broadcast_in_dim3A_960 = vector.broadcast %jit3A_959 : i32 to vector<16xi32>
        %select_n3A_961 = arith.select %ge3A_958, %gather3A_955, %broadcast_in_dim3A_960 : vector<16xi1>, vector<16xi32>
        %add3A_962 = arith.addi %add3A_946, %select_n3A_961 : vector<16xi32>
        %sub3A_963 = arith.constant 8 : i32
        %sub3A_964 = vector.broadcast %sub3A_963 : i32 to vector<16xi32>
        %sub3A_965 = arith.subi %iota3A, %sub3A_964 : vector<16xi32>
        %max3A_966 = arith.constant 0 : i32
        %max3A_967 = vector.broadcast %max3A_966 : i32 to vector<16xi32>
        %max3A_968 = arith.maxsi %sub3A_965, %max3A_967 : vector<16xi32>
        %reshape3A_969 = vector.shape_cast %max3A_968 : vector<16xi32> to vector<16x1xi32>
        %gather3A_970 = vector.shape_cast %reshape3A_969 : vector<16x1xi32> to vector<16xi32>
        %gather3A_971 = tpu.dynamic_gather %add3A_962[%gather3A_970] in [0] : vector<16xi32>, vector<16xi32> -> vector<16xi32>
        %ge3A_972 = arith.constant 8 : i32
        %ge3A_973 = vector.broadcast %ge3A_972 : i32 to vector<16xi32>
        %ge3A_974 = arith.cmpi sge, %iota3A, %ge3A_973 : vector<16xi32>
        %jit3A_975 = arith.constant 0 : i32
        %broadcast_in_dim3A_976 = vector.broadcast %jit3A_975 : i32 to vector<16xi32>
        %select_n3A_977 = arith.select %ge3A_974, %gather3A_971, %broadcast_in_dim3A_976 : vector<16xi1>, vector<16xi32>
        %add3A_978 = arith.addi %add3A_962, %select_n3A_977 : vector<16xi32>
        %broadcast_in_dim3A_979 = arith.constant 6 : i32
        %broadcast_in_dim3A_980 = vector.broadcast %broadcast_in_dim3A_979 : i32 to vector<16xi32>
        %reshape3A_981 = vector.shape_cast %broadcast_in_dim3A_980 : vector<16xi32> to vector<16x1xi32>
        %gather3A_982 = vector.shape_cast %reshape3A_981 : vector<16x1xi32> to vector<16xi32>
        %gather3A_983 = tpu.dynamic_gather %add3A_906[%gather3A_982] in [0] : vector<16xi32>, vector<16xi32> -> vector<16xi32>
        %add3A_984 = arith.addi %gather3A_983, %add3A_978 : vector<16xi32>
        %sub3A_985 = arith.subi %add3A_984, %select_n3A_914 : vector<16xi32>
        %select_n3A_986 = arith.select %eq3A_909, %sub3A_985, %select_n3A_894 : vector<16xi1>, vector<16xi32>
        %eq3A_987 = arith.constant 6 : i32
        %eq3A_988 = vector.broadcast %eq3A_987 : i32 to vector<16xi32>
        %eq3A_989 = arith.cmpi eq, %iota3A, %eq3A_988 : vector<16xi32>
        %broadcast_in_dim3A_990 = arith.constant 15 : i32
        %broadcast_in_dim3A_991 = vector.broadcast %broadcast_in_dim3A_990 : i32 to vector<16xi32>
        %reshape3A_992 = vector.shape_cast %broadcast_in_dim3A_991 : vector<16xi32> to vector<16x1xi32>
        %gather3A_993 = vector.shape_cast %reshape3A_992 : vector<16x1xi32> to vector<16xi32>
        %gather3A_994 = tpu.dynamic_gather %add3A_978[%gather3A_993] in [0] : vector<16xi32>, vector<16xi32> -> vector<16xi32>
        %jit3A_995 = arith.constant 0 : i32
        %broadcast_in_dim3A_996 = vector.broadcast %jit3A_995 : i32 to vector<16xi32>
        %select_n3A_997 = arith.select %eq3A_989, %gather3A_994, %broadcast_in_dim3A_996 : vector<16xi1>, vector<16xi32>
        %add3A_998 = arith.addi %add3A_906, %select_n3A_997 : vector<16xi32>
        %eq3A_999 = arith.constant 7 : i32
        %eq3A_1000 = vector.broadcast %eq3A_999 : i32 to vector<16xi32>
        %eq3A_1001 = arith.cmpi eq, %get3A_354, %eq3A_1000 : vector<16xi32>
        %jit3A_1002 = arith.constant 1 : i32
        %jit3A_1003 = arith.constant 0 : i32
        %broadcast_in_dim3A_1004 = vector.broadcast %jit3A_1002 : i32 to vector<16xi32>
        %broadcast_in_dim3A_1005 = vector.broadcast %jit3A_1003 : i32 to vector<16xi32>
        %select_n3A_1006 = arith.select %eq3A_1001, %broadcast_in_dim3A_1004, %broadcast_in_dim3A_1005 : vector<16xi1>, vector<16xi32>
        %sub3A_1007 = arith.constant 1 : i32
        %sub3A_1008 = vector.broadcast %sub3A_1007 : i32 to vector<16xi32>
        %sub3A_1009 = arith.subi %iota3A, %sub3A_1008 : vector<16xi32>
        %max3A_1010 = arith.constant 0 : i32
        %max3A_1011 = vector.broadcast %max3A_1010 : i32 to vector<16xi32>
        %max3A_1012 = arith.maxsi %sub3A_1009, %max3A_1011 : vector<16xi32>
        %reshape3A_1013 = vector.shape_cast %max3A_1012 : vector<16xi32> to vector<16x1xi32>
        %gather3A_1014 = vector.shape_cast %reshape3A_1013 : vector<16x1xi32> to vector<16xi32>
        %gather3A_1015 = tpu.dynamic_gather %select_n3A_1006[%gather3A_1014] in [0] : vector<16xi32>, vector<16xi32> -> vector<16xi32>
        %ge3A_1016 = arith.constant 1 : i32
        %ge3A_1017 = vector.broadcast %ge3A_1016 : i32 to vector<16xi32>
        %ge3A_1018 = arith.cmpi sge, %iota3A, %ge3A_1017 : vector<16xi32>
        %jit3A_1019 = arith.constant 0 : i32
        %broadcast_in_dim3A_1020 = vector.broadcast %jit3A_1019 : i32 to vector<16xi32>
        %select_n3A_1021 = arith.select %ge3A_1018, %gather3A_1015, %broadcast_in_dim3A_1020 : vector<16xi1>, vector<16xi32>
        %add3A_1022 = arith.addi %select_n3A_1006, %select_n3A_1021 : vector<16xi32>
        %sub3A_1023 = arith.constant 2 : i32
        %sub3A_1024 = vector.broadcast %sub3A_1023 : i32 to vector<16xi32>
        %sub3A_1025 = arith.subi %iota3A, %sub3A_1024 : vector<16xi32>
        %max3A_1026 = arith.constant 0 : i32
        %max3A_1027 = vector.broadcast %max3A_1026 : i32 to vector<16xi32>
        %max3A_1028 = arith.maxsi %sub3A_1025, %max3A_1027 : vector<16xi32>
        %reshape3A_1029 = vector.shape_cast %max3A_1028 : vector<16xi32> to vector<16x1xi32>
        %gather3A_1030 = vector.shape_cast %reshape3A_1029 : vector<16x1xi32> to vector<16xi32>
        %gather3A_1031 = tpu.dynamic_gather %add3A_1022[%gather3A_1030] in [0] : vector<16xi32>, vector<16xi32> -> vector<16xi32>
        %ge3A_1032 = arith.constant 2 : i32
        %ge3A_1033 = vector.broadcast %ge3A_1032 : i32 to vector<16xi32>
        %ge3A_1034 = arith.cmpi sge, %iota3A, %ge3A_1033 : vector<16xi32>
        %jit3A_1035 = arith.constant 0 : i32
        %broadcast_in_dim3A_1036 = vector.broadcast %jit3A_1035 : i32 to vector<16xi32>
        %select_n3A_1037 = arith.select %ge3A_1034, %gather3A_1031, %broadcast_in_dim3A_1036 : vector<16xi1>, vector<16xi32>
        %add3A_1038 = arith.addi %add3A_1022, %select_n3A_1037 : vector<16xi32>
        %sub3A_1039 = arith.constant 4 : i32
        %sub3A_1040 = vector.broadcast %sub3A_1039 : i32 to vector<16xi32>
        %sub3A_1041 = arith.subi %iota3A, %sub3A_1040 : vector<16xi32>
        %max3A_1042 = arith.constant 0 : i32
        %max3A_1043 = vector.broadcast %max3A_1042 : i32 to vector<16xi32>
        %max3A_1044 = arith.maxsi %sub3A_1041, %max3A_1043 : vector<16xi32>
        %reshape3A_1045 = vector.shape_cast %max3A_1044 : vector<16xi32> to vector<16x1xi32>
        %gather3A_1046 = vector.shape_cast %reshape3A_1045 : vector<16x1xi32> to vector<16xi32>
        %gather3A_1047 = tpu.dynamic_gather %add3A_1038[%gather3A_1046] in [0] : vector<16xi32>, vector<16xi32> -> vector<16xi32>
        %ge3A_1048 = arith.constant 4 : i32
        %ge3A_1049 = vector.broadcast %ge3A_1048 : i32 to vector<16xi32>
        %ge3A_1050 = arith.cmpi sge, %iota3A, %ge3A_1049 : vector<16xi32>
        %jit3A_1051 = arith.constant 0 : i32
        %broadcast_in_dim3A_1052 = vector.broadcast %jit3A_1051 : i32 to vector<16xi32>
        %select_n3A_1053 = arith.select %ge3A_1050, %gather3A_1047, %broadcast_in_dim3A_1052 : vector<16xi1>, vector<16xi32>
        %add3A_1054 = arith.addi %add3A_1038, %select_n3A_1053 : vector<16xi32>
        %sub3A_1055 = arith.constant 8 : i32
        %sub3A_1056 = vector.broadcast %sub3A_1055 : i32 to vector<16xi32>
        %sub3A_1057 = arith.subi %iota3A, %sub3A_1056 : vector<16xi32>
        %max3A_1058 = arith.constant 0 : i32
        %max3A_1059 = vector.broadcast %max3A_1058 : i32 to vector<16xi32>
        %max3A_1060 = arith.maxsi %sub3A_1057, %max3A_1059 : vector<16xi32>
        %reshape3A_1061 = vector.shape_cast %max3A_1060 : vector<16xi32> to vector<16x1xi32>
        %gather3A_1062 = vector.shape_cast %reshape3A_1061 : vector<16x1xi32> to vector<16xi32>
        %gather3A_1063 = tpu.dynamic_gather %add3A_1054[%gather3A_1062] in [0] : vector<16xi32>, vector<16xi32> -> vector<16xi32>
        %ge3A_1064 = arith.constant 8 : i32
        %ge3A_1065 = vector.broadcast %ge3A_1064 : i32 to vector<16xi32>
        %ge3A_1066 = arith.cmpi sge, %iota3A, %ge3A_1065 : vector<16xi32>
        %jit3A_1067 = arith.constant 0 : i32
        %broadcast_in_dim3A_1068 = vector.broadcast %jit3A_1067 : i32 to vector<16xi32>
        %select_n3A_1069 = arith.select %ge3A_1066, %gather3A_1063, %broadcast_in_dim3A_1068 : vector<16xi1>, vector<16xi32>
        %add3A_1070 = arith.addi %add3A_1054, %select_n3A_1069 : vector<16xi32>
        %broadcast_in_dim3A_1071 = arith.constant 7 : i32
        %broadcast_in_dim3A_1072 = vector.broadcast %broadcast_in_dim3A_1071 : i32 to vector<16xi32>
        %reshape3A_1073 = vector.shape_cast %broadcast_in_dim3A_1072 : vector<16xi32> to vector<16x1xi32>
        %gather3A_1074 = vector.shape_cast %reshape3A_1073 : vector<16x1xi32> to vector<16xi32>
        %gather3A_1075 = tpu.dynamic_gather %add3A_998[%gather3A_1074] in [0] : vector<16xi32>, vector<16xi32> -> vector<16xi32>
        %add3A_1076 = arith.addi %gather3A_1075, %add3A_1070 : vector<16xi32>
        %sub3A_1077 = arith.subi %add3A_1076, %select_n3A_1006 : vector<16xi32>
        %select_n3A_1078 = arith.select %eq3A_1001, %sub3A_1077, %select_n3A_986 : vector<16xi1>, vector<16xi32>
        %eq3A_1079 = arith.constant 7 : i32
        %eq3A_1080 = vector.broadcast %eq3A_1079 : i32 to vector<16xi32>
        %eq3A_1081 = arith.cmpi eq, %iota3A, %eq3A_1080 : vector<16xi32>
        %broadcast_in_dim3A_1082 = arith.constant 15 : i32
        %broadcast_in_dim3A_1083 = vector.broadcast %broadcast_in_dim3A_1082 : i32 to vector<16xi32>
        %reshape3A_1084 = vector.shape_cast %broadcast_in_dim3A_1083 : vector<16xi32> to vector<16x1xi32>
        %gather3A_1085 = vector.shape_cast %reshape3A_1084 : vector<16x1xi32> to vector<16xi32>
        %gather3A_1086 = tpu.dynamic_gather %add3A_1070[%gather3A_1085] in [0] : vector<16xi32>, vector<16xi32> -> vector<16xi32>
        %jit3A_1087 = arith.constant 0 : i32
        %broadcast_in_dim3A_1088 = vector.broadcast %jit3A_1087 : i32 to vector<16xi32>
        %select_n3A_1089 = arith.select %eq3A_1081, %gather3A_1086, %broadcast_in_dim3A_1088 : vector<16xi1>, vector<16xi32>
        %add3A_1090 = arith.addi %add3A_998, %select_n3A_1089 : vector<16xi32>
        %mul3A_1091 = arith.constant 16 : i32
        %mul3A_1092 = arith.muli %scan3A_346, %mul3A_1091 : i32
        %add3A_1093 = arith.constant 0 : i32
        %add3A_1094 = arith.addi %add3A_1093, %mul3A_1092 : i32
        %swap3A_1095 = arith.index_cast %add3A_1094 : i32 to index
        %swap3A_1096 = tpu.vector_load %arg11[%swap3A_1095] {strides = array<i32>} : memref<4096xi32, #tpu.memory_space<vmem>>, vector<16xi32>,
        %swap3A_1097 = vector.shape_cast %swap3A_1096 : vector<16xi32> to vector<16xi32>
        %swap3A_1098 = vector.shape_cast %select_n3A_1078 : vector<16xi32> to vector<16xi32>
        tpu.vector_store %arg11[%swap3A_1095], %swap3A_1098 {strides = array<i32>} : memref<4096xi32, #tpu.memory_space<vmem>>, vector<16xi32>,
        %mul3A_1099 = arith.constant 16 : i32
        %mul3A_1100 = arith.muli %scan3A_346, %mul3A_1099 : i32
        %get3A_1101 = arith.index_cast %mul3A_1100 : i32 to index
        %get3A_1102 = tpu.vector_load %arg10[%get3A_1101] {strides = array<i32>} : memref<2048xi32, #tpu.memory_space<vmem>>, vector<16xi32>,
        %get3A_1103 = vector.shape_cast %get3A_1102 : vector<16xi32> to vector<16xi32>
        %eq3A_1104 = arith.constant 0 : i32
        %eq3A_1105 = vector.broadcast %eq3A_1104 : i32 to vector<16xi32>
        %eq3A_1106 = arith.cmpi eq, %get3A_1103, %eq3A_1105 : vector<16xi32>
        %jit3A_1107 = arith.constant 1 : i32
        %jit3A_1108 = arith.constant 0 : i32
        %broadcast_in_dim3A_1109 = vector.broadcast %jit3A_1107 : i32 to vector<16xi32>
        %broadcast_in_dim3A_1110 = vector.broadcast %jit3A_1108 : i32 to vector<16xi32>
        %select_n3A_1111 = arith.select %eq3A_1106, %broadcast_in_dim3A_1109, %broadcast_in_dim3A_1110 : vector<16xi1>, vector<16xi32>
        %sub3A_1112 = arith.constant 1 : i32
        %sub3A_1113 = vector.broadcast %sub3A_1112 : i32 to vector<16xi32>
        %sub3A_1114 = arith.subi %iota3A, %sub3A_1113 : vector<16xi32>
        %max3A_1115 = arith.constant 0 : i32
        %max3A_1116 = vector.broadcast %max3A_1115 : i32 to vector<16xi32>
        %max3A_1117 = arith.maxsi %sub3A_1114, %max3A_1116 : vector<16xi32>
        %reshape3A_1118 = vector.shape_cast %max3A_1117 : vector<16xi32> to vector<16x1xi32>
        %gather3A_1119 = vector.shape_cast %reshape3A_1118 : vector<16x1xi32> to vector<16xi32>
        %gather3A_1120 = tpu.dynamic_gather %select_n3A_1111[%gather3A_1119] in [0] : vector<16xi32>, vector<16xi32> -> vector<16xi32>
        %ge3A_1121 = arith.constant 1 : i32
        %ge3A_1122 = vector.broadcast %ge3A_1121 : i32 to vector<16xi32>
        %ge3A_1123 = arith.cmpi sge, %iota3A, %ge3A_1122 : vector<16xi32>
        %jit3A_1124 = arith.constant 0 : i32
        %broadcast_in_dim3A_1125 = vector.broadcast %jit3A_1124 : i32 to vector<16xi32>
        %select_n3A_1126 = arith.select %ge3A_1123, %gather3A_1120, %broadcast_in_dim3A_1125 : vector<16xi1>, vector<16xi32>
        %add3A_1127 = arith.addi %select_n3A_1111, %select_n3A_1126 : vector<16xi32>
        %sub3A_1128 = arith.constant 2 : i32
        %sub3A_1129 = vector.broadcast %sub3A_1128 : i32 to vector<16xi32>
        %sub3A_1130 = arith.subi %iota3A, %sub3A_1129 : vector<16xi32>
        %max3A_1131 = arith.constant 0 : i32
        %max3A_1132 = vector.broadcast %max3A_1131 : i32 to vector<16xi32>
        %max3A_1133 = arith.maxsi %sub3A_1130, %max3A_1132 : vector<16xi32>
        %reshape3A_1134 = vector.shape_cast %max3A_1133 : vector<16xi32> to vector<16x1xi32>
        %gather3A_1135 = vector.shape_cast %reshape3A_1134 : vector<16x1xi32> to vector<16xi32>
        %gather3A_1136 = tpu.dynamic_gather %add3A_1127[%gather3A_1135] in [0] : vector<16xi32>, vector<16xi32> -> vector<16xi32>
        %ge3A_1137 = arith.constant 2 : i32
        %ge3A_1138 = vector.broadcast %ge3A_1137 : i32 to vector<16xi32>
        %ge3A_1139 = arith.cmpi sge, %iota3A, %ge3A_1138 : vector<16xi32>
        %jit3A_1140 = arith.constant 0 : i32
        %broadcast_in_dim3A_1141 = vector.broadcast %jit3A_1140 : i32 to vector<16xi32>
        %select_n3A_1142 = arith.select %ge3A_1139, %gather3A_1136, %broadcast_in_dim3A_1141 : vector<16xi1>, vector<16xi32>
        %add3A_1143 = arith.addi %add3A_1127, %select_n3A_1142 : vector<16xi32>
        %sub3A_1144 = arith.constant 4 : i32
        %sub3A_1145 = vector.broadcast %sub3A_1144 : i32 to vector<16xi32>
        %sub3A_1146 = arith.subi %iota3A, %sub3A_1145 : vector<16xi32>
        %max3A_1147 = arith.constant 0 : i32
        %max3A_1148 = vector.broadcast %max3A_1147 : i32 to vector<16xi32>
        %max3A_1149 = arith.maxsi %sub3A_1146, %max3A_1148 : vector<16xi32>
        %reshape3A_1150 = vector.shape_cast %max3A_1149 : vector<16xi32> to vector<16x1xi32>
        %gather3A_1151 = vector.shape_cast %reshape3A_1150 : vector<16x1xi32> to vector<16xi32>
        %gather3A_1152 = tpu.dynamic_gather %add3A_1143[%gather3A_1151] in [0] : vector<16xi32>, vector<16xi32> -> vector<16xi32>
        %ge3A_1153 = arith.constant 4 : i32
        %ge3A_1154 = vector.broadcast %ge3A_1153 : i32 to vector<16xi32>
        %ge3A_1155 = arith.cmpi sge, %iota3A, %ge3A_1154 : vector<16xi32>
        %jit3A_1156 = arith.constant 0 : i32
        %broadcast_in_dim3A_1157 = vector.broadcast %jit3A_1156 : i32 to vector<16xi32>
        %select_n3A_1158 = arith.select %ge3A_1155, %gather3A_1152, %broadcast_in_dim3A_1157 : vector<16xi1>, vector<16xi32>
        %add3A_1159 = arith.addi %add3A_1143, %select_n3A_1158 : vector<16xi32>
        %sub3A_1160 = arith.constant 8 : i32
        %sub3A_1161 = vector.broadcast %sub3A_1160 : i32 to vector<16xi32>
        %sub3A_1162 = arith.subi %iota3A, %sub3A_1161 : vector<16xi32>
        %max3A_1163 = arith.constant 0 : i32
        %max3A_1164 = vector.broadcast %max3A_1163 : i32 to vector<16xi32>
        %max3A_1165 = arith.maxsi %sub3A_1162, %max3A_1164 : vector<16xi32>
        %reshape3A_1166 = vector.shape_cast %max3A_1165 : vector<16xi32> to vector<16x1xi32>
        %gather3A_1167 = vector.shape_cast %reshape3A_1166 : vector<16x1xi32> to vector<16xi32>
        %gather3A_1168 = tpu.dynamic_gather %add3A_1159[%gather3A_1167] in [0] : vector<16xi32>, vector<16xi32> -> vector<16xi32>
        %ge3A_1169 = arith.constant 8 : i32
        %ge3A_1170 = vector.broadcast %ge3A_1169 : i32 to vector<16xi32>
        %ge3A_1171 = arith.cmpi sge, %iota3A, %ge3A_1170 : vector<16xi32>
        %jit3A_1172 = arith.constant 0 : i32
        %broadcast_in_dim3A_1173 = vector.broadcast %jit3A_1172 : i32 to vector<16xi32>
        %select_n3A_1174 = arith.select %ge3A_1171, %gather3A_1168, %broadcast_in_dim3A_1173 : vector<16xi1>, vector<16xi32>
        %add3A_1175 = arith.addi %add3A_1159, %select_n3A_1174 : vector<16xi32>
        %broadcast_in_dim3A_1176 = arith.constant 0 : i32
        %broadcast_in_dim3A_1177 = vector.broadcast %broadcast_in_dim3A_1176 : i32 to vector<16xi32>
        %reshape3A_1178 = vector.shape_cast %broadcast_in_dim3A_1177 : vector<16xi32> to vector<16x1xi32>
        %gather3A_1179 = vector.shape_cast %reshape3A_1178 : vector<16x1xi32> to vector<16xi32>
        %gather3A_1180 = tpu.dynamic_gather %add3A_1090[%gather3A_1179] in [0] : vector<16xi32>, vector<16xi32> -> vector<16xi32>
        %add3A_1181 = arith.addi %gather3A_1180, %add3A_1175 : vector<16xi32>
        %sub3A_1182 = arith.subi %add3A_1181, %select_n3A_1111 : vector<16xi32>
        %select_n3A_1183 = arith.select %eq3A_1106, %sub3A_1182, %broadcast_in_dim3A_34 : vector<16xi1>, vector<16xi32>
        %eq3A_1184 = arith.constant 0 : i32
        %eq3A_1185 = vector.broadcast %eq3A_1184 : i32 to vector<16xi32>
        %eq3A_1186 = arith.cmpi eq, %iota3A, %eq3A_1185 : vector<16xi32>
        %broadcast_in_dim3A_1187 = arith.constant 15 : i32
        %broadcast_in_dim3A_1188 = vector.broadcast %broadcast_in_dim3A_1187 : i32 to vector<16xi32>
        %reshape3A_1189 = vector.shape_cast %broadcast_in_dim3A_1188 : vector<16xi32> to vector<16x1xi32>
        %gather3A_1190 = vector.shape_cast %reshape3A_1189 : vector<16x1xi32> to vector<16xi32>
        %gather3A_1191 = tpu.dynamic_gather %add3A_1175[%gather3A_1190] in [0] : vector<16xi32>, vector<16xi32> -> vector<16xi32>
        %jit3A_1192 = arith.constant 0 : i32
        %broadcast_in_dim3A_1193 = vector.broadcast %jit3A_1192 : i32 to vector<16xi32>
        %select_n3A_1194 = arith.select %eq3A_1186, %gather3A_1191, %broadcast_in_dim3A_1193 : vector<16xi1>, vector<16xi32>
        %add3A_1195 = arith.addi %add3A_1090, %select_n3A_1194 : vector<16xi32>
        %eq3A_1196 = arith.constant 1 : i32
        %eq3A_1197 = vector.broadcast %eq3A_1196 : i32 to vector<16xi32>
        %eq3A_1198 = arith.cmpi eq, %get3A_1103, %eq3A_1197 : vector<16xi32>
        %jit3A_1199 = arith.constant 1 : i32
        %jit3A_1200 = arith.constant 0 : i32
        %broadcast_in_dim3A_1201 = vector.broadcast %jit3A_1199 : i32 to vector<16xi32>
        %broadcast_in_dim3A_1202 = vector.broadcast %jit3A_1200 : i32 to vector<16xi32>
        %select_n3A_1203 = arith.select %eq3A_1198, %broadcast_in_dim3A_1201, %broadcast_in_dim3A_1202 : vector<16xi1>, vector<16xi32>
        %sub3A_1204 = arith.constant 1 : i32
        %sub3A_1205 = vector.broadcast %sub3A_1204 : i32 to vector<16xi32>
        %sub3A_1206 = arith.subi %iota3A, %sub3A_1205 : vector<16xi32>
        %max3A_1207 = arith.constant 0 : i32
        %max3A_1208 = vector.broadcast %max3A_1207 : i32 to vector<16xi32>
        %max3A_1209 = arith.maxsi %sub3A_1206, %max3A_1208 : vector<16xi32>
        %reshape3A_1210 = vector.shape_cast %max3A_1209 : vector<16xi32> to vector<16x1xi32>
        %gather3A_1211 = vector.shape_cast %reshape3A_1210 : vector<16x1xi32> to vector<16xi32>
        %gather3A_1212 = tpu.dynamic_gather %select_n3A_1203[%gather3A_1211] in [0] : vector<16xi32>, vector<16xi32> -> vector<16xi32>
        %ge3A_1213 = arith.constant 1 : i32
        %ge3A_1214 = vector.broadcast %ge3A_1213 : i32 to vector<16xi32>
        %ge3A_1215 = arith.cmpi sge, %iota3A, %ge3A_1214 : vector<16xi32>
        %jit3A_1216 = arith.constant 0 : i32
        %broadcast_in_dim3A_1217 = vector.broadcast %jit3A_1216 : i32 to vector<16xi32>
        %select_n3A_1218 = arith.select %ge3A_1215, %gather3A_1212, %broadcast_in_dim3A_1217 : vector<16xi1>, vector<16xi32>
        %add3A_1219 = arith.addi %select_n3A_1203, %select_n3A_1218 : vector<16xi32>
        %sub3A_1220 = arith.constant 2 : i32
        %sub3A_1221 = vector.broadcast %sub3A_1220 : i32 to vector<16xi32>
        %sub3A_1222 = arith.subi %iota3A, %sub3A_1221 : vector<16xi32>
        %max3A_1223 = arith.constant 0 : i32
        %max3A_1224 = vector.broadcast %max3A_1223 : i32 to vector<16xi32>
        %max3A_1225 = arith.maxsi %sub3A_1222, %max3A_1224 : vector<16xi32>
        %reshape3A_1226 = vector.shape_cast %max3A_1225 : vector<16xi32> to vector<16x1xi32>
        %gather3A_1227 = vector.shape_cast %reshape3A_1226 : vector<16x1xi32> to vector<16xi32>
        %gather3A_1228 = tpu.dynamic_gather %add3A_1219[%gather3A_1227] in [0] : vector<16xi32>, vector<16xi32> -> vector<16xi32>
        %ge3A_1229 = arith.constant 2 : i32
        %ge3A_1230 = vector.broadcast %ge3A_1229 : i32 to vector<16xi32>
        %ge3A_1231 = arith.cmpi sge, %iota3A, %ge3A_1230 : vector<16xi32>
        %jit3A_1232 = arith.constant 0 : i32
        %broadcast_in_dim3A_1233 = vector.broadcast %jit3A_1232 : i32 to vector<16xi32>
        %select_n3A_1234 = arith.select %ge3A_1231, %gather3A_1228, %broadcast_in_dim3A_1233 : vector<16xi1>, vector<16xi32>
        %add3A_1235 = arith.addi %add3A_1219, %select_n3A_1234 : vector<16xi32>
        %sub3A_1236 = arith.constant 4 : i32
        %sub3A_1237 = vector.broadcast %sub3A_1236 : i32 to vector<16xi32>
        %sub3A_1238 = arith.subi %iota3A, %sub3A_1237 : vector<16xi32>
        %max3A_1239 = arith.constant 0 : i32
        %max3A_1240 = vector.broadcast %max3A_1239 : i32 to vector<16xi32>
        %max3A_1241 = arith.maxsi %sub3A_1238, %max3A_1240 : vector<16xi32>
        %reshape3A_1242 = vector.shape_cast %max3A_1241 : vector<16xi32> to vector<16x1xi32>
        %gather3A_1243 = vector.shape_cast %reshape3A_1242 : vector<16x1xi32> to vector<16xi32>
        %gather3A_1244 = tpu.dynamic_gather %add3A_1235[%gather3A_1243] in [0] : vector<16xi32>, vector<16xi32> -> vector<16xi32>
        %ge3A_1245 = arith.constant 4 : i32
        %ge3A_1246 = vector.broadcast %ge3A_1245 : i32 to vector<16xi32>
        %ge3A_1247 = arith.cmpi sge, %iota3A, %ge3A_1246 : vector<16xi32>
        %jit3A_1248 = arith.constant 0 : i32
        %broadcast_in_dim3A_1249 = vector.broadcast %jit3A_1248 : i32 to vector<16xi32>
        %select_n3A_1250 = arith.select %ge3A_1247, %gather3A_1244, %broadcast_in_dim3A_1249 : vector<16xi1>, vector<16xi32>
        %add3A_1251 = arith.addi %add3A_1235, %select_n3A_1250 : vector<16xi32>
        %sub3A_1252 = arith.constant 8 : i32
        %sub3A_1253 = vector.broadcast %sub3A_1252 : i32 to vector<16xi32>
        %sub3A_1254 = arith.subi %iota3A, %sub3A_1253 : vector<16xi32>
        %max3A_1255 = arith.constant 0 : i32
        %max3A_1256 = vector.broadcast %max3A_1255 : i32 to vector<16xi32>
        %max3A_1257 = arith.maxsi %sub3A_1254, %max3A_1256 : vector<16xi32>
        %reshape3A_1258 = vector.shape_cast %max3A_1257 : vector<16xi32> to vector<16x1xi32>
        %gather3A_1259 = vector.shape_cast %reshape3A_1258 : vector<16x1xi32> to vector<16xi32>
        %gather3A_1260 = tpu.dynamic_gather %add3A_1251[%gather3A_1259] in [0] : vector<16xi32>, vector<16xi32> -> vector<16xi32>
        %ge3A_1261 = arith.constant 8 : i32
        %ge3A_1262 = vector.broadcast %ge3A_1261 : i32 to vector<16xi32>
        %ge3A_1263 = arith.cmpi sge, %iota3A, %ge3A_1262 : vector<16xi32>
        %jit3A_1264 = arith.constant 0 : i32
        %broadcast_in_dim3A_1265 = vector.broadcast %jit3A_1264 : i32 to vector<16xi32>
        %select_n3A_1266 = arith.select %ge3A_1263, %gather3A_1260, %broadcast_in_dim3A_1265 : vector<16xi1>, vector<16xi32>
        %add3A_1267 = arith.addi %add3A_1251, %select_n3A_1266 : vector<16xi32>
        %broadcast_in_dim3A_1268 = arith.constant 1 : i32
        %broadcast_in_dim3A_1269 = vector.broadcast %broadcast_in_dim3A_1268 : i32 to vector<16xi32>
        %reshape3A_1270 = vector.shape_cast %broadcast_in_dim3A_1269 : vector<16xi32> to vector<16x1xi32>
        %gather3A_1271 = vector.shape_cast %reshape3A_1270 : vector<16x1xi32> to vector<16xi32>
        %gather3A_1272 = tpu.dynamic_gather %add3A_1195[%gather3A_1271] in [0] : vector<16xi32>, vector<16xi32> -> vector<16xi32>
        %add3A_1273 = arith.addi %gather3A_1272, %add3A_1267 : vector<16xi32>
        %sub3A_1274 = arith.subi %add3A_1273, %select_n3A_1203 : vector<16xi32>
        %select_n3A_1275 = arith.select %eq3A_1198, %sub3A_1274, %select_n3A_1183 : vector<16xi1>, vector<16xi32>
        %eq3A_1276 = arith.constant 1 : i32
        %eq3A_1277 = vector.broadcast %eq3A_1276 : i32 to vector<16xi32>
        %eq3A_1278 = arith.cmpi eq, %iota3A, %eq3A_1277 : vector<16xi32>
        %broadcast_in_dim3A_1279 = arith.constant 15 : i32
        %broadcast_in_dim3A_1280 = vector.broadcast %broadcast_in_dim3A_1279 : i32 to vector<16xi32>
        %reshape3A_1281 = vector.shape_cast %broadcast_in_dim3A_1280 : vector<16xi32> to vector<16x1xi32>
        %gather3A_1282 = vector.shape_cast %reshape3A_1281 : vector<16x1xi32> to vector<16xi32>
        %gather3A_1283 = tpu.dynamic_gather %add3A_1267[%gather3A_1282] in [0] : vector<16xi32>, vector<16xi32> -> vector<16xi32>
        %jit3A_1284 = arith.constant 0 : i32
        %broadcast_in_dim3A_1285 = vector.broadcast %jit3A_1284 : i32 to vector<16xi32>
        %select_n3A_1286 = arith.select %eq3A_1278, %gather3A_1283, %broadcast_in_dim3A_1285 : vector<16xi1>, vector<16xi32>
        %add3A_1287 = arith.addi %add3A_1195, %select_n3A_1286 : vector<16xi32>
        %eq3A_1288 = arith.constant 2 : i32
        %eq3A_1289 = vector.broadcast %eq3A_1288 : i32 to vector<16xi32>
        %eq3A_1290 = arith.cmpi eq, %get3A_1103, %eq3A_1289 : vector<16xi32>
        %jit3A_1291 = arith.constant 1 : i32
        %jit3A_1292 = arith.constant 0 : i32
        %broadcast_in_dim3A_1293 = vector.broadcast %jit3A_1291 : i32 to vector<16xi32>
        %broadcast_in_dim3A_1294 = vector.broadcast %jit3A_1292 : i32 to vector<16xi32>
        %select_n3A_1295 = arith.select %eq3A_1290, %broadcast_in_dim3A_1293, %broadcast_in_dim3A_1294 : vector<16xi1>, vector<16xi32>
        %sub3A_1296 = arith.constant 1 : i32
        %sub3A_1297 = vector.broadcast %sub3A_1296 : i32 to vector<16xi32>
        %sub3A_1298 = arith.subi %iota3A, %sub3A_1297 : vector<16xi32>
        %max3A_1299 = arith.constant 0 : i32
        %max3A_1300 = vector.broadcast %max3A_1299 : i32 to vector<16xi32>
        %max3A_1301 = arith.maxsi %sub3A_1298, %max3A_1300 : vector<16xi32>
        %reshape3A_1302 = vector.shape_cast %max3A_1301 : vector<16xi32> to vector<16x1xi32>
        %gather3A_1303 = vector.shape_cast %reshape3A_1302 : vector<16x1xi32> to vector<16xi32>
        %gather3A_1304 = tpu.dynamic_gather %select_n3A_1295[%gather3A_1303] in [0] : vector<16xi32>, vector<16xi32> -> vector<16xi32>
        %ge3A_1305 = arith.constant 1 : i32
        %ge3A_1306 = vector.broadcast %ge3A_1305 : i32 to vector<16xi32>
        %ge3A_1307 = arith.cmpi sge, %iota3A, %ge3A_1306 : vector<16xi32>
        %jit3A_1308 = arith.constant 0 : i32
        %broadcast_in_dim3A_1309 = vector.broadcast %jit3A_1308 : i32 to vector<16xi32>
        %select_n3A_1310 = arith.select %ge3A_1307, %gather3A_1304, %broadcast_in_dim3A_1309 : vector<16xi1>, vector<16xi32>
        %add3A_1311 = arith.addi %select_n3A_1295, %select_n3A_1310 : vector<16xi32>
        %sub3A_1312 = arith.constant 2 : i32
        %sub3A_1313 = vector.broadcast %sub3A_1312 : i32 to vector<16xi32>
        %sub3A_1314 = arith.subi %iota3A, %sub3A_1313 : vector<16xi32>
        %max3A_1315 = arith.constant 0 : i32
        %max3A_1316 = vector.broadcast %max3A_1315 : i32 to vector<16xi32>
        %max3A_1317 = arith.maxsi %sub3A_1314, %max3A_1316 : vector<16xi32>
        %reshape3A_1318 = vector.shape_cast %max3A_1317 : vector<16xi32> to vector<16x1xi32>
        %gather3A_1319 = vector.shape_cast %reshape3A_1318 : vector<16x1xi32> to vector<16xi32>
        %gather3A_1320 = tpu.dynamic_gather %add3A_1311[%gather3A_1319] in [0] : vector<16xi32>, vector<16xi32> -> vector<16xi32>
        %ge3A_1321 = arith.constant 2 : i32
        %ge3A_1322 = vector.broadcast %ge3A_1321 : i32 to vector<16xi32>
        %ge3A_1323 = arith.cmpi sge, %iota3A, %ge3A_1322 : vector<16xi32>
        %jit3A_1324 = arith.constant 0 : i32
        %broadcast_in_dim3A_1325 = vector.broadcast %jit3A_1324 : i32 to vector<16xi32>
        %select_n3A_1326 = arith.select %ge3A_1323, %gather3A_1320, %broadcast_in_dim3A_1325 : vector<16xi1>, vector<16xi32>
        %add3A_1327 = arith.addi %add3A_1311, %select_n3A_1326 : vector<16xi32>
        %sub3A_1328 = arith.constant 4 : i32
        %sub3A_1329 = vector.broadcast %sub3A_1328 : i32 to vector<16xi32>
        %sub3A_1330 = arith.subi %iota3A, %sub3A_1329 : vector<16xi32>
        %max3A_1331 = arith.constant 0 : i32
        %max3A_1332 = vector.broadcast %max3A_1331 : i32 to vector<16xi32>
        %max3A_1333 = arith.maxsi %sub3A_1330, %max3A_1332 : vector<16xi32>
        %reshape3A_1334 = vector.shape_cast %max3A_1333 : vector<16xi32> to vector<16x1xi32>
        %gather3A_1335 = vector.shape_cast %reshape3A_1334 : vector<16x1xi32> to vector<16xi32>
        %gather3A_1336 = tpu.dynamic_gather %add3A_1327[%gather3A_1335] in [0] : vector<16xi32>, vector<16xi32> -> vector<16xi32>
        %ge3A_1337 = arith.constant 4 : i32
        %ge3A_1338 = vector.broadcast %ge3A_1337 : i32 to vector<16xi32>
        %ge3A_1339 = arith.cmpi sge, %iota3A, %ge3A_1338 : vector<16xi32>
        %jit3A_1340 = arith.constant 0 : i32
        %broadcast_in_dim3A_1341 = vector.broadcast %jit3A_1340 : i32 to vector<16xi32>
        %select_n3A_1342 = arith.select %ge3A_1339, %gather3A_1336, %broadcast_in_dim3A_1341 : vector<16xi1>, vector<16xi32>
        %add3A_1343 = arith.addi %add3A_1327, %select_n3A_1342 : vector<16xi32>
        %sub3A_1344 = arith.constant 8 : i32
        %sub3A_1345 = vector.broadcast %sub3A_1344 : i32 to vector<16xi32>
        %sub3A_1346 = arith.subi %iota3A, %sub3A_1345 : vector<16xi32>
        %max3A_1347 = arith.constant 0 : i32
        %max3A_1348 = vector.broadcast %max3A_1347 : i32 to vector<16xi32>
        %max3A_1349 = arith.maxsi %sub3A_1346, %max3A_1348 : vector<16xi32>
        %reshape3A_1350 = vector.shape_cast %max3A_1349 : vector<16xi32> to vector<16x1xi32>
        %gather3A_1351 = vector.shape_cast %reshape3A_1350 : vector<16x1xi32> to vector<16xi32>
        %gather3A_1352 = tpu.dynamic_gather %add3A_1343[%gather3A_1351] in [0] : vector<16xi32>, vector<16xi32> -> vector<16xi32>
        %ge3A_1353 = arith.constant 8 : i32
        %ge3A_1354 = vector.broadcast %ge3A_1353 : i32 to vector<16xi32>
        %ge3A_1355 = arith.cmpi sge, %iota3A, %ge3A_1354 : vector<16xi32>
        %jit3A_1356 = arith.constant 0 : i32
        %broadcast_in_dim3A_1357 = vector.broadcast %jit3A_1356 : i32 to vector<16xi32>
        %select_n3A_1358 = arith.select %ge3A_1355, %gather3A_1352, %broadcast_in_dim3A_1357 : vector<16xi1>, vector<16xi32>
        %add3A_1359 = arith.addi %add3A_1343, %select_n3A_1358 : vector<16xi32>
        %broadcast_in_dim3A_1360 = arith.constant 2 : i32
        %broadcast_in_dim3A_1361 = vector.broadcast %broadcast_in_dim3A_1360 : i32 to vector<16xi32>
        %reshape3A_1362 = vector.shape_cast %broadcast_in_dim3A_1361 : vector<16xi32> to vector<16x1xi32>
        %gather3A_1363 = vector.shape_cast %reshape3A_1362 : vector<16x1xi32> to vector<16xi32>
        %gather3A_1364 = tpu.dynamic_gather %add3A_1287[%gather3A_1363] in [0] : vector<16xi32>, vector<16xi32> -> vector<16xi32>
        %add3A_1365 = arith.addi %gather3A_1364, %add3A_1359 : vector<16xi32>
        %sub3A_1366 = arith.subi %add3A_1365, %select_n3A_1295 : vector<16xi32>
        %select_n3A_1367 = arith.select %eq3A_1290, %sub3A_1366, %select_n3A_1275 : vector<16xi1>, vector<16xi32>
        %eq3A_1368 = arith.constant 2 : i32
        %eq3A_1369 = vector.broadcast %eq3A_1368 : i32 to vector<16xi32>
        %eq3A_1370 = arith.cmpi eq, %iota3A, %eq3A_1369 : vector<16xi32>
        %broadcast_in_dim3A_1371 = arith.constant 15 : i32
        %broadcast_in_dim3A_1372 = vector.broadcast %broadcast_in_dim3A_1371 : i32 to vector<16xi32>
        %reshape3A_1373 = vector.shape_cast %broadcast_in_dim3A_1372 : vector<16xi32> to vector<16x1xi32>
        %gather3A_1374 = vector.shape_cast %reshape3A_1373 : vector<16x1xi32> to vector<16xi32>
        %gather3A_1375 = tpu.dynamic_gather %add3A_1359[%gather3A_1374] in [0] : vector<16xi32>, vector<16xi32> -> vector<16xi32>
        %jit3A_1376 = arith.constant 0 : i32
        %broadcast_in_dim3A_1377 = vector.broadcast %jit3A_1376 : i32 to vector<16xi32>
        %select_n3A_1378 = arith.select %eq3A_1370, %gather3A_1375, %broadcast_in_dim3A_1377 : vector<16xi1>, vector<16xi32>
        %add3A_1379 = arith.addi %add3A_1287, %select_n3A_1378 : vector<16xi32>
        %eq3A_1380 = arith.constant 3 : i32
        %eq3A_1381 = vector.broadcast %eq3A_1380 : i32 to vector<16xi32>
        %eq3A_1382 = arith.cmpi eq, %get3A_1103, %eq3A_1381 : vector<16xi32>
        %jit3A_1383 = arith.constant 1 : i32
        %jit3A_1384 = arith.constant 0 : i32
        %broadcast_in_dim3A_1385 = vector.broadcast %jit3A_1383 : i32 to vector<16xi32>
        %broadcast_in_dim3A_1386 = vector.broadcast %jit3A_1384 : i32 to vector<16xi32>
        %select_n3A_1387 = arith.select %eq3A_1382, %broadcast_in_dim3A_1385, %broadcast_in_dim3A_1386 : vector<16xi1>, vector<16xi32>
        %sub3A_1388 = arith.constant 1 : i32
        %sub3A_1389 = vector.broadcast %sub3A_1388 : i32 to vector<16xi32>
        %sub3A_1390 = arith.subi %iota3A, %sub3A_1389 : vector<16xi32>
        %max3A_1391 = arith.constant 0 : i32
        %max3A_1392 = vector.broadcast %max3A_1391 : i32 to vector<16xi32>
        %max3A_1393 = arith.maxsi %sub3A_1390, %max3A_1392 : vector<16xi32>
        %reshape3A_1394 = vector.shape_cast %max3A_1393 : vector<16xi32> to vector<16x1xi32>
        %gather3A_1395 = vector.shape_cast %reshape3A_1394 : vector<16x1xi32> to vector<16xi32>
        %gather3A_1396 = tpu.dynamic_gather %select_n3A_1387[%gather3A_1395] in [0] : vector<16xi32>, vector<16xi32> -> vector<16xi32>
        %ge3A_1397 = arith.constant 1 : i32
        %ge3A_1398 = vector.broadcast %ge3A_1397 : i32 to vector<16xi32>
        %ge3A_1399 = arith.cmpi sge, %iota3A, %ge3A_1398 : vector<16xi32>
        %jit3A_1400 = arith.constant 0 : i32
        %broadcast_in_dim3A_1401 = vector.broadcast %jit3A_1400 : i32 to vector<16xi32>
        %select_n3A_1402 = arith.select %ge3A_1399, %gather3A_1396, %broadcast_in_dim3A_1401 : vector<16xi1>, vector<16xi32>
        %add3A_1403 = arith.addi %select_n3A_1387, %select_n3A_1402 : vector<16xi32>
        %sub3A_1404 = arith.constant 2 : i32
        %sub3A_1405 = vector.broadcast %sub3A_1404 : i32 to vector<16xi32>
        %sub3A_1406 = arith.subi %iota3A, %sub3A_1405 : vector<16xi32>
        %max3A_1407 = arith.constant 0 : i32
        %max3A_1408 = vector.broadcast %max3A_1407 : i32 to vector<16xi32>
        %max3A_1409 = arith.maxsi %sub3A_1406, %max3A_1408 : vector<16xi32>
        %reshape3A_1410 = vector.shape_cast %max3A_1409 : vector<16xi32> to vector<16x1xi32>
        %gather3A_1411 = vector.shape_cast %reshape3A_1410 : vector<16x1xi32> to vector<16xi32>
        %gather3A_1412 = tpu.dynamic_gather %add3A_1403[%gather3A_1411] in [0] : vector<16xi32>, vector<16xi32> -> vector<16xi32>
        %ge3A_1413 = arith.constant 2 : i32
        %ge3A_1414 = vector.broadcast %ge3A_1413 : i32 to vector<16xi32>
        %ge3A_1415 = arith.cmpi sge, %iota3A, %ge3A_1414 : vector<16xi32>
        %jit3A_1416 = arith.constant 0 : i32
        %broadcast_in_dim3A_1417 = vector.broadcast %jit3A_1416 : i32 to vector<16xi32>
        %select_n3A_1418 = arith.select %ge3A_1415, %gather3A_1412, %broadcast_in_dim3A_1417 : vector<16xi1>, vector<16xi32>
        %add3A_1419 = arith.addi %add3A_1403, %select_n3A_1418 : vector<16xi32>
        %sub3A_1420 = arith.constant 4 : i32
        %sub3A_1421 = vector.broadcast %sub3A_1420 : i32 to vector<16xi32>
        %sub3A_1422 = arith.subi %iota3A, %sub3A_1421 : vector<16xi32>
        %max3A_1423 = arith.constant 0 : i32
        %max3A_1424 = vector.broadcast %max3A_1423 : i32 to vector<16xi32>
        %max3A_1425 = arith.maxsi %sub3A_1422, %max3A_1424 : vector<16xi32>
        %reshape3A_1426 = vector.shape_cast %max3A_1425 : vector<16xi32> to vector<16x1xi32>
        %gather3A_1427 = vector.shape_cast %reshape3A_1426 : vector<16x1xi32> to vector<16xi32>
        %gather3A_1428 = tpu.dynamic_gather %add3A_1419[%gather3A_1427] in [0] : vector<16xi32>, vector<16xi32> -> vector<16xi32>
        %ge3A_1429 = arith.constant 4 : i32
        %ge3A_1430 = vector.broadcast %ge3A_1429 : i32 to vector<16xi32>
        %ge3A_1431 = arith.cmpi sge, %iota3A, %ge3A_1430 : vector<16xi32>
        %jit3A_1432 = arith.constant 0 : i32
        %broadcast_in_dim3A_1433 = vector.broadcast %jit3A_1432 : i32 to vector<16xi32>
        %select_n3A_1434 = arith.select %ge3A_1431, %gather3A_1428, %broadcast_in_dim3A_1433 : vector<16xi1>, vector<16xi32>
        %add3A_1435 = arith.addi %add3A_1419, %select_n3A_1434 : vector<16xi32>
        %sub3A_1436 = arith.constant 8 : i32
        %sub3A_1437 = vector.broadcast %sub3A_1436 : i32 to vector<16xi32>
        %sub3A_1438 = arith.subi %iota3A, %sub3A_1437 : vector<16xi32>
        %max3A_1439 = arith.constant 0 : i32
        %max3A_1440 = vector.broadcast %max3A_1439 : i32 to vector<16xi32>
        %max3A_1441 = arith.maxsi %sub3A_1438, %max3A_1440 : vector<16xi32>
        %reshape3A_1442 = vector.shape_cast %max3A_1441 : vector<16xi32> to vector<16x1xi32>
        %gather3A_1443 = vector.shape_cast %reshape3A_1442 : vector<16x1xi32> to vector<16xi32>
        %gather3A_1444 = tpu.dynamic_gather %add3A_1435[%gather3A_1443] in [0] : vector<16xi32>, vector<16xi32> -> vector<16xi32>
        %ge3A_1445 = arith.constant 8 : i32
        %ge3A_1446 = vector.broadcast %ge3A_1445 : i32 to vector<16xi32>
        %ge3A_1447 = arith.cmpi sge, %iota3A, %ge3A_1446 : vector<16xi32>
        %jit3A_1448 = arith.constant 0 : i32
        %broadcast_in_dim3A_1449 = vector.broadcast %jit3A_1448 : i32 to vector<16xi32>
        %select_n3A_1450 = arith.select %ge3A_1447, %gather3A_1444, %broadcast_in_dim3A_1449 : vector<16xi1>, vector<16xi32>
        %add3A_1451 = arith.addi %add3A_1435, %select_n3A_1450 : vector<16xi32>
        %broadcast_in_dim3A_1452 = arith.constant 3 : i32
        %broadcast_in_dim3A_1453 = vector.broadcast %broadcast_in_dim3A_1452 : i32 to vector<16xi32>
        %reshape3A_1454 = vector.shape_cast %broadcast_in_dim3A_1453 : vector<16xi32> to vector<16x1xi32>
        %gather3A_1455 = vector.shape_cast %reshape3A_1454 : vector<16x1xi32> to vector<16xi32>
        %gather3A_1456 = tpu.dynamic_gather %add3A_1379[%gather3A_1455] in [0] : vector<16xi32>, vector<16xi32> -> vector<16xi32>
        %add3A_1457 = arith.addi %gather3A_1456, %add3A_1451 : vector<16xi32>
        %sub3A_1458 = arith.subi %add3A_1457, %select_n3A_1387 : vector<16xi32>
        %select_n3A_1459 = arith.select %eq3A_1382, %sub3A_1458, %select_n3A_1367 : vector<16xi1>, vector<16xi32>
        %eq3A_1460 = arith.constant 3 : i32
        %eq3A_1461 = vector.broadcast %eq3A_1460 : i32 to vector<16xi32>
        %eq3A_1462 = arith.cmpi eq, %iota3A, %eq3A_1461 : vector<16xi32>
        %broadcast_in_dim3A_1463 = arith.constant 15 : i32
        %broadcast_in_dim3A_1464 = vector.broadcast %broadcast_in_dim3A_1463 : i32 to vector<16xi32>
        %reshape3A_1465 = vector.shape_cast %broadcast_in_dim3A_1464 : vector<16xi32> to vector<16x1xi32>
        %gather3A_1466 = vector.shape_cast %reshape3A_1465 : vector<16x1xi32> to vector<16xi32>
        %gather3A_1467 = tpu.dynamic_gather %add3A_1451[%gather3A_1466] in [0] : vector<16xi32>, vector<16xi32> -> vector<16xi32>
        %jit3A_1468 = arith.constant 0 : i32
        %broadcast_in_dim3A_1469 = vector.broadcast %jit3A_1468 : i32 to vector<16xi32>
        %select_n3A_1470 = arith.select %eq3A_1462, %gather3A_1467, %broadcast_in_dim3A_1469 : vector<16xi1>, vector<16xi32>
        %add3A_1471 = arith.addi %add3A_1379, %select_n3A_1470 : vector<16xi32>
        %eq3A_1472 = arith.constant 4 : i32
        %eq3A_1473 = vector.broadcast %eq3A_1472 : i32 to vector<16xi32>
        %eq3A_1474 = arith.cmpi eq, %get3A_1103, %eq3A_1473 : vector<16xi32>
        %jit3A_1475 = arith.constant 1 : i32
        %jit3A_1476 = arith.constant 0 : i32
        %broadcast_in_dim3A_1477 = vector.broadcast %jit3A_1475 : i32 to vector<16xi32>
        %broadcast_in_dim3A_1478 = vector.broadcast %jit3A_1476 : i32 to vector<16xi32>
        %select_n3A_1479 = arith.select %eq3A_1474, %broadcast_in_dim3A_1477, %broadcast_in_dim3A_1478 : vector<16xi1>, vector<16xi32>
        %sub3A_1480 = arith.constant 1 : i32
        %sub3A_1481 = vector.broadcast %sub3A_1480 : i32 to vector<16xi32>
        %sub3A_1482 = arith.subi %iota3A, %sub3A_1481 : vector<16xi32>
        %max3A_1483 = arith.constant 0 : i32
        %max3A_1484 = vector.broadcast %max3A_1483 : i32 to vector<16xi32>
        %max3A_1485 = arith.maxsi %sub3A_1482, %max3A_1484 : vector<16xi32>
        %reshape3A_1486 = vector.shape_cast %max3A_1485 : vector<16xi32> to vector<16x1xi32>
        %gather3A_1487 = vector.shape_cast %reshape3A_1486 : vector<16x1xi32> to vector<16xi32>
        %gather3A_1488 = tpu.dynamic_gather %select_n3A_1479[%gather3A_1487] in [0] : vector<16xi32>, vector<16xi32> -> vector<16xi32>
        %ge3A_1489 = arith.constant 1 : i32
        %ge3A_1490 = vector.broadcast %ge3A_1489 : i32 to vector<16xi32>
        %ge3A_1491 = arith.cmpi sge, %iota3A, %ge3A_1490 : vector<16xi32>
        %jit3A_1492 = arith.constant 0 : i32
        %broadcast_in_dim3A_1493 = vector.broadcast %jit3A_1492 : i32 to vector<16xi32>
        %select_n3A_1494 = arith.select %ge3A_1491, %gather3A_1488, %broadcast_in_dim3A_1493 : vector<16xi1>, vector<16xi32>
        %add3A_1495 = arith.addi %select_n3A_1479, %select_n3A_1494 : vector<16xi32>
        %sub3A_1496 = arith.constant 2 : i32
        %sub3A_1497 = vector.broadcast %sub3A_1496 : i32 to vector<16xi32>
        %sub3A_1498 = arith.subi %iota3A, %sub3A_1497 : vector<16xi32>
        %max3A_1499 = arith.constant 0 : i32
        %max3A_1500 = vector.broadcast %max3A_1499 : i32 to vector<16xi32>
        %max3A_1501 = arith.maxsi %sub3A_1498, %max3A_1500 : vector<16xi32>
        %reshape3A_1502 = vector.shape_cast %max3A_1501 : vector<16xi32> to vector<16x1xi32>
        %gather3A_1503 = vector.shape_cast %reshape3A_1502 : vector<16x1xi32> to vector<16xi32>
        %gather3A_1504 = tpu.dynamic_gather %add3A_1495[%gather3A_1503] in [0] : vector<16xi32>, vector<16xi32> -> vector<16xi32>
        %ge3A_1505 = arith.constant 2 : i32
        %ge3A_1506 = vector.broadcast %ge3A_1505 : i32 to vector<16xi32>
        %ge3A_1507 = arith.cmpi sge, %iota3A, %ge3A_1506 : vector<16xi32>
        %jit3A_1508 = arith.constant 0 : i32
        %broadcast_in_dim3A_1509 = vector.broadcast %jit3A_1508 : i32 to vector<16xi32>
        %select_n3A_1510 = arith.select %ge3A_1507, %gather3A_1504, %broadcast_in_dim3A_1509 : vector<16xi1>, vector<16xi32>
        %add3A_1511 = arith.addi %add3A_1495, %select_n3A_1510 : vector<16xi32>
        %sub3A_1512 = arith.constant 4 : i32
        %sub3A_1513 = vector.broadcast %sub3A_1512 : i32 to vector<16xi32>
        %sub3A_1514 = arith.subi %iota3A, %sub3A_1513 : vector<16xi32>
        %max3A_1515 = arith.constant 0 : i32
        %max3A_1516 = vector.broadcast %max3A_1515 : i32 to vector<16xi32>
        %max3A_1517 = arith.maxsi %sub3A_1514, %max3A_1516 : vector<16xi32>
        %reshape3A_1518 = vector.shape_cast %max3A_1517 : vector<16xi32> to vector<16x1xi32>
        %gather3A_1519 = vector.shape_cast %reshape3A_1518 : vector<16x1xi32> to vector<16xi32>
        %gather3A_1520 = tpu.dynamic_gather %add3A_1511[%gather3A_1519] in [0] : vector<16xi32>, vector<16xi32> -> vector<16xi32>
        %ge3A_1521 = arith.constant 4 : i32
        %ge3A_1522 = vector.broadcast %ge3A_1521 : i32 to vector<16xi32>
        %ge3A_1523 = arith.cmpi sge, %iota3A, %ge3A_1522 : vector<16xi32>
        %jit3A_1524 = arith.constant 0 : i32
        %broadcast_in_dim3A_1525 = vector.broadcast %jit3A_1524 : i32 to vector<16xi32>
        %select_n3A_1526 = arith.select %ge3A_1523, %gather3A_1520, %broadcast_in_dim3A_1525 : vector<16xi1>, vector<16xi32>
        %add3A_1527 = arith.addi %add3A_1511, %select_n3A_1526 : vector<16xi32>
        %sub3A_1528 = arith.constant 8 : i32
        %sub3A_1529 = vector.broadcast %sub3A_1528 : i32 to vector<16xi32>
        %sub3A_1530 = arith.subi %iota3A, %sub3A_1529 : vector<16xi32>
        %max3A_1531 = arith.constant 0 : i32
        %max3A_1532 = vector.broadcast %max3A_1531 : i32 to vector<16xi32>
        %max3A_1533 = arith.maxsi %sub3A_1530, %max3A_1532 : vector<16xi32>
        %reshape3A_1534 = vector.shape_cast %max3A_1533 : vector<16xi32> to vector<16x1xi32>
        %gather3A_1535 = vector.shape_cast %reshape3A_1534 : vector<16x1xi32> to vector<16xi32>
        %gather3A_1536 = tpu.dynamic_gather %add3A_1527[%gather3A_1535] in [0] : vector<16xi32>, vector<16xi32> -> vector<16xi32>
        %ge3A_1537 = arith.constant 8 : i32
        %ge3A_1538 = vector.broadcast %ge3A_1537 : i32 to vector<16xi32>
        %ge3A_1539 = arith.cmpi sge, %iota3A, %ge3A_1538 : vector<16xi32>
        %jit3A_1540 = arith.constant 0 : i32
        %broadcast_in_dim3A_1541 = vector.broadcast %jit3A_1540 : i32 to vector<16xi32>
        %select_n3A_1542 = arith.select %ge3A_1539, %gather3A_1536, %broadcast_in_dim3A_1541 : vector<16xi1>, vector<16xi32>
        %add3A_1543 = arith.addi %add3A_1527, %select_n3A_1542 : vector<16xi32>
        %broadcast_in_dim3A_1544 = arith.constant 4 : i32
        %broadcast_in_dim3A_1545 = vector.broadcast %broadcast_in_dim3A_1544 : i32 to vector<16xi32>
        %reshape3A_1546 = vector.shape_cast %broadcast_in_dim3A_1545 : vector<16xi32> to vector<16x1xi32>
        %gather3A_1547 = vector.shape_cast %reshape3A_1546 : vector<16x1xi32> to vector<16xi32>
        %gather3A_1548 = tpu.dynamic_gather %add3A_1471[%gather3A_1547] in [0] : vector<16xi32>, vector<16xi32> -> vector<16xi32>
        %add3A_1549 = arith.addi %gather3A_1548, %add3A_1543 : vector<16xi32>
        %sub3A_1550 = arith.subi %add3A_1549, %select_n3A_1479 : vector<16xi32>
        %select_n3A_1551 = arith.select %eq3A_1474, %sub3A_1550, %select_n3A_1459 : vector<16xi1>, vector<16xi32>
        %eq3A_1552 = arith.constant 4 : i32
        %eq3A_1553 = vector.broadcast %eq3A_1552 : i32 to vector<16xi32>
        %eq3A_1554 = arith.cmpi eq, %iota3A, %eq3A_1553 : vector<16xi32>
        %broadcast_in_dim3A_1555 = arith.constant 15 : i32
        %broadcast_in_dim3A_1556 = vector.broadcast %broadcast_in_dim3A_1555 : i32 to vector<16xi32>
        %reshape3A_1557 = vector.shape_cast %broadcast_in_dim3A_1556 : vector<16xi32> to vector<16x1xi32>
        %gather3A_1558 = vector.shape_cast %reshape3A_1557 : vector<16x1xi32> to vector<16xi32>
        %gather3A_1559 = tpu.dynamic_gather %add3A_1543[%gather3A_1558] in [0] : vector<16xi32>, vector<16xi32> -> vector<16xi32>
        %jit3A_1560 = arith.constant 0 : i32
        %broadcast_in_dim3A_1561 = vector.broadcast %jit3A_1560 : i32 to vector<16xi32>
        %select_n3A_1562 = arith.select %eq3A_1554, %gather3A_1559, %broadcast_in_dim3A_1561 : vector<16xi1>, vector<16xi32>
        %add3A_1563 = arith.addi %add3A_1471, %select_n3A_1562 : vector<16xi32>
        %eq3A_1564 = arith.constant 5 : i32
        %eq3A_1565 = vector.broadcast %eq3A_1564 : i32 to vector<16xi32>
        %eq3A_1566 = arith.cmpi eq, %get3A_1103, %eq3A_1565 : vector<16xi32>
        %jit3A_1567 = arith.constant 1 : i32
        %jit3A_1568 = arith.constant 0 : i32
        %broadcast_in_dim3A_1569 = vector.broadcast %jit3A_1567 : i32 to vector<16xi32>
        %broadcast_in_dim3A_1570 = vector.broadcast %jit3A_1568 : i32 to vector<16xi32>
        %select_n3A_1571 = arith.select %eq3A_1566, %broadcast_in_dim3A_1569, %broadcast_in_dim3A_1570 : vector<16xi1>, vector<16xi32>
        %sub3A_1572 = arith.constant 1 : i32
        %sub3A_1573 = vector.broadcast %sub3A_1572 : i32 to vector<16xi32>
        %sub3A_1574 = arith.subi %iota3A, %sub3A_1573 : vector<16xi32>
        %max3A_1575 = arith.constant 0 : i32
        %max3A_1576 = vector.broadcast %max3A_1575 : i32 to vector<16xi32>
        %max3A_1577 = arith.maxsi %sub3A_1574, %max3A_1576 : vector<16xi32>
        %reshape3A_1578 = vector.shape_cast %max3A_1577 : vector<16xi32> to vector<16x1xi32>
        %gather3A_1579 = vector.shape_cast %reshape3A_1578 : vector<16x1xi32> to vector<16xi32>
        %gather3A_1580 = tpu.dynamic_gather %select_n3A_1571[%gather3A_1579] in [0] : vector<16xi32>, vector<16xi32> -> vector<16xi32>
        %ge3A_1581 = arith.constant 1 : i32
        %ge3A_1582 = vector.broadcast %ge3A_1581 : i32 to vector<16xi32>
        %ge3A_1583 = arith.cmpi sge, %iota3A, %ge3A_1582 : vector<16xi32>
        %jit3A_1584 = arith.constant 0 : i32
        %broadcast_in_dim3A_1585 = vector.broadcast %jit3A_1584 : i32 to vector<16xi32>
        %select_n3A_1586 = arith.select %ge3A_1583, %gather3A_1580, %broadcast_in_dim3A_1585 : vector<16xi1>, vector<16xi32>
        %add3A_1587 = arith.addi %select_n3A_1571, %select_n3A_1586 : vector<16xi32>
        %sub3A_1588 = arith.constant 2 : i32
        %sub3A_1589 = vector.broadcast %sub3A_1588 : i32 to vector<16xi32>
        %sub3A_1590 = arith.subi %iota3A, %sub3A_1589 : vector<16xi32>
        %max3A_1591 = arith.constant 0 : i32
        %max3A_1592 = vector.broadcast %max3A_1591 : i32 to vector<16xi32>
        %max3A_1593 = arith.maxsi %sub3A_1590, %max3A_1592 : vector<16xi32>
        %reshape3A_1594 = vector.shape_cast %max3A_1593 : vector<16xi32> to vector<16x1xi32>
        %gather3A_1595 = vector.shape_cast %reshape3A_1594 : vector<16x1xi32> to vector<16xi32>
        %gather3A_1596 = tpu.dynamic_gather %add3A_1587[%gather3A_1595] in [0] : vector<16xi32>, vector<16xi32> -> vector<16xi32>
        %ge3A_1597 = arith.constant 2 : i32
        %ge3A_1598 = vector.broadcast %ge3A_1597 : i32 to vector<16xi32>
        %ge3A_1599 = arith.cmpi sge, %iota3A, %ge3A_1598 : vector<16xi32>
        %jit3A_1600 = arith.constant 0 : i32
        %broadcast_in_dim3A_1601 = vector.broadcast %jit3A_1600 : i32 to vector<16xi32>
        %select_n3A_1602 = arith.select %ge3A_1599, %gather3A_1596, %broadcast_in_dim3A_1601 : vector<16xi1>, vector<16xi32>
        %add3A_1603 = arith.addi %add3A_1587, %select_n3A_1602 : vector<16xi32>
        %sub3A_1604 = arith.constant 4 : i32
        %sub3A_1605 = vector.broadcast %sub3A_1604 : i32 to vector<16xi32>
        %sub3A_1606 = arith.subi %iota3A, %sub3A_1605 : vector<16xi32>
        %max3A_1607 = arith.constant 0 : i32
        %max3A_1608 = vector.broadcast %max3A_1607 : i32 to vector<16xi32>
        %max3A_1609 = arith.maxsi %sub3A_1606, %max3A_1608 : vector<16xi32>
        %reshape3A_1610 = vector.shape_cast %max3A_1609 : vector<16xi32> to vector<16x1xi32>
        %gather3A_1611 = vector.shape_cast %reshape3A_1610 : vector<16x1xi32> to vector<16xi32>
        %gather3A_1612 = tpu.dynamic_gather %add3A_1603[%gather3A_1611] in [0] : vector<16xi32>, vector<16xi32> -> vector<16xi32>
        %ge3A_1613 = arith.constant 4 : i32
        %ge3A_1614 = vector.broadcast %ge3A_1613 : i32 to vector<16xi32>
        %ge3A_1615 = arith.cmpi sge, %iota3A, %ge3A_1614 : vector<16xi32>
        %jit3A_1616 = arith.constant 0 : i32
        %broadcast_in_dim3A_1617 = vector.broadcast %jit3A_1616 : i32 to vector<16xi32>
        %select_n3A_1618 = arith.select %ge3A_1615, %gather3A_1612, %broadcast_in_dim3A_1617 : vector<16xi1>, vector<16xi32>
        %add3A_1619 = arith.addi %add3A_1603, %select_n3A_1618 : vector<16xi32>
        %sub3A_1620 = arith.constant 8 : i32
        %sub3A_1621 = vector.broadcast %sub3A_1620 : i32 to vector<16xi32>
        %sub3A_1622 = arith.subi %iota3A, %sub3A_1621 : vector<16xi32>
        %max3A_1623 = arith.constant 0 : i32
        %max3A_1624 = vector.broadcast %max3A_1623 : i32 to vector<16xi32>
        %max3A_1625 = arith.maxsi %sub3A_1622, %max3A_1624 : vector<16xi32>
        %reshape3A_1626 = vector.shape_cast %max3A_1625 : vector<16xi32> to vector<16x1xi32>
        %gather3A_1627 = vector.shape_cast %reshape3A_1626 : vector<16x1xi32> to vector<16xi32>
        %gather3A_1628 = tpu.dynamic_gather %add3A_1619[%gather3A_1627] in [0] : vector<16xi32>, vector<16xi32> -> vector<16xi32>
        %ge3A_1629 = arith.constant 8 : i32
        %ge3A_1630 = vector.broadcast %ge3A_1629 : i32 to vector<16xi32>
        %ge3A_1631 = arith.cmpi sge, %iota3A, %ge3A_1630 : vector<16xi32>
        %jit3A_1632 = arith.constant 0 : i32
        %broadcast_in_dim3A_1633 = vector.broadcast %jit3A_1632 : i32 to vector<16xi32>
        %select_n3A_1634 = arith.select %ge3A_1631, %gather3A_1628, %broadcast_in_dim3A_1633 : vector<16xi1>, vector<16xi32>
        %add3A_1635 = arith.addi %add3A_1619, %select_n3A_1634 : vector<16xi32>
        %broadcast_in_dim3A_1636 = arith.constant 5 : i32
        %broadcast_in_dim3A_1637 = vector.broadcast %broadcast_in_dim3A_1636 : i32 to vector<16xi32>
        %reshape3A_1638 = vector.shape_cast %broadcast_in_dim3A_1637 : vector<16xi32> to vector<16x1xi32>
        %gather3A_1639 = vector.shape_cast %reshape3A_1638 : vector<16x1xi32> to vector<16xi32>
        %gather3A_1640 = tpu.dynamic_gather %add3A_1563[%gather3A_1639] in [0] : vector<16xi32>, vector<16xi32> -> vector<16xi32>
        %add3A_1641 = arith.addi %gather3A_1640, %add3A_1635 : vector<16xi32>
        %sub3A_1642 = arith.subi %add3A_1641, %select_n3A_1571 : vector<16xi32>
        %select_n3A_1643 = arith.select %eq3A_1566, %sub3A_1642, %select_n3A_1551 : vector<16xi1>, vector<16xi32>
        %eq3A_1644 = arith.constant 5 : i32
        %eq3A_1645 = vector.broadcast %eq3A_1644 : i32 to vector<16xi32>
        %eq3A_1646 = arith.cmpi eq, %iota3A, %eq3A_1645 : vector<16xi32>
        %broadcast_in_dim3A_1647 = arith.constant 15 : i32
        %broadcast_in_dim3A_1648 = vector.broadcast %broadcast_in_dim3A_1647 : i32 to vector<16xi32>
        %reshape3A_1649 = vector.shape_cast %broadcast_in_dim3A_1648 : vector<16xi32> to vector<16x1xi32>
        %gather3A_1650 = vector.shape_cast %reshape3A_1649 : vector<16x1xi32> to vector<16xi32>
        %gather3A_1651 = tpu.dynamic_gather %add3A_1635[%gather3A_1650] in [0] : vector<16xi32>, vector<16xi32> -> vector<16xi32>
        %jit3A_1652 = arith.constant 0 : i32
        %broadcast_in_dim3A_1653 = vector.broadcast %jit3A_1652 : i32 to vector<16xi32>
        %select_n3A_1654 = arith.select %eq3A_1646, %gather3A_1651, %broadcast_in_dim3A_1653 : vector<16xi1>, vector<16xi32>
        %add3A_1655 = arith.addi %add3A_1563, %select_n3A_1654 : vector<16xi32>
        %eq3A_1656 = arith.constant 6 : i32
        %eq3A_1657 = vector.broadcast %eq3A_1656 : i32 to vector<16xi32>
        %eq3A_1658 = arith.cmpi eq, %get3A_1103, %eq3A_1657 : vector<16xi32>
        %jit3A_1659 = arith.constant 1 : i32
        %jit3A_1660 = arith.constant 0 : i32
        %broadcast_in_dim3A_1661 = vector.broadcast %jit3A_1659 : i32 to vector<16xi32>
        %broadcast_in_dim3A_1662 = vector.broadcast %jit3A_1660 : i32 to vector<16xi32>
        %select_n3A_1663 = arith.select %eq3A_1658, %broadcast_in_dim3A_1661, %broadcast_in_dim3A_1662 : vector<16xi1>, vector<16xi32>
        %sub3A_1664 = arith.constant 1 : i32
        %sub3A_1665 = vector.broadcast %sub3A_1664 : i32 to vector<16xi32>
        %sub3A_1666 = arith.subi %iota3A, %sub3A_1665 : vector<16xi32>
        %max3A_1667 = arith.constant 0 : i32
        %max3A_1668 = vector.broadcast %max3A_1667 : i32 to vector<16xi32>
        %max3A_1669 = arith.maxsi %sub3A_1666, %max3A_1668 : vector<16xi32>
        %reshape3A_1670 = vector.shape_cast %max3A_1669 : vector<16xi32> to vector<16x1xi32>
        %gather3A_1671 = vector.shape_cast %reshape3A_1670 : vector<16x1xi32> to vector<16xi32>
        %gather3A_1672 = tpu.dynamic_gather %select_n3A_1663[%gather3A_1671] in [0] : vector<16xi32>, vector<16xi32> -> vector<16xi32>
        %ge3A_1673 = arith.constant 1 : i32
        %ge3A_1674 = vector.broadcast %ge3A_1673 : i32 to vector<16xi32>
        %ge3A_1675 = arith.cmpi sge, %iota3A, %ge3A_1674 : vector<16xi32>
        %jit3A_1676 = arith.constant 0 : i32
        %broadcast_in_dim3A_1677 = vector.broadcast %jit3A_1676 : i32 to vector<16xi32>
        %select_n3A_1678 = arith.select %ge3A_1675, %gather3A_1672, %broadcast_in_dim3A_1677 : vector<16xi1>, vector<16xi32>
        %add3A_1679 = arith.addi %select_n3A_1663, %select_n3A_1678 : vector<16xi32>
        %sub3A_1680 = arith.constant 2 : i32
        %sub3A_1681 = vector.broadcast %sub3A_1680 : i32 to vector<16xi32>
        %sub3A_1682 = arith.subi %iota3A, %sub3A_1681 : vector<16xi32>
        %max3A_1683 = arith.constant 0 : i32
        %max3A_1684 = vector.broadcast %max3A_1683 : i32 to vector<16xi32>
        %max3A_1685 = arith.maxsi %sub3A_1682, %max3A_1684 : vector<16xi32>
        %reshape3A_1686 = vector.shape_cast %max3A_1685 : vector<16xi32> to vector<16x1xi32>
        %gather3A_1687 = vector.shape_cast %reshape3A_1686 : vector<16x1xi32> to vector<16xi32>
        %gather3A_1688 = tpu.dynamic_gather %add3A_1679[%gather3A_1687] in [0] : vector<16xi32>, vector<16xi32> -> vector<16xi32>
        %ge3A_1689 = arith.constant 2 : i32
        %ge3A_1690 = vector.broadcast %ge3A_1689 : i32 to vector<16xi32>
        %ge3A_1691 = arith.cmpi sge, %iota3A, %ge3A_1690 : vector<16xi32>
        %jit3A_1692 = arith.constant 0 : i32
        %broadcast_in_dim3A_1693 = vector.broadcast %jit3A_1692 : i32 to vector<16xi32>
        %select_n3A_1694 = arith.select %ge3A_1691, %gather3A_1688, %broadcast_in_dim3A_1693 : vector<16xi1>, vector<16xi32>
        %add3A_1695 = arith.addi %add3A_1679, %select_n3A_1694 : vector<16xi32>
        %sub3A_1696 = arith.constant 4 : i32
        %sub3A_1697 = vector.broadcast %sub3A_1696 : i32 to vector<16xi32>
        %sub3A_1698 = arith.subi %iota3A, %sub3A_1697 : vector<16xi32>
        %max3A_1699 = arith.constant 0 : i32
        %max3A_1700 = vector.broadcast %max3A_1699 : i32 to vector<16xi32>
        %max3A_1701 = arith.maxsi %sub3A_1698, %max3A_1700 : vector<16xi32>
        %reshape3A_1702 = vector.shape_cast %max3A_1701 : vector<16xi32> to vector<16x1xi32>
        %gather3A_1703 = vector.shape_cast %reshape3A_1702 : vector<16x1xi32> to vector<16xi32>
        %gather3A_1704 = tpu.dynamic_gather %add3A_1695[%gather3A_1703] in [0] : vector<16xi32>, vector<16xi32> -> vector<16xi32>
        %ge3A_1705 = arith.constant 4 : i32
        %ge3A_1706 = vector.broadcast %ge3A_1705 : i32 to vector<16xi32>
        %ge3A_1707 = arith.cmpi sge, %iota3A, %ge3A_1706 : vector<16xi32>
        %jit3A_1708 = arith.constant 0 : i32
        %broadcast_in_dim3A_1709 = vector.broadcast %jit3A_1708 : i32 to vector<16xi32>
        %select_n3A_1710 = arith.select %ge3A_1707, %gather3A_1704, %broadcast_in_dim3A_1709 : vector<16xi1>, vector<16xi32>
        %add3A_1711 = arith.addi %add3A_1695, %select_n3A_1710 : vector<16xi32>
        %sub3A_1712 = arith.constant 8 : i32
        %sub3A_1713 = vector.broadcast %sub3A_1712 : i32 to vector<16xi32>
        %sub3A_1714 = arith.subi %iota3A, %sub3A_1713 : vector<16xi32>
        %max3A_1715 = arith.constant 0 : i32
        %max3A_1716 = vector.broadcast %max3A_1715 : i32 to vector<16xi32>
        %max3A_1717 = arith.maxsi %sub3A_1714, %max3A_1716 : vector<16xi32>
        %reshape3A_1718 = vector.shape_cast %max3A_1717 : vector<16xi32> to vector<16x1xi32>
        %gather3A_1719 = vector.shape_cast %reshape3A_1718 : vector<16x1xi32> to vector<16xi32>
        %gather3A_1720 = tpu.dynamic_gather %add3A_1711[%gather3A_1719] in [0] : vector<16xi32>, vector<16xi32> -> vector<16xi32>
        %ge3A_1721 = arith.constant 8 : i32
        %ge3A_1722 = vector.broadcast %ge3A_1721 : i32 to vector<16xi32>
        %ge3A_1723 = arith.cmpi sge, %iota3A, %ge3A_1722 : vector<16xi32>
        %jit3A_1724 = arith.constant 0 : i32
        %broadcast_in_dim3A_1725 = vector.broadcast %jit3A_1724 : i32 to vector<16xi32>
        %select_n3A_1726 = arith.select %ge3A_1723, %gather3A_1720, %broadcast_in_dim3A_1725 : vector<16xi1>, vector<16xi32>
        %add3A_1727 = arith.addi %add3A_1711, %select_n3A_1726 : vector<16xi32>
        %broadcast_in_dim3A_1728 = arith.constant 6 : i32
        %broadcast_in_dim3A_1729 = vector.broadcast %broadcast_in_dim3A_1728 : i32 to vector<16xi32>
        %reshape3A_1730 = vector.shape_cast %broadcast_in_dim3A_1729 : vector<16xi32> to vector<16x1xi32>
        %gather3A_1731 = vector.shape_cast %reshape3A_1730 : vector<16x1xi32> to vector<16xi32>
        %gather3A_1732 = tpu.dynamic_gather %add3A_1655[%gather3A_1731] in [0] : vector<16xi32>, vector<16xi32> -> vector<16xi32>
        %add3A_1733 = arith.addi %gather3A_1732, %add3A_1727 : vector<16xi32>
        %sub3A_1734 = arith.subi %add3A_1733, %select_n3A_1663 : vector<16xi32>
        %select_n3A_1735 = arith.select %eq3A_1658, %sub3A_1734, %select_n3A_1643 : vector<16xi1>, vector<16xi32>
        %eq3A_1736 = arith.constant 6 : i32
        %eq3A_1737 = vector.broadcast %eq3A_1736 : i32 to vector<16xi32>
        %eq3A_1738 = arith.cmpi eq, %iota3A, %eq3A_1737 : vector<16xi32>
        %broadcast_in_dim3A_1739 = arith.constant 15 : i32
        %broadcast_in_dim3A_1740 = vector.broadcast %broadcast_in_dim3A_1739 : i32 to vector<16xi32>
        %reshape3A_1741 = vector.shape_cast %broadcast_in_dim3A_1740 : vector<16xi32> to vector<16x1xi32>
        %gather3A_1742 = vector.shape_cast %reshape3A_1741 : vector<16x1xi32> to vector<16xi32>
        %gather3A_1743 = tpu.dynamic_gather %add3A_1727[%gather3A_1742] in [0] : vector<16xi32>, vector<16xi32> -> vector<16xi32>
        %jit3A_1744 = arith.constant 0 : i32
        %broadcast_in_dim3A_1745 = vector.broadcast %jit3A_1744 : i32 to vector<16xi32>
        %select_n3A_1746 = arith.select %eq3A_1738, %gather3A_1743, %broadcast_in_dim3A_1745 : vector<16xi1>, vector<16xi32>
        %add3A_1747 = arith.addi %add3A_1655, %select_n3A_1746 : vector<16xi32>
        %eq3A_1748 = arith.constant 7 : i32
        %eq3A_1749 = vector.broadcast %eq3A_1748 : i32 to vector<16xi32>
        %eq3A_1750 = arith.cmpi eq, %get3A_1103, %eq3A_1749 : vector<16xi32>
        %jit3A_1751 = arith.constant 1 : i32
        %jit3A_1752 = arith.constant 0 : i32
        %broadcast_in_dim3A_1753 = vector.broadcast %jit3A_1751 : i32 to vector<16xi32>
        %broadcast_in_dim3A_1754 = vector.broadcast %jit3A_1752 : i32 to vector<16xi32>
        %select_n3A_1755 = arith.select %eq3A_1750, %broadcast_in_dim3A_1753, %broadcast_in_dim3A_1754 : vector<16xi1>, vector<16xi32>
        %sub3A_1756 = arith.constant 1 : i32
        %sub3A_1757 = vector.broadcast %sub3A_1756 : i32 to vector<16xi32>
        %sub3A_1758 = arith.subi %iota3A, %sub3A_1757 : vector<16xi32>
        %max3A_1759 = arith.constant 0 : i32
        %max3A_1760 = vector.broadcast %max3A_1759 : i32 to vector<16xi32>
        %max3A_1761 = arith.maxsi %sub3A_1758, %max3A_1760 : vector<16xi32>
        %reshape3A_1762 = vector.shape_cast %max3A_1761 : vector<16xi32> to vector<16x1xi32>
        %gather3A_1763 = vector.shape_cast %reshape3A_1762 : vector<16x1xi32> to vector<16xi32>
        %gather3A_1764 = tpu.dynamic_gather %select_n3A_1755[%gather3A_1763] in [0] : vector<16xi32>, vector<16xi32> -> vector<16xi32>
        %ge3A_1765 = arith.constant 1 : i32
        %ge3A_1766 = vector.broadcast %ge3A_1765 : i32 to vector<16xi32>
        %ge3A_1767 = arith.cmpi sge, %iota3A, %ge3A_1766 : vector<16xi32>
        %jit3A_1768 = arith.constant 0 : i32
        %broadcast_in_dim3A_1769 = vector.broadcast %jit3A_1768 : i32 to vector<16xi32>
        %select_n3A_1770 = arith.select %ge3A_1767, %gather3A_1764, %broadcast_in_dim3A_1769 : vector<16xi1>, vector<16xi32>
        %add3A_1771 = arith.addi %select_n3A_1755, %select_n3A_1770 : vector<16xi32>
        %sub3A_1772 = arith.constant 2 : i32
        %sub3A_1773 = vector.broadcast %sub3A_1772 : i32 to vector<16xi32>
        %sub3A_1774 = arith.subi %iota3A, %sub3A_1773 : vector<16xi32>
        %max3A_1775 = arith.constant 0 : i32
        %max3A_1776 = vector.broadcast %max3A_1775 : i32 to vector<16xi32>
        %max3A_1777 = arith.maxsi %sub3A_1774, %max3A_1776 : vector<16xi32>
        %reshape3A_1778 = vector.shape_cast %max3A_1777 : vector<16xi32> to vector<16x1xi32>
        %gather3A_1779 = vector.shape_cast %reshape3A_1778 : vector<16x1xi32> to vector<16xi32>
        %gather3A_1780 = tpu.dynamic_gather %add3A_1771[%gather3A_1779] in [0] : vector<16xi32>, vector<16xi32> -> vector<16xi32>
        %ge3A_1781 = arith.constant 2 : i32
        %ge3A_1782 = vector.broadcast %ge3A_1781 : i32 to vector<16xi32>
        %ge3A_1783 = arith.cmpi sge, %iota3A, %ge3A_1782 : vector<16xi32>
        %jit3A_1784 = arith.constant 0 : i32
        %broadcast_in_dim3A_1785 = vector.broadcast %jit3A_1784 : i32 to vector<16xi32>
        %select_n3A_1786 = arith.select %ge3A_1783, %gather3A_1780, %broadcast_in_dim3A_1785 : vector<16xi1>, vector<16xi32>
        %add3A_1787 = arith.addi %add3A_1771, %select_n3A_1786 : vector<16xi32>
        %sub3A_1788 = arith.constant 4 : i32
        %sub3A_1789 = vector.broadcast %sub3A_1788 : i32 to vector<16xi32>
        %sub3A_1790 = arith.subi %iota3A, %sub3A_1789 : vector<16xi32>
        %max3A_1791 = arith.constant 0 : i32
        %max3A_1792 = vector.broadcast %max3A_1791 : i32 to vector<16xi32>
        %max3A_1793 = arith.maxsi %sub3A_1790, %max3A_1792 : vector<16xi32>
        %reshape3A_1794 = vector.shape_cast %max3A_1793 : vector<16xi32> to vector<16x1xi32>
        %gather3A_1795 = vector.shape_cast %reshape3A_1794 : vector<16x1xi32> to vector<16xi32>
        %gather3A_1796 = tpu.dynamic_gather %add3A_1787[%gather3A_1795] in [0] : vector<16xi32>, vector<16xi32> -> vector<16xi32>
        %ge3A_1797 = arith.constant 4 : i32
        %ge3A_1798 = vector.broadcast %ge3A_1797 : i32 to vector<16xi32>
        %ge3A_1799 = arith.cmpi sge, %iota3A, %ge3A_1798 : vector<16xi32>
        %jit3A_1800 = arith.constant 0 : i32
        %broadcast_in_dim3A_1801 = vector.broadcast %jit3A_1800 : i32 to vector<16xi32>
        %select_n3A_1802 = arith.select %ge3A_1799, %gather3A_1796, %broadcast_in_dim3A_1801 : vector<16xi1>, vector<16xi32>
        %add3A_1803 = arith.addi %add3A_1787, %select_n3A_1802 : vector<16xi32>
        %sub3A_1804 = arith.constant 8 : i32
        %sub3A_1805 = vector.broadcast %sub3A_1804 : i32 to vector<16xi32>
        %sub3A_1806 = arith.subi %iota3A, %sub3A_1805 : vector<16xi32>
        %max3A_1807 = arith.constant 0 : i32
        %max3A_1808 = vector.broadcast %max3A_1807 : i32 to vector<16xi32>
        %max3A_1809 = arith.maxsi %sub3A_1806, %max3A_1808 : vector<16xi32>
        %reshape3A_1810 = vector.shape_cast %max3A_1809 : vector<16xi32> to vector<16x1xi32>
        %gather3A_1811 = vector.shape_cast %reshape3A_1810 : vector<16x1xi32> to vector<16xi32>
        %gather3A_1812 = tpu.dynamic_gather %add3A_1803[%gather3A_1811] in [0] : vector<16xi32>, vector<16xi32> -> vector<16xi32>
        %ge3A_1813 = arith.constant 8 : i32
        %ge3A_1814 = vector.broadcast %ge3A_1813 : i32 to vector<16xi32>
        %ge3A_1815 = arith.cmpi sge, %iota3A, %ge3A_1814 : vector<16xi32>
        %jit3A_1816 = arith.constant 0 : i32
        %broadcast_in_dim3A_1817 = vector.broadcast %jit3A_1816 : i32 to vector<16xi32>
        %select_n3A_1818 = arith.select %ge3A_1815, %gather3A_1812, %broadcast_in_dim3A_1817 : vector<16xi1>, vector<16xi32>
        %add3A_1819 = arith.addi %add3A_1803, %select_n3A_1818 : vector<16xi32>
        %broadcast_in_dim3A_1820 = arith.constant 7 : i32
        %broadcast_in_dim3A_1821 = vector.broadcast %broadcast_in_dim3A_1820 : i32 to vector<16xi32>
        %reshape3A_1822 = vector.shape_cast %broadcast_in_dim3A_1821 : vector<16xi32> to vector<16x1xi32>
        %gather3A_1823 = vector.shape_cast %reshape3A_1822 : vector<16x1xi32> to vector<16xi32>
        %gather3A_1824 = tpu.dynamic_gather %add3A_1747[%gather3A_1823] in [0] : vector<16xi32>, vector<16xi32> -> vector<16xi32>
        %add3A_1825 = arith.addi %gather3A_1824, %add3A_1819 : vector<16xi32>
        %sub3A_1826 = arith.subi %add3A_1825, %select_n3A_1755 : vector<16xi32>
        %select_n3A_1827 = arith.select %eq3A_1750, %sub3A_1826, %select_n3A_1735 : vector<16xi1>, vector<16xi32>
        %eq3A_1828 = arith.constant 7 : i32
        %eq3A_1829 = vector.broadcast %eq3A_1828 : i32 to vector<16xi32>
        %eq3A_1830 = arith.cmpi eq, %iota3A, %eq3A_1829 : vector<16xi32>
        %broadcast_in_dim3A_1831 = arith.constant 15 : i32
        %broadcast_in_dim3A_1832 = vector.broadcast %broadcast_in_dim3A_1831 : i32 to vector<16xi32>
        %reshape3A_1833 = vector.shape_cast %broadcast_in_dim3A_1832 : vector<16xi32> to vector<16x1xi32>
        %gather3A_1834 = vector.shape_cast %reshape3A_1833 : vector<16x1xi32> to vector<16xi32>
        %gather3A_1835 = tpu.dynamic_gather %add3A_1819[%gather3A_1834] in [0] : vector<16xi32>, vector<16xi32> -> vector<16xi32>
        %jit3A_1836 = arith.constant 0 : i32
        %broadcast_in_dim3A_1837 = vector.broadcast %jit3A_1836 : i32 to vector<16xi32>
        %select_n3A_1838 = arith.select %eq3A_1830, %gather3A_1835, %broadcast_in_dim3A_1837 : vector<16xi1>, vector<16xi32>
        %add3A_1839 = arith.addi %add3A_1747, %select_n3A_1838 : vector<16xi32>
        %mul3A_1840 = arith.constant 16 : i32
        %mul3A_1841 = arith.muli %scan3A_346, %mul3A_1840 : i32
        %add3A_1842 = arith.constant 2048 : i32
        %add3A_1843 = arith.addi %add3A_1842, %mul3A_1841 : i32
        %swap3A_1844 = arith.index_cast %add3A_1843 : i32 to index
        %swap3A_1845 = tpu.vector_load %arg11[%swap3A_1844] {strides = array<i32>} : memref<4096xi32, #tpu.memory_space<vmem>>, vector<16xi32>,
        %swap3A_1846 = vector.shape_cast %swap3A_1845 : vector<16xi32> to vector<16xi32>
        %swap3A_1847 = vector.shape_cast %select_n3A_1827 : vector<16xi32> to vector<16xi32>
        tpu.vector_store %arg11[%swap3A_1844], %swap3A_1847 {strides = array<i32>} : memref<4096xi32, #tpu.memory_space<vmem>>, vector<16xi32>,
        %swap3A_1848 = arith.constant 0 : index
        %swap3A_1849 = tpu.vector_load %arg14[%swap3A_1848] {strides = array<i32>} : memref<16xi32, #tpu.memory_space<vmem>>, vector<16xi32>,
        %swap3A_1850 = vector.shape_cast %swap3A_1849 : vector<16xi32> to vector<16xi32>
        %swap3A_1851 = vector.shape_cast %add3A_1839 : vector<16xi32> to vector<16xi32>
        tpu.vector_store %arg14[%swap3A_1848], %swap3A_1851 {strides = array<i32>} : memref<16xi32, #tpu.memory_space<vmem>>, vector<16xi32>,
      }
      %scan3A_340 = arith.constant 128 : i32
      "tpu.region"() ({
        %run_scoped3A_346 = tpu.sem_alloc : memref<!tpu.dma_semaphore, #tpu.memory_space<semaphore_mem>>
        tpu.enqueue_dma source(%arg11 : memref<4096xi32, #tpu.memory_space<vmem>>) target(%arg16 : memref<4096xi32, #tpu.memory_space<vmem_shared>>) target_semaphore(%run_scoped3A_346 : memref<!tpu.dma_semaphore, #tpu.memory_space<semaphore_mem>>)
        tpu.wait_dma2 semaphore(%run_scoped3A_346 : memref<!tpu.dma_semaphore, #tpu.memory_space<semaphore_mem>>) src(%arg11 : memref<4096xi32, #tpu.memory_space<vmem>>) dst(%arg16 : memref<4096xi32, #tpu.memory_space<vmem_shared>>)
        tpu.yield
      }) : () -> ()
      %eq3A_341 = arith.constant 0 : i32
      %eq3A_342 = arith.cmpi eq, %arg0, %eq3A_341 : i32
      %convert_element_type3A_343 = arith.extui %eq3A_342 : i1 to i32
      %cond3A_344 = arith.constant 0 : i32
      %cond3A_345 = arith.cmpi ne, %convert_element_type3A_343, %cond3A_344 : i32
      scf.if %cond3A_345 {
        "tpu.region"() ({
          %run_scoped3A_346 = tpu.sem_alloc : memref<!tpu.dma_semaphore, #tpu.memory_space<semaphore_mem>>
          tpu.enqueue_dma source(%arg11 : memref<4096xi32, #tpu.memory_space<vmem>>) target(%arg5 : memref<4096xi32, #tpu.memory_space<hbm>>) target_semaphore(%run_scoped3A_346 : memref<!tpu.dma_semaphore, #tpu.memory_space<semaphore_mem>>)
          tpu.wait_dma2 semaphore(%run_scoped3A_346 : memref<!tpu.dma_semaphore, #tpu.memory_space<semaphore_mem>>) src(%arg11 : memref<4096xi32, #tpu.memory_space<vmem>>) dst(%arg5 : memref<4096xi32, #tpu.memory_space<hbm>>)
          tpu.yield
        }) : () -> ()
        "tpu.region"() ({
          %run_scoped3A_346 = tpu.sem_alloc : memref<!tpu.dma_semaphore, #tpu.memory_space<semaphore_mem>>
          tpu.enqueue_dma source(%arg12 : memref<32xi32, #tpu.memory_space<vmem>>) target(%arg6 : memref<32xi32, #tpu.memory_space<hbm>>) target_semaphore(%run_scoped3A_346 : memref<!tpu.dma_semaphore, #tpu.memory_space<semaphore_mem>>)
          tpu.wait_dma2 semaphore(%run_scoped3A_346 : memref<!tpu.dma_semaphore, #tpu.memory_space<semaphore_mem>>) src(%arg12 : memref<32xi32, #tpu.memory_space<vmem>>) dst(%arg6 : memref<32xi32, #tpu.memory_space<hbm>>)
          tpu.yield
        }) : () -> ()
        "tpu.region"() ({
          %run_scoped3A_346 = tpu.sem_alloc : memref<!tpu.dma_semaphore, #tpu.memory_space<semaphore_mem>>
          tpu.enqueue_dma source(%arg15 : memref<16xi32, #tpu.memory_space<vmem>>) target(%arg7 : memref<16xi32, #tpu.memory_space<hbm>>) target_semaphore(%run_scoped3A_346 : memref<!tpu.dma_semaphore, #tpu.memory_space<semaphore_mem>>)
          tpu.wait_dma2 semaphore(%run_scoped3A_346 : memref<!tpu.dma_semaphore, #tpu.memory_space<semaphore_mem>>) src(%arg15 : memref<16xi32, #tpu.memory_space<vmem>>) dst(%arg7 : memref<16xi32, #tpu.memory_space<hbm>>)
          tpu.yield
        }) : () -> ()
      } else {
      }
    } else {
    }
    %barrier3A = arith.constant 0 : index
    tpu.barrier barrier_id(%barrier3A)
    %run_scoped3A = arith.constant 0 : i32
    "tpu.region"() ({
      %run_scoped3A_34 = tpu.sem_alloc : memref<!tpu.dma_semaphore, #tpu.memory_space<semaphore_mem>>
      %dma_start3A_35 = arith.constant 0 : i32
      %dma_start3A_36 = tpu.memref_slice %arg17[%run_scoped3A, %dma_start3A_35] : memref<2x64xi32, #tpu.memory_space<vmem>> -> memref<1x64xi32, #tpu.memory_space<vmem>>
      %dma_start3A_37 = tpu.memref_squeeze %dma_start3A_36 : memref<1x64xi32, #tpu.memory_space<vmem>> -> memref<64xi32, #tpu.memory_space<vmem>>
      %dma_start3A_38 = tpu.memref_slice %arg16[%mul3A_2] : memref<4096xi32, #tpu.memory_space<vmem_shared>> -> memref<64xi32, #tpu.memory_space<vmem_shared>>
      %dma_start3A_39 = arith.constant 0 : i32
      %dma_start3A_40 = tpu.memref_slice %arg17[%run_scoped3A, %dma_start3A_39] : memref<2x64xi32, #tpu.memory_space<vmem>> -> memref<1x64xi32, #tpu.memory_space<vmem>>
      %dma_start3A_41 = tpu.memref_squeeze %dma_start3A_40 : memref<1x64xi32, #tpu.memory_space<vmem>> -> memref<64xi32, #tpu.memory_space<vmem>>
      %dma_start3A_42 = tpu.memref_slice %arg16[%mul3A_2] : memref<4096xi32, #tpu.memory_space<vmem_shared>> -> memref<64xi32, #tpu.memory_space<vmem_shared>>
      tpu.enqueue_dma source(%dma_start3A_42 : memref<64xi32, #tpu.memory_space<vmem_shared>>) target(%dma_start3A_41 : memref<64xi32, #tpu.memory_space<vmem>>) target_semaphore(%run_scoped3A_34 : memref<!tpu.dma_semaphore, #tpu.memory_space<semaphore_mem>>)
      %dma_wait3A_43 = arith.constant 0 : i32
      %dma_wait3A_44 = tpu.memref_slice %arg17[%run_scoped3A, %dma_wait3A_43] : memref<2x64xi32, #tpu.memory_space<vmem>> -> memref<1x64xi32, #tpu.memory_space<vmem>>
      %dma_wait3A_45 = tpu.memref_squeeze %dma_wait3A_44 : memref<1x64xi32, #tpu.memory_space<vmem>> -> memref<64xi32, #tpu.memory_space<vmem>>
      %dma_wait3A_46 = tpu.memref_slice %arg16[%mul3A_2] : memref<4096xi32, #tpu.memory_space<vmem_shared>> -> memref<64xi32, #tpu.memory_space<vmem_shared>>
      %dma_wait3A_47 = arith.constant 0 : i32
      %dma_wait3A_48 = tpu.memref_slice %arg17[%run_scoped3A, %dma_wait3A_47] : memref<2x64xi32, #tpu.memory_space<vmem>> -> memref<1x64xi32, #tpu.memory_space<vmem>>
      %dma_wait3A_49 = tpu.memref_squeeze %dma_wait3A_48 : memref<1x64xi32, #tpu.memory_space<vmem>> -> memref<64xi32, #tpu.memory_space<vmem>>
      %dma_wait3A_50 = tpu.memref_slice %arg16[%mul3A_2] : memref<4096xi32, #tpu.memory_space<vmem_shared>> -> memref<64xi32, #tpu.memory_space<vmem_shared>>
      tpu.wait_dma2 semaphore(%run_scoped3A_34 : memref<!tpu.dma_semaphore, #tpu.memory_space<semaphore_mem>>) src(%dma_wait3A_50 : memref<64xi32, #tpu.memory_space<vmem_shared>>) dst(%dma_wait3A_49 : memref<64xi32, #tpu.memory_space<vmem>>)
      tpu.yield
    }) : () -> ()
    %add3A_5 = arith.constant 2048 : i32
    %add3A_6 = arith.addi %add3A_5, %mul3A_2 : i32
    %run_scoped3A_7 = arith.constant 1 : i32
    "tpu.region"() ({
      %run_scoped3A_34 = tpu.sem_alloc : memref<!tpu.dma_semaphore, #tpu.memory_space<semaphore_mem>>
      %dma_start3A_35 = arith.constant 0 : i32
      %dma_start3A_36 = tpu.memref_slice %arg17[%run_scoped3A_7, %dma_start3A_35] : memref<2x64xi32, #tpu.memory_space<vmem>> -> memref<1x64xi32, #tpu.memory_space<vmem>>
      %dma_start3A_37 = tpu.memref_squeeze %dma_start3A_36 : memref<1x64xi32, #tpu.memory_space<vmem>> -> memref<64xi32, #tpu.memory_space<vmem>>
      %dma_start3A_38 = tpu.memref_slice %arg16[%add3A_6] : memref<4096xi32, #tpu.memory_space<vmem_shared>> -> memref<64xi32, #tpu.memory_space<vmem_shared>>
      %dma_start3A_39 = arith.constant 0 : i32
      %dma_start3A_40 = tpu.memref_slice %arg17[%run_scoped3A_7, %dma_start3A_39] : memref<2x64xi32, #tpu.memory_space<vmem>> -> memref<1x64xi32, #tpu.memory_space<vmem>>
      %dma_start3A_41 = tpu.memref_squeeze %dma_start3A_40 : memref<1x64xi32, #tpu.memory_space<vmem>> -> memref<64xi32, #tpu.memory_space<vmem>>
      %dma_start3A_42 = tpu.memref_slice %arg16[%add3A_6] : memref<4096xi32, #tpu.memory_space<vmem_shared>> -> memref<64xi32, #tpu.memory_space<vmem_shared>>
      tpu.enqueue_dma source(%dma_start3A_42 : memref<64xi32, #tpu.memory_space<vmem_shared>>) target(%dma_start3A_41 : memref<64xi32, #tpu.memory_space<vmem>>) target_semaphore(%run_scoped3A_34 : memref<!tpu.dma_semaphore, #tpu.memory_space<semaphore_mem>>)
      %dma_wait3A_43 = arith.constant 0 : i32
      %dma_wait3A_44 = tpu.memref_slice %arg17[%run_scoped3A_7, %dma_wait3A_43] : memref<2x64xi32, #tpu.memory_space<vmem>> -> memref<1x64xi32, #tpu.memory_space<vmem>>
      %dma_wait3A_45 = tpu.memref_squeeze %dma_wait3A_44 : memref<1x64xi32, #tpu.memory_space<vmem>> -> memref<64xi32, #tpu.memory_space<vmem>>
      %dma_wait3A_46 = tpu.memref_slice %arg16[%add3A_6] : memref<4096xi32, #tpu.memory_space<vmem_shared>> -> memref<64xi32, #tpu.memory_space<vmem_shared>>
      %dma_wait3A_47 = arith.constant 0 : i32
      %dma_wait3A_48 = tpu.memref_slice %arg17[%run_scoped3A_7, %dma_wait3A_47] : memref<2x64xi32, #tpu.memory_space<vmem>> -> memref<1x64xi32, #tpu.memory_space<vmem>>
      %dma_wait3A_49 = tpu.memref_squeeze %dma_wait3A_48 : memref<1x64xi32, #tpu.memory_space<vmem>> -> memref<64xi32, #tpu.memory_space<vmem>>
      %dma_wait3A_50 = tpu.memref_slice %arg16[%add3A_6] : memref<4096xi32, #tpu.memory_space<vmem_shared>> -> memref<64xi32, #tpu.memory_space<vmem_shared>>
      tpu.wait_dma2 semaphore(%run_scoped3A_34 : memref<!tpu.dma_semaphore, #tpu.memory_space<semaphore_mem>>) src(%dma_wait3A_50 : memref<64xi32, #tpu.memory_space<vmem_shared>>) dst(%dma_wait3A_49 : memref<64xi32, #tpu.memory_space<vmem>>)
      tpu.yield
    }) : () -> ()
    %dma_start3A = arith.constant 0 : i32
    %dma_start3A_8 = arith.constant 0 : i32
    %dma_start3A_9 = tpu.memref_slice %arg17[%dma_start3A, %dma_start3A_8] : memref<2x64xi32, #tpu.memory_space<vmem>> -> memref<1x64xi32, #tpu.memory_space<vmem>>
    %dma_start3A_10 = tpu.memref_squeeze %dma_start3A_9 : memref<1x64xi32, #tpu.memory_space<vmem>> -> memref<64xi32, #tpu.memory_space<vmem>>
    %dma_start3A_11 = arith.constant 0 : i32
    %dma_start3A_12 = arith.constant 0 : i32
    %dma_start3A_13 = tpu.memref_slice %arg8[%dma_start3A_11, %dma_start3A_12] : memref<6144x1024xf32, #tpu.memory_space<hbm>> -> memref<6144x1024xf32, #tpu.memory_space<hbm>>
    tpu.enqueue_indirect_dma source(%arg18 : memref<64x1024xf32, #tpu.memory_space<vmem>>) target(%dma_start3A_13 : memref<6144x1024xf32, #tpu.memory_space<hbm>>) offsets(%dma_start3A_10 : memref<64xi32, #tpu.memory_space<vmem>>) semaphore(%arg19 : memref<!tpu.dma_semaphore, #tpu.memory_space<semaphore_mem>>)
    %dma_start3A_14 = arith.constant 1 : i32
    %dma_start3A_15 = arith.constant 0 : i32
    %dma_start3A_16 = tpu.memref_slice %arg17[%dma_start3A_14, %dma_start3A_15] : memref<2x64xi32, #tpu.memory_space<vmem>> -> memref<1x64xi32, #tpu.memory_space<vmem>>
    %dma_start3A_17 = tpu.memref_squeeze %dma_start3A_16 : memref<1x64xi32, #tpu.memory_space<vmem>> -> memref<64xi32, #tpu.memory_space<vmem>>
    %dma_start3A_18 = arith.constant 0 : i32
    %dma_start3A_19 = arith.constant 0 : i32
    %dma_start3A_20 = tpu.memref_slice %arg8[%dma_start3A_18, %dma_start3A_19] : memref<6144x1024xf32, #tpu.memory_space<hbm>> -> memref<6144x1024xf32, #tpu.memory_space<hbm>>
    tpu.enqueue_indirect_dma source(%arg18 : memref<64x1024xf32, #tpu.memory_space<vmem>>) target(%dma_start3A_20 : memref<6144x1024xf32, #tpu.memory_space<hbm>>) offsets(%dma_start3A_17 : memref<64xi32, #tpu.memory_space<vmem>>) semaphore(%arg19 : memref<!tpu.dma_semaphore, #tpu.memory_space<semaphore_mem>>)
    %dma_wait3A = arith.constant 0 : i32
    %dma_wait3A_21 = arith.constant 0 : i32
    %dma_wait3A_22 = tpu.memref_slice %arg17[%dma_wait3A, %dma_wait3A_21] : memref<2x64xi32, #tpu.memory_space<vmem>> -> memref<1x64xi32, #tpu.memory_space<vmem>>
    %dma_wait3A_23 = tpu.memref_squeeze %dma_wait3A_22 : memref<1x64xi32, #tpu.memory_space<vmem>> -> memref<64xi32, #tpu.memory_space<vmem>>
    %dma_wait3A_24 = arith.constant 0 : i32
    %dma_wait3A_25 = arith.constant 0 : i32
    %dma_wait3A_26 = tpu.memref_slice %arg8[%dma_wait3A_24, %dma_wait3A_25] : memref<6144x1024xf32, #tpu.memory_space<hbm>> -> memref<6144x1024xf32, #tpu.memory_space<hbm>>
    tpu.wait_indirect_dma semaphore(%arg19 : memref<!tpu.dma_semaphore, #tpu.memory_space<semaphore_mem>>) src(%arg18 : memref<64x1024xf32, #tpu.memory_space<vmem>>) dst(%dma_wait3A_26 : memref<6144x1024xf32, #tpu.memory_space<hbm>>)
    %dma_wait3A_27 = arith.constant 1 : i32
    %dma_wait3A_28 = arith.constant 0 : i32
    %dma_wait3A_29 = tpu.memref_slice %arg17[%dma_wait3A_27, %dma_wait3A_28] : memref<2x64xi32, #tpu.memory_space<vmem>> -> memref<1x64xi32, #tpu.memory_space<vmem>>
    %dma_wait3A_30 = tpu.memref_squeeze %dma_wait3A_29 : memref<1x64xi32, #tpu.memory_space<vmem>> -> memref<64xi32, #tpu.memory_space<vmem>>
    %dma_wait3A_31 = arith.constant 0 : i32
    %dma_wait3A_32 = arith.constant 0 : i32
    %dma_wait3A_33 = tpu.memref_slice %arg8[%dma_wait3A_31, %dma_wait3A_32] : memref<6144x1024xf32, #tpu.memory_space<hbm>> -> memref<6144x1024xf32, #tpu.memory_space<hbm>>
    tpu.wait_indirect_dma semaphore(%arg19 : memref<!tpu.dma_semaphore, #tpu.memory_space<semaphore_mem>>) src(%arg18 : memref<64x1024xf32, #tpu.memory_space<vmem>>) dst(%dma_wait3A_33 : memref<6144x1024xf32, #tpu.memory_space<hbm>>)
    return
  }
}

module attributes {stable_mosaic.version = 14 : i64} {
  func.func @_router_body(%arg0: i32, %arg1: memref<256x1024xf32, #tpu.memory_space<vmem>>, %arg2: memref<1024x8xf32, #tpu.memory_space<vmem>>, %arg3: memref<256x2xi32, #tpu.memory_space<vmem>>, %arg4: memref<256x2xf32, #tpu.memory_space<vmem>>) attributes {dimension_semantics = [#tpu.dimension_semantics<arbitrary>], iteration_bounds = array<i64: 8>, scalar_prefetch = 0 : i64, scratch_operands = 0 : i64, tpu.core_type = #tpu.core_type<tc>, window_params = [{transform_indices = @transform_0, window_bounds = array<i64: 256, 1024>}, {pipeline_mode = #tpu.pipeline_mode<synchronous>, transform_indices = @transform_1, window_bounds = array<i64: 1024, 8>}, {transform_indices = @transform_2, window_bounds = array<i64: 256, 2>}, {transform_indices = @transform_3, window_bounds = array<i64: 256, 2>}]} {
    %get3A = arith.constant 0 : index
    %get3A_0 = arith.constant 0 : index
    %get3A_1 = vector.load %arg1[%get3A, %get3A_0] : memref<256x1024xf32, #tpu.memory_space<vmem>>, vector<256x1024xf32>
    %get3A_2 = arith.constant 0 : index
    %get3A_3 = arith.constant 0 : index
    %get3A_4 = vector.load %arg2[%get3A_2, %get3A_3] : memref<1024x8xf32, #tpu.memory_space<vmem>>, vector<1024x8xf32>
    %dot_general3A = arith.constant dense<0.000000e+00> : vector<256x8xf32>
    %dot_general3A_5 = tpu.matmul %get3A_1, %get3A_4, %dot_general3A {dimension_numbers = #tpu.dot_dimension_numbers<[1], [0], [0], [1], [0, 0, 1, 1], [], []>, transpose_lhs_hint = false} : vector<256x1024xf32>, vector<1024x8xf32>, vector<256x8xf32> -> vector<256x8xf32>
    %iota3A = tpu.iota {dimensions = array<i32: 1>} : vector<256x8xi32>
    %reduce_max3A = arith.constant dense<0xFF800000> : vector<256xf32>
    %reduce_max3A_6 = vector.multi_reduction <maximumf>, %dot_general3A_5, %reduce_max3A [1] : vector<256x8xf32> to vector<256xf32>
    %broadcast_in_dim3A = vector.shape_cast %reduce_max3A_6 : vector<256xf32> to vector<256x1xf32>
    %eq3A = vector.broadcast %broadcast_in_dim3A : vector<256x1xf32> to vector<256x8xf32>
    %eq3A_7 = arith.cmpf oeq, %dot_general3A_5, %eq3A : vector<256x8xf32>
    %jit3A = arith.constant 8 : i32
    %broadcast_in_dim3A_8 = vector.broadcast %jit3A : i32 to vector<256x8xi32>
    %select_n3A = arith.select %eq3A_7, %iota3A, %broadcast_in_dim3A_8 : vector<256x8xi1>, vector<256x8xi32>
    %reduce_min3A = arith.constant dense<2147483647> : vector<256xi32>
    %reduce_min3A_9 = vector.multi_reduction <minsi>, %select_n3A, %reduce_min3A [1] : vector<256x8xi32> to vector<256xi32>
    %broadcast_in_dim3A_10 = vector.shape_cast %reduce_min3A_9 : vector<256xi32> to vector<256x1xi32>
    %eq3A_11 = vector.broadcast %broadcast_in_dim3A_10 : vector<256x1xi32> to vector<256x8xi32>
    %eq3A_12 = arith.cmpi eq, %iota3A, %eq3A_11 : vector<256x8xi32>
    %jit3A_13 = arith.constant 0xFF800000 : f32
    %broadcast_in_dim3A_14 = vector.broadcast %jit3A_13 : f32 to vector<256x8xf32>
    %select_n3A_15 = arith.select %eq3A_12, %broadcast_in_dim3A_14, %dot_general3A_5 : vector<256x8xi1>, vector<256x8xf32>
    %reduce_max3A_16 = arith.constant dense<0xFF800000> : vector<256xf32>
    %reduce_max3A_17 = vector.multi_reduction <maximumf>, %select_n3A_15, %reduce_max3A_16 [1] : vector<256x8xf32> to vector<256xf32>
    %broadcast_in_dim3A_18 = vector.shape_cast %reduce_max3A_17 : vector<256xf32> to vector<256x1xf32>
    %eq3A_19 = vector.broadcast %broadcast_in_dim3A_18 : vector<256x1xf32> to vector<256x8xf32>
    %eq3A_20 = arith.cmpf oeq, %select_n3A_15, %eq3A_19 : vector<256x8xf32>
    %jit3A_21 = arith.constant 8 : i32
    %broadcast_in_dim3A_22 = vector.broadcast %jit3A_21 : i32 to vector<256x8xi32>
    %select_n3A_23 = arith.select %eq3A_20, %iota3A, %broadcast_in_dim3A_22 : vector<256x8xi1>, vector<256x8xi32>
    %reduce_min3A_24 = arith.constant dense<2147483647> : vector<256xi32>
    %reduce_min3A_25 = vector.multi_reduction <minsi>, %select_n3A_23, %reduce_min3A_24 [1] : vector<256x8xi32> to vector<256xi32>
    %broadcast_in_dim3A_26 = vector.shape_cast %reduce_min3A_25 : vector<256xi32> to vector<256x1xi32>
    %sub3A = arith.subf %broadcast_in_dim3A_18, %broadcast_in_dim3A : vector<256x1xf32>
    %exp3A = math.exp %sub3A : vector<256x1xf32>
    %add3A = arith.constant 1.000000e+00 : f32
    %add3A_27 = vector.broadcast %add3A : f32 to vector<256x1xf32>
    %add3A_28 = arith.addf %add3A_27, %exp3A : vector<256x1xf32>
    %div3A = arith.constant 1.000000e+00 : f32
    %div3A_29 = vector.broadcast %div3A : f32 to vector<256x1xf32>
    %div3A_30 = arith.divf %div3A_29, %add3A_28 : vector<256x1xf32>
    %sub3A_31 = arith.subf %broadcast_in_dim3A, %broadcast_in_dim3A_18 : vector<256x1xf32>
    %exp3A_32 = math.exp %sub3A_31 : vector<256x1xf32>
    %add3A_33 = arith.constant 1.000000e+00 : f32
    %add3A_34 = vector.broadcast %add3A_33 : f32 to vector<256x1xf32>
    %add3A_35 = arith.addf %add3A_34, %exp3A_32 : vector<256x1xf32>
    %div3A_36 = arith.constant 1.000000e+00 : f32
    %div3A_37 = vector.broadcast %div3A_36 : f32 to vector<256x1xf32>
    %div3A_38 = arith.divf %div3A_37, %add3A_35 : vector<256x1xf32>
    %concatenate3A = tpu.concatenate %broadcast_in_dim3A_10, %broadcast_in_dim3A_26 in 1 : vector<256x1xi32>, vector<256x1xi32> -> vector<256x2xi32>
    %swap3A = arith.constant 0 : index
    %swap3A_39 = arith.constant 0 : index
    %swap3A_40 = vector.load %arg3[%swap3A, %swap3A_39] : memref<256x2xi32, #tpu.memory_space<vmem>>, vector<256x2xi32>
    tpu.vector_store %arg3[%swap3A, %swap3A_39], %concatenate3A {strides = array<i32>} : memref<256x2xi32, #tpu.memory_space<vmem>>, vector<256x2xi32>,
    %concatenate3A_41 = tpu.concatenate %div3A_30, %div3A_38 in 1 : vector<256x1xf32>, vector<256x1xf32> -> vector<256x2xf32>
    %swap3A_42 = arith.constant 0 : index
    %swap3A_43 = arith.constant 0 : index
    %swap3A_44 = vector.load %arg4[%swap3A_42, %swap3A_43] : memref<256x2xf32, #tpu.memory_space<vmem>>, vector<256x2xf32>
    tpu.vector_store %arg4[%swap3A_42, %swap3A_43], %concatenate3A_41 {strides = array<i32>} : memref<256x2xf32, #tpu.memory_space<vmem>>, vector<256x2xf32>,
    return
  }
  func.func @transform_0(%arg0: i32) -> (i32, i32) {
    %c0_i32 = arith.constant 0 : i32
    %c0_i32_0 = arith.constant 0 : i32
    return %arg0, %c0_i32 : i32, i32
  }
  func.func @transform_1(%arg0: i32) -> (i32, i32) {
    %c0_i32 = arith.constant 0 : i32
    %c0_i32_0 = arith.constant 0 : i32
    %c0_i32_1 = arith.constant 0 : i32
    return %c0_i32, %c0_i32_0 : i32, i32
  }
  func.func @transform_2(%arg0: i32) -> (i32, i32) {
    %c0_i32 = arith.constant 0 : i32
    %c0_i32_0 = arith.constant 0 : i32
    return %arg0, %c0_i32 : i32, i32
  }
  func.func @transform_3(%arg0: i32) -> (i32, i32) {
    %c0_i32 = arith.constant 0 : i32
    %c0_i32_0 = arith.constant 0 : i32
    return %arg0, %c0_i32 : i32, i32
  }
}

module attributes {stable_mosaic.version = 14 : i64} {
  func.func @_group_body(%arg0: i32, %arg1: memref<24xi32, #tpu.memory_space<smem>>, %arg2: memref<16xi32, #tpu.memory_space<smem>>, %arg3: memref<256x1024xf32, #tpu.memory_space<vmem>>, %arg4: memref<1x1024x2048xbf16, #tpu.memory_space<vmem>>, %arg5: memref<1x1x2048xf32, #tpu.memory_space<vmem>>, %arg6: memref<1x2048x1024xbf16, #tpu.memory_space<vmem>>, %arg7: memref<1x1x1024xf32, #tpu.memory_space<vmem>>, %arg8: memref<256x1024xf32, #tpu.memory_space<vmem>>) attributes {dimension_semantics = [#tpu.dimension_semantics<arbitrary>], iteration_bounds = array<i64: 24>, scalar_prefetch = 2 : i64, scratch_operands = 0 : i64, tpu.core_type = #tpu.core_type<tc>, window_params = [{transform_indices = @transform_0, window_bounds = array<i64: 256, 1024>}, {transform_indices = @transform_1, window_bounds = array<i64: 1, 1024, 2048>}, {transform_indices = @transform_2, window_bounds = array<i64: 1, 1, 2048>}, {transform_indices = @transform_3, window_bounds = array<i64: 1, 2048, 1024>}, {transform_indices = @transform_4, window_bounds = array<i64: 1, 1, 1024>}, {transform_indices = @transform_5, window_bounds = array<i64: 256, 1024>}]} {
    %get3A = arith.constant 0 : index
    %get3A_0 = memref.load %arg2[%get3A] : memref<16xi32, #tpu.memory_space<smem>>
    %lt3A = arith.cmpi slt, %arg0, %get3A_0 : i32
    %convert_element_type3A = arith.extui %lt3A : i1 to i32
    %cond3A = arith.constant 0 : i32
    %cond3A_1 = arith.cmpi ne, %convert_element_type3A, %cond3A : i32
    scf.if %cond3A_1 {
      %get3A_2 = arith.constant 0 : index
      %get3A_3 = arith.constant 0 : index
      %get3A_4 = vector.load %arg3[%get3A_2, %get3A_3] : memref<256x1024xf32, #tpu.memory_space<vmem>>, vector<256x1024xf32>
      %convert_element_type3A_5 = arith.truncf %get3A_4 : vector<256x1024xf32> to vector<256x1024xbf16>
      %get3A_6 = arith.constant 0 : index
      %get3A_7 = arith.constant 0 : index
      %get3A_8 = arith.constant 0 : index
      %get3A_9 = vector.load %arg4[%get3A_6, %get3A_7, %get3A_8] : memref<1x1024x2048xbf16, #tpu.memory_space<vmem>>, vector<1x1024x2048xbf16>
      %get3A_10 = vector.shape_cast %get3A_9 : vector<1x1024x2048xbf16> to vector<1024x2048xbf16>
      %dot_general3A = arith.constant dense<0.000000e+00> : vector<256x2048xf32>
      %dot_general3A_11 = tpu.matmul %convert_element_type3A_5, %get3A_10, %dot_general3A {dimension_numbers = #tpu.dot_dimension_numbers<[1], [0], [0], [1], [0, 0, 1, 1], [], []>, transpose_lhs_hint = false} : vector<256x1024xbf16>, vector<1024x2048xbf16>, vector<256x2048xf32> -> vector<256x2048xf32>
      %get3A_12 = arith.constant 0 : index
      %get3A_13 = arith.constant 0 : index
      %get3A_14 = arith.constant 0 : index
      %get3A_15 = vector.load %arg5[%get3A_12, %get3A_13, %get3A_14] : memref<1x1x2048xf32, #tpu.memory_space<vmem>>, vector<1x1x2048xf32>
      %get3A_16 = vector.shape_cast %get3A_15 : vector<1x1x2048xf32> to vector<1x2048xf32>
      %add3A = vector.broadcast %get3A_16 : vector<1x2048xf32> to vector<256x2048xf32>
      %add3A_17 = arith.addf %dot_general3A_11, %add3A : vector<256x2048xf32>
      %mul3A = arith.constant 5.000000e-01 : f32
      %mul3A_18 = vector.broadcast %mul3A : f32 to vector<256x2048xf32>
      %mul3A_19 = arith.mulf %mul3A_18, %add3A_17 : vector<256x2048xf32>
      %mul3A_20 = arith.constant 0.707106769 : f32
      %mul3A_21 = vector.broadcast %mul3A_20 : f32 to vector<256x2048xf32>
      %mul3A_22 = arith.mulf %add3A_17, %mul3A_21 : vector<256x2048xf32>
      %erf3A = math.erf %mul3A_22 : vector<256x2048xf32>
      %add3A_23 = arith.constant 1.000000e+00 : f32
      %add3A_24 = vector.broadcast %add3A_23 : f32 to vector<256x2048xf32>
      %add3A_25 = arith.addf %add3A_24, %erf3A : vector<256x2048xf32>
      %mul3A_26 = arith.mulf %mul3A_19, %add3A_25 : vector<256x2048xf32>
      %convert_element_type3A_27 = arith.truncf %mul3A_26 : vector<256x2048xf32> to vector<256x2048xbf16>
      %get3A_28 = arith.constant 0 : index
      %get3A_29 = arith.constant 0 : index
      %get3A_30 = arith.constant 0 : index
      %get3A_31 = vector.load %arg6[%get3A_28, %get3A_29, %get3A_30] : memref<1x2048x1024xbf16, #tpu.memory_space<vmem>>, vector<1x2048x1024xbf16>
      %get3A_32 = vector.shape_cast %get3A_31 : vector<1x2048x1024xbf16> to vector<2048x1024xbf16>
      %dot_general3A_33 = arith.constant dense<0.000000e+00> : vector<256x1024xf32>
      %dot_general3A_34 = tpu.matmul %convert_element_type3A_27, %get3A_32, %dot_general3A_33 {dimension_numbers = #tpu.dot_dimension_numbers<[1], [0], [0], [1], [0, 0, 1, 1], [], []>, transpose_lhs_hint = false} : vector<256x2048xbf16>, vector<2048x1024xbf16>, vector<256x1024xf32> -> vector<256x1024xf32>
      %get3A_35 = arith.constant 0 : index
      %get3A_36 = arith.constant 0 : index
      %get3A_37 = arith.constant 0 : index
      %get3A_38 = vector.load %arg7[%get3A_35, %get3A_36, %get3A_37] : memref<1x1x1024xf32, #tpu.memory_space<vmem>>, vector<1x1x1024xf32>
      %get3A_39 = vector.shape_cast %get3A_38 : vector<1x1x1024xf32> to vector<1x1024xf32>
      %add3A_40 = vector.broadcast %get3A_39 : vector<1x1024xf32> to vector<256x1024xf32>
      %add3A_41 = arith.addf %dot_general3A_34, %add3A_40 : vector<256x1024xf32>
      %exp3A = math.exp %add3A_41 : vector<256x1024xf32>
      %reduce_sum3A = arith.constant dense<0.000000e+00> : vector<256xf32>
      %reduce_sum3A_42 = vector.multi_reduction <add>, %exp3A, %reduce_sum3A [1] : vector<256x1024xf32> to vector<256xf32>
      %broadcast_in_dim3A = vector.shape_cast %reduce_sum3A_42 : vector<256xf32> to vector<256x1xf32>
      %div3A = vector.broadcast %broadcast_in_dim3A : vector<256x1xf32> to vector<256x1024xf32>
      %div3A_43 = arith.divf %exp3A, %div3A : vector<256x1024xf32>
      %swap3A = arith.constant 0 : index
      %swap3A_44 = arith.constant 0 : index
      %swap3A_45 = vector.load %arg8[%swap3A, %swap3A_44] : memref<256x1024xf32, #tpu.memory_space<vmem>>, vector<256x1024xf32>
      tpu.vector_store %arg8[%swap3A, %swap3A_44], %div3A_43 {strides = array<i32>} : memref<256x1024xf32, #tpu.memory_space<vmem>>, vector<256x1024xf32>,
    } else {
    }
    return
  }
  func.func @transform_0(%arg0: i32, %arg1: memref<24xi32, #tpu.memory_space<smem>>, %arg2: memref<16xi32, #tpu.memory_space<smem>>) -> (i32, i32) {
    %c0_i32 = arith.constant 0 : i32
    %c0_i32_0 = arith.constant 0 : i32
    return %arg0, %c0_i32 : i32, i32
  }
  func.func @transform_1(%arg0: i32, %arg1: memref<24xi32, #tpu.memory_space<smem>>, %arg2: memref<16xi32, #tpu.memory_space<smem>>) -> (i32, i32, i32) {
    %get3A = arith.index_cast %arg0 : i32 to index
    %get3A_0 = memref.load %arg1[%get3A] : memref<24xi32, #tpu.memory_space<smem>>
    %c0_i32 = arith.constant 0 : i32
    %c0_i32_1 = arith.constant 0 : i32
    %c0_i32_2 = arith.constant 0 : i32
    return %get3A_0, %c0_i32, %c0_i32_1 : i32, i32, i32
  }
  func.func @transform_2(%arg0: i32, %arg1: memref<24xi32, #tpu.memory_space<smem>>, %arg2: memref<16xi32, #tpu.memory_space<smem>>) -> (i32, i32, i32) {
    %get3A = arith.index_cast %arg0 : i32 to index
    %get3A_0 = memref.load %arg1[%get3A] : memref<24xi32, #tpu.memory_space<smem>>
    %c0_i32 = arith.constant 0 : i32
    %c0_i32_1 = arith.constant 0 : i32
    %c0_i32_2 = arith.constant 0 : i32
    return %get3A_0, %c0_i32, %c0_i32_1 : i32, i32, i32
  }
  func.func @transform_3(%arg0: i32, %arg1: memref<24xi32, #tpu.memory_space<smem>>, %arg2: memref<16xi32, #tpu.memory_space<smem>>) -> (i32, i32, i32) {
    %get3A = arith.index_cast %arg0 : i32 to index
    %get3A_0 = memref.load %arg1[%get3A] : memref<24xi32, #tpu.memory_space<smem>>
    %c0_i32 = arith.constant 0 : i32
    %c0_i32_1 = arith.constant 0 : i32
    %c0_i32_2 = arith.constant 0 : i32
    return %get3A_0, %c0_i32, %c0_i32_1 : i32, i32, i32
  }
  func.func @transform_4(%arg0: i32, %arg1: memref<24xi32, #tpu.memory_space<smem>>, %arg2: memref<16xi32, #tpu.memory_space<smem>>) -> (i32, i32, i32) {
    %get3A = arith.index_cast %arg0 : i32 to index
    %get3A_0 = memref.load %arg1[%get3A] : memref<24xi32, #tpu.memory_space<smem>>
    %c0_i32 = arith.constant 0 : i32
    %c0_i32_1 = arith.constant 0 : i32
    %c0_i32_2 = arith.constant 0 : i32
    return %get3A_0, %c0_i32, %c0_i32_1 : i32, i32, i32
  }
  func.func @transform_5(%arg0: i32, %arg1: memref<24xi32, #tpu.memory_space<smem>>, %arg2: memref<16xi32, #tpu.memory_space<smem>>) -> (i32, i32) {
    %c0_i32 = arith.constant 0 : i32
    %c0_i32_0 = arith.constant 0 : i32
    return %arg0, %c0_i32 : i32, i32
  }
}

module attributes {stable_mosaic.version = 14 : i64} {
  func.func @_comb_body(%arg0: i32, %arg1: memref<2x256x1024xf32, #tpu.memory_space<vmem>>, %arg2: memref<256x2xf32, #tpu.memory_space<vmem>>, %arg3: memref<256x1024xf32, #tpu.memory_space<vmem>>) attributes {dimension_semantics = [#tpu.dimension_semantics<arbitrary>], iteration_bounds = array<i64: 8>, scalar_prefetch = 0 : i64, scratch_operands = 0 : i64, tpu.core_type = #tpu.core_type<tc>, window_params = [{transform_indices = @transform_0, window_bounds = array<i64: 2, 256, 1024>}, {transform_indices = @transform_1, window_bounds = array<i64: 256, 2>}, {transform_indices = @transform_2, window_bounds = array<i64: 256, 1024>}]} {
    %get3A = arith.constant 0 : index
    %get3A_0 = arith.constant 0 : index
    %get3A_1 = arith.constant 0 : index
    %get3A_2 = vector.load %arg1[%get3A, %get3A_0, %get3A_1] : memref<2x256x1024xf32, #tpu.memory_space<vmem>>, vector<1x256x1024xf32>
    %get3A_3 = vector.shape_cast %get3A_2 : vector<1x256x1024xf32> to vector<256x1024xf32>
    %get3A_4 = arith.constant 0 : index
    %get3A_5 = arith.constant 0 : index
    %get3A_6 = vector.load %arg2[%get3A_4, %get3A_5] : memref<256x2xf32, #tpu.memory_space<vmem>>, vector<256x1xf32>
    %mul3A = vector.broadcast %get3A_6 : vector<256x1xf32> to vector<256x1024xf32>
    %mul3A_7 = arith.mulf %get3A_3, %mul3A : vector<256x1024xf32>
    %get3A_8 = arith.constant 1 : index
    %get3A_9 = arith.constant 0 : index
    %get3A_10 = arith.constant 0 : index
    %get3A_11 = vector.load %arg1[%get3A_8, %get3A_9, %get3A_10] : memref<2x256x1024xf32, #tpu.memory_space<vmem>>, vector<1x256x1024xf32>
    %get3A_12 = vector.shape_cast %get3A_11 : vector<1x256x1024xf32> to vector<256x1024xf32>
    %get3A_13 = arith.constant 0 : index
    %get3A_14 = arith.constant 1 : index
    %get3A_15 = vector.load %arg2[%get3A_13, %get3A_14] : memref<256x2xf32, #tpu.memory_space<vmem>>, vector<256x1xf32>
    %mul3A_16 = vector.broadcast %get3A_15 : vector<256x1xf32> to vector<256x1024xf32>
    %mul3A_17 = arith.mulf %get3A_12, %mul3A_16 : vector<256x1024xf32>
    %add3A = arith.addf %mul3A_7, %mul3A_17 : vector<256x1024xf32>
    %eq3A = arith.constant 0.000000e+00 : f32
    %eq3A_18 = vector.broadcast %eq3A : f32 to vector<256x1024xf32>
    %eq3A_19 = arith.cmpf oeq, %add3A, %eq3A_18 : vector<256x1024xf32>
    %jit3A = arith.constant 2.22044605E-16 : f32
    %broadcast_in_dim3A = vector.broadcast %jit3A : f32 to vector<256x1024xf32>
    %select_n3A = arith.select %eq3A_19, %broadcast_in_dim3A, %add3A : vector<256x1024xi1>, vector<256x1024xf32>
    %log3A = math.log %select_n3A : vector<256x1024xf32>
    %swap3A = arith.constant 0 : index
    %swap3A_20 = arith.constant 0 : index
    %swap3A_21 = vector.load %arg3[%swap3A, %swap3A_20] : memref<256x1024xf32, #tpu.memory_space<vmem>>, vector<256x1024xf32>
    tpu.vector_store %arg3[%swap3A, %swap3A_20], %log3A {strides = array<i32>} : memref<256x1024xf32, #tpu.memory_space<vmem>>, vector<256x1024xf32>,
    return
  }
  func.func @transform_0(%arg0: i32) -> (i32, i32, i32) {
    %c0_i32 = arith.constant 0 : i32
    %c0_i32_0 = arith.constant 0 : i32
    %c0_i32_1 = arith.constant 0 : i32
    return %c0_i32, %arg0, %c0_i32_0 : i32, i32, i32
  }
  func.func @transform_1(%arg0: i32) -> (i32, i32) {
    %c0_i32 = arith.constant 0 : i32
    %c0_i32_0 = arith.constant 0 : i32
    return %arg0, %c0_i32 : i32, i32
  }
  func.func @transform_2(%arg0: i32) -> (i32, i32) {
    %c0_i32 = arith.constant 0 : i32
    %c0_i32_0 = arith.constant 0 : i32
    return %arg0, %c0_i32 : i32, i32
  }
}

</mosaic_0001>

<sc_bundles>
// kernel: kernel.10.cloned.1.call-start
scs
__scs_entry_jumppad:
0x0: {  	(pc) =	sbr.rel $0x88, $3  }
0x1: {  	(tag) =	ssettag $0x0;
	lr =	simm.s32 $0x1  }
0x2: {  	[smem:$0x3F9B] =	sst lr;
	_ =	strace $0xD0000000  }
0x3: {  	_ = 	snop  }
0x4: {  	_ = 	snop  }
0x5: {  	_ = 	snop  }
0x6: {  	_ = 	snop  }
0x7: {  	_ = 	snop  }
__scs_overlays_trampoline_lowered:
0x8: {  	[smem:$0x3FAA] =	sst s0  }
0x9: {  	[smem:$0x3FAB] =	sst s1  }
0xa: {  	[smem:$0x3FAC] =	sst s2  }
0xb: {  	[smem:$0x3FAD] =	sst s3  }
0xc: {  	[smem:$0x3FAE] =	sst s4  }
0xd: {  	[smem:$0x3FAF] =	sst s5  }
0xe: {  	[smem:$0x3FB0] =	sst s6  }
0xf: {  	[smem:$0x3FB1] =	sst s7  }
0x10: {  	[smem:$0x3FB2] =	sst s8  }
0x11: {  	[smem:$0x3FB3] =	sst s9;
	s0 =	simm.s32 @!p0 $0x0  }
0x12: {  	s1 =	sld [smem:$0x3F99];
	s0 =	simm.s32 @p0 $0x1  }
0x13: {  	[smem:$0x3FB4] =	sst s0;
	s0 =	simm.s32 @!p1 $0x0  }
0x14: {  	s2 =	sld [smem:$0x3F98];
	s0 =	simm.s32 @p1 $0x1  }
0x15: {  	[smem:$0x3FB5] =	sst s0;
	s0 =	simm.s32 @!p2 $0x0  }
0x16: {  	s3 =	sld [smem:$0x3FDB];
	s0 =	simm.s32 @p2 $0x1  }
0x17: {  	s4 =	simm.s32 $0x1BF5;
	[smem:$0x3FB7] =	sst s0  }
0x18: {  	s0 =	sld [smem:$0x3F9A];
	_ =	swait.ge [sflag:s4], $0x0  }
0x19: {  	s7 =	sld [smem:$0x3F9B]  }
0x1a: {  	s8 =	sadd.s32 $0xFFFFE003, lr  }
0x1b: {  	s9 =	sadd.s32 $0xFFFFFEF7, lr;
	s5 =	simm.s32 $0xFFFFFFFF;
	p2 =	slt.u32 s8, $0xFFFFF086  }
0x1c: {  	p1 =	slt.u32 s9, $0xF7A;
	s5 =	simm.s32 @!p2 $0x0  }
0x1d: {  	s5 =	simm.s32 @p1 $0x1;
	p0 =	seq.s32 s7, s2  }
0x1e: {  	s7 =	smul.u32 @!p0 $0xF7A, s2;
	p2 =	seq.s32 @!p0 s5, $0x0  }
0x1f: {  	s9 =	smul.u32 $0xF7A, s1;
	s8 =	simm.s32 @!p0 $0x1BF5;
	p2 =	por !p2, p0  }
0x20: {  	[sflag:s8] =	ssyncset.s32 @!p0 $0xFFFFF086;
	s6 =	sadd.s32 @!p0 s3, s7;
	s7 =	simm.s32 @!p0 $0x108  }
0x21: {  	s3 =	sadd.s32 s3, s9;
	s6 =	sadd.s32 @!p0 $0x88, s6;
	s7 =	simm.s32 @p2 $0x1082  }
0x22: {  	[simem:s7], [sflag:s8] =	dma.local @!p0 [hbm:s6], $0xF7A  }
0x23: {  	s9 =	sor.u32 $0xD0000000, s2;
	s6 =	simm.s32 $0x108;
	_ =	swait.ge @!p0 [sflag:s8], $0x0  }
0x24: {  	s3 =	sadd.s32 $0x88, s3;
	s6 =	simm.s32 @!p1 $0x1082;
	[sflag:s4] =	ssyncset.s32 $0xFFFFF086  }
0x25: {  	[simem:s6], [sflag:s4] =	dma.local [hbm:s3], $0xF7A  }
0x26: {  	[smem:$0x3F9B] =	sst s1;
	(tag) =	ssettag s2;
	_ =	strace s9  }
0x27: {  	s1 =	sld [smem:$0x3FAB]  }
0x28: {  	s2 =	sld [smem:$0x3FAC]  }
0x29: {  	s4 =	sld [smem:$0x3FAE]  }
0x2a: {  	p0 =	seq.s32 s5, $0x0;
	s5 =	sld [smem:$0x3FAF]  }
0x2b: {  	s6 =	sld [smem:$0x3FB0]  }
0x2c: {  	s7 =	sld [smem:$0x3FB1]  }
0x2d: {  	s3 =	simm.s32 $0x108;
	s8 =	sld [smem:$0x3FB2]  }
0x2e: {  	s3 =	simm.s32 @!p0 $0x1082;
	s9 =	sld [smem:$0x3FB3]  }
0x2f: {  	lr =	sadd.s32 s0, s3;
	s0 =	sld [smem:$0x3FAA]  }
0x30: {  	s3 =	sld [smem:$0x3FAD]  }
0x31: {  	[smem:$0x3FB6] =	sst s10  }
0x32: {  	s10 =	sld [smem:$0x3FB4];
	_ =	sdelay $0x3  }
0x33: {  	p0 =	seq.s32 s10, $0x1;
	s10 =	sld [smem:$0x3FB6];
	_ =	sdelay $0x3  }
0x34: {  	[smem:$0x3FB6] =	sst s10  }
0x35: {  	s10 =	sld [smem:$0x3FB5];
	_ =	sdelay $0x3  }
0x36: {  	p1 =	seq.s32 s10, $0x1;
	s10 =	sld [smem:$0x3FB6];
	_ =	sdelay $0x3  }
0x37: {  	[smem:$0x3FB6] =	sst s10  }
0x38: {  	s10 =	sld [smem:$0x3FB7]  }
0x39: {  	_ = 	snop;
	(pc) =	sbr.ind lr, $3  }
0x3a: {  	_ = 	snop  }
0x3b: {  	_ = 	snop  }
0x3c: {  	p2 =	seq.s32 s10, $0x1;
	s10 =	sld [smem:$0x3FB6]  }
0x3d: {  	_ =	shalt  }
0x3e: {  	_ =	shalt  }
0x3f: {  	_ =	shalt  }
0x40: {  	_ =	shalt  }
0x41: {  	_ =	shalt  }
0x42: {  	_ =	shalt  }
0x43: {  	_ =	shalt  }
0x44: {  	_ =	shalt  }
0x45: {  	_ =	shalt  }
0x46: {  	_ =	shalt  }
0x47: {  	_ =	shalt  }
0x48: {  	_ =	shalt  }
0x49: {  	_ =	shalt  }
0x4a: {  	_ =	shalt  }
0x4b: {  	_ =	shalt  }
0x4c: {  	_ =	shalt  }
0x4d: {  	_ =	shalt  }
0x4e: {  	_ =	shalt  }
0x4f: {  	_ =	shalt  }
0x50: {  	_ =	shalt  }
0x51: {  	_ =	shalt  }
0x52: {  	_ =	shalt  }
0x53: {  	_ =	shalt  }
0x54: {  	_ =	shalt  }
0x55: {  	_ =	shalt  }
0x56: {  	_ =	shalt  }
0x57: {  	_ =	shalt  }
0x58: {  	_ =	shalt  }
0x59: {  	_ =	shalt  }
0x5a: {  	_ =	shalt  }
0x5b: {  	_ =	shalt  }
0x5c: {  	_ =	shalt  }
0x5d: {  	_ =	shalt  }
0x5e: {  	_ =	shalt  }
0x5f: {  	_ =	shalt  }
0x60: {  	_ =	shalt  }
0x61: {  	_ =	shalt  }
0x62: {  	_ =	shalt  }
0x63: {  	_ =	shalt  }
0x64: {  	_ =	shalt  }
0x65: {  	_ =	shalt  }
0x66: {  	_ =	shalt  }
0x67: {  	_ =	shalt  }
0x68: {  	_ =	shalt  }
0x69: {  	_ =	shalt  }
0x6a: {  	_ =	shalt  }
0x6b: {  	_ =	shalt  }
0x6c: {  	_ =	shalt  }
0x6d: {  	_ =	shalt  }
0x6e: {  	_ =	shalt  }
0x6f: {  	_ =	shalt  }
0x70: {  	_ =	shalt  }
0x71: {  	_ =	shalt  }
0x72: {  	_ =	shalt  }
0x73: {  	_ =	shalt  }
0x74: {  	_ =	shalt  }
0x75: {  	_ =	shalt  }
0x76: {  	_ =	shalt  }
0x77: {  	_ =	shalt  }
0x78: {  	_ =	shalt  }
0x79: {  	_ =	shalt  }
0x7a: {  	_ =	shalt  }
0x7b: {  	_ =	shalt  }
0x7c: {  	_ =	shalt  }
0x7d: {  	_ =	shalt  }
0x7e: {  	_ =	shalt  }
0x7f: {  	_ =	shalt  }
0x80: {  	_ =	shalt  }
0x81: {  	_ =	shalt  }
0x82: {  	_ =	shalt  }
0x83: {  	_ =	shalt  }
0x84: {  	_ =	shalt  }
0x85: {  	_ =	shalt  }
0x86: {  	_ =	shalt  }
0x87: {  	_ =	shalt  }
.Lfunc_end0:
.L_simem_size_0:
called_computation.1_lowered:
.L_overlay_start_0:
0x88: {  	s2 =	sld [smem:$0x3FD9]  }
0x89: {  	s3 =	sld [smem:$0x3FFE];
	_ =	sdelay $0x1  }
0x8a: {  	s1 =	srdreg.scid  }
0x8b: {  	s0 =	sand.u32 $0x1, s1  }
0x8c: {  	s17 =	sshll.u32 s0, $0xA;
	s2 =	sadd.s32 s3, s2  }
0x8d: {  	s2 =	sadd.s32 s2, s17  }
0x8e: {  	[smem:$0x3FC2] =	sst s2  }
0x8f: {  	_ = 	snop  }
0x90: {  	s2 =	sld [smem:$0x3FD0];
	(tm) =	ssettm $0x1  }
0x91: {  	s18 =	sld [smem:$0x3FFB];
	_ =	sdelay $0x3  }
0x92: {  	_ =	strace s18  }
0x93: {  	s3 =	sld [smem:$0x3FFC];
	_ =	sdelay $0x3  }
0x94: {  	_ =	strace s3  }
0x95: {  	s3 =	sld [smem:$0x3FFD];
	_ =	sdelay $0x3  }
0x96: {  	_ =	strace s3  }
0x97: {  	_ =	strace $0x8FFFFFFF  }
0x98: {  	s19 =	sld [smem:$0x3FDB];
	_ =	sdelay $0x1  }
0x99: {  	s4 =	simm.s32 $_scs_section_size  }
0x9a: {  	s5 =	simm.s32 $_size__tile_overlayer_lowered;
	s6 =	simm.s32 $_tile_overlayer_lowered  }
0x9b: {  	s22 =	simm.s32 $0x1BFF;
	s21 =	sshll.u32 s6, $0x1;
	s3 =	sadd.s32 s4, s19  }
0x9c: {  	s7 =	simm.s32 $0x0;
	s20 =	sshll.u32 s5, $0x1;
	s5 =	sadd.s32 s21, s3  }
0x9d: {  	[timem:s7], [sflag:s22] =	dma.local [hbm:s5], s20  }
0x9e: {  	_ =	swait.ge [sflag:s22], s20  }
0x9f: {  	s4 =	ssub.s32 $0x0, s20;
	[sflag:s22] =	ssyncset.done $0x0  }
0xa0: {  	[sflag:s22] =	ssyncadd.s32 s4;
	_ =	sdelay $0x1  }
0xa1: {  	s23 =	simm.s32 $0x1B8B  }
0xa2: {  	_ =	swait.ge [sflag:s23], $0x1  }
0xa3: {  	[sflag:s23] =	ssyncset.done $0x0  }
0xa4: {  	s25 =	simm.s32 $0x1B8E;
	s24 =	sld [smem:$0x3FFE];
	[sflag:s23] =	ssyncadd.s32 $0xFFFFFFFF  }
0xa5: {  	s26 =	simm.s32 $execute0_lowered;
	[smem:$0x3FD2] =	sst s25  }
0xa6: {  	s5 =	sshll.u32 s26, $0x1;
	_ =	strace $0x80000049;
	[dreg:$0x1] =	wrdreg $0xFFFFFFFF  }
0xa7: {  	s28 =	simm.s32 $_size_execute0_lowered;
	s3 =	sadd.s32 s3, s5;
	[dreg:$0x0] =	wrdreg $0x0  }
0xa8: {  	s5 =	sshll.u32 s28, $0x1;
	[dreg:$0x2] =	wrdreg s3  }
0xa9: {  	[dreg:$0x3] =	wrdreg s5  }
0xaa: {  	[dreg:$0x4] =	wrdreg $0xC0  }
0xab: {  	_ =	task [dreg:s7], $0x5FFFF  }
0xac: {  	[dreg:$0x1] =	wrdreg $0xFFFFFFFF  }
0xad: {  	[dreg:$0x0] =	wrdreg $0x60  }
0xae: {  	[dreg:$0x2] =	wrdreg s24  }
0xaf: {  	[dreg:$0x3] =	wrdreg s2  }
0xb0: {  	[dreg:$0x4] =	wrdreg $0x9  }
0xb1: {  	_ =	task.clear_ibuf [dreg:s7], $0x5FFFF;
	_ =	strace $0x90000049  }
0xb2: {  	s29 =	simm.s32 $0x9;
	_ =	strace $0x8000004B  }
0xb3: {  	_ =	swait.ge [sflag:s29], $0x1  }
0xb4: {  	[sflag:s29] =	ssyncadd.s32 $0xFFFFFFFF  }
0xb5: {  	_ =	strace $0x9000004B  }
0xb6: {  	_ =	sfence  }
0xb7: {  	s30 =	sld [smem:$0x0];
	_ =	sdelay $0x2  }
0xb8: {  	s31 =	sshll.u32 s1, $0xD;
	s1 =	sshrl.u32 s1, $0x2  }
0xb9: {  	s3 =	sand.u32 $0x4000, s31;
	s1 =	sadd.s32 s1, s30  }
0xba: {  	s0 =	sor.u32 s3, s0;
	s1 =	sshll.u32 s1, $0x11  }
0xbb: {  	s0 =	sor.u32 s1, s0  }
0xbc: {  	s0 =	sadd.s32 $0x8F2B, s0  }
0xbd: {  	[sflag:s0] =	ssyncadd.remote.s32 $0x1  }
0xbe: {  	_ =	sfence.sel $0xFFFF  }
0xbf: {  	[dreg:$0x0] =	wrdreg $0xFFFFFFFF;
	(pc) =	sbr.abs _section_cstart, $3  }
0xc0: {  	[dreg:$0x1] =	wrdreg $0xFFFFFFFF  }
0xc1: {  	_ =	task.clear_ibuf [dreg:s7], $0x2FFFF;
	_ =	strace $0x9FFFFFFF  }
0xc2: {  	(tm) =	ssettm $0x7FFFFFFF  }
0xc3: {  	_ =	shalt  }
tec
execute0_lowered:
.L_overlay_start_1:
0x0: {  	(tag) =	ssettag $0x1  }
0x1: {  	s0 =	rddreg [dreg:$0x0]  }
0x2: {  	s1 =	rddreg [dreg:$0x1];
	s3 =	srdreg.scid  }
0x3: {  	s2 =	simm.s32 $0x0;
	s5 =	stileid.u32;
	s26 =	simm.s32 $0x80  }
0x4: {  	s18 =	simm.s32 $0x1;
	s21 =	simm.s32 $0x1100;
	s28 =	simm.s32 $0x4100  }
0x5: {  	s29 =	simm.s32 $0x4900;
	s30 =	simm.s32 $0x5100;
	s31 =	simm.s32 $0x5900  }
0x6: {  	s11 =	simm.s32 $0x7900;
	s12 =	simm.s32 $0x8100;
	s13 =	simm.s32 $0x8900  }
0x7: {  	s14 =	simm.s32 $0x9100;
	s15 =	simm.s32 $0x9900;
	s16 =	simm.s32 $0xA100  }
0x8: {  	s17 =	simm.s32 $0xA900;
	s4 =	sand.u32 $0x1, s3;
	[smem:$0x7FF] =	sst s2  }
0x9: {  	s5 =	sshll.u32 s5, $0x7;
	s3 =	sadd.s32 $0x2C1A00, s0;
	s22 =	sadd.s32 $0x1200, s0  }
0xa: {  	s6 =	sshll.u32 s4, $0x6;
	_ =	strace $0x8000004A;
	s4 =	ssub.s32 $0x2, s4  }
0xb: {  	[dreg:$0x7] =	wrdreg s26;
	s26 =	simm.s32 $0x3900;
	s5 =	sor.u32 s6, s5  }
0xc: {  	s10 =	sshrl.u32 s4, $0x1;
	s6 =	sadd.s32 $0x2C1D00, s0;
	s7 =	sshrl.u32 s5, $0x3  }
0xd: {  	s8 =	sor.u32 $0x800, s5;
	s23 =	ssub.s32 s4, s10;
	s24 =	sshll.u32 s5, $0x7  }
0xe: {  	s4 =	sadd.s32 $0x2C1B00, s0;
	s5 =	sadd.s32 $0x2C1C00, s0;
	s0 =	simm.s32 $0x100  }
0xf: {  	s10 =	simm.s32 $0x7100;
	s7 =	sadd.s32 s1, s7;
	s9 =	sshrl.u32 s8, $0x3  }
0x10: {  	s8 =	sshll.u32 s8, $0x7;
	[dreg:$0x3] =	wrdreg s7;
	s1 =	sadd.s32 s1, s9  }
0x11: {  	s25 =	sadd.s32 s22, s8;
	s7 =	smax.u32 s23, $0x1;
	s8 =	simm.s32 $0x2  }
0x12: {  	v2 =	vlaneseq.u32;
	s23 =	simm.s32 $0x2100;
	s9 =	simm.s32 $0xB100;
	[dreg:$0x4] =	wrdreg s1  }
0x13: {  	vm0 =	vmmov $0xffff;
	v1 =	vshrl.u32 v2, $0x3;
	s1 =	sadd.s32 s22, s24;
	[dreg:$0x6] =	wrdreg s25;
	s22 =	simm.s32 $0x1900  }
0x14: {  	v0 =	vand.u32 $0x7, v2;
	v2 =	vor.u32 $0x8, v2;
	v1 =	vmul.u32 $0x8, v1;
	s24 =	simm.s32 $0x2900;
	s25 =	simm.s32 $0x3100;
	[dreg:$0x5] =	wrdreg s1  }
.LBB2_1:
0x15: {  	s19 =	rddreg [dreg:$0x3]  }
0x16: {  	[tilespmem:s2], [sflag:$0x2] =	stream.linear.gather [hbm4b:s19+s2], $0x40, $0x38;
	[tilespmem:$0x10100] =	vst v63  }
0x17: {  	_ =	swait.ge [sflag:s8], $0x40  }
0x18: {  	s1 =	rddreg [dreg:$0x4];
	[sflag:s8] =	ssyncset.done $0x0  }
0x19: {  	s20 =	rddreg [dreg:$0x7];
	[sflag:s8] =	ssyncadd.s32 $0xFFFFFFC0  }
0x1a: {  	[tilespmem:s20], [sflag:$0x2] =	stream.linear.gather [hbm4b:s1+s2], $0x40, $0x38;
	[tilespmem:$0x10100] =	vst v63  }
0x1b: {  	_ =	swait.ge [sflag:s8], $0x40  }
0x1c: {  	[sflag:s8] =	ssyncset.done $0x0  }
0x1d: {  	[sflag:s8] =	ssyncadd.s32 $0xFFFFFFC0  }
0x1e: {  	v3 =	vld [tilespmem:$0x0];
	_ =	sdelay $0x4  }
0x1f: {  	v4 =	vshll.u32 v3, $0x3  }
0x20: {  	v3 =	vand.u32 $0x7, v3;
	v4 =	vand.u32 $0xFFFFFFC0, v4  }
0x21: {  	v3 =	vor.u32 v3, v4  }
0x22: {  	v4 =	vperm.xlane v3, v0;
	_ =	sdelay $0x1  }
0x23: {  	v4 =	vadd.s32 v1, v4;
	_ =	sdelay $0x4  }
0x24: {  	[tilespmem:s0], [sflag:$0x1] =	stream.indirect_vreg.gather [hbm4b:s3+s2], $0x80, v4, vm0, $0xb8;
	[tilespmem:$0x10100] =	vst v63  }
0x25: {  	s20 =	simm.s32 $0x900;
	v3 =	vperm.xlane v3, v2  }
0x26: {  	[tilespmem:s20], [sflag:$0x1] =	stream.indirect_vreg.gather [hbm4b:s4+s2], $0x80, v4, vm0, $0xb8;
	[tilespmem:$0x10100] =	vst v63  }
0x27: {  	v3 =	vadd.s32 v1, v3  }
0x28: {  	[tilespmem:s21], [sflag:$0x1] =	stream.indirect_vreg.gather [hbm4b:s5+s2], $0x80, v4, vm0, $0xb8;
	[tilespmem:$0x10100] =	vst v63  }
0x29: {  	_ = 	snop  }
0x2a: {  	[tilespmem:s22], [sflag:$0x1] =	stream.indirect_vreg.gather [hbm4b:s6+s2], $0x80, v4, vm0, $0xb8;
	[tilespmem:$0x10100] =	vst v63  }
0x2b: {  	_ = 	snop  }
0x2c: {  	[tilespmem:s23], [sflag:$0x1] =	stream.indirect_vreg.gather [hbm4b:s3+s2], $0x80, v3, vm0, $0xb8;
	[tilespmem:$0x10100] =	vst v63  }
0x2d: {  	_ = 	snop  }
0x2e: {  	[tilespmem:s24], [sflag:$0x1] =	stream.indirect_vreg.gather [hbm4b:s4+s2], $0x80, v3, vm0, $0xb8;
	[tilespmem:$0x10100] =	vst v63  }
0x2f: {  	_ = 	snop  }
0x30: {  	[tilespmem:s25], [sflag:$0x1] =	stream.indirect_vreg.gather [hbm4b:s5+s2], $0x80, v3, vm0, $0xb8;
	[tilespmem:$0x10100] =	vst v63  }
0x31: {  	_ = 	snop  }
0x32: {  	[tilespmem:s26], [sflag:$0x1] =	stream.indirect_vreg.gather [hbm4b:s6+s2], $0x80, v3, vm0, $0xb8;
	[tilespmem:$0x10100] =	vst v63  }
0x33: {  	v3 =	vld [tilespmem:$0x10];
	_ =	sdelay $0x4  }
0x34: {  	v57 =	vshll.u32 v3, $0x3  }
0x35: {  	v3 =	vand.u32 $0x7, v3;
	v4 =	vand.u32 $0xFFFFFFC0, v57  }
0x36: {  	v3 =	vor.u32 v3, v4  }
0x37: {  	v4 =	vperm.xlane v3, v0;
	_ =	sdelay $0x1  }
0x38: {  	v4 =	vadd.s32 v1, v4;
	_ =	sdelay $0x4  }
0x39: {  	[tilespmem:s28], [sflag:$0x1] =	stream.indirect_vreg.gather [hbm4b:s3+s2], $0x80, v4, vm0, $0xb8;
	[tilespmem:$0x10100] =	vst v63  }
0x3a: {  	v3 =	vperm.xlane v3, v2  }
0x3b: {  	[tilespmem:s29], [sflag:$0x1] =	stream.indirect_vreg.gather [hbm4b:s4+s2], $0x80, v4, vm0, $0xb8;
	[tilespmem:$0x10100] =	vst v63  }
0x3c: {  	v3 =	vadd.s32 v1, v3  }
0x3d: {  	[tilespmem:s30], [sflag:$0x1] =	stream.indirect_vreg.gather [hbm4b:s5+s2], $0x80, v4, vm0, $0xb8;
	[tilespmem:$0x10100] =	vst v63  }
0x3e: {  	_ = 	snop  }
0x3f: {  	[tilespmem:s31], [sflag:$0x1] =	stream.indirect_vreg.gather [hbm4b:s6+s2], $0x80, v4, vm0, $0xb8;
	[tilespmem:$0x10100] =	vst v63  }
0x40: {  	s1 =	simm.s32 $0x6100  }
0x41: {  	[tilespmem:s1], [sflag:$0x1] =	stream.indirect_vreg.gather [hbm4b:s3+s2], $0x80, v3, vm0, $0xb8;
	[tilespmem:$0x10100] =	vst v63  }
0x42: {  	s1 =	simm.s32 $0x6900  }
0x43: {  	[tilespmem:s1], [sflag:$0x1] =	stream.indirect_vreg.gather [hbm4b:s4+s2], $0x80, v3, vm0, $0xb8;
	[tilespmem:$0x10100] =	vst v63  }
0x44: {  	_ = 	snop  }
0x45: {  	[tilespmem:s10], [sflag:$0x1] =	stream.indirect_vreg.gather [hbm4b:s5+s2], $0x80, v3, vm0, $0xb8;
	[tilespmem:$0x10100] =	vst v63  }
0x46: {  	_ = 	snop  }
0x47: {  	[tilespmem:s11], [sflag:$0x1] =	stream.indirect_vreg.gather [hbm4b:s6+s2], $0x80, v3, vm0, $0xb8;
	[tilespmem:$0x10100] =	vst v63  }
0x48: {  	v3 =	vld [tilespmem:$0x20];
	_ =	sdelay $0x4  }
0x49: {  	v58 =	vshll.u32 v3, $0x3  }
0x4a: {  	v3 =	vand.u32 $0x7, v3;
	v4 =	vand.u32 $0xFFFFFFC0, v58  }
0x4b: {  	v3 =	vor.u32 v3, v4  }
0x4c: {  	v4 =	vperm.xlane v3, v0;
	_ =	sdelay $0x1  }
0x4d: {  	v4 =	vadd.s32 v1, v4;
	_ =	sdelay $0x4  }
0x4e: {  	[tilespmem:s12], [sflag:$0x1] =	stream.indirect_vreg.gather [hbm4b:s3+s2], $0x80, v4, vm0, $0xb8;
	[tilespmem:$0x10100] =	vst v63  }
0x4f: {  	v3 =	vperm.xlane v3, v2  }
0x50: {  	[tilespmem:s13], [sflag:$0x1] =	stream.indirect_vreg.gather [hbm4b:s4+s2], $0x80, v4, vm0, $0xb8;
	[tilespmem:$0x10100] =	vst v63  }
0x51: {  	v3 =	vadd.s32 v1, v3  }
0x52: {  	[tilespmem:s14], [sflag:$0x1] =	stream.indirect_vreg.gather [hbm4b:s5+s2], $0x80, v4, vm0, $0xb8;
	[tilespmem:$0x10100] =	vst v63  }
0x53: {  	_ = 	snop  }
0x54: {  	[tilespmem:s15], [sflag:$0x1] =	stream.indirect_vreg.gather [hbm4b:s6+s2], $0x80, v4, vm0, $0xb8;
	[tilespmem:$0x10100] =	vst v63  }
0x55: {  	_ = 	snop  }
0x56: {  	[tilespmem:s16], [sflag:$0x1] =	stream.indirect_vreg.gather [hbm4b:s3+s2], $0x80, v3, vm0, $0xb8;
	[tilespmem:$0x10100] =	vst v63  }
0x57: {  	_ = 	snop  }
0x58: {  	[tilespmem:s17], [sflag:$0x1] =	stream.indirect_vreg.gather [hbm4b:s4+s2], $0x80, v3, vm0, $0xb8;
	[tilespmem:$0x10100] =	vst v63  }
0x59: {  	_ = 	snop  }
0x5a: {  	[tilespmem:s9], [sflag:$0x1] =	stream.indirect_vreg.gather [hbm4b:s5+s2], $0x80, v3, vm0, $0xb8;
	[tilespmem:$0x10100] =	vst v63  }
0x5b: {  	s19 =	simm.s32 $0xB900  }
0x5c: {  	[tilespmem:s19], [sflag:$0x1] =	stream.indirect_vreg.gather [hbm4b:s6+s2], $0x80, v3, vm0, $0xb8;
	[tilespmem:$0x10100] =	vst v63  }
0x5d: {  	v3 =	vld [tilespmem:$0x30];
	_ =	sdelay $0x4  }
0x5e: {  	v59 =	vshll.u32 v3, $0x3  }
0x5f: {  	v3 =	vand.u32 $0x7, v3;
	v4 =	vand.u32 $0xFFFFFFC0, v59  }
0x60: {  	v3 =	vor.u32 v3, v4  }
0x61: {  	v4 =	vperm.xlane v3, v0;
	_ =	sdelay $0x1  }
0x62: {  	v4 =	vadd.s32 v1, v4;
	_ =	sdelay $0x3  }
0x63: {  	s19 =	simm.s32 $0xC100  }
0x64: {  	[tilespmem:s19], [sflag:$0x1] =	stream.indirect_vreg.gather [hbm4b:s3+s2], $0x80, v4, vm0, $0xb8;
	[tilespmem:$0x10100] =	vst v63  }
0x65: {  	v3 =	vperm.xlane v3, v2;
	s19 =	simm.s32 $0xC900  }
0x66: {  	[tilespmem:s19], [sflag:$0x1] =	stream.indirect_vreg.gather [hbm4b:s4+s2], $0x80, v4, vm0, $0xb8;
	[tilespmem:$0x10100] =	vst v63  }
0x67: {  	v3 =	vadd.s32 v1, v3;
	s19 =	simm.s32 $0xD100  }
0x68: {  	[tilespmem:s19], [sflag:$0x1] =	stream.indirect_vreg.gather [hbm4b:s5+s2], $0x80, v4, vm0, $0xb8;
	[tilespmem:$0x10100] =	vst v63  }
0x69: {  	s19 =	simm.s32 $0xD900  }
0x6a: {  	[tilespmem:s19], [sflag:$0x1] =	stream.indirect_vreg.gather [hbm4b:s6+s2], $0x80, v4, vm0, $0xb8;
	[tilespmem:$0x10100] =	vst v63  }
0x6b: {  	s19 =	simm.s32 $0xE100  }
0x6c: {  	[tilespmem:s19], [sflag:$0x1] =	stream.indirect_vreg.gather [hbm4b:s3+s2], $0x80, v3, vm0, $0xb8;
	[tilespmem:$0x10100] =	vst v63  }
0x6d: {  	s19 =	simm.s32 $0xE900  }
0x6e: {  	[tilespmem:s19], [sflag:$0x1] =	stream.indirect_vreg.gather [hbm4b:s4+s2], $0x80, v3, vm0, $0xb8;
	[tilespmem:$0x10100] =	vst v63  }
0x6f: {  	s19 =	simm.s32 $0xF100  }
0x70: {  	[tilespmem:s19], [sflag:$0x1] =	stream.indirect_vreg.gather [hbm4b:s5+s2], $0x80, v3, vm0, $0xb8;
	[tilespmem:$0x10100] =	vst v63  }
0x71: {  	s19 =	simm.s32 $0xF900  }
0x72: {  	[tilespmem:s19], [sflag:$0x1] =	stream.indirect_vreg.gather [hbm4b:s6+s2], $0x80, v3, vm0, $0xb8;
	[tilespmem:$0x10100] =	vst v63  }
0x73: {  	_ =	swait.ge [sflag:s18], $0x10000  }
0x74: {  	[sflag:s18] =	ssyncset.done $0x0  }
0x75: {  	s19 =	rddreg [dreg:$0x5];
	[sflag:s18] =	ssyncadd.s32 $0xFFFF0000  }
0x76: {  	[hbm4b:s19+s2] =	stream.linear.scatter [tilespmem:s0], [sflag:$0x2], $0x10000, $0x38;
	[tilespmem:$0x10100] =	vst v63  }
0x77: {  	_ =	swait.ge [sflag:s8], $0x10000  }
0x78: {  	[sflag:s8] =	ssyncset.done $0x0  }
0x79: {  	[sflag:s8] =	ssyncadd.s32 $0xFFFF0000  }
0x7a: {  	v3 =	vld [tilespmem:$0x80];
	_ =	sdelay $0x4  }
0x7b: {  	v60 =	vshll.u32 v3, $0x3  }
0x7c: {  	v3 =	vand.u32 $0x7, v3;
	v4 =	vand.u32 $0xFFFFFFC0, v60  }
0x7d: {  	v3 =	vor.u32 v3, v4  }
0x7e: {  	v4 =	vperm.xlane v3, v0;
	_ =	sdelay $0x1  }
0x7f: {  	v4 =	vadd.s32 v1, v4;
	_ =	sdelay $0x4  }
0x80: {  	[tilespmem:s0], [sflag:$0x1] =	stream.indirect_vreg.gather [hbm4b:s3+s2], $0x80, v4, vm0, $0xb8;
	[tilespmem:$0x10100] =	vst v63  }
0x81: {  	v3 =	vperm.xlane v3, v2  }
0x82: {  	[tilespmem:s20], [sflag:$0x1] =	stream.indirect_vreg.gather [hbm4b:s4+s2], $0x80, v4, vm0, $0xb8;
	[tilespmem:$0x10100] =	vst v63  }
0x83: {  	v3 =	vadd.s32 v1, v3  }
0x84: {  	[tilespmem:s21], [sflag:$0x1] =	stream.indirect_vreg.gather [hbm4b:s5+s2], $0x80, v4, vm0, $0xb8;
	[tilespmem:$0x10100] =	vst v63  }
0x85: {  	_ = 	snop  }
0x86: {  	[tilespmem:s22], [sflag:$0x1] =	stream.indirect_vreg.gather [hbm4b:s6+s2], $0x80, v4, vm0, $0xb8;
	[tilespmem:$0x10100] =	vst v63  }
0x87: {  	_ = 	snop  }
0x88: {  	[tilespmem:s23], [sflag:$0x1] =	stream.indirect_vreg.gather [hbm4b:s3+s2], $0x80, v3, vm0, $0xb8;
	[tilespmem:$0x10100] =	vst v63  }
0x89: {  	_ = 	snop  }
0x8a: {  	[tilespmem:s24], [sflag:$0x1] =	stream.indirect_vreg.gather [hbm4b:s4+s2], $0x80, v3, vm0, $0xb8;
	[tilespmem:$0x10100] =	vst v63  }
0x8b: {  	_ = 	snop  }
0x8c: {  	[tilespmem:s25], [sflag:$0x1] =	stream.indirect_vreg.gather [hbm4b:s5+s2], $0x80, v3, vm0, $0xb8;
	[tilespmem:$0x10100] =	vst v63  }
0x8d: {  	_ = 	snop  }
0x8e: {  	[tilespmem:s26], [sflag:$0x1] =	stream.indirect_vreg.gather [hbm4b:s6+s2], $0x80, v3, vm0, $0xb8;
	[tilespmem:$0x10100] =	vst v63  }
0x8f: {  	v3 =	vld [tilespmem:$0x90];
	_ =	sdelay $0x4  }
0x90: {  	v61 =	vshll.u32 v3, $0x3  }
0x91: {  	v3 =	vand.u32 $0x7, v3;
	v4 =	vand.u32 $0xFFFFFFC0, v61  }
0x92: {  	v3 =	vor.u32 v3, v4  }
0x93: {  	v4 =	vperm.xlane v3, v0;
	_ =	sdelay $0x1  }
0x94: {  	v4 =	vadd.s32 v1, v4;
	_ =	sdelay $0x4  }
0x95: {  	[tilespmem:s28], [sflag:$0x1] =	stream.indirect_vreg.gather [hbm4b:s3+s2], $0x80, v4, vm0, $0xb8;
	[tilespmem:$0x10100] =	vst v63  }
0x96: {  	v3 =	vperm.xlane v3, v2  }
0x97: {  	[tilespmem:s29], [sflag:$0x1] =	stream.indirect_vreg.gather [hbm4b:s4+s2], $0x80, v4, vm0, $0xb8;
	[tilespmem:$0x10100] =	vst v63  }
0x98: {  	v3 =	vadd.s32 v1, v3  }
0x99: {  	[tilespmem:s30], [sflag:$0x1] =	stream.indirect_vreg.gather [hbm4b:s5+s2], $0x80, v4, vm0, $0xb8;
	[tilespmem:$0x10100] =	vst v63  }
0x9a: {  	_ = 	snop  }
0x9b: {  	[tilespmem:s31], [sflag:$0x1] =	stream.indirect_vreg.gather [hbm4b:s6+s2], $0x80, v4, vm0, $0xb8;
	[tilespmem:$0x10100] =	vst v63  }
0x9c: {  	s20 =	simm.s32 $0x6100  }
0x9d: {  	[tilespmem:s20], [sflag:$0x1] =	stream.indirect_vreg.gather [hbm4b:s3+s2], $0x80, v3, vm0, $0xb8;
	[tilespmem:$0x10100] =	vst v63  }
0x9e: {  	_ = 	snop  }
0x9f: {  	[tilespmem:s1], [sflag:$0x1] =	stream.indirect_vreg.gather [hbm4b:s4+s2], $0x80, v3, vm0, $0xb8;
	[tilespmem:$0x10100] =	vst v63  }
0xa0: {  	_ = 	snop  }
0xa1: {  	[tilespmem:s10], [sflag:$0x1] =	stream.indirect_vreg.gather [hbm4b:s5+s2], $0x80, v3, vm0, $0xb8;
	[tilespmem:$0x10100] =	vst v63  }
0xa2: {  	_ = 	snop  }
0xa3: {  	[tilespmem:s11], [sflag:$0x1] =	stream.indirect_vreg.gather [hbm4b:s6+s2], $0x80, v3, vm0, $0xb8;
	[tilespmem:$0x10100] =	vst v63  }
0xa4: {  	v3 =	vld [tilespmem:$0xA0];
	_ =	sdelay $0x4  }
0xa5: {  	v62 =	vshll.u32 v3, $0x3  }
0xa6: {  	v3 =	vand.u32 $0x7, v3;
	v4 =	vand.u32 $0xFFFFFFC0, v62  }
0xa7: {  	v3 =	vor.u32 v3, v4  }
0xa8: {  	v4 =	vperm.xlane v3, v0;
	_ =	sdelay $0x1  }
0xa9: {  	v4 =	vadd.s32 v1, v4;
	_ =	sdelay $0x4  }
0xaa: {  	[tilespmem:s12], [sflag:$0x1] =	stream.indirect_vreg.gather [hbm4b:s3+s2], $0x80, v4, vm0, $0xb8;
	[tilespmem:$0x10100] =	vst v63  }
0xab: {  	v3 =	vperm.xlane v3, v2  }
0xac: {  	[tilespmem:s13], [sflag:$0x1] =	stream.indirect_vreg.gather [hbm4b:s4+s2], $0x80, v4, vm0, $0xb8;
	[tilespmem:$0x10100] =	vst v63  }
0xad: {  	v3 =	vadd.s32 v1, v3  }
0xae: {  	[tilespmem:s14], [sflag:$0x1] =	stream.indirect_vreg.gather [hbm4b:s5+s2], $0x80, v4, vm0, $0xb8;
	[tilespmem:$0x10100] =	vst v63  }
0xaf: {  	_ = 	snop  }
0xb0: {  	[tilespmem:s15], [sflag:$0x1] =	stream.indirect_vreg.gather [hbm4b:s6+s2], $0x80, v4, vm0, $0xb8;
	[tilespmem:$0x10100] =	vst v63  }
0xb1: {  	_ = 	snop  }
0xb2: {  	[tilespmem:s16], [sflag:$0x1] =	stream.indirect_vreg.gather [hbm4b:s3+s2], $0x80, v3, vm0, $0xb8;
	[tilespmem:$0x10100] =	vst v63  }
0xb3: {  	_ = 	snop  }
0xb4: {  	[tilespmem:s17], [sflag:$0x1] =	stream.indirect_vreg.gather [hbm4b:s4+s2], $0x80, v3, vm0, $0xb8;
	[tilespmem:$0x10100] =	vst v63  }
0xb5: {  	_ = 	snop  }
0xb6: {  	[tilespmem:s9], [sflag:$0x1] =	stream.indirect_vreg.gather [hbm4b:s5+s2], $0x80, v3, vm0, $0xb8;
	[tilespmem:$0x10100] =	vst v63  }
0xb7: {  	s19 =	simm.s32 $0xB900  }
0xb8: {  	[tilespmem:s19], [sflag:$0x1] =	stream.indirect_vreg.gather [hbm4b:s6+s2], $0x80, v3, vm0, $0xb8;
	[tilespmem:$0x10100] =	vst v63  }
0xb9: {  	v3 =	vld [tilespmem:$0xB0];
	_ =	sdelay $0x4  }
0xba: {  	v63 =	vshll.u32 v3, $0x3  }
0xbb: {  	v3 =	vand.u32 $0x7, v3;
	v4 =	vand.u32 $0xFFFFFFC0, v63  }
0xbc: {  	v3 =	vor.u32 v3, v4  }
0xbd: {  	v4 =	vperm.xlane v3, v0;
	_ =	sdelay $0x1  }
0xbe: {  	v4 =	vadd.s32 v1, v4;
	_ =	sdelay $0x3  }
0xbf: {  	s20 =	simm.s32 $0xC100  }
0xc0: {  	[tilespmem:s20], [sflag:$0x1] =	stream.indirect_vreg.gather [hbm4b:s3+s2], $0x80, v4, vm0, $0xb8;
	[tilespmem:$0x10100] =	vst v63  }
0xc1: {  	s19 =	simm.s32 $0xC900;
	v3 =	vperm.xlane v3, v2  }
0xc2: {  	[tilespmem:s19], [sflag:$0x1] =	stream.indirect_vreg.gather [hbm4b:s4+s2], $0x80, v4, vm0, $0xb8;
	[tilespmem:$0x10100] =	vst v63  }
0xc3: {  	v3 =	vadd.s32 v1, v3;
	s20 =	simm.s32 $0xD100  }
0xc4: {  	[tilespmem:s20], [sflag:$0x1] =	stream.indirect_vreg.gather [hbm4b:s5+s2], $0x80, v4, vm0, $0xb8;
	[tilespmem:$0x10100] =	vst v63  }
0xc5: {  	s19 =	simm.s32 $0xD900  }
0xc6: {  	[tilespmem:s19], [sflag:$0x1] =	stream.indirect_vreg.gather [hbm4b:s6+s2], $0x80, v4, vm0, $0xb8;
	[tilespmem:$0x10100] =	vst v63  }
0xc7: {  	s20 =	simm.s32 $0xE100  }
0xc8: {  	[tilespmem:s20], [sflag:$0x1] =	stream.indirect_vreg.gather [hbm4b:s3+s2], $0x80, v3, vm0, $0xb8;
	[tilespmem:$0x10100] =	vst v63  }
0xc9: {  	s19 =	simm.s32 $0xE900  }
0xca: {  	[tilespmem:s19], [sflag:$0x1] =	stream.indirect_vreg.gather [hbm4b:s4+s2], $0x80, v3, vm0, $0xb8;
	[tilespmem:$0x10100] =	vst v63  }
0xcb: {  	s20 =	simm.s32 $0xF100  }
0xcc: {  	[tilespmem:s20], [sflag:$0x1] =	stream.indirect_vreg.gather [hbm4b:s5+s2], $0x80, v3, vm0, $0xb8;
	[tilespmem:$0x10100] =	vst v63  }
0xcd: {  	s19 =	simm.s32 $0xF900  }
0xce: {  	[tilespmem:s19], [sflag:$0x1] =	stream.indirect_vreg.gather [hbm4b:s6+s2], $0x80, v3, vm0, $0xb8;
	[tilespmem:$0x10100] =	vst v63  }
0xcf: {  	_ =	swait.ge [sflag:s18], $0x10000  }
0xd0: {  	p0 =	sne.s32 s7, $0x1;
	[sflag:s18] =	ssyncset.done $0x0  }
.Ltmp0:
0xd1: {  	s20 =	rddreg [dreg:$0x6];
	[sflag:s18] =	ssyncadd.s32 $0xFFFF0000;
	(pc) =	sbr.rel @p0 .LBB2_1-.Ltmp0, $4  }
0xd2: {  	[hbm4b:s20+s2] =	stream.linear.scatter [tilespmem:s0], [sflag:$0x2], $0x10000, $0x38;
	[tilespmem:$0x10100] =	vst v63  }
0xd3: {  	_ =	swait.ge [sflag:s8], $0x10000  }
0xd4: {  	[sflag:s8] =	ssyncset.done $0x0  }
0xd5: {  	s7 =	sadd.s32 $0xFFFFFFFF, s7;
	[sflag:s8] =	ssyncadd.s32 $0xFFFF0000  }
0xd6: {  	_ =	sfence.sel $0x180000  }
0xd7: {  	[bflag:$0x0] =	sbarrier.arrive $0xFFFF  }
0xd8: {  	_ =	strace $0x9000004A  }
0xd9: {  	s0 =	stileid.u32;
	[bflag:$0x2] =	sbarrier.arrive $0xFFFF  }
0xda: {  	p0 =	sne.s32 s0, $0x0;
	s0 =	rddreg [dreg:$0x2]  }
0xdb: {  	s0 =	sadd.s32 @!p0 $0x100000, s0  }
0xdc: {  	[sflag:s0] =	ssyncadd.tile.s32 @!p0 $0x1;
	_ =	shalt  }
.Lfunc_end2:
_tile_overlayer_lowered:
.L_overlay_start_2:
0xdd: {  	(tag) =	ssettag $0x2  }
0xde: {  	s0 =	rddreg [dreg:$0x0];
	s2 =	stileid.u32  }
0xdf: {  	s1 =	rddreg [dreg:$0x1];
	p0 =	sne.s32 s2, $0x0  }
0xe0: {  	s3 =	rddreg [dreg:$0x2];
	[bflag:$0x3] =	sbarrier.arrive $0xFFFF;
	s2 =	simm.s32 @!p0 $0x1C02  }
0xe1: {  	[timem:s3], [sflag:s2] =	dma.local @!p0 [hbm:s0], s1  }
0xe2: {  	s0 =	simm.s32 @!p0 $0x2  }
0xe3: {  	_ =	swait.ge @!p0 [sflag:s0], s1  }
0xe4: {  	s1 =	ssub.s32 @!p0 $0x0, s1;
	[sflag:s0] =	ssyncset.done @!p0 $0x0  }
0xe5: {  	[sflag:s0] =	ssyncadd.s32 @!p0 s1  }
0xe6: {  	[bflag:$0x3] =	sbarrier.arrive $0xFFFF  }
0xe7: {  	_ =	shalt  }

// kernel: kernel.7.cloned.1.call-start
scs
__scs_entry_jumppad:
0x0: {  	(pc) =	sbr.rel $0x88, $3  }
0x1: {  	(tag) =	ssettag $0x0;
	lr =	simm.s32 $0x1  }
0x2: {  	[smem:$0x3F9B] =	sst lr;
	_ =	strace $0xD0000000  }
0x3: {  	_ = 	snop  }
0x4: {  	_ = 	snop  }
0x5: {  	_ = 	snop  }
0x6: {  	_ = 	snop  }
0x7: {  	_ = 	snop  }
__scs_overlays_trampoline_lowered:
0x8: {  	[smem:$0x3FAA] =	sst s0  }
0x9: {  	[smem:$0x3FAB] =	sst s1  }
0xa: {  	[smem:$0x3FAC] =	sst s2  }
0xb: {  	[smem:$0x3FAD] =	sst s3  }
0xc: {  	[smem:$0x3FAE] =	sst s4  }
0xd: {  	[smem:$0x3FAF] =	sst s5  }
0xe: {  	[smem:$0x3FB0] =	sst s6  }
0xf: {  	[smem:$0x3FB1] =	sst s7  }
0x10: {  	[smem:$0x3FB2] =	sst s8  }
0x11: {  	[smem:$0x3FB3] =	sst s9;
	s0 =	simm.s32 @!p0 $0x0  }
0x12: {  	s1 =	sld [smem:$0x3F99];
	s0 =	simm.s32 @p0 $0x1  }
0x13: {  	[smem:$0x3FB4] =	sst s0;
	s0 =	simm.s32 @!p1 $0x0  }
0x14: {  	s2 =	sld [smem:$0x3F98];
	s0 =	simm.s32 @p1 $0x1  }
0x15: {  	[smem:$0x3FB5] =	sst s0;
	s0 =	simm.s32 @!p2 $0x0  }
0x16: {  	s3 =	sld [smem:$0x3FDB];
	s0 =	simm.s32 @p2 $0x1  }
0x17: {  	s4 =	simm.s32 $0x1BF5;
	[smem:$0x3FB7] =	sst s0  }
0x18: {  	s0 =	sld [smem:$0x3F9A];
	_ =	swait.ge [sflag:s4], $0x0  }
0x19: {  	s7 =	sld [smem:$0x3F9B]  }
0x1a: {  	s8 =	sadd.s32 $0xFFFFE003, lr  }
0x1b: {  	s9 =	sadd.s32 $0xFFFFFEF7, lr;
	s5 =	simm.s32 $0xFFFFFFFF;
	p2 =	slt.u32 s8, $0xFFFFF086  }
0x1c: {  	p1 =	slt.u32 s9, $0xF7A;
	s5 =	simm.s32 @!p2 $0x0  }
0x1d: {  	s5 =	simm.s32 @p1 $0x1;
	p0 =	seq.s32 s7, s2  }
0x1e: {  	s7 =	smul.u32 @!p0 $0xF7A, s2;
	p2 =	seq.s32 @!p0 s5, $0x0  }
0x1f: {  	s9 =	smul.u32 $0xF7A, s1;
	s8 =	simm.s32 @!p0 $0x1BF5;
	p2 =	por !p2, p0  }
0x20: {  	[sflag:s8] =	ssyncset.s32 @!p0 $0xFFFFF086;
	s6 =	sadd.s32 @!p0 s3, s7;
	s7 =	simm.s32 @!p0 $0x108  }
0x21: {  	s3 =	sadd.s32 s3, s9;
	s6 =	sadd.s32 @!p0 $0x88, s6;
	s7 =	simm.s32 @p2 $0x1082  }
0x22: {  	[simem:s7], [sflag:s8] =	dma.local @!p0 [hbm:s6], $0xF7A  }
0x23: {  	s9 =	sor.u32 $0xD0000000, s2;
	s6 =	simm.s32 $0x108;
	_ =	swait.ge @!p0 [sflag:s8], $0x0  }
0x24: {  	s3 =	sadd.s32 $0x88, s3;
	s6 =	simm.s32 @!p1 $0x1082;
	[sflag:s4] =	ssyncset.s32 $0xFFFFF086  }
0x25: {  	[simem:s6], [sflag:s4] =	dma.local [hbm:s3], $0xF7A  }
0x26: {  	[smem:$0x3F9B] =	sst s1;
	(tag) =	ssettag s2;
	_ =	strace s9  }
0x27: {  	s1 =	sld [smem:$0x3FAB]  }
0x28: {  	s2 =	sld [smem:$0x3FAC]  }
0x29: {  	s4 =	sld [smem:$0x3FAE]  }
0x2a: {  	p0 =	seq.s32 s5, $0x0;
	s5 =	sld [smem:$0x3FAF]  }
0x2b: {  	s6 =	sld [smem:$0x3FB0]  }
0x2c: {  	s7 =	sld [smem:$0x3FB1]  }
0x2d: {  	s3 =	simm.s32 $0x108;
	s8 =	sld [smem:$0x3FB2]  }
0x2e: {  	s3 =	simm.s32 @!p0 $0x1082;
	s9 =	sld [smem:$0x3FB3]  }
0x2f: {  	lr =	sadd.s32 s0, s3;
	s0 =	sld [smem:$0x3FAA]  }
0x30: {  	s3 =	sld [smem:$0x3FAD]  }
0x31: {  	[smem:$0x3FB6] =	sst s10  }
0x32: {  	s10 =	sld [smem:$0x3FB4];
	_ =	sdelay $0x3  }
0x33: {  	p0 =	seq.s32 s10, $0x1;
	s10 =	sld [smem:$0x3FB6];
	_ =	sdelay $0x3  }
0x34: {  	[smem:$0x3FB6] =	sst s10  }
0x35: {  	s10 =	sld [smem:$0x3FB5];
	_ =	sdelay $0x3  }
0x36: {  	p1 =	seq.s32 s10, $0x1;
	s10 =	sld [smem:$0x3FB6];
	_ =	sdelay $0x3  }
0x37: {  	[smem:$0x3FB6] =	sst s10  }
0x38: {  	s10 =	sld [smem:$0x3FB7]  }
0x39: {  	_ = 	snop;
	(pc) =	sbr.ind lr, $3  }
0x3a: {  	_ = 	snop  }
0x3b: {  	_ = 	snop  }
0x3c: {  	p2 =	seq.s32 s10, $0x1;
	s10 =	sld [smem:$0x3FB6]  }
0x3d: {  	_ =	shalt  }
0x3e: {  	_ =	shalt  }
0x3f: {  	_ =	shalt  }
0x40: {  	_ =	shalt  }
0x41: {  	_ =	shalt  }
0x42: {  	_ =	shalt  }
0x43: {  	_ =	shalt  }
0x44: {  	_ =	shalt  }
0x45: {  	_ =	shalt  }
0x46: {  	_ =	shalt  }
0x47: {  	_ =	shalt  }
0x48: {  	_ =	shalt  }
0x49: {  	_ =	shalt  }
0x4a: {  	_ =	shalt  }
0x4b: {  	_ =	shalt  }
0x4c: {  	_ =	shalt  }
0x4d: {  	_ =	shalt  }
0x4e: {  	_ =	shalt  }
0x4f: {  	_ =	shalt  }
0x50: {  	_ =	shalt  }
0x51: {  	_ =	shalt  }
0x52: {  	_ =	shalt  }
0x53: {  	_ =	shalt  }
0x54: {  	_ =	shalt  }
0x55: {  	_ =	shalt  }
0x56: {  	_ =	shalt  }
0x57: {  	_ =	shalt  }
0x58: {  	_ =	shalt  }
0x59: {  	_ =	shalt  }
0x5a: {  	_ =	shalt  }
0x5b: {  	_ =	shalt  }
0x5c: {  	_ =	shalt  }
0x5d: {  	_ =	shalt  }
0x5e: {  	_ =	shalt  }
0x5f: {  	_ =	shalt  }
0x60: {  	_ =	shalt  }
0x61: {  	_ =	shalt  }
0x62: {  	_ =	shalt  }
0x63: {  	_ =	shalt  }
0x64: {  	_ =	shalt  }
0x65: {  	_ =	shalt  }
0x66: {  	_ =	shalt  }
0x67: {  	_ =	shalt  }
0x68: {  	_ =	shalt  }
0x69: {  	_ =	shalt  }
0x6a: {  	_ =	shalt  }
0x6b: {  	_ =	shalt  }
0x6c: {  	_ =	shalt  }
0x6d: {  	_ =	shalt  }
0x6e: {  	_ =	shalt  }
0x6f: {  	_ =	shalt  }
0x70: {  	_ =	shalt  }
0x71: {  	_ =	shalt  }
0x72: {  	_ =	shalt  }
0x73: {  	_ =	shalt  }
0x74: {  	_ =	shalt  }
0x75: {  	_ =	shalt  }
0x76: {  	_ =	shalt  }
0x77: {  	_ =	shalt  }
0x78: {  	_ =	shalt  }
0x79: {  	_ =	shalt  }
0x7a: {  	_ =	shalt  }
0x7b: {  	_ =	shalt  }
0x7c: {  	_ =	shalt  }
0x7d: {  	_ =	shalt  }
0x7e: {  	_ =	shalt  }
0x7f: {  	_ =	shalt  }
0x80: {  	_ =	shalt  }
0x81: {  	_ =	shalt  }
0x82: {  	_ =	shalt  }
0x83: {  	_ =	shalt  }
0x84: {  	_ =	shalt  }
0x85: {  	_ =	shalt  }
0x86: {  	_ =	shalt  }
0x87: {  	_ =	shalt  }
.Lfunc_end0:
.L_simem_size_0:
called_computation_lowered:
.L_overlay_start_0:
0x88: {  	s2 =	sld [smem:$0x3FD9]  }
0x89: {  	s3 =	sld [smem:$0x3FFE];
	_ =	sdelay $0x1  }
0x8a: {  	s1 =	srdreg.scid  }
0x8b: {  	s0 =	sand.u32 $0x1, s1  }
0x8c: {  	s17 =	sshll.u32 s0, $0xA;
	s2 =	sadd.s32 s3, s2  }
0x8d: {  	s2 =	sadd.s32 s2, s17  }
0x8e: {  	[smem:$0x3FC2] =	sst s2  }
0x8f: {  	_ = 	snop  }
0x90: {  	s2 =	sld [smem:$0x3FC9]  }
0x91: {  	s18 =	sld [smem:$0x3FD0];
	(tm) =	ssettm $0x1  }
0x92: {  	s4 =	sld [smem:$0x3FFB];
	_ =	sdelay $0x3  }
0x93: {  	_ =	strace s4  }
0x94: {  	s4 =	sld [smem:$0x3FFC];
	_ =	sdelay $0x3  }
0x95: {  	_ =	strace s4  }
0x96: {  	s4 =	sld [smem:$0x3FFD];
	_ =	sdelay $0x3  }
0x97: {  	_ =	strace s4  }
0x98: {  	_ =	strace $0x8FFFFFFF  }
0x99: {  	s19 =	sld [smem:$0x3FDB];
	_ =	sdelay $0x1  }
0x9a: {  	s5 =	simm.s32 $_scs_section_size  }
0x9b: {  	s6 =	simm.s32 $_size__tile_overlayer_lowered;
	s7 =	simm.s32 $_tile_overlayer_lowered  }
0x9c: {  	s22 =	simm.s32 $0x1BFF;
	s21 =	sshll.u32 s7, $0x1;
	s4 =	sadd.s32 s5, s19  }
0x9d: {  	s8 =	simm.s32 $0x0;
	s20 =	sshll.u32 s6, $0x1;
	s6 =	sadd.s32 s21, s4  }
0x9e: {  	[timem:s8], [sflag:s22] =	dma.local [hbm:s6], s20  }
0x9f: {  	_ =	swait.ge [sflag:s22], s20  }
0xa0: {  	s5 =	ssub.s32 $0x0, s20;
	[sflag:s22] =	ssyncset.done $0x0  }
0xa1: {  	[sflag:s22] =	ssyncadd.s32 s5;
	_ =	sdelay $0x1  }
0xa2: {  	s23 =	simm.s32 $0x1B8B  }
0xa3: {  	_ =	swait.ge [sflag:s23], $0x1  }
0xa4: {  	[sflag:s23] =	ssyncset.done $0x0  }
0xa5: {  	s25 =	simm.s32 $0x1B8E;
	s24 =	sld [smem:$0x3FFE];
	[sflag:s23] =	ssyncadd.s32 $0xFFFFFFFF  }
0xa6: {  	s26 =	simm.s32 $execute0_lowered;
	[smem:$0x3FD2] =	sst s25  }
0xa7: {  	s6 =	sshll.u32 s26, $0x1;
	_ =	strace $0x80000046;
	[dreg:$0x1] =	wrdreg $0xFFFFFFFF  }
0xa8: {  	s28 =	simm.s32 $_size_execute0_lowered;
	s4 =	sadd.s32 s4, s6;
	[dreg:$0x0] =	wrdreg $0x0  }
0xa9: {  	s6 =	sshll.u32 s28, $0x1;
	[dreg:$0x2] =	wrdreg s4  }
0xaa: {  	[dreg:$0x3] =	wrdreg s6  }
0xab: {  	[dreg:$0x4] =	wrdreg $0xC0  }
0xac: {  	_ =	task [dreg:s8], $0x5FFFF  }
0xad: {  	[dreg:$0x1] =	wrdreg $0xFFFFFFFF  }
0xae: {  	[dreg:$0x0] =	wrdreg $0x60  }
0xaf: {  	[dreg:$0x2] =	wrdreg s2  }
0xb0: {  	[dreg:$0x3] =	wrdreg s24  }
0xb1: {  	[dreg:$0x4] =	wrdreg s18  }
0xb2: {  	[dreg:$0x5] =	wrdreg $0x22000  }
0xb3: {  	[dreg:$0x6] =	wrdreg $0x9  }
0xb4: {  	_ =	task.clear_ibuf [dreg:s8], $0x7FFFF;
	_ =	strace $0x90000046  }
0xb5: {  	s29 =	simm.s32 $0x9;
	_ =	strace $0x80000048  }
0xb6: {  	_ =	swait.ge [sflag:s29], $0x1  }
0xb7: {  	[sflag:s29] =	ssyncadd.s32 $0xFFFFFFFF  }
0xb8: {  	_ =	strace $0x90000048  }
0xb9: {  	_ =	sfence  }
0xba: {  	s30 =	sld [smem:$0x0];
	_ =	sdelay $0x2  }
0xbb: {  	s31 =	sshll.u32 s1, $0xD;
	s1 =	sshrl.u32 s1, $0x2  }
0xbc: {  	s3 =	sand.u32 $0x4000, s31;
	s1 =	sadd.s32 s1, s30  }
0xbd: {  	s0 =	sor.u32 s3, s0;
	s1 =	sshll.u32 s1, $0x11  }
0xbe: {  	s0 =	sor.u32 s1, s0  }
0xbf: {  	s0 =	sadd.s32 $0x8F2B, s0  }
0xc0: {  	[sflag:s0] =	ssyncadd.remote.s32 $0x1  }
0xc1: {  	_ =	sfence.sel $0xFFFF  }
0xc2: {  	[dreg:$0x0] =	wrdreg $0xFFFFFFFF;
	(pc) =	sbr.abs _section_cstart, $3  }
0xc3: {  	[dreg:$0x1] =	wrdreg $0xFFFFFFFF  }
0xc4: {  	_ =	task.clear_ibuf [dreg:s8], $0x2FFFF;
	_ =	strace $0x9FFFFFFF  }
0xc5: {  	(tm) =	ssettm $0x7FFFFFFF  }
tec
execute0_lowered:
.L_overlay_start_1:
0x0: {  	(tag) =	ssettag $0x1  }
0x1: {  	s0 =	rddreg [dreg:$0x0]  }
0x2: {  	s1 =	rddreg [dreg:$0x1]  }
0x3: {  	s10 =	rddreg [dreg:$0x3]  }
0x4: {  	s3 =	simm.s32 $0x0;
	s17 =	srdreg.scid;
	v0 =	vimm.s32 $0xEDCBA987;
	s18 =	stileid.u32;
	v1 =	vimm.s32 $0x65432100  }
0x5: {  	v3 =	vimm.s32 $0xDCBA9876;
	s11 =	simm.s32 $0x6400;
	[smem:$0x7FF] =	sst s3;
	s2 =	sadd.s32 $0x1400, s1  }
0x6: {  	v4 =	vimm.s32 $0x54321000;
	s16 =	sadd.s32 $0x1200, s1;
	_ =	strace $0x80000047;
	[dreg:$0x5] =	wrdreg s2  }
0x7: {  	v5 =	vimm.s32 $0xBA987654;
	vm0 =	vmmov $0x3;
	vm2 =	vcmask $0x3F30;
	s15 =	simm.s32 $0x6C00;
	s4 =	sadd.s32 $0x1600, s1;
	[dreg:$0x6] =	wrdreg s16  }
0x8: {  	vm1 =	vmmov $0xf;
	vm3 =	vmmov $0x1;
	vm4 =	vcmask $0x308;
	s28 =	simm.s32 $0x9C00;
	s5 =	sadd.s32 $0x1800, s1;
	[dreg:$0x7] =	wrdreg s4  }
0x9: {  	vm5 =	vcmask $0x70C;
	vm6 =	vcmask $0xB10;
	vm7 =	vcmask $0xF14;
	s29 =	simm.s32 $0xA400;
	s7 =	sadd.s32 $0x1A00, s1;
	[dreg:$0x8] =	wrdreg s5  }
0xa: {  	vm8 =	vcmask $0x1318;
	vm9 =	vcmask $0x171C;
	s30 =	simm.s32 $0xAC00;
	v0 =	vunpack.c.l.s4.s8 v0;
	s24 =	sadd.s32 $0x1B00, s1;
	[dreg:$0xd] =	wrdreg s7  }
0xb: {  	v9 =	vimm.s32 $0x2;
	v10 =	vimm.s32 $0x3;
	s19 =	sshll.u32 s18, $0x7;
	v1 =	vunpack.c.l.s4.s8 v1;
	s25 =	sadd.s32 $0x1C00, s1;
	[dreg:$0xe] =	wrdreg s24  }
0xc: {  	v11 =	vimm.s32 $0x4;
	v3 =	vunpack.c.l.s4.s8 v3;
	s26 =	sadd.s32 $0x1D00, s1;
	p0 =	sne.s32 s18, $0x0;
	[dreg:$0xf] =	wrdreg s25;
	v2 =	vunpack.c.0.s8.s32 v0  }
0xd: {  	v12 =	vimm.s32 $0x5;
	v13 =	vimm.s32 $0x6;
	s1 =	simm.s32 $0x0;
	s2 =	sand.u32 $0x1, s17;
	[dreg:$0x10] =	wrdreg s26;
	v1 =	vunpack.c.0.s8.s32 v1  }
0xe: {  	v14 =	vimm.s32 $0x7;
	s7 =	simm.s32 $0x4400;
	s24 =	simm.s32 $0x8400;
	s25 =	simm.s32 $0x8C00;
	v3 =	vunpack.c.0.s8.s32 v3;
	v2 =	vand.u32 $0xF, v2  }
0xf: {  	s26 =	simm.s32 $0x9400;
	s16 =	simm.s32 $0xB400;
	s17 =	simm.s32 $0xBC00;
	v1 =	vcombine.low v1, v2;
	v2 =	vunpack.c.l.s4.s8 v4;
	v4 =	vimm.s32 $0xE40000  }
0x10: {  	v5 =	vunpack.c.l.s4.s8 v5;
	s6 =	sshll.u32 s2, $0x6;
	s20 =	ssub.s32 $0x2, s2;
	v0 =	vimm.s32 $0x0;
	p1 =	sne.s32 s2, $0x0;
	v4 =	vunpack.c.l.s2.s4 v4  }
0x11: {  	s5 =	sor.u32 s6, s19;
	s21 =	sshrl.u32 s20, $0x1;
	s6 =	simm.s32 $0x2;
	v3 =	vand.u32 $0xF, v3;
	v6 =	vunpack.c.0.s8.s32 v2;
	v2 =	vimm.s32 $0x32100000  }
0x12: {  	s9 =	sshll.u32 s5, $0x7;
	s8 =	sadd.s32 s5, s10;
	s22 =	ssub.s32 s20, s21;
	v7 =	vunpack.c.l.s4.s8 v2;
	v4 =	vunpack.c.l.s4.s8 v4;
	v2 =	vlaneseq.u32  }
.Ltmp0:
0x13: {  	v5 =	vunpack.c.0.s8.s32 v5;
	s5 =	simm.s32 $0x2400;
	s20 =	simm.s32 $0x4C00;
	v3 =	vcombine.low v6, v3;
	v15 =	vadd.s32 $0x11, v2;
	(pc) =	sbr.rel .LBB2_1-.Ltmp0, $4  }
0x14: {  	s21 =	simm.s32 $0x5400;
	s0 =	sadd.s32 s0, s9;
	[dreg:$0x9] =	wrdreg s8;
	v6 =	vunpack.c.0.s8.s32 v7;
	v7 =	vimm.s32 $0x7060504;
	v8 =	vunpack.c.0.s8.s32 v4  }
0x15: {  	s10 =	simm.s32 $0x5C00;
	s23 =	sadd.s32 $0x800, s8;
	[dreg:$0xa] =	wrdreg s0;
	v4 =	vand.u32 $0xF, v5;
	v5 =	vunpack.c.0.s8.s32 v7;
	v7 =	vadd.s32 $0x1, v2  }
0x16: {  	s31 =	smax.u32 s22, $0x1;
	s22 =	simm.s32 $0x7400;
	[dreg:$0xb] =	wrdreg s23;
	v4 =	vcombine.low v6, v4;
	v6 =	vand.u32 $0x3, v8;
	v8 =	vimm.s32 $0x1  }
0x17: {  	s9 =	simm.s32 $0xEC00;
	[dreg:$0xc] =	wrdreg s31;
	s23 =	simm.s32 $0x7C00;
	v5 =	vsel vm2, v5, v6;
	vm2 =	vmmov $0xff;
	v6 =	vimm.s32 $0xF  }
.LBB2_7:
0x18: {  	[bflag:$0x0] =	sbarrier.arrive $0xFFFF  }
0x19: {  	s2 =	simm.s32 $0x2300;
	s0 =	rddreg [dreg:$0x9]  }
0x1a: {  	[tilespmem:s2], [sflag:$0x2] =	stream.linear.gather [spmem:s0], $0x40, $0x38;
	[tilespmem:$0x12400] =	vst v63  }
0x1b: {  	_ =	swait.ge [sflag:s6], $0x40  }
0x1c: {  	[sflag:s6] =	ssyncset.done $0x0  }
0x1d: {  	s4 =	simm.s32 $0x2380;
	s19 =	rddreg [dreg:$0xb];
	[sflag:s6] =	ssyncadd.s32 $0xFFFFFFC0  }
0x1e: {  	[tilespmem:s4], [sflag:$0x2] =	stream.linear.gather [spmem:s19], $0x40, $0x38;
	[tilespmem:$0x12400] =	vst v63  }
0x1f: {  	_ =	swait.ge [sflag:s6], $0x40  }
0x20: {  	[sflag:s6] =	ssyncset.done $0x0  }
0x21: {  	[sflag:s6] =	ssyncadd.s32 $0xFFFFFFC0  }
0x22: {  	v16 =	vld [tilespmem:$0x2300];
	_ =	sdelay $0x4  }
0x23: {  	v17 =	vshll.u32 v16, $0x3  }
0x24: {  	v16 =	vand.u32 $0x7, v16;
	v17 =	vand.u32 $0xFFFFFFC0, v17  }
0x25: {  	v18 =	vshrl.u32 v2, $0x3;
	v16 =	vor.u32 v16, v17;
	v17 =	vand.u32 $0x7, v2  }
0x26: {  	v18 =	vmul.u32 $0x8, v18;
	v19 =	vperm.xlane v16, v17;
	_ =	sdelay $0x1  }
0x27: {  	v19 =	vadd.s32 v18, v19;
	_ =	sdelay $0x3  }
0x28: {  	vm11 =	vmmov $0xffff;
	s12 =	rddreg [dreg:$0xd]  }
0x29: {  	v20 =	vor.u32 $0x8, v2;
	[hbm4b:s12+s3] =	stream.indirect_vreg.scatter [tilespmem:s5], [sflag:$0x1], $0x80, v19, vm11, $0xb8;
	[tilespmem:$0x12400] =	vst v63  }
0x2a: {  	s4 =	simm.s32 $0x2C00;
	s13 =	rddreg [dreg:$0xe];
	v16 =	vperm.xlane v16, v20  }
0x2b: {  	[hbm4b:s13+s3] =	stream.indirect_vreg.scatter [tilespmem:s4], [sflag:$0x1], $0x80, v19, vm11, $0xb8;
	[tilespmem:$0x12400] =	vst v63  }
0x2c: {  	s14 =	rddreg [dreg:$0xf];
	v16 =	vadd.s32 v18, v16;
	s5 =	simm.s32 $0x3400  }
0x2d: {  	[hbm4b:s14+s3] =	stream.indirect_vreg.scatter [tilespmem:s5], [sflag:$0x1], $0x80, v19, vm11, $0xb8;
	[tilespmem:$0x12400] =	vst v63  }
0x2e: {  	s0 =	rddreg [dreg:$0x10];
	s6 =	simm.s32 $0x3C00  }
0x2f: {  	[hbm4b:s0+s3] =	stream.indirect_vreg.scatter [tilespmem:s6], [sflag:$0x1], $0x80, v19, vm11, $0xb8;
	[tilespmem:$0x12400] =	vst v63  }
0x30: {  	_ = 	snop  }
0x31: {  	[hbm4b:s12+s3] =	stream.indirect_vreg.scatter [tilespmem:s7], [sflag:$0x1], $0x80, v16, vm11, $0xb8;
	[tilespmem:$0x12400] =	vst v63  }
0x32: {  	_ = 	snop  }
0x33: {  	[hbm4b:s13+s3] =	stream.indirect_vreg.scatter [tilespmem:s20], [sflag:$0x1], $0x80, v16, vm11, $0xb8;
	[tilespmem:$0x12400] =	vst v63  }
0x34: {  	_ = 	snop  }
0x35: {  	[hbm4b:s14+s3] =	stream.indirect_vreg.scatter [tilespmem:s21], [sflag:$0x1], $0x80, v16, vm11, $0xb8;
	[tilespmem:$0x12400] =	vst v63  }
0x36: {  	_ = 	snop  }
0x37: {  	[hbm4b:s0+s3] =	stream.indirect_vreg.scatter [tilespmem:s10], [sflag:$0x1], $0x80, v16, vm11, $0xb8;
	[tilespmem:$0x12400] =	vst v63  }
0x38: {  	v16 =	vld [tilespmem:$0x2310];
	_ =	sdelay $0x4  }
0x39: {  	v57 =	vshll.u32 v16, $0x3  }
0x3a: {  	v16 =	vand.u32 $0x7, v16;
	v19 =	vand.u32 $0xFFFFFFC0, v57  }
0x3b: {  	v16 =	vor.u32 v16, v19  }
0x3c: {  	v19 =	vperm.xlane v16, v17;
	_ =	sdelay $0x1  }
0x3d: {  	v19 =	vadd.s32 v18, v19;
	_ =	sdelay $0x4  }
0x3e: {  	[hbm4b:s12+s3] =	stream.indirect_vreg.scatter [tilespmem:s11], [sflag:$0x1], $0x80, v19, vm11, $0xb8;
	[tilespmem:$0x12400] =	vst v63  }
0x3f: {  	v16 =	vperm.xlane v16, v20  }
0x40: {  	[hbm4b:s13+s3] =	stream.indirect_vreg.scatter [tilespmem:s15], [sflag:$0x1], $0x80, v19, vm11, $0xb8;
	[tilespmem:$0x12400] =	vst v63  }
0x41: {  	v16 =	vadd.s32 v18, v16  }
0x42: {  	[hbm4b:s14+s3] =	stream.indirect_vreg.scatter [tilespmem:s22], [sflag:$0x1], $0x80, v19, vm11, $0xb8;
	[tilespmem:$0x12400] =	vst v63  }
0x43: {  	_ = 	snop  }
0x44: {  	[hbm4b:s0+s3] =	stream.indirect_vreg.scatter [tilespmem:s23], [sflag:$0x1], $0x80, v19, vm11, $0xb8;
	[tilespmem:$0x12400] =	vst v63  }
0x45: {  	_ = 	snop  }
0x46: {  	[hbm4b:s12+s3] =	stream.indirect_vreg.scatter [tilespmem:s24], [sflag:$0x1], $0x80, v16, vm11, $0xb8;
	[tilespmem:$0x12400] =	vst v63  }
0x47: {  	_ = 	snop  }
0x48: {  	[hbm4b:s13+s3] =	stream.indirect_vreg.scatter [tilespmem:s25], [sflag:$0x1], $0x80, v16, vm11, $0xb8;
	[tilespmem:$0x12400] =	vst v63  }
0x49: {  	_ = 	snop  }
0x4a: {  	[hbm4b:s14+s3] =	stream.indirect_vreg.scatter [tilespmem:s26], [sflag:$0x1], $0x80, v16, vm11, $0xb8;
	[tilespmem:$0x12400] =	vst v63  }
0x4b: {  	_ = 	snop  }
0x4c: {  	[hbm4b:s0+s3] =	stream.indirect_vreg.scatter [tilespmem:s28], [sflag:$0x1], $0x80, v16, vm11, $0xb8;
	[tilespmem:$0x12400] =	vst v63  }
0x4d: {  	v16 =	vld [tilespmem:$0x2320];
	_ =	sdelay $0x4  }
0x4e: {  	v58 =	vshll.u32 v16, $0x3  }
0x4f: {  	v16 =	vand.u32 $0x7, v16;
	v19 =	vand.u32 $0xFFFFFFC0, v58  }
0x50: {  	v16 =	vor.u32 v16, v19  }
0x51: {  	v19 =	vperm.xlane v16, v17;
	_ =	sdelay $0x1  }
0x52: {  	v19 =	vadd.s32 v18, v19;
	_ =	sdelay $0x4  }
0x53: {  	[hbm4b:s12+s3] =	stream.indirect_vreg.scatter [tilespmem:s29], [sflag:$0x1], $0x80, v19, vm11, $0xb8;
	[tilespmem:$0x12400] =	vst v63  }
0x54: {  	v16 =	vperm.xlane v16, v20  }
0x55: {  	[hbm4b:s13+s3] =	stream.indirect_vreg.scatter [tilespmem:s30], [sflag:$0x1], $0x80, v19, vm11, $0xb8;
	[tilespmem:$0x12400] =	vst v63  }
0x56: {  	v16 =	vadd.s32 v18, v16  }
0x57: {  	[hbm4b:s14+s3] =	stream.indirect_vreg.scatter [tilespmem:s16], [sflag:$0x1], $0x80, v19, vm11, $0xb8;
	[tilespmem:$0x12400] =	vst v63  }
0x58: {  	_ = 	snop  }
0x59: {  	[hbm4b:s0+s3] =	stream.indirect_vreg.scatter [tilespmem:s17], [sflag:$0x1], $0x80, v19, vm11, $0xb8;
	[tilespmem:$0x12400] =	vst v63  }
0x5a: {  	s2 =	simm.s32 $0xC400  }
0x5b: {  	[hbm4b:s12+s3] =	stream.indirect_vreg.scatter [tilespmem:s2], [sflag:$0x1], $0x80, v16, vm11, $0xb8;
	[tilespmem:$0x12400] =	vst v63  }
0x5c: {  	s18 =	simm.s32 $0xCC00  }
0x5d: {  	[hbm4b:s13+s3] =	stream.indirect_vreg.scatter [tilespmem:s18], [sflag:$0x1], $0x80, v16, vm11, $0xb8;
	[tilespmem:$0x12400] =	vst v63  }
0x5e: {  	s8 =	simm.s32 $0xD400  }
0x5f: {  	[hbm4b:s14+s3] =	stream.indirect_vreg.scatter [tilespmem:s8], [sflag:$0x1], $0x80, v16, vm11, $0xb8;
	[tilespmem:$0x12400] =	vst v63  }
0x60: {  	s19 =	simm.s32 $0xDC00  }
0x61: {  	[hbm4b:s0+s3] =	stream.indirect_vreg.scatter [tilespmem:s19], [sflag:$0x1], $0x80, v16, vm11, $0xb8;
	[tilespmem:$0x12400] =	vst v63  }
0x62: {  	v16 =	vld [tilespmem:$0x2330];
	_ =	sdelay $0x4  }
0x63: {  	v59 =	vshll.u32 v16, $0x3  }
0x64: {  	v16 =	vand.u32 $0x7, v16;
	v19 =	vand.u32 $0xFFFFFFC0, v59  }
0x65: {  	v16 =	vor.u32 v16, v19  }
0x66: {  	v19 =	vperm.xlane v16, v17;
	_ =	sdelay $0x1  }
0x67: {  	v19 =	vadd.s32 v18, v19;
	_ =	sdelay $0x3  }
0x68: {  	s31 =	simm.s32 $0xE400  }
0x69: {  	[hbm4b:s12+s3] =	stream.indirect_vreg.scatter [tilespmem:s31], [sflag:$0x1], $0x80, v19, vm11, $0xb8;
	[tilespmem:$0x12400] =	vst v63  }
0x6a: {  	v16 =	vperm.xlane v16, v20  }
0x6b: {  	[hbm4b:s13+s3] =	stream.indirect_vreg.scatter [tilespmem:s9], [sflag:$0x1], $0x80, v19, vm11, $0xb8;
	[tilespmem:$0x12400] =	vst v63  }
0x6c: {  	s8 =	simm.s32 $0xF400;
	v16 =	vadd.s32 v18, v16  }
0x6d: {  	[hbm4b:s14+s3] =	stream.indirect_vreg.scatter [tilespmem:s8], [sflag:$0x1], $0x80, v19, vm11, $0xb8;
	[tilespmem:$0x12400] =	vst v63  }
0x6e: {  	s31 =	simm.s32 $0xFC00  }
0x6f: {  	[hbm4b:s0+s3] =	stream.indirect_vreg.scatter [tilespmem:s31], [sflag:$0x1], $0x80, v19, vm11, $0xb8;
	[tilespmem:$0x12400] =	vst v63  }
0x70: {  	s31 =	simm.s32 $0x10400  }
0x71: {  	[hbm4b:s12+s3] =	stream.indirect_vreg.scatter [tilespmem:s31], [sflag:$0x1], $0x80, v16, vm11, $0xb8;
	[tilespmem:$0x12400] =	vst v63  }
0x72: {  	s31 =	simm.s32 $0x10C00  }
0x73: {  	[hbm4b:s13+s3] =	stream.indirect_vreg.scatter [tilespmem:s31], [sflag:$0x1], $0x80, v16, vm11, $0xb8;
	[tilespmem:$0x12400] =	vst v63  }
0x74: {  	s31 =	simm.s32 $0x11400  }
0x75: {  	[hbm4b:s14+s3] =	stream.indirect_vreg.scatter [tilespmem:s31], [sflag:$0x1], $0x80, v16, vm11, $0xb8;
	[tilespmem:$0x12400] =	vst v63  }
0x76: {  	s31 =	simm.s32 $0x11C00  }
0x77: {  	[hbm4b:s0+s3] =	stream.indirect_vreg.scatter [tilespmem:s31], [sflag:$0x1], $0x80, v16, vm11, $0xb8;
	[tilespmem:$0x12400] =	vst v63  }
0x78: {  	v16 =	vld [tilespmem:$0x2380];
	_ =	sdelay $0x4  }
0x79: {  	v60 =	vshll.u32 v16, $0x3  }
0x7a: {  	v16 =	vand.u32 $0x7, v16;
	v19 =	vand.u32 $0xFFFFFFC0, v60  }
0x7b: {  	v16 =	vor.u32 v16, v19  }
0x7c: {  	v19 =	vperm.xlane v16, v17;
	_ =	sdelay $0x1  }
0x7d: {  	v19 =	vadd.s32 v18, v19;
	_ =	sdelay $0x3  }
0x7e: {  	s31 =	simm.s32 $0x2400  }
0x7f: {  	[hbm4b:s12+s3] =	stream.indirect_vreg.scatter [tilespmem:s31], [sflag:$0x1], $0x80, v19, vm11, $0xb8;
	[tilespmem:$0x12400] =	vst v63  }
0x80: {  	v16 =	vperm.xlane v16, v20  }
0x81: {  	[hbm4b:s13+s3] =	stream.indirect_vreg.scatter [tilespmem:s4], [sflag:$0x1], $0x80, v19, vm11, $0xb8;
	[tilespmem:$0x12400] =	vst v63  }
0x82: {  	v16 =	vadd.s32 v18, v16  }
0x83: {  	[hbm4b:s14+s3] =	stream.indirect_vreg.scatter [tilespmem:s5], [sflag:$0x1], $0x80, v19, vm11, $0xb8;
	[tilespmem:$0x12400] =	vst v63  }
0x84: {  	_ = 	snop  }
0x85: {  	[hbm4b:s0+s3] =	stream.indirect_vreg.scatter [tilespmem:s6], [sflag:$0x1], $0x80, v19, vm11, $0xb8;
	[tilespmem:$0x12400] =	vst v63  }
0x86: {  	_ = 	snop  }
0x87: {  	[hbm4b:s12+s3] =	stream.indirect_vreg.scatter [tilespmem:s7], [sflag:$0x1], $0x80, v16, vm11, $0xb8;
	[tilespmem:$0x12400] =	vst v63  }
0x88: {  	_ = 	snop  }
0x89: {  	[hbm4b:s13+s3] =	stream.indirect_vreg.scatter [tilespmem:s20], [sflag:$0x1], $0x80, v16, vm11, $0xb8;
	[tilespmem:$0x12400] =	vst v63  }
0x8a: {  	_ = 	snop  }
0x8b: {  	[hbm4b:s14+s3] =	stream.indirect_vreg.scatter [tilespmem:s21], [sflag:$0x1], $0x80, v16, vm11, $0xb8;
	[tilespmem:$0x12400] =	vst v63  }
0x8c: {  	_ = 	snop  }
0x8d: {  	[hbm4b:s0+s3] =	stream.indirect_vreg.scatter [tilespmem:s10], [sflag:$0x1], $0x80, v16, vm11, $0xb8;
	[tilespmem:$0x12400] =	vst v63  }
0x8e: {  	v16 =	vld [tilespmem:$0x2390];
	_ =	sdelay $0x4  }
0x8f: {  	v61 =	vshll.u32 v16, $0x3  }
0x90: {  	v16 =	vand.u32 $0x7, v16;
	v19 =	vand.u32 $0xFFFFFFC0, v61  }
0x91: {  	v16 =	vor.u32 v16, v19  }
0x92: {  	v19 =	vperm.xlane v16, v17;
	_ =	sdelay $0x1  }
0x93: {  	v19 =	vadd.s32 v18, v19;
	_ =	sdelay $0x4  }
0x94: {  	[hbm4b:s12+s3] =	stream.indirect_vreg.scatter [tilespmem:s11], [sflag:$0x1], $0x80, v19, vm11, $0xb8;
	[tilespmem:$0x12400] =	vst v63  }
0x95: {  	v16 =	vperm.xlane v16, v20  }
0x96: {  	[hbm4b:s13+s3] =	stream.indirect_vreg.scatter [tilespmem:s15], [sflag:$0x1], $0x80, v19, vm11, $0xb8;
	[tilespmem:$0x12400] =	vst v63  }
0x97: {  	v16 =	vadd.s32 v18, v16  }
0x98: {  	[hbm4b:s14+s3] =	stream.indirect_vreg.scatter [tilespmem:s22], [sflag:$0x1], $0x80, v19, vm11, $0xb8;
	[tilespmem:$0x12400] =	vst v63  }
0x99: {  	_ = 	snop  }
0x9a: {  	[hbm4b:s0+s3] =	stream.indirect_vreg.scatter [tilespmem:s23], [sflag:$0x1], $0x80, v19, vm11, $0xb8;
	[tilespmem:$0x12400] =	vst v63  }
0x9b: {  	_ = 	snop  }
0x9c: {  	[hbm4b:s12+s3] =	stream.indirect_vreg.scatter [tilespmem:s24], [sflag:$0x1], $0x80, v16, vm11, $0xb8;
	[tilespmem:$0x12400] =	vst v63  }
0x9d: {  	_ = 	snop  }
0x9e: {  	[hbm4b:s13+s3] =	stream.indirect_vreg.scatter [tilespmem:s25], [sflag:$0x1], $0x80, v16, vm11, $0xb8;
	[tilespmem:$0x12400] =	vst v63  }
0x9f: {  	_ = 	snop  }
0xa0: {  	[hbm4b:s14+s3] =	stream.indirect_vreg.scatter [tilespmem:s26], [sflag:$0x1], $0x80, v16, vm11, $0xb8;
	[tilespmem:$0x12400] =	vst v63  }
0xa1: {  	_ = 	snop  }
0xa2: {  	[hbm4b:s0+s3] =	stream.indirect_vreg.scatter [tilespmem:s28], [sflag:$0x1], $0x80, v16, vm11, $0xb8;
	[tilespmem:$0x12400] =	vst v63  }
0xa3: {  	v16 =	vld [tilespmem:$0x23A0];
	_ =	sdelay $0x4  }
0xa4: {  	v62 =	vshll.u32 v16, $0x3  }
0xa5: {  	v16 =	vand.u32 $0x7, v16;
	v19 =	vand.u32 $0xFFFFFFC0, v62  }
0xa6: {  	v16 =	vor.u32 v16, v19  }
0xa7: {  	v19 =	vperm.xlane v16, v17;
	_ =	sdelay $0x1  }
0xa8: {  	v19 =	vadd.s32 v18, v19;
	_ =	sdelay $0x4  }
0xa9: {  	[hbm4b:s12+s3] =	stream.indirect_vreg.scatter [tilespmem:s29], [sflag:$0x1], $0x80, v19, vm11, $0xb8;
	[tilespmem:$0x12400] =	vst v63  }
0xaa: {  	v16 =	vperm.xlane v16, v20  }
0xab: {  	[hbm4b:s13+s3] =	stream.indirect_vreg.scatter [tilespmem:s30], [sflag:$0x1], $0x80, v19, vm11, $0xb8;
	[tilespmem:$0x12400] =	vst v63  }
0xac: {  	v16 =	vadd.s32 v18, v16  }
0xad: {  	[hbm4b:s14+s3] =	stream.indirect_vreg.scatter [tilespmem:s16], [sflag:$0x1], $0x80, v19, vm11, $0xb8;
	[tilespmem:$0x12400] =	vst v63  }
0xae: {  	_ = 	snop  }
0xaf: {  	[hbm4b:s0+s3] =	stream.indirect_vreg.scatter [tilespmem:s17], [sflag:$0x1], $0x80, v19, vm11, $0xb8;
	[tilespmem:$0x12400] =	vst v63  }
0xb0: {  	_ = 	snop  }
0xb1: {  	[hbm4b:s12+s3] =	stream.indirect_vreg.scatter [tilespmem:s2], [sflag:$0x1], $0x80, v16, vm11, $0xb8;
	[tilespmem:$0x12400] =	vst v63  }
0xb2: {  	_ = 	snop  }
0xb3: {  	[hbm4b:s13+s3] =	stream.indirect_vreg.scatter [tilespmem:s18], [sflag:$0x1], $0x80, v16, vm11, $0xb8;
	[tilespmem:$0x12400] =	vst v63  }
0xb4: {  	s18 =	simm.s32 $0xD400  }
0xb5: {  	[hbm4b:s14+s3] =	stream.indirect_vreg.scatter [tilespmem:s18], [sflag:$0x1], $0x80, v16, vm11, $0xb8;
	[tilespmem:$0x12400] =	vst v63  }
0xb6: {  	_ = 	snop  }
0xb7: {  	[hbm4b:s0+s3] =	stream.indirect_vreg.scatter [tilespmem:s19], [sflag:$0x1], $0x80, v16, vm11, $0xb8;
	[tilespmem:$0x12400] =	vst v63  }
0xb8: {  	v16 =	vld [tilespmem:$0x23B0];
	_ =	sdelay $0x4  }
0xb9: {  	v63 =	vshll.u32 v16, $0x3  }
0xba: {  	v16 =	vand.u32 $0x7, v16;
	v19 =	vand.u32 $0xFFFFFFC0, v63  }
0xbb: {  	v16 =	vor.u32 v16, v19  }
0xbc: {  	v17 =	vperm.xlane v16, v17;
	_ =	sdelay $0x1  }
0xbd: {  	v17 =	vadd.s32 v18, v17;
	_ =	sdelay $0x3  }
0xbe: {  	s31 =	simm.s32 $0xE400  }
0xbf: {  	[hbm4b:s12+s3] =	stream.indirect_vreg.scatter [tilespmem:s31], [sflag:$0x1], $0x80, v17, vm11, $0xb8;
	[tilespmem:$0x12400] =	vst v63  }
0xc0: {  	v16 =	vperm.xlane v16, v20  }
0xc1: {  	[hbm4b:s13+s3] =	stream.indirect_vreg.scatter [tilespmem:s9], [sflag:$0x1], $0x80, v17, vm11, $0xb8;
	[tilespmem:$0x12400] =	vst v63  }
0xc2: {  	v16 =	vadd.s32 v18, v16  }
0xc3: {  	[hbm4b:s14+s3] =	stream.indirect_vreg.scatter [tilespmem:s8], [sflag:$0x1], $0x80, v17, vm11, $0xb8;
	[tilespmem:$0x12400] =	vst v63  }
0xc4: {  	s4 =	simm.s32 $0xFC00  }
0xc5: {  	[hbm4b:s0+s3] =	stream.indirect_vreg.scatter [tilespmem:s4], [sflag:$0x1], $0x80, v17, vm11, $0xb8;
	[tilespmem:$0x12400] =	vst v63  }
0xc6: {  	s8 =	simm.s32 $0x10400  }
0xc7: {  	[hbm4b:s12+s3] =	stream.indirect_vreg.scatter [tilespmem:s8], [sflag:$0x1], $0x80, v16, vm11, $0xb8;
	[tilespmem:$0x12400] =	vst v63  }
0xc8: {  	s12 =	simm.s32 $0x10C00  }
0xc9: {  	[hbm4b:s13+s3] =	stream.indirect_vreg.scatter [tilespmem:s12], [sflag:$0x1], $0x80, v16, vm11, $0xb8;
	[tilespmem:$0x12400] =	vst v63  }
0xca: {  	s13 =	simm.s32 $0x11400  }
0xcb: {  	[hbm4b:s14+s3] =	stream.indirect_vreg.scatter [tilespmem:s13], [sflag:$0x1], $0x80, v16, vm11, $0xb8;
	[tilespmem:$0x12400] =	vst v63  }
0xcc: {  	s18 =	simm.s32 $0x11C00;
	s19 =	simm.s32 $0x1  }
0xcd: {  	[hbm4b:s0+s3] =	stream.indirect_vreg.scatter [tilespmem:s18], [sflag:$0x1], $0x80, v16, vm11, $0xb8;
	[tilespmem:$0x12400] =	vst v63  }
0xce: {  	_ =	swait.ge [sflag:s19], $0x10000  }
0xcf: {  	[sflag:s19] =	ssyncset.done $0x0  }
0xd0: {  	[sflag:s19] =	ssyncadd.s32 $0xFFFF0000  }
0xd1: {  	_ =	swait.ge [sflag:s19], $0x10000  }
0xd2: {  	s1 =	sadd.s32 $0x1, s1;
	s31 =	rddreg [dreg:$0xc]  }
0xd3: {  	p2 =	sne.s32 s1, s31  }
.Ltmp1:
0xd4: {  	_ = 	snop;
	(pc) =	sbr.rel @!p2 .LBB2_8-.Ltmp1, $3  }
0xd5: {  	_ =	sdelay $0x1  }
0xd6: {  	[sflag:s19] =	ssyncset.done $0x0  }
0xd7: {  	s5 =	simm.s32 $0x2400;
	s6 =	simm.s32 $0x2;
	[sflag:s19] =	ssyncadd.s32 $0xFFFF0000  }
.LBB2_1:
.Ltmp2:
0xd8: {  	s0 =	rddreg [dreg:$0xa];
	(pc) =	sbr.rel @p0 .LBB2_7-.Ltmp2, $4  }
0xd9: {  	[tilespmem:s5], [sflag:$0x2] =	stream.linear.gather [hbm4b:s0+s3], $0x10000, $0x38;
	[tilespmem:$0x12400] =	vst v63  }
0xda: {  	_ =	swait.ge [sflag:s6], $0x10000  }
0xdb: {  	[sflag:s6] =	ssyncset.done $0x0  }
0xdc: {  	[sflag:s6] =	ssyncadd.s32 $0xFFFF0000  }
0xdd: {  	s0 =	simm.s32 $0x0;
	s18 =	rddreg [dreg:$0x5]  }
0xde: {  	[tilespmem:s0], [sflag:$0x2] =	stream.linear.gather [hbm4b:s18+s0], $0x800, $0x38;
	[tilespmem:$0x12400] =	vst v63  }
0xdf: {  	_ =	swait.ge [sflag:s6], $0x800  }
0xe0: {  	[sflag:s6] =	ssyncset.done $0x0  }
0xe1: {  	s2 =	simm.s32 $0x800;
	s19 =	rddreg [dreg:$0x6];
	[sflag:s6] =	ssyncadd.s32 $0xFFFFF800  }
0xe2: {  	[tilespmem:s2], [sflag:$0x2] =	stream.linear.gather [hbm4b:s19+s0], $0x800, $0x38;
	[tilespmem:$0x12400] =	vst v63  }
0xe3: {  	_ =	swait.ge [sflag:s6], $0x800  }
0xe4: {  	[sflag:s6] =	ssyncset.done $0x0  }
0xe5: {  	v16 =	vimm.s32 $0x0;
	[sflag:s6] =	ssyncadd.s32 $0xFFFFF800  }
0xe6: {  	s31 =	simm.s32 $0x0;
	[tilespmem:$0x2080] =	vst v16  }
0xe7: {  	v20 =	vld [tilespmem:s31+$0x800];
	_ =	sdelay $0x1  }
0xe8: {  	v19 =	vld [tilespmem:s31+$0x0];
	_ =	sdelay $0x1  }
0xe9: {  	vm10 =	vmmov vm4  }
0xea: {  	vm11 =	veq.s32 v20, $0x1;
	vm12 =	veq.s32 v20, $0x6;
	vm13 =	veq.s32 v20, $0x7  }
0xeb: {  	vm14 =	veq.s32 v20, $0x0;
	vm15 =	veq.s32 v20, $0x3;
	v18 =	vsel vm11, $0x1, v0  }
0xec: {  	vm11 =	veq.s32 v19, $0x5;
	v17 =	vsel vm13, $0x1, v0;
	v21 =	vsel vm14, $0x1, v0  }
0xed: {  	vm13 =	veq.s32 v19, $0x6;
	vm14 =	veq.s32 v20, $0x2;
	v26 =	vsel vm12, $0x1, v0  }
0xee: {  	v27 =	vsel vm15, $0x1, v0;
	vm12 =	veq.s32 v19, $0x4;
	v22 =	vsel vm11, $0x1, v0  }
0xef: {  	vm11 =	veq.s32 v19, $0x2;
	v25 =	vsel vm13, $0x1, v0;
	vm13 =	veq.s32 v19, $0x0  }
0xf0: {  	v23 =	vsel vm14, $0x1, v0;
	v30 =	vsel vm12, $0x1, v0;
	vm12 =	veq.s32 v20, $0x4  }
0xf1: {  	v24 =	vsel vm11, $0x1, v0;
	v29 =	vsel vm13, $0x1, v0;
	vm13 =	veq.s32 v20, $0x5  }
0xf2: {  	vm11 =	veq.s32 v19, $0x3;
	v28 =	vsel vm13, $0x1, v0;
	v20 =	vadd.s32 v29, v21  }
0xf3: {  	v21 =	vadd.s32 v24, v23;
	v23 =	vsel vm12, $0x1, v0;
	v29 =	vsel vm11, $0x1, v0  }
0xf4: {  	vm11 =	veq.s32 v2, $0x0;
	v24 =	vperm.xlane v20, v1;
	v23 =	vadd.s32 v30, v23  }
0xf5: {  	v30 =	vperm.xlane v21, v1;
	v27 =	vadd.s32 v29, v27;
	v29 =	vperm.xlane v23, v1  }
0xf6: {  	vm12 =	veq.s32 v19, $0x7;
	v31 =	vperm.xlane v27, v1;
	v24 =	vsel vm11, $0x0, v24  }
0xf7: {  	v20 =	vadd.s32 v24, v20;
	v24 =	vsel vm11, $0x0, v30;
	v29 =	vsel vm11, $0x0, v29  }
0xf8: {  	v31 =	vsel vm11, $0x0, v31;
	v30 =	vperm.xlane v20, v3;
	v23 =	vadd.s32 v23, v29  }
0xf9: {  	v21 =	vadd.s32 v21, v24;
	v24 =	vadd.s32 v27, v31;
	v27 =	vperm.xlane v23, v3  }
0xfa: {  	v31 =	vperm.xlane v24, v3;
	v29 =	vsel vm0, $0x0, v30;
	v30 =	vperm.xlane v21, v3  }
0xfb: {  	v20 =	vadd.s32 v29, v20;
	v27 =	vsel vm0, $0x0, v27;
	v29 =	vsel vm12, $0x1, v0  }
0xfc: {  	v31 =	vsel vm0, $0x0, v31;
	v32 =	vperm.xlane v20, v4;
	v27 =	vadd.s32 v27, v23  }
0xfd: {  	v23 =	vsel vm0, $0x0, v30;
	v24 =	vadd.s32 v31, v24;
	v30 =	vperm.xlane v27, v4  }
0xfe: {  	v63 =	vadd.s32 v23, v21;
	v21 =	vperm.xlane v24, v4;
	v31 =	vsel vm1, $0x0, v32  }
0xff: {  	v23 =	vadd.s32 v31, v20;
	v31 =	vperm.xlane v63, v4;
	v20 =	vsel vm1, $0x0, v30  }
0x100: {  	v21 =	vsel vm1, $0x0, v21;
	v33 =	vperm.xlane v23, v5;
	v20 =	vadd.s32 v20, v27  }
0x101: {  	v30 =	vadd.s32 v21, v24;
	v31 =	vsel vm1, $0x0, v31;
	v21 =	vperm.xlane v20, v5  }
0x102: {  	s4 =	smov.u32 s1;
	s0 =	simm.s32 $0x40;
	v27 =	vsel vm2, $0x0, v33;
	v24 =	vadd.s32 v31, v63;
	v31 =	vperm.xlane v30, v5  }
.LBB2_3:
0x103: {  	p2 =	sne.s32 s0, $0x1FC0;
	vm12 =	veq.s32 v19, $0x1;
	v19 =	vadd.s32 v22, v28;
	v22 =	vadd.s32 v25, v26;
	s1 =	smov.u32 s0;
	s0 =	sadd.s32 $0x40, s0  }
0x104: {  	v25 =	vsel vm12, $0x1, v0;
	v26 =	vsel vm2, $0x0, v31;
	v28 =	vperm.xlane v19, v1  }
0x105: {  	v18 =	vadd.s32 v25, v18;
	v25 =	vadd.s32 v26, v30;
	v26 =	vperm.xlane v22, v1  }
0x106: {  	v30 =	vperm.xlane v18, v1;
	v25 =	vperm.xlane v25, v6;
	v28 =	vsel vm11, $0x0, v28  }
0x107: {  	v17 =	vadd.s32 v29, v17;
	v19 =	vadd.s32 v19, v28;
	v26 =	vsel vm11, $0x0, v26  }
0x108: {  	v28 =	vsel vm11, $0x0, v30;
	v29 =	vperm.xlane v19, v3;
	v22 =	vadd.s32 v22, v26  }
0x109: {  	v18 =	vadd.s32 v18, v28;
	v26 =	vperm.xlane v22, v3;
	v28 =	vperm.xlane v17, v1  }
0x10a: {  	v30 =	vperm.xlane v18, v3;
	v29 =	vsel vm0, $0x0, v29  }
0x10b: {  	v19 =	vadd.s32 v29, v19;
	v26 =	vsel vm0, $0x0, v26;
	v28 =	vsel vm11, $0x0, v28  }
0x10c: {  	v29 =	vsel vm0, $0x0, v30;
	v30 =	vperm.xlane v19, v4;
	v22 =	vadd.s32 v26, v22  }
0x10d: {  	v17 =	vadd.s32 v17, v28;
	v18 =	vadd.s32 v29, v18;
	v26 =	vperm.xlane v22, v4  }
0x10e: {  	v28 =	vperm.xlane v18, v4;
	v29 =	vsel vm1, $0x0, v30;
	v30 =	vperm.xlane v17, v3  }
0x10f: {  	v19 =	vadd.s32 v29, v19;
	v26 =	vsel vm1, $0x0, v26  }
0x110: {  	v28 =	vsel vm1, $0x0, v28;
	v29 =	vperm.xlane v19, v5;
	v22 =	vadd.s32 v26, v22  }
0x111: {  	v18 =	vadd.s32 v28, v18;
	v26 =	vperm.xlane v22, v5;
	v28 =	vsel vm0, $0x0, v30  }
0x112: {  	v30 =	vperm.xlane v18, v5;
	v29 =	vsel vm2, $0x0, v29;
	v17 =	vadd.s32 v28, v17  }
0x113: {  	v19 =	vadd.s32 v29, v19;
	v26 =	vsel vm2, $0x0, v26;
	v28 =	vperm.xlane v17, v4  }
0x114: {  	v29 =	vsel vm2, $0x0, v30;
	v19 =	vperm.xlane v19, v6;
	v22 =	vadd.s32 v26, v22  }
0x115: {  	v26 =	vperm.xlane v24, v5;
	v18 =	vadd.s32 v29, v18;
	v22 =	vperm.xlane v22, v6  }
0x116: {  	v23 =	vadd.s32 v27, v23;
	v27 =	vsel vm1, $0x0, v28;
	v18 =	vperm.xlane v18, v6  }
0x117: {  	v23 =	vperm.xlane v23, v6;
	v26 =	vsel vm2, $0x0, v26;
	v17 =	vadd.s32 v27, v17  }
0x118: {  	v24 =	vadd.s32 v26, v24;
	v26 =	vperm.xlane v17, v5  }
0x119: {  	v21 =	vsel vm2, $0x0, v21;
	v23 =	vnsel vm3, $0x0, v23;
	v24 =	vperm.xlane v24, v6  }
0x11a: {  	v20 =	vadd.s32 v21, v20;
	v16 =	vadd.s32 v16, v23;
	v18 =	vsel vm10, $0x0, v18  }
0x11b: {  	v20 =	vperm.xlane v20, v6;
	v16 =	vadd.s32 v18, v16;
	v18 =	vsel vm5, $0x0, v24  }
0x11c: {  	v21 =	vsel vm2, $0x0, v26;
	v16 =	vadd.s32 v18, v16;
	v18 =	vsel vm6, $0x0, v25  }
0x11d: {  	s1 =	sshra.s32 s1, $0x2;
	v17 =	vadd.s32 v21, v17;
	v16 =	vadd.s32 v18, v16;
	v18 =	vsel vm7, $0x0, v20  }
0x11e: {  	v17 =	vperm.xlane v17, v6;
	v16 =	vadd.s32 v18, v16;
	v18 =	vsel vm8, $0x0, v19  }
0x11f: {  	vm4 =	vcmask $0x1B20;
	v16 =	vadd.s32 v18, v16;
	v18 =	vsel vm9, $0x0, v22  }
0x120: {  	v17 =	vsel vm4, $0x0, v17;
	v16 =	vadd.s32 v18, v16  }
0x121: {  	v16 =	vadd.s32 v17, v16  }
0x122: {  	[tilespmem:$0x2080] =	vst v16  }
0x123: {  	v20 =	vld [tilespmem:s1+$0x800]  }
0x124: {  	v19 =	vld [tilespmem:s1+$0x0];
	_ =	sdelay $0x3  }
0x125: {  	vm12 =	veq.s32 v20, $0x1;
	vm13 =	veq.s32 v20, $0x6  }
0x126: {  	vm14 =	veq.s32 v20, $0x7;
	v18 =	vsel vm12, $0x1, v0;
	vm12 =	veq.s32 v19, $0x5  }
0x127: {  	vm15 =	veq.s32 v20, $0x0;
	v17 =	vsel vm14, $0x1, v0;
	v22 =	vsel vm12, $0x1, v0  }
0x128: {  	v21 =	vsel vm15, $0x1, v0;
	vm14 =	veq.s32 v19, $0x6;
	vm12 =	veq.s32 v19, $0x2  }
0x129: {  	vm4 =	veq.s32 v20, $0x3;
	vm15 =	veq.s32 v20, $0x2;
	v25 =	vsel vm14, $0x1, v0  }
0x12a: {  	v26 =	vsel vm13, $0x1, v0;
	vm14 =	veq.s32 v19, $0x0;
	v23 =	vsel vm15, $0x1, v0  }
0x12b: {  	v27 =	vsel vm4, $0x1, v0;
	v24 =	vsel vm12, $0x1, v0;
	vm12 =	veq.s32 v19, $0x3  }
0x12c: {  	vm4 =	veq.s32 v19, $0x4;
	vm13 =	veq.s32 v20, $0x5;
	v29 =	vsel vm14, $0x1, v0  }
0x12d: {  	v30 =	vsel vm4, $0x1, v0;
	vm4 =	veq.s32 v20, $0x4;
	v28 =	vsel vm13, $0x1, v0  }
0x12e: {  	v20 =	vadd.s32 v29, v21;
	v21 =	vadd.s32 v24, v23;
	v23 =	vsel vm4, $0x1, v0  }
0x12f: {  	v29 =	vsel vm12, $0x1, v0;
	v24 =	vperm.xlane v20, v1;
	v23 =	vadd.s32 v30, v23  }
0x130: {  	v30 =	vperm.xlane v21, v1;
	v27 =	vadd.s32 v29, v27;
	v29 =	vperm.xlane v23, v1  }
0x131: {  	vm4 =	veq.s32 v19, $0x7;
	v31 =	vperm.xlane v27, v1;
	v24 =	vsel vm11, $0x0, v24  }
0x132: {  	v20 =	vadd.s32 v24, v20;
	v24 =	vsel vm11, $0x0, v30;
	v29 =	vsel vm11, $0x0, v29  }
0x133: {  	v31 =	vsel vm11, $0x0, v31;
	v30 =	vperm.xlane v20, v3;
	v23 =	vadd.s32 v23, v29  }
0x134: {  	v21 =	vadd.s32 v21, v24;
	v24 =	vadd.s32 v27, v31;
	v27 =	vperm.xlane v23, v3  }
0x135: {  	v31 =	vperm.xlane v24, v3;
	v29 =	vsel vm0, $0x0, v30;
	v30 =	vperm.xlane v21, v3  }
0x136: {  	v20 =	vadd.s32 v29, v20;
	v27 =	vsel vm0, $0x0, v27;
	v29 =	vsel vm4, $0x1, v0  }
0x137: {  	v31 =	vsel vm0, $0x0, v31;
	v32 =	vperm.xlane v20, v4;
	v27 =	vadd.s32 v27, v23  }
0x138: {  	v23 =	vsel vm0, $0x0, v30;
	v24 =	vadd.s32 v31, v24;
	v30 =	vperm.xlane v27, v4  }
.Ltmp3:
0x139: {  	v31 =	vsel vm1, $0x0, v32;
	v32 =	vadd.s32 v23, v21;
	v21 =	vperm.xlane v24, v4;
	(pc) =	sbr.rel @p2 .LBB2_3-.Ltmp3, $4  }
0x13a: {  	v23 =	vadd.s32 v31, v20;
	v31 =	vperm.xlane v32, v4;
	v20 =	vsel vm1, $0x0, v30  }
0x13b: {  	v33 =	vperm.xlane v23, v5;
	v21 =	vsel vm1, $0x0, v21;
	v20 =	vadd.s32 v20, v27  }
0x13c: {  	v31 =	vsel vm1, $0x0, v31;
	v30 =	vadd.s32 v21, v24;
	v21 =	vperm.xlane v20, v5  }
0x13d: {  	v27 =	vsel vm2, $0x0, v33;
	v24 =	vadd.s32 v31, v32;
	v31 =	vperm.xlane v30, v5  }
0x13e: {  	vm4 =	veq.s32 v19, $0x1  }
0x13f: {  	v19 =	vadd.s32 v22, v28;
	v47 =	vadd.s32 v25, v26;
	v17 =	vadd.s32 v29, v17  }
0x140: {  	v37 =	vperm.xlane v24, v5;
	v23 =	vadd.s32 v27, v23;
	v21 =	vsel vm2, $0x0, v21  }
0x141: {  	vm12 =	vmmov vm10;
	v48 =	vsel vm4, $0x1, v0;
	v49 =	vperm.xlane v19, v1  }
0x142: {  	v50 =	vperm.xlane v47, v1;
	v57 =	vperm.xlane v17, v1;
	v18 =	vadd.s32 v48, v18  }
0x143: {  	v31 =	vsel vm2, $0x0, v31;
	v23 =	vperm.xlane v23, v6;
	v51 =	vperm.xlane v18, v1  }
0x144: {  	v20 =	vadd.s32 v21, v20;
	v26 =	vsel vm11, $0x0, v49;
	v25 =	vsel vm11, $0x0, v50  }
0x145: {  	v60 =	vsel vm11, $0x0, v57;
	v19 =	vadd.s32 v19, v26;
	v52 =	vsel vm11, $0x0, v51  }
0x146: {  	v22 =	vadd.s32 v47, v25;
	v53 =	vperm.xlane v19, v3;
	v18 =	vadd.s32 v18, v52  }
0x147: {  	v17 =	vadd.s32 v17, v60;
	v55 =	vperm.xlane v22, v3;
	v56 =	vperm.xlane v18, v3  }
0x148: {  	v54 =	vadd.s32 v31, v30;
	v63 =	vperm.xlane v17, v3;
	v28 =	vsel vm0, $0x0, v53  }
0x149: {  	v26 =	vsel vm0, $0x0, v55;
	v19 =	vadd.s32 v28, v19;
	v58 =	vsel vm0, $0x0, v56  }
0x14a: {  	v22 =	vadd.s32 v26, v22;
	v59 =	vperm.xlane v19, v4;
	v18 =	vadd.s32 v58, v18  }
0x14b: {  	v34 =	vsel vm0, $0x0, v63;
	v61 =	vperm.xlane v22, v4;
	v62 =	vperm.xlane v18, v4  }
0x14c: {  	v20 =	vperm.xlane v20, v6;
	v23 =	vnsel vm3, $0x0, v23;
	v17 =	vadd.s32 v34, v17  }
0x14d: {  	v29 =	vsel vm1, $0x0, v59;
	v28 =	vsel vm1, $0x0, v61;
	v26 =	vsel vm1, $0x0, v62  }
0x14e: {  	v22 =	vadd.s32 v28, v22;
	v28 =	vperm.xlane v17, v4;
	v18 =	vadd.s32 v26, v18  }
0x14f: {  	v19 =	vadd.s32 v29, v19;
	v33 =	vperm.xlane v22, v5;
	v35 =	vperm.xlane v18, v5  }
0x150: {  	v25 =	vperm.xlane v54, v6;
	v16 =	vadd.s32 v16, v23;
	v29 =	vperm.xlane v19, v5  }
0x151: {  	v38 =	vsel vm1, $0x0, v28;
	v26 =	vsel vm2, $0x0, v33;
	v36 =	vsel vm2, $0x0, v35  }
0x152: {  	v22 =	vadd.s32 v26, v22;
	v26 =	vsel vm2, $0x0, v37;
	v18 =	vadd.s32 v36, v18  }
0x153: {  	v29 =	vsel vm2, $0x0, v29;
	v39 =	vadd.s32 v26, v24;
	v18 =	vperm.xlane v18, v6  }
0x154: {  	v17 =	vadd.s32 v38, v17;
	v19 =	vadd.s32 v29, v19;
	v24 =	vperm.xlane v39, v6  }
0x155: {  	v40 =	vperm.xlane v17, v5;
	v19 =	vperm.xlane v19, v6;
	v18 =	vsel vm10, $0x0, v18  }
0x156: {  	v22 =	vperm.xlane v22, v6;
	v16 =	vadd.s32 v18, v16;
	v18 =	vsel vm5, $0x0, v24  }
0x157: {  	v41 =	vsel vm2, $0x0, v40;
	v16 =	vadd.s32 v18, v16;
	v18 =	vsel vm6, $0x0, v25  }
0x158: {  	v17 =	vadd.s32 v41, v17;
	v16 =	vadd.s32 v18, v16;
	v18 =	vsel vm7, $0x0, v20  }
0x159: {  	v17 =	vperm.xlane v17, v6;
	v16 =	vadd.s32 v18, v16;
	v18 =	vsel vm8, $0x0, v19  }
0x15a: {  	vm10 =	vcmask $0x1B20;
	v16 =	vadd.s32 v18, v16;
	v18 =	vsel vm9, $0x0, v22  }
0x15b: {  	v17 =	vsel vm10, $0x0, v17;
	v16 =	vadd.s32 v18, v16  }
0x15c: {  	v16 =	vadd.s32 v17, v16  }
0x15d: {  	v17 =	vadd.s32 $0xFF, v16  }
0x15e: {  	v17 =	vshra.s32 v17, $0x8  }
0x15f: {  	v18 =	vperm.xlane v17, v1;
	_ =	sdelay $0x1  }
0x160: {  	v18 =	vsel vm11, $0x0, v18  }
0x161: {  	v18 =	vadd.s32 v18, v17  }
0x162: {  	v19 =	vperm.xlane v18, v3;
	_ =	sdelay $0x1  }
0x163: {  	v19 =	vsel vm0, $0x0, v19  }
0x164: {  	v18 =	vadd.s32 v19, v18  }
0x165: {  	v19 =	vperm.xlane v18, v4;
	_ =	sdelay $0x1  }
0x166: {  	v19 =	vsel vm1, $0x0, v19  }
0x167: {  	v18 =	vadd.s32 v19, v18  }
0x168: {  	v19 =	vperm.xlane v18, v5;
	_ =	sdelay $0x1  }
0x169: {  	v19 =	vsel vm2, $0x0, v19  }
0x16a: {  	v18 =	vadd.s32 v19, v18  }
0x16b: {  	v19 =	vperm.xlane v18, v0;
	v42 =	vperm.xlane v18, v8  }
0x16c: {  	v43 =	vperm.xlane v18, v9;
	v46 =	vperm.xlane v18, v10  }
0x16d: {  	v48 =	vperm.xlane v18, v11;
	v50 =	vperm.xlane v18, v12  }
0x16e: {  	v52 =	vperm.xlane v18, v13;
	v54 =	vperm.xlane v18, v14  }
0x16f: {  	v56 =	vperm.xlane v18, v6;
	v17 =	vsub.s32 v18, v17;
	vm4 =	vlt.s32 v19, v7  }
0x170: {  	vm11 =	vlt.s32 v42, v15;
	v44 =	vsel vm4, $0x1, v0;
	vm4 =	vlt.s32 v42, v7  }
0x171: {  	v20 =	vsel vm11, $0x1, v0;
	v45 =	vsel vm4, $0x1, v0;
	vm4 =	vlt.s32 v43, v7  }
0x172: {  	v22 =	vadd.s32 v44, v45;
	v47 =	vsel vm4, $0x1, v0;
	vm4 =	vlt.s32 v46, v7  }
0x173: {  	v22 =	vadd.s32 v47, v22;
	v49 =	vsel vm4, $0x1, v0;
	vm4 =	vlt.s32 v48, v7  }
0x174: {  	v22 =	vadd.s32 v49, v22;
	v51 =	vsel vm4, $0x1, v0;
	vm4 =	vlt.s32 v50, v7  }
0x175: {  	v22 =	vadd.s32 v51, v22;
	v53 =	vsel vm4, $0x1, v0;
	vm4 =	vlt.s32 v52, v7  }
0x176: {  	v22 =	vadd.s32 v53, v22;
	v55 =	vsel vm4, $0x1, v0;
	vm4 =	vlt.s32 v54, v7  }
0x177: {  	v22 =	vadd.s32 v55, v22;
	v57 =	vsel vm4, $0x1, v0;
	vm4 =	vlt.s32 v19, v15  }
0x178: {  	[tilespmem:$0x2080] =	vst v16;
	v19 =	vsel vm4, $0x1, v0;
	vm4 =	vlt.s32 v43, v15;
	v16 =	vadd.s32 v57, v22  }
0x179: {  	v19 =	vadd.s32 v19, v20;
	v58 =	vsel vm4, $0x1, v0;
	vm4 =	vlt.s32 v46, v15  }
0x17a: {  	v19 =	vadd.s32 v58, v19;
	v59 =	vsel vm4, $0x1, v0;
	vm4 =	vlt.s32 v48, v15  }
0x17b: {  	v19 =	vadd.s32 v59, v19;
	v60 =	vsel vm4, $0x1, v0;
	vm4 =	vlt.s32 v50, v15  }
0x17c: {  	v19 =	vadd.s32 v60, v19;
	v61 =	vsel vm4, $0x1, v0;
	vm4 =	vlt.s32 v52, v15  }
0x17d: {  	v19 =	vadd.s32 v61, v19;
	v62 =	vsel vm4, $0x1, v0;
	vm4 =	vlt.s32 v54, v15  }
0x17e: {  	[tilespmem:$0x2180] =	vst v56;
	v16 =	vmin.u32 v16, $0x7;
	v19 =	vadd.s32 v62, v19;
	v63 =	vsel vm4, $0x1, v0  }
0x17f: {  	[tilespmem:$0x2000] =	vst v16;
	v16 =	vshll.u32 v17, $0x8;
	v19 =	vadd.s32 v63, v19  }
0x180: {  	s0 =	simm.s32 $0x0;
	[tilespmem:$0x2100] =	vst v16;
	v18 =	vmin.u32 v19, $0x7  }
0x181: {  	s1 =	simm.s32 $0x1000;
	s18 =	simm.s32 $0x800;
	s19 =	simm.s32 $0x0;
	vm4 =	vmmov vm12;
	[tilespmem:$0x2010] =	vst v18  }
.LBB2_5:
0x182: {  	v17 =	vld [tilespmem:s0+$0x0];
	_ =	sdelay $0x4  }
0x183: {  	vm12 =	veq.s32 v17, $0x0  }
0x184: {  	v18 =	vsel vm12, $0x1, v0  }
0x185: {  	v19 =	vperm.xlane v18, v1  }
0x186: {  	vm11 =	veq.s32 v2, $0x0  }
0x187: {  	v19 =	vsel vm11, $0x0, v19  }
0x188: {  	v18 =	vadd.s32 v18, v19  }
0x189: {  	vm14 =	veq.s32 v17, $0x1;
	v19 =	vperm.xlane v18, v3  }
0x18a: {  	v20 =	vsel vm14, $0x1, v0  }
0x18b: {  	v21 =	vperm.xlane v20, v1;
	v19 =	vsel vm0, $0x0, v19  }
0x18c: {  	v57 =	vperm.xlane v16, v0;
	v18 =	vadd.s32 v19, v18  }
0x18d: {  	vm13 =	veq.s32 v17, $0x2;
	v19 =	vsel vm11, $0x0, v21;
	v56 =	vperm.xlane v18, v4  }
0x18e: {  	vm15 =	veq.s32 v17, $0x3;
	v23 =	vsel vm13, $0x1, v0;
	v19 =	vadd.s32 v20, v19  }
0x18f: {  	v24 =	vsel vm12, $0xFFFFFFFF, v0;
	v20 =	vperm.xlane v19, v3;
	v21 =	vsel vm1, $0x0, v56  }
0x190: {  	v62 =	vsel vm15, $0x1, v0;
	v26 =	vsel vm14, $0xFFFFFFFF, v0;
	v18 =	vadd.s32 v21, v18  }
0x191: {  	v37 =	vsel vm13, $0xFFFFFFFF, v0;
	v20 =	vsel vm0, $0x0, v20;
	v21 =	vperm.xlane v18, v5  }
0x192: {  	v25 =	vperm.xlane v23, v1;
	v28 =	vperm.xlane v62, v1;
	v19 =	vadd.s32 v20, v19  }
0x193: {  	v45 =	vsel vm15, $0xFFFFFFFF, v0;
	v22 =	vperm.xlane v19, v4;
	v21 =	vsel vm2, $0x0, v21  }
0x194: {  	v60 =	vsel vm11, $0x0, v25;
	v31 =	vsel vm11, $0x0, v28;
	v18 =	vadd.s32 v21, v18  }
0x195: {  	v58 =	vsel vm1, $0x0, v22;
	v21 =	vadd.s32 v23, v60;
	v59 =	vperm.xlane v18, v6  }
0x196: {  	v20 =	vadd.s32 v24, v57;
	v19 =	vadd.s32 v58, v19;
	v23 =	vperm.xlane v21, v3  }
0x197: {  	v18 =	vadd.s32 v18, v20;
	v61 =	vperm.xlane v19, v5;
	v22 =	vnsel vm3, $0x0, v59  }
0x198: {  	v18 =	vnsel vm12, $0x0, v18;
	v23 =	vsel vm0, $0x0, v23;
	v16 =	vadd.s32 v16, v22  }
0x199: {  	vm12 =	veq.s32 v17, $0x4;
	v29 =	vadd.s32 v23, v21;
	v63 =	vperm.xlane v16, v8  }
0x19a: {  	v20 =	vsel vm2, $0x0, v61;
	v22 =	vadd.s32 v62, v31;
	v23 =	vperm.xlane v29, v4  }
0x19b: {  	v19 =	vadd.s32 v20, v19;
	v24 =	vperm.xlane v22, v3;
	v30 =	vadd.s32 v26, v63  }
0x19c: {  	v23 =	vsel vm1, $0x0, v23;
	v21 =	vadd.s32 v19, v30;
	v19 =	vperm.xlane v19, v6  }
0x19d: {  	v34 =	vsel vm12, $0x1, v0;
	v53 =	vsel vm12, $0xFFFFFFFF, v0;
	v20 =	vadd.s32 v23, v29  }
0x19e: {  	v33 =	vsel vm0, $0x0, v24;
	v32 =	vperm.xlane v20, v5;
	v19 =	vsel vm4, $0x0, v19  }
0x19f: {  	v36 =	vperm.xlane v34, v1;
	v16 =	vadd.s32 v16, v19;
	v19 =	vadd.s32 v33, v22  }
0x1a0: {  	v18 =	vsel vm14, v21, v18;
	v21 =	vsel vm2, $0x0, v32;
	v22 =	vperm.xlane v19, v4  }
0x1a1: {  	v39 =	vsel vm11, $0x0, v36;
	v20 =	vadd.s32 v21, v20;
	v35 =	vperm.xlane v16, v9  }
0x1a2: {  	vm14 =	veq.s32 v17, $0x5;
	v38 =	vperm.xlane v20, v6;
	v22 =	vsel vm1, $0x0, v22  }
0x1a3: {  	v48 =	vsel vm14, $0x1, v0;
	v21 =	vadd.s32 v37, v35;
	v19 =	vadd.s32 v22, v19  }
0x1a4: {  	v40 =	vsel vm5, $0x0, v38;
	v22 =	vadd.s32 v34, v39;
	v20 =	vadd.s32 v20, v21  }
0x1a5: {  	v41 =	vperm.xlane v19, v5;
	v16 =	vadd.s32 v16, v40;
	v42 =	vperm.xlane v22, v3  }
0x1a6: {  	v49 =	vperm.xlane v48, v1;
	v18 =	vsel vm13, v20, v18;
	v44 =	vperm.xlane v16, v10  }
0x1a7: {  	vm13 =	veq.s32 v17, $0x6;
	v43 =	vsel vm2, $0x0, v41;
	v46 =	vsel vm0, $0x0, v42  }
0x1a8: {  	v19 =	vadd.s32 v43, v19;
	v47 =	vadd.s32 v45, v44;
	v20 =	vadd.s32 v46, v22  }
0x1a9: {  	v50 =	vsel vm13, $0x1, v0;
	v21 =	vadd.s32 v19, v47;
	v22 =	vperm.xlane v20, v4  }
0x1aa: {  	v51 =	vperm.xlane v50, v1;
	v19 =	vperm.xlane v19, v6;
	v18 =	vsel vm15, v21, v18  }
0x1ab: {  	v21 =	vsel vm11, $0x0, v49;
	vm15 =	veq.s32 v17, $0x7;
	v22 =	vsel vm1, $0x0, v22  }
0x1ac: {  	v19 =	vsel vm6, $0x0, v19;
	v21 =	vadd.s32 v48, v21;
	v20 =	vadd.s32 v22, v20  }
0x1ad: {  	v16 =	vadd.s32 v16, v19;
	v19 =	vperm.xlane v21, v3;
	v22 =	vsel vm11, $0x0, v51  }
0x1ae: {  	v52 =	vperm.xlane v20, v5;
	v22 =	vadd.s32 v50, v22;
	v54 =	vperm.xlane v16, v11  }
0x1af: {  	v56 =	vsel vm15, $0x1, v0;
	v19 =	vsel vm0, $0x0, v19;
	v24 =	vperm.xlane v22, v3  }
0x1b0: {  	v25 =	vsel vm2, $0x0, v52;
	v19 =	vadd.s32 v19, v21;
	v23 =	vadd.s32 v53, v54  }
0x1b1: {  	v20 =	vadd.s32 v25, v20;
	v17 =	vperm.xlane v19, v4;
	v55 =	vsel vm0, $0x0, v24  }
0x1b2: {  	v57 =	vperm.xlane v56, v1;
	v21 =	vadd.s32 v55, v22;
	v23 =	vadd.s32 v20, v23  }
0x1b3: {  	v20 =	vperm.xlane v20, v6;
	v17 =	vsel vm1, $0x0, v17;
	v58 =	vperm.xlane v21, v4  }
0x1b4: {  	v17 =	vadd.s32 v17, v19;
	v19 =	vsel vm11, $0x0, v57  }
0x1b5: {  	v20 =	vsel vm7, $0x0, v20;
	v25 =	vsel vm1, $0x0, v58;
	v19 =	vadd.s32 v56, v19  }
0x1b6: {  	v59 =	vperm.xlane v17, v5;
	v21 =	vadd.s32 v25, v21;
	v24 =	vperm.xlane v19, v3  }
0x1b7: {  	v62 =	vsel vm14, $0xFFFFFFFF, v0;
	v16 =	vadd.s32 v16, v20;
	v61 =	vperm.xlane v21, v5  }
0x1b8: {  	v28 =	vperm.xlane v16, v12;
	v60 =	vsel vm2, $0x0, v59;
	v63 =	vsel vm0, $0x0, v24  }
0x1b9: {  	v17 =	vadd.s32 v60, v17;
	v22 =	vsel vm2, $0x0, v61;
	v19 =	vadd.s32 v63, v19  }
0x1ba: {  	v29 =	vperm.xlane v17, v6;
	v21 =	vadd.s32 v22, v21;
	v30 =	vperm.xlane v19, v4  }
0x1bb: {  	v18 =	vsel vm12, v23, v18;
	v31 =	vadd.s32 v62, v28;
	v32 =	vperm.xlane v21, v6  }
0x1bc: {  	v17 =	vadd.s32 v17, v31;
	v20 =	vsel vm8, $0x0, v29;
	v22 =	vsel vm1, $0x0, v30  }
0x1bd: {  	v16 =	vadd.s32 v16, v20;
	v33 =	vsel vm9, $0x0, v32;
	v19 =	vadd.s32 v22, v19  }
0x1be: {  	v34 =	vperm.xlane v16, v13;
	v16 =	vadd.s32 v16, v33;
	v35 =	vperm.xlane v19, v5  }
0x1bf: {  	v17 =	vsel vm14, v17, v18;
	v18 =	vsel vm13, $0xFFFFFFFF, v0;
	v36 =	vperm.xlane v16, v14  }
0x1c0: {  	v37 =	vsel vm15, $0xFFFFFFFF, v0;
	v18 =	vadd.s32 v18, v34;
	v20 =	vsel vm2, $0x0, v35  }
0x1c1: {  	v18 =	vadd.s32 v21, v18;
	v19 =	vadd.s32 v20, v19;
	v38 =	vadd.s32 v37, v36  }
0x1c2: {  	v17 =	vsel vm13, v18, v17;
	v18 =	vadd.s32 v19, v38  }
0x1c3: {  	v17 =	vsel vm15, v18, v17  }
0x1c4: {  	[tilespmem:s1+$0x0] =	vst v17  }
0x1c5: {  	v17 =	vld [tilespmem:s18+$0x0];
	_ =	sdelay $0x4  }
0x1c6: {  	vm14 =	veq.s32 v17, $0x0  }
0x1c7: {  	v18 =	vsel vm14, $0x1, v0  }
0x1c8: {  	v39 =	vperm.xlane v18, v1;
	_ =	sdelay $0x1  }
0x1c9: {  	v20 =	vsel vm11, $0x0, v39  }
0x1ca: {  	v19 =	vperm.xlane v19, v6;
	v18 =	vadd.s32 v18, v20  }
0x1cb: {  	vm13 =	veq.s32 v17, $0x1;
	v20 =	vperm.xlane v18, v3  }
0x1cc: {  	v19 =	vsel vm10, $0x0, v19;
	v40 =	vsel vm13, $0x1, v0  }
0x1cd: {  	vm12 =	veq.s32 v17, $0x2;
	v41 =	vperm.xlane v40, v1;
	v20 =	vsel vm0, $0x0, v20  }
0x1ce: {  	v16 =	vadd.s32 v16, v19;
	v44 =	vsel vm12, $0x1, v0;
	v18 =	vadd.s32 v20, v18  }
0x1cf: {  	v46 =	vperm.xlane v44, v1;
	v19 =	vsel vm11, $0x0, v41;
	v20 =	vperm.xlane v18, v4  }
0x1d0: {  	v19 =	vadd.s32 v40, v19  }
0x1d1: {  	v49 =	vsel vm11, $0x0, v46;
	v43 =	vperm.xlane v19, v3;
	v20 =	vsel vm1, $0x0, v20  }
0x1d2: {  	v21 =	vadd.s32 v44, v49;
	v18 =	vadd.s32 v20, v18  }
0x1d3: {  	v23 =	vperm.xlane v21, v3;
	v48 =	vsel vm0, $0x0, v43;
	v20 =	vperm.xlane v18, v5  }
0x1d4: {  	v42 =	vperm.xlane v16, v0;
	v45 =	vsel vm14, $0xFFFFFFFF, v0;
	v19 =	vadd.s32 v48, v19  }
0x1d5: {  	v51 =	vsel vm0, $0x0, v23;
	v50 =	vperm.xlane v19, v4;
	v20 =	vsel vm2, $0x0, v20  }
0x1d6: {  	v47 =	vadd.s32 v45, v42;
	v21 =	vadd.s32 v51, v21;
	v18 =	vadd.s32 v20, v18  }
0x1d7: {  	v55 =	vperm.xlane v21, v4;
	v22 =	vsel vm1, $0x0, v50;
	v20 =	vadd.s32 v18, v47  }
0x1d8: {  	v18 =	vperm.xlane v18, v6;
	v20 =	vnsel vm14, $0x0, v20;
	vm14 =	veq.s32 v17, $0x3  }
0x1d9: {  	v57 =	vsel vm1, $0x0, v55;
	v19 =	vadd.s32 v22, v19;
	v52 =	vsel vm14, $0x1, v0  }
0x1da: {  	v53 =	vperm.xlane v19, v5;
	v18 =	vnsel vm3, $0x0, v18;
	v54 =	vperm.xlane v52, v1  }
0x1db: {  	vm15 =	veq.s32 v17, $0x4;
	v21 =	vadd.s32 v57, v21;
	v16 =	vadd.s32 v16, v18  }
0x1dc: {  	v24 =	vsel vm2, $0x0, v53;
	v56 =	vperm.xlane v16, v8;
	v22 =	vsel vm11, $0x0, v54  }
0x1dd: {  	v19 =	vadd.s32 v24, v19;
	v18 =	vsel vm13, $0xFFFFFFFF, v0;
	v22 =	vadd.s32 v52, v22  }
0x1de: {  	v24 =	vperm.xlane v21, v5;
	v18 =	vadd.s32 v18, v56;
	v23 =	vperm.xlane v22, v3  }
0x1df: {  	v61 =	vsel vm12, $0xFFFFFFFF, v0;
	v18 =	vadd.s32 v19, v18;
	v19 =	vperm.xlane v19, v6  }
0x1e0: {  	v63 =	vsel vm15, $0x1, v0;
	v59 =	vsel vm2, $0x0, v24;
	v58 =	vsel vm0, $0x0, v23  }
0x1e1: {  	v18 =	vsel vm13, v18, v20;
	v19 =	vsel vm4, $0x0, v19;
	v20 =	vadd.s32 v58, v22  }
0x1e2: {  	v16 =	vadd.s32 v16, v19;
	v19 =	vadd.s32 v59, v21;
	v60 =	vperm.xlane v20, v4  }
0x1e3: {  	v28 =	vperm.xlane v63, v1;
	v44 =	vsel vm15, $0xFFFFFFFF, v0;
	v23 =	vperm.xlane v19, v6  }
0x1e4: {  	v31 =	vsel vm14, $0xFFFFFFFF, v0;
	vm13 =	veq.s32 v17, $0x6;
	v21 =	vsel vm1, $0x0, v60  }
0x1e5: {  	v62 =	vperm.xlane v16, v9;
	v23 =	vsel vm5, $0x0, v23;
	v20 =	vadd.s32 v21, v20  }
0x1e6: {  	v34 =	vsel vm13, $0x1, v0;
	v16 =	vadd.s32 v16, v23;
	v29 =	vperm.xlane v20, v5  }
0x1e7: {  	v22 =	vadd.s32 v61, v62;
	v21 =	vsel vm11, $0x0, v28;
	v30 =	vperm.xlane v16, v10  }
0x1e8: {  	v19 =	vadd.s32 v19, v22;
	v21 =	vadd.s32 v63, v21;
	v23 =	vsel vm2, $0x0, v29  }
0x1e9: {  	v18 =	vsel vm12, v19, v18;
	v22 =	vadd.s32 v31, v30;
	v20 =	vadd.s32 v23, v20  }
0x1ea: {  	vm12 =	veq.s32 v17, $0x7;
	v32 =	vperm.xlane v21, v3;
	v19 =	vadd.s32 v20, v22  }
0x1eb: {  	v35 =	vsel vm12, $0x1, v0;
	v18 =	vsel vm14, v19, v18;
	vm14 =	veq.s32 v17, $0x5  }
0x1ec: {  	v36 =	vperm.xlane v34, v1;
	v37 =	vperm.xlane v35, v1;
	v33 =	vsel vm14, $0x1, v0  }
0x1ed: {  	v20 =	vperm.xlane v20, v6;
	v19 =	vsel vm0, $0x0, v32;
	v17 =	vperm.xlane v33, v1  }
0x1ee: {  	v25 =	vsel vm11, $0x0, v37;
	v19 =	vadd.s32 v19, v21;
	v21 =	vsel vm11, $0x0, v36  }
0x1ef: {  	v38 =	vperm.xlane v19, v4;
	v41 =	vadd.s32 v34, v21;
	v17 =	vsel vm11, $0x0, v17  }
0x1f0: {  	v46 =	vadd.s32 v35, v25;
	v23 =	vperm.xlane v41, v3;
	v17 =	vadd.s32 v33, v17  }
0x1f1: {  	v20 =	vsel vm6, $0x0, v20;
	v39 =	vsel vm1, $0x0, v38;
	v40 =	vperm.xlane v17, v3  }
0x1f2: {  	v16 =	vadd.s32 v16, v20;
	v19 =	vadd.s32 v39, v19;
	v23 =	vsel vm0, $0x0, v23  }
0x1f3: {  	v42 =	vperm.xlane v19, v5;
	v20 =	vadd.s32 v23, v41;
	v43 =	vsel vm0, $0x0, v40  }
0x1f4: {  	v27 =	vperm.xlane v16, v11;
	v23 =	vperm.xlane v20, v4;
	v17 =	vadd.s32 v43, v17  }
0x1f5: {  	v25 =	vperm.xlane v46, v3;
	v21 =	vsel vm2, $0x0, v42;
	v22 =	vperm.xlane v17, v4  }
0x1f6: {  	v45 =	vadd.s32 v44, v27;
	v19 =	vadd.s32 v21, v19;
	v23 =	vsel vm1, $0x0, v23  }
0x1f7: {  	v21 =	vadd.s32 v19, v45;
	v19 =	vperm.xlane v19, v6;
	v22 =	vsel vm1, $0x0, v22  }
0x1f8: {  	v49 =	vsel vm0, $0x0, v25;
	v20 =	vadd.s32 v23, v20;
	v17 =	vadd.s32 v22, v17  }
0x1f9: {  	v23 =	vperm.xlane v20, v5;
	v19 =	vsel vm7, $0x0, v19;
	v47 =	vperm.xlane v17, v5  }
0x1fa: {  	v16 =	vadd.s32 v16, v19;
	v19 =	vadd.s32 v49, v46  }
0x1fb: {  	v51 =	vsel vm2, $0x0, v23;
	v50 =	vperm.xlane v16, v12;
	v48 =	vsel vm2, $0x0, v47  }
0x1fc: {  	v52 =	vperm.xlane v19, v4;
	v20 =	vadd.s32 v51, v20;
	v17 =	vadd.s32 v48, v17  }
0x1fd: {  	v53 =	vsel vm14, $0xFFFFFFFF, v0;
	v55 =	vperm.xlane v20, v6;
	v54 =	vperm.xlane v17, v6  }
0x1fe: {  	v18 =	vsel vm15, v21, v18;
	v21 =	vadd.s32 v53, v50;
	v23 =	vsel vm1, $0x0, v52  }
0x1ff: {  	v19 =	vadd.s32 v23, v19;
	v57 =	vsel vm9, $0x0, v55;
	v56 =	vsel vm8, $0x0, v54  }
0x200: {  	v17 =	vadd.s32 v17, v21;
	v58 =	vperm.xlane v19, v5;
	v16 =	vadd.s32 v16, v56  }
0x201: {  	v17 =	vsel vm14, v17, v18;
	v18 =	vperm.xlane v16, v13;
	v16 =	vadd.s32 v16, v57  }
0x202: {  	v59 =	vsel vm13, $0xFFFFFFFF, v0;
	v22 =	vsel vm2, $0x0, v58;
	v60 =	vperm.xlane v16, v14  }
0x203: {  	p2 =	sne.s32 s19, $0x7F0;
	v61 =	vsel vm12, $0xFFFFFFFF, v0;
	v19 =	vadd.s32 v22, v19;
	v18 =	vadd.s32 v59, v18  }
.Ltmp4:
0x204: {  	v63 =	vperm.xlane v19, v6;
	v18 =	vadd.s32 v20, v18;
	v62 =	vadd.s32 v61, v60;
	(pc) =	sbr.rel @p2 .LBB2_5-.Ltmp4, $4  }
0x205: {  	v17 =	vsel vm13, v18, v17;
	v18 =	vadd.s32 v19, v62  }
0x206: {  	s2 =	sand.u32 $0x7F0, s19;
	v17 =	vsel vm12, v18, v17;
	v18 =	vsel vm10, $0x0, v63  }
0x207: {  	s0 =	sadd.s32 $0x10, s0;
	v16 =	vadd.s32 v16, v18;
	[tilespmem:s2+$0x1800] =	vst v17  }
0x208: {  	s19 =	sadd.s32 $0x10, s19;
	s1 =	sadd.s32 $0x10, s1;
	s18 =	sadd.s32 $0x10, s18;
	[tilespmem:$0x2100] =	vst v16  }
0x209: {  	s0 =	rddreg [dreg:$0x3];
	s1 =	simm.s32 $0x1000  }
0x20a: {  	[spmem:s0] =	stream.linear.scatter [tilespmem:s1], [sflag:$0x2], $0x1000, $0x38;
	[tilespmem:$0x12400] =	vst v63  }
0x20b: {  	_ =	swait.ge [sflag:s6], $0x1000  }
0x20c: {  	[sflag:s6] =	ssyncset.done $0x0  }
0x20d: {  	[sflag:s6] =	ssyncadd.s32 $0xFFFFF000  }
0x20e: {  	s0 =	simm.s32 @!p1 $0x0;
	s1 =	simm.s32 @!p1 $0x1000;
	s2 =	rddreg [dreg:$0x2]  }
0x20f: {  	[hbm4b:s2+s0] =	stream.linear.scatter @!p1 [tilespmem:s1], [sflag:$0x2], $0x1000, $0x38;
	[tilespmem:$0x12400] =	vst v63  }
0x210: {  	s1 =	simm.s32 @!p1 $0x2  }
0x211: {  	_ =	swait.ge @!p1 [sflag:s1], $0x1000  }
0x212: {  	[sflag:s1] =	ssyncset.done @!p1 $0x0  }
0x213: {  	s2 =	simm.s32 @!p1 $0x2000;
	s18 =	rddreg [dreg:$0x7];
	[sflag:s1] =	ssyncadd.s32 @!p1 $0xFFFFF000  }
0x214: {  	[hbm4b:s18+s0] =	stream.linear.scatter @!p1 [tilespmem:s2], [sflag:$0x2], $0x80, $0x38;
	[tilespmem:$0x12400] =	vst v63  }
0x215: {  	_ =	swait.ge @!p1 [sflag:s1], $0x80  }
0x216: {  	s2 =	simm.s32 @!p1 $0x2180;
	[sflag:s1] =	ssyncset.done @!p1 $0x0  }
.Ltmp5:
0x217: {  	s18 =	rddreg [dreg:$0x8];
	[sflag:s1] =	ssyncadd.s32 @!p1 $0xFFFFFF80;
	(pc) =	sbr.rel .LBB2_7-.Ltmp5, $4  }
0x218: {  	[hbm4b:s18+s0] =	stream.linear.scatter @!p1 [tilespmem:s2], [sflag:$0x2], $0x80, $0x38;
	[tilespmem:$0x12400] =	vst v63  }
0x219: {  	_ =	swait.ge @!p1 [sflag:s1], $0x80  }
0x21a: {  	[sflag:s1] =	ssyncset.done @!p1 $0x0  }
0x21b: {  	[sflag:s1] =	ssyncadd.s32 @!p1 $0xFFFFFF80;
	s1 =	smov.u32 s4  }
.LBB2_8:
0x21c: {  	_ =	sfence.sel $0x180000  }
0x21d: {  	[bflag:$0x0] =	sbarrier.arrive $0xFFFF  }
0x21e: {  	_ =	strace $0x90000047  }
0x21f: {  	[bflag:$0x2] =	sbarrier.arrive $0xFFFF  }
0x220: {  	s0 =	rddreg [dreg:$0x4]  }
0x221: {  	s0 =	sadd.s32 @!p0 $0x100000, s0  }
0x222: {  	[sflag:s0] =	ssyncadd.tile.s32 @!p0 $0x1;
	_ =	shalt  }
.Lfunc_end2:
_tile_overlayer_lowered:
.L_overlay_start_2:
0x223: {  	(tag) =	ssettag $0x2  }
0x224: {  	s0 =	rddreg [dreg:$0x0];
	s2 =	stileid.u32  }
0x225: {  	s1 =	rddreg [dreg:$0x1];
	p0 =	sne.s32 s2, $0x0  }
0x226: {  	s3 =	rddreg [dreg:$0x2];
	[bflag:$0x3] =	sbarrier.arrive $0xFFFF;
	s2 =	simm.s32 @!p0 $0x1C02  }
0x227: {  	[timem:s3], [sflag:s2] =	dma.local @!p0 [hbm:s0], s1  }
0x228: {  	s0 =	simm.s32 @!p0 $0x2  }
0x229: {  	_ =	swait.ge @!p0 [sflag:s0], s1  }
0x22a: {  	s1 =	ssub.s32 @!p0 $0x0, s1;
	[sflag:s0] =	ssyncset.done @!p0 $0x0  }
0x22b: {  	[sflag:s0] =	ssyncadd.s32 @!p0 s1  }
0x22c: {  	[bflag:$0x3] =	sbarrier.arrive $0xFFFF  }
0x22d: {  	_ =	shalt  }

</sc_bundles>
